<compile_context>
chip_gen: v7x
topology: tpu7x:2x2x1
jax: 0.10.2.dev20260603
libtpu: 0.0.44.dev20260713+nightly
codegen_flags: <defaults>
</compile_context>

<pallas_src>
import jax
import jax.numpy as jnp
from jax import lax
from jax.experimental import pallas as pl
from jax.experimental.pallas import tpu as pltpu
from jax.experimental.pallas import tpu_sc as plsc

BATCH = 4096
HIST = 200
EMBED_DIM = 64
V = 1_000_000

NC = 2
NS = 16
NW = NC * NS
ROWS_W = BATCH // NW

NBLK = V // 128
KPW = NBLK // NW
NLEFT = NBLK - KPW * NW
RAG_COLS = V - NBLK * 128
NBLK = V // 128
KPW = NBLK // NW
NLEFT = NBLK - KPW * NW
RAG = V - NBLK * 128


def _iota16():
    return lax.iota(jnp.int32, 16)


def _transpose_block(src, dst2, b):
    bvec = jnp.full((16,), b, jnp.int32)
    for c in range(EMBED_DIM // 16):
        val = plsc.load_gather(src, [_iota16() + c * 16, bvec])
        p = b * EMBED_DIM + c * 16
        dst2[p // 128, pl.ds(p % 128, 16)] = val



def _untile_body(tt_hbm, flat_hbm, in_a, in_b, in3, out_a, out_b, isems, osems):
    wid = lax.axis_index("s") * NC + lax.axis_index("c")

    def transpose_block(src_ref, dst1, nb):
        def step(e0, _):
            rot = jnp.remainder(_iota16() + e0, 16)
            for e1 in range(EMBED_DIM // 16):
                ev = e1 * 16 + rot
                for b0 in range(0, nb, 16):
                    bvec = _iota16() + b0
                    val = plsc.load_gather(src_ref, [ev, bvec])
                    plsc.store_scatter(dst1, [bvec * EMBED_DIM + ev], val)
            return ()

        lax.fori_loop(0, 16, step, (), unroll=False)

    ins = (in_a, in_b)
    outs = (out_a, out_b)

    def fire_in(k, h):
        v = (k * NW + wid) * 128
        pltpu.async_copy(tt_hbm.at[:, pl.ds(v, 128)], ins[h], isems[h])

    def body(k, _):
        h = jnp.remainder(k, 2)
        for hh in (0, 1):
            @pl.when(h == hh)
            def _():
                @pl.when(k + 1 < KPW)
                def _():
                    fire_in(k + 1, 1 - hh)

                pltpu.make_async_copy(
                    tt_hbm.at[:, pl.ds(0, 128)], ins[hh], isems[hh]
                ).wait()

                @pl.when(k >= 2)
                def _():
                    pltpu.make_async_copy(
                        outs[hh], flat_hbm.at[pl.ds(0, 128 * EMBED_DIM)],
                        osems[hh],
                    ).wait()

                transpose_block(ins[hh], outs[hh], 128)
                pltpu.async_copy(
                    outs[hh],
                    flat_hbm.at[
                        pl.ds((k * NW + wid) * 128 * EMBED_DIM, 128 * EMBED_DIM)
                    ],
                    osems[hh],
                )
        return ()

    fire_in(0, 0)
    lax.fori_loop(0, KPW, body, (), unroll=False)
    for hh in (0, 1):
        pltpu.make_async_copy(
            outs[hh], flat_hbm.at[pl.ds(0, 128 * EMBED_DIM)], osems[hh]
        ).wait()

    @pl.when(wid < NLEFT)
    def _():
        v = KPW * NW + wid
        pltpu.async_copy(
            tt_hbm.at[:, pl.ds(v * 128, 128)], in_a, isems[0]
        ).wait()
        transpose_block(in_a, out_a, 128)
        pltpu.async_copy(
            out_a,
            flat_hbm.at[pl.ds(v * 128 * EMBED_DIM, 128 * EMBED_DIM)],
            osems[0],
        ).wait()

    @pl.when(wid == NLEFT)
    def _():
        pltpu.async_copy(
            tt_hbm.at[:, pl.ds(NBLK * 128, RAG)], in3, isems[1]
        ).wait()
        transpose_block(in3, out_b, RAG)
        pltpu.async_copy(
            out_b.at[pl.ds(0, RAG * EMBED_DIM)],
            flat_hbm.at[pl.ds(NBLK * 128 * EMBED_DIM, RAG * EMBED_DIM)],
            osems[1],
        ).wait()


def _gather_body(words_hbm, tbl_hbm, out5_hbm, idx_v, idx_t, rows2, rt2,
                 gsems, osems):
    wid = lax.axis_index("s") * NC + lax.axis_index("c")
    base = wid * ROWS_W
    pltpu.sync_copy(words_hbm.at[pl.ds(base, ROWS_W)], idx_v)

    def tr_idx(hh, _):
        hvec = jnp.full((16,), hh, jnp.int32)
        for c in range(ROWS_W // 16):
            val = plsc.load_gather(idx_v, [_iota16() + c * 16, hvec])
            idx_t[hh, pl.ds(c * 16, 16)] = val
        return ()

    lax.fori_loop(0, HIST, tr_idx, (), unroll=False)

    def fire_gather(i, h):
        pltpu.async_copy(tbl_hbm.at[idx_t.at[i]], rows2.at[h], gsems[h])

    def transpose_rows(h):
        def step(e0, _):
            rot = jnp.remainder(_iota16() + e0, 16)
            for e1 in range(EMBED_DIM // 16):
                ev = e1 * 16 + rot
                i1 = ev // 8
                i2 = jnp.remainder(ev, 8)
                for b0 in range(0, ROWS_W, 16):
                    bvec = _iota16() + b0
                    val = plsc.load_gather(rows2.at[h], [bvec, ev])
                    plsc.store_scatter(rt2.at[h], [i1, i2, bvec], val)
            return ()

        lax.fori_loop(0, 16, step, (), unroll=False)

    def body(i, _):
        h = jnp.remainder(i, 2)
        for hh in (0, 1):
            @pl.when(h == hh)
            def _():
                @pl.when(i + 1 < HIST)
                def _():
                    fire_gather(i + 1, 1 - hh)

                pltpu.make_async_copy(
                    tbl_hbm.at[pl.ds(0, ROWS_W)], rows2.at[hh], gsems[hh]
                ).wait()

                @pl.when(i >= 2)
                def _():
                    pltpu.make_async_copy(
                        rt2.at[hh], out5_hbm.at[0, :, 0], osems[hh]
                    ).wait()

                transpose_rows(hh)
                pltpu.async_copy(rt2.at[hh], out5_hbm.at[i, :, wid], osems[hh])
        return ()

    fire_gather(0, 0)
    lax.fori_loop(0, HIST, body, (), unroll=False)
    for hh in (0, 1):
        pltpu.make_async_copy(
            rt2.at[hh], out5_hbm.at[0, :, 0], osems[hh]
        ).wait()


def kernel(words, table):
    mesh = plsc.VectorSubcoreMesh(core_axis_name="c", subcore_axis_name="s")
    tt = jnp.transpose(table)
    flat = pl.kernel(
        _untile_body,
        out_type=jax.ShapeDtypeStruct((V * EMBED_DIM,), jnp.float32),
        mesh=mesh,
        scratch_types=[
            pltpu.VMEM((EMBED_DIM, 128), jnp.float32),
            pltpu.VMEM((EMBED_DIM, 128), jnp.float32),
            pltpu.VMEM((EMBED_DIM, RAG), jnp.float32),
            pltpu.VMEM((128 * EMBED_DIM,), jnp.float32),
            pltpu.VMEM((128 * EMBED_DIM,), jnp.float32),
            [pltpu.SemaphoreType.DMA, pltpu.SemaphoreType.DMA],
            [pltpu.SemaphoreType.DMA, pltpu.SemaphoreType.DMA],
        ],
        compiler_params=pltpu.CompilerParams(
            use_tc_tiling_on_sc=True, needs_layout_passes=False
        ),
    )(tt)
    tbl_lin = flat.reshape(V, EMBED_DIM)
    out5 = pl.kernel(
        _gather_body,
        out_type=jax.ShapeDtypeStruct((HIST, 8, NW, 8, 128), jnp.float32),
        mesh=mesh,
        scratch_types=[
            pltpu.VMEM((ROWS_W, HIST), jnp.int32),
            pltpu.VMEM((HIST, ROWS_W), jnp.int32),
            pltpu.VMEM((2, ROWS_W, EMBED_DIM), jnp.float32),
            pltpu.VMEM((2, 8, 8, 128), jnp.float32),
            [pltpu.SemaphoreType.DMA, pltpu.SemaphoreType.DMA],
            [pltpu.SemaphoreType.DMA, pltpu.SemaphoreType.DMA],
        ],
        compiler_params=pltpu.CompilerParams(use_tc_tiling_on_sc=False, needs_layout_passes=False),
    )(words, tbl_lin)
    return out5.transpose(2, 4, 0, 1, 3).reshape(BATCH, HIST, EMBED_DIM)

# --- scband reference (transcript-rebuilt; emitter-appended) ---
"""Pipeline reference for scband-embedding-dropout-6012954214436 (READ-ONLY COPY).

The authoritative reference and input builder live on the scoring server;
editing this copy changes nothing except your own understanding.
"""

import jax, jax.numpy as jnp
import numpy as np

VOCAB = 1000000
EMBED_DIM = 64
BATCH = 4096
HIST = 200


def setup_inputs(seed: int = 0) -> dict:
    key = jax.random.key(seed)
    k1, k2 = jax.random.split(key)
    words = jax.random.randint(k1, (BATCH, HIST), 0, VOCAB, dtype=jnp.int32)
    # learned parameter: embedding table sized per init_kwargs (vocab x embed_dim)
    table = jax.random.normal(k2, (VOCAB, EMBED_DIM), dtype=jnp.float32) * 0.02
    return {"words": words, "table": table}


def reference(words, table):
    # EmbeddingDropout in eval mode (training=False, or embed_p==0 path):
    #   masked_embed = emb.weight  (no row-dropout mask applied)
    #   scale is None -> no rescale
    #   F.embedding(words, masked_embed, pad_idx=-1, max_norm=None, ...)
    # which is a plain row gather from the embedding table.
    return jnp.take(table, words, axis=0)

if __name__ == "__main__":
    import jax
    _d = setup_inputs()
    print(jax.jit(kernel)(*tuple(_d.values())))

</pallas_src>

<mosaic_0001>
#map = affine_map<(d0, d1) -> (0, 0)>
#map1 = affine_map<(d0, d1) -> (0)>
module attributes {stable_mosaic.version = 14 : i64} {
  func.func @_untile_body(%arg0: i32, %arg1: i32, %arg2: memref<64x1000000xf32, #tpu.memory_space<hbm>>, %arg3: memref<64000000xf32, #tpu.memory_space<hbm>>, %arg4: memref<64x128xf32, #tpu.memory_space<vmem>>, %arg5: memref<64x128xf32, #tpu.memory_space<vmem>>, %arg6: memref<64x64xf32, #tpu.memory_space<vmem>>, %arg7: memref<8192xf32, #tpu.memory_space<vmem>>, %arg8: memref<8192xf32, #tpu.memory_space<vmem>>, %arg9: memref<!tpu.dma_semaphore, #tpu.memory_space<semaphore_mem>>, %arg10: memref<!tpu.dma_semaphore, #tpu.memory_space<semaphore_mem>>, %arg11: memref<!tpu.dma_semaphore, #tpu.memory_space<semaphore_mem>>, %arg12: memref<!tpu.dma_semaphore, #tpu.memory_space<semaphore_mem>>) attributes {dimension_semantics = [#tpu.dimension_semantics<core_parallel>, #tpu.dimension_semantics<subcore_parallel>], iteration_bounds = array<i64: 2, 16>, scalar_prefetch = 0 : i64, scratch_operands = 9 : i64, tpu.core_type = #tpu.core_type<sc_vector_subcore>, window_params = [{transform_indices = #map}, {transform_indices = #map1}]} {
    %mul3A = arith.constant 2 : i32
    %mul3A_0 = arith.muli %arg1, %mul3A : i32
    %add3A = arith.addi %mul3A_0, %arg0 : i32
    %add3A_1 = arith.constant 0 : i32
    %add3A_2 = arith.addi %add3A_1, %add3A : i32
    %mul3A_3 = arith.constant 128 : i32
    %mul3A_4 = arith.muli %add3A_2, %mul3A_3 : i32
    %dma_start3A = arith.constant 0 : i32
    %dma_start3A_5 = tpu.memref_slice %arg2[%dma_start3A, %mul3A_4] : memref<64x1000000xf32, #tpu.memory_space<hbm>> -> memref<64x128xf32, #tpu.memory_space<hbm>>
    %dma_start3A_6 = arith.constant 0 : i32
    %dma_start3A_7 = tpu.memref_slice %arg2[%dma_start3A_6, %mul3A_4] : memref<64x1000000xf32, #tpu.memory_space<hbm>> -> memref<64x128xf32, #tpu.memory_space<hbm>>
    tpu.enqueue_dma source(%dma_start3A_7 : memref<64x128xf32, #tpu.memory_space<hbm>>) target(%arg4 : memref<64x128xf32, #tpu.memory_space<vmem>>) target_semaphore(%arg9 : memref<!tpu.dma_semaphore, #tpu.memory_space<semaphore_mem>>)
    %scan3A = arith.constant 0 : i32
    %scan3A_8 = arith.constant 244 : i32
    %scan3A_9 = arith.addi %scan3A, %scan3A_8 : i32
    %scan3A_10 = arith.constant 1 : i32
    scf.for %scan3A_25 = %scan3A to %scan3A_9 step %scan3A_10  : i32 {
      %jit3A = arith.constant 2 : i32
      %eq3A_26 = arith.constant 0 : i32
      %eq3A_27 = arith.cmpi eq, %jit3A, %eq3A_26 : i32
      %jit3A_28 = arith.constant 1 : i32
      %select_n3A = arith.select %eq3A_27, %jit3A_28, %jit3A : i32
      %rem3A = arith.remsi %scan3A_25, %select_n3A : i32
      %ne3A = arith.constant 0 : i32
      %ne3A_29 = arith.cmpi ne, %rem3A, %ne3A : i32
      %lt3A_30 = arith.constant 0 : i32
      %lt3A_31 = arith.cmpi slt, %rem3A, %lt3A_30 : i32
      %lt3A_32 = arith.constant 0 : i32
      %lt3A_33 = arith.cmpi slt, %select_n3A, %lt3A_32 : i32
      %ne3A_34 = arith.xori %lt3A_31, %lt3A_33 : i1
      %and3A = arith.andi %ne3A_34, %ne3A_29 : i1
      %add3A_35 = arith.addi %rem3A, %select_n3A : i32
      %select_n3A_36 = arith.select %and3A, %add3A_35, %rem3A : i32
      %eq3A_37 = arith.constant 0 : i32
      %eq3A_38 = arith.cmpi eq, %select_n3A_36, %eq3A_37 : i32
      %convert_element_type3A_39 = arith.extui %eq3A_38 : i1 to i32
      %cond3A_40 = arith.constant 0 : i32
      %cond3A_41 = arith.cmpi ne, %convert_element_type3A_39, %cond3A_40 : i32
      scf.if %cond3A_41 {
        %add3A_47 = arith.constant 1 : i32
        %add3A_48 = arith.addi %scan3A_25, %add3A_47 : i32
        %lt3A_49 = arith.constant 244 : i32
        %lt3A_50 = arith.cmpi slt, %add3A_48, %lt3A_49 : i32
        %convert_element_type3A_51 = arith.extui %lt3A_50 : i1 to i32
        %cond3A_52 = arith.constant 0 : i32
        %cond3A_53 = arith.cmpi ne, %convert_element_type3A_51, %cond3A_52 : i32
        scf.if %cond3A_53 {
          %add3A_78 = arith.constant 1 : i32
          %add3A_79 = arith.addi %scan3A_25, %add3A_78 : i32
          %mul3A_80 = arith.constant 32 : i32
          %mul3A_81 = arith.muli %add3A_79, %mul3A_80 : i32
          %add3A_82 = arith.addi %mul3A_81, %add3A : i32
          %mul3A_83 = arith.constant 128 : i32
          %mul3A_84 = arith.muli %add3A_82, %mul3A_83 : i32
          %dma_start3A_85 = arith.constant 0 : i32
          %dma_start3A_86 = tpu.memref_slice %arg2[%dma_start3A_85, %mul3A_84] : memref<64x1000000xf32, #tpu.memory_space<hbm>> -> memref<64x128xf32, #tpu.memory_space<hbm>>
          %dma_start3A_87 = arith.constant 0 : i32
          %dma_start3A_88 = tpu.memref_slice %arg2[%dma_start3A_87, %mul3A_84] : memref<64x1000000xf32, #tpu.memory_space<hbm>> -> memref<64x128xf32, #tpu.memory_space<hbm>>
          tpu.enqueue_dma source(%dma_start3A_88 : memref<64x128xf32, #tpu.memory_space<hbm>>) target(%arg5 : memref<64x128xf32, #tpu.memory_space<vmem>>) target_semaphore(%arg10 : memref<!tpu.dma_semaphore, #tpu.memory_space<semaphore_mem>>)
        } else {
        }
        %dma_wait3A_54 = arith.constant 0 : i32
        %dma_wait3A_55 = arith.constant 0 : i32
        %dma_wait3A_56 = tpu.memref_slice %arg2[%dma_wait3A_54, %dma_wait3A_55] : memref<64x1000000xf32, #tpu.memory_space<hbm>> -> memref<64x128xf32, #tpu.memory_space<hbm>>
        %dma_wait3A_57 = arith.constant 0 : i32
        %dma_wait3A_58 = arith.constant 0 : i32
        %dma_wait3A_59 = tpu.memref_slice %arg2[%dma_wait3A_57, %dma_wait3A_58] : memref<64x1000000xf32, #tpu.memory_space<hbm>> -> memref<64x128xf32, #tpu.memory_space<hbm>>
        tpu.wait_dma2 semaphore(%arg9 : memref<!tpu.dma_semaphore, #tpu.memory_space<semaphore_mem>>) src(%dma_wait3A_59 : memref<64x128xf32, #tpu.memory_space<hbm>>) dst(%arg4 : memref<64x128xf32, #tpu.memory_space<vmem>>)
        %ge3A = arith.constant 2 : i32
        %ge3A_60 = arith.cmpi sge, %scan3A_25, %ge3A : i32
        %convert_element_type3A_61 = arith.extui %ge3A_60 : i1 to i32
        %cond3A_62 = arith.constant 0 : i32
        %cond3A_63 = arith.cmpi ne, %convert_element_type3A_61, %cond3A_62 : i32
        scf.if %cond3A_63 {
          %dma_wait3A_78 = arith.constant 0 : i32
          %dma_wait3A_79 = tpu.memref_slice %arg3[%dma_wait3A_78] : memref<64000000xf32, #tpu.memory_space<hbm>> -> memref<8192xf32, #tpu.memory_space<hbm>>
          %dma_wait3A_80 = arith.constant 0 : i32
          %dma_wait3A_81 = tpu.memref_slice %arg3[%dma_wait3A_80] : memref<64000000xf32, #tpu.memory_space<hbm>> -> memref<8192xf32, #tpu.memory_space<hbm>>
          tpu.wait_dma2 semaphore(%arg11 : memref<!tpu.dma_semaphore, #tpu.memory_space<semaphore_mem>>) src(%arg7 : memref<8192xf32, #tpu.memory_space<vmem>>) dst(%dma_wait3A_81 : memref<8192xf32, #tpu.memory_space<hbm>>)
        } else {
        }
        %scan3A_64 = arith.constant 0 : i32
        %scan3A_65 = arith.constant 16 : i32
        %scan3A_66 = arith.addi %scan3A_64, %scan3A_65 : i32
        %scan3A_67 = arith.constant 1 : i32
        scf.for %scan3A_78 = %scan3A_64 to %scan3A_66 step %scan3A_67  : i32 {
          %iota3A = tpu.iota {dimensions = array<i32: 0>} : vector<16xi32>
          %add3A_79 = vector.broadcast %scan3A_78 : i32 to vector<16xi32>
          %add3A_80 = arith.addi %iota3A, %add3A_79 : vector<16xi32>
          %jit3A_81 = arith.constant 16 : i32
          %eq3A_82 = arith.constant 0 : i32
          %eq3A_83 = arith.cmpi eq, %jit3A_81, %eq3A_82 : i32
          %jit3A_84 = arith.constant 1 : i32
          %select_n3A_85 = arith.select %eq3A_83, %jit3A_84, %jit3A_81 : i32
          %rem3A_86 = vector.broadcast %select_n3A_85 : i32 to vector<16xi32>
          %rem3A_87 = arith.remsi %add3A_80, %rem3A_86 : vector<16xi32>
          %ne3A_88 = arith.constant 0 : i32
          %ne3A_89 = vector.broadcast %ne3A_88 : i32 to vector<16xi32>
          %ne3A_90 = arith.cmpi ne, %rem3A_87, %ne3A_89 : vector<16xi32>
          %lt3A_91 = arith.constant 0 : i32
          %lt3A_92 = vector.broadcast %lt3A_91 : i32 to vector<16xi32>
          %lt3A_93 = arith.cmpi slt, %rem3A_87, %lt3A_92 : vector<16xi32>
          %lt3A_94 = arith.constant 0 : i32
          %lt3A_95 = arith.cmpi slt, %select_n3A_85, %lt3A_94 : i32
          %ne3A_96 = vector.broadcast %lt3A_95 : i1 to vector<16xi1>
          %ne3A_97 = vector.broadcast %ne3A_96 : vector<16xi1> to vector<16xi1>
          %ne3A_98 = arith.xori %lt3A_93, %ne3A_97 : vector<16xi1>
          %and3A_99 = arith.andi %ne3A_98, %ne3A_90 : vector<16xi1>
          %add3A_100 = vector.broadcast %select_n3A_85 : i32 to vector<16xi32>
          %add3A_101 = arith.addi %rem3A_87, %add3A_100 : vector<16xi32>
          %select_n3A_102 = arith.select %and3A_99, %add3A_101, %rem3A_87 : vector<16xi1>, vector<16xi32>
          %add3A_103 = arith.constant 0 : i32
          %add3A_104 = vector.broadcast %add3A_103 : i32 to vector<16xi32>
          %add3A_105 = arith.addi %add3A_104, %select_n3A_102 : vector<16xi32>
          %iota3A_106 = tpu.iota {dimensions = array<i32: 0>} : vector<16xi32>
          %add3A_107 = arith.constant 0 : i32
          %add3A_108 = vector.broadcast %add3A_107 : i32 to vector<16xi32>
          %add3A_109 = arith.addi %iota3A_106, %add3A_108 : vector<16xi32>
          %gather3A = tpu.vector_load_idx %arg4[%add3A_105, %add3A_109] : memref<64x128xf32, #tpu.memory_space<vmem>>[vector<16xi32>, vector<16xi32>], vector<16xf32>,
          %mul3A_110 = arith.constant 64 : i32
          %mul3A_111 = vector.broadcast %mul3A_110 : i32 to vector<16xi32>
          %mul3A_112 = arith.muli %add3A_109, %mul3A_111 : vector<16xi32>
          %add3A_113 = arith.addi %mul3A_112, %add3A_105 : vector<16xi32>
          tpu.vector_store_idx %arg7[%add3A_113], %gather3A : memref<8192xf32, #tpu.memory_space<vmem>>[vector<16xi32>], vector<16xf32>,
          %iota3A_114 = tpu.iota {dimensions = array<i32: 0>} : vector<16xi32>
          %add3A_115 = arith.constant 16 : i32
          %add3A_116 = vector.broadcast %add3A_115 : i32 to vector<16xi32>
          %add3A_117 = arith.addi %iota3A_114, %add3A_116 : vector<16xi32>
          %gather3A_118 = tpu.vector_load_idx %arg4[%add3A_105, %add3A_117] : memref<64x128xf32, #tpu.memory_space<vmem>>[vector<16xi32>, vector<16xi32>], vector<16xf32>,
          %mul3A_119 = arith.constant 64 : i32
          %mul3A_120 = vector.broadcast %mul3A_119 : i32 to vector<16xi32>
          %mul3A_121 = arith.muli %add3A_117, %mul3A_120 : vector<16xi32>
          %add3A_122 = arith.addi %mul3A_121, %add3A_105 : vector<16xi32>
          tpu.vector_store_idx %arg7[%add3A_122], %gather3A_118 : memref<8192xf32, #tpu.memory_space<vmem>>[vector<16xi32>], vector<16xf32>,
          %iota3A_123 = tpu.iota {dimensions = array<i32: 0>} : vector<16xi32>
          %add3A_124 = arith.constant 32 : i32
          %add3A_125 = vector.broadcast %add3A_124 : i32 to vector<16xi32>
          %add3A_126 = arith.addi %iota3A_123, %add3A_125 : vector<16xi32>
          %gather3A_127 = tpu.vector_load_idx %arg4[%add3A_105, %add3A_126] : memref<64x128xf32, #tpu.memory_space<vmem>>[vector<16xi32>, vector<16xi32>], vector<16xf32>,
          %mul3A_128 = arith.constant 64 : i32
          %mul3A_129 = vector.broadcast %mul3A_128 : i32 to vector<16xi32>
          %mul3A_130 = arith.muli %add3A_126, %mul3A_129 : vector<16xi32>
          %add3A_131 = arith.addi %mul3A_130, %add3A_105 : vector<16xi32>
          tpu.vector_store_idx %arg7[%add3A_131], %gather3A_127 : memref<8192xf32, #tpu.memory_space<vmem>>[vector<16xi32>], vector<16xf32>,
          %iota3A_132 = tpu.iota {dimensions = array<i32: 0>} : vector<16xi32>
          %add3A_133 = arith.constant 48 : i32
          %add3A_134 = vector.broadcast %add3A_133 : i32 to vector<16xi32>
          %add3A_135 = arith.addi %iota3A_132, %add3A_134 : vector<16xi32>
          %gather3A_136 = tpu.vector_load_idx %arg4[%add3A_105, %add3A_135] : memref<64x128xf32, #tpu.memory_space<vmem>>[vector<16xi32>, vector<16xi32>], vector<16xf32>,
          %mul3A_137 = arith.constant 64 : i32
          %mul3A_138 = vector.broadcast %mul3A_137 : i32 to vector<16xi32>
          %mul3A_139 = arith.muli %add3A_135, %mul3A_138 : vector<16xi32>
          %add3A_140 = arith.addi %mul3A_139, %add3A_105 : vector<16xi32>
          tpu.vector_store_idx %arg7[%add3A_140], %gather3A_136 : memref<8192xf32, #tpu.memory_space<vmem>>[vector<16xi32>], vector<16xf32>,
          %iota3A_141 = tpu.iota {dimensions = array<i32: 0>} : vector<16xi32>
          %add3A_142 = arith.constant 64 : i32
          %add3A_143 = vector.broadcast %add3A_142 : i32 to vector<16xi32>
          %add3A_144 = arith.addi %iota3A_141, %add3A_143 : vector<16xi32>
          %gather3A_145 = tpu.vector_load_idx %arg4[%add3A_105, %add3A_144] : memref<64x128xf32, #tpu.memory_space<vmem>>[vector<16xi32>, vector<16xi32>], vector<16xf32>,
          %mul3A_146 = arith.constant 64 : i32
          %mul3A_147 = vector.broadcast %mul3A_146 : i32 to vector<16xi32>
          %mul3A_148 = arith.muli %add3A_144, %mul3A_147 : vector<16xi32>
          %add3A_149 = arith.addi %mul3A_148, %add3A_105 : vector<16xi32>
          tpu.vector_store_idx %arg7[%add3A_149], %gather3A_145 : memref<8192xf32, #tpu.memory_space<vmem>>[vector<16xi32>], vector<16xf32>,
          %iota3A_150 = tpu.iota {dimensions = array<i32: 0>} : vector<16xi32>
          %add3A_151 = arith.constant 80 : i32
          %add3A_152 = vector.broadcast %add3A_151 : i32 to vector<16xi32>
          %add3A_153 = arith.addi %iota3A_150, %add3A_152 : vector<16xi32>
          %gather3A_154 = tpu.vector_load_idx %arg4[%add3A_105, %add3A_153] : memref<64x128xf32, #tpu.memory_space<vmem>>[vector<16xi32>, vector<16xi32>], vector<16xf32>,
          %mul3A_155 = arith.constant 64 : i32
          %mul3A_156 = vector.broadcast %mul3A_155 : i32 to vector<16xi32>
          %mul3A_157 = arith.muli %add3A_153, %mul3A_156 : vector<16xi32>
          %add3A_158 = arith.addi %mul3A_157, %add3A_105 : vector<16xi32>
          tpu.vector_store_idx %arg7[%add3A_158], %gather3A_154 : memref<8192xf32, #tpu.memory_space<vmem>>[vector<16xi32>], vector<16xf32>,
          %iota3A_159 = tpu.iota {dimensions = array<i32: 0>} : vector<16xi32>
          %add3A_160 = arith.constant 96 : i32
          %add3A_161 = vector.broadcast %add3A_160 : i32 to vector<16xi32>
          %add3A_162 = arith.addi %iota3A_159, %add3A_161 : vector<16xi32>
          %gather3A_163 = tpu.vector_load_idx %arg4[%add3A_105, %add3A_162] : memref<64x128xf32, #tpu.memory_space<vmem>>[vector<16xi32>, vector<16xi32>], vector<16xf32>,
          %mul3A_164 = arith.constant 64 : i32
          %mul3A_165 = vector.broadcast %mul3A_164 : i32 to vector<16xi32>
          %mul3A_166 = arith.muli %add3A_162, %mul3A_165 : vector<16xi32>
          %add3A_167 = arith.addi %mul3A_166, %add3A_105 : vector<16xi32>
          tpu.vector_store_idx %arg7[%add3A_167], %gather3A_163 : memref<8192xf32, #tpu.memory_space<vmem>>[vector<16xi32>], vector<16xf32>,
          %iota3A_168 = tpu.iota {dimensions = array<i32: 0>} : vector<16xi32>
          %add3A_169 = arith.constant 112 : i32
          %add3A_170 = vector.broadcast %add3A_169 : i32 to vector<16xi32>
          %add3A_171 = arith.addi %iota3A_168, %add3A_170 : vector<16xi32>
          %gather3A_172 = tpu.vector_load_idx %arg4[%add3A_105, %add3A_171] : memref<64x128xf32, #tpu.memory_space<vmem>>[vector<16xi32>, vector<16xi32>], vector<16xf32>,
          %mul3A_173 = arith.constant 64 : i32
          %mul3A_174 = vector.broadcast %mul3A_173 : i32 to vector<16xi32>
          %mul3A_175 = arith.muli %add3A_171, %mul3A_174 : vector<16xi32>
          %add3A_176 = arith.addi %mul3A_175, %add3A_105 : vector<16xi32>
          tpu.vector_store_idx %arg7[%add3A_176], %gather3A_172 : memref<8192xf32, #tpu.memory_space<vmem>>[vector<16xi32>], vector<16xf32>,
          %add3A_177 = arith.constant 16 : i32
          %add3A_178 = vector.broadcast %add3A_177 : i32 to vector<16xi32>
          %add3A_179 = arith.addi %add3A_178, %select_n3A_102 : vector<16xi32>
          %iota3A_180 = tpu.iota {dimensions = array<i32: 0>} : vector<16xi32>
          %add3A_181 = arith.constant 0 : i32
          %add3A_182 = vector.broadcast %add3A_181 : i32 to vector<16xi32>
          %add3A_183 = arith.addi %iota3A_180, %add3A_182 : vector<16xi32>
          %gather3A_184 = tpu.vector_load_idx %arg4[%add3A_179, %add3A_183] : memref<64x128xf32, #tpu.memory_space<vmem>>[vector<16xi32>, vector<16xi32>], vector<16xf32>,
          %mul3A_185 = arith.constant 64 : i32
          %mul3A_186 = vector.broadcast %mul3A_185 : i32 to vector<16xi32>
          %mul3A_187 = arith.muli %add3A_183, %mul3A_186 : vector<16xi32>
          %add3A_188 = arith.addi %mul3A_187, %add3A_179 : vector<16xi32>
          tpu.vector_store_idx %arg7[%add3A_188], %gather3A_184 : memref<8192xf32, #tpu.memory_space<vmem>>[vector<16xi32>], vector<16xf32>,
          %iota3A_189 = tpu.iota {dimensions = array<i32: 0>} : vector<16xi32>
          %add3A_190 = arith.constant 16 : i32
          %add3A_191 = vector.broadcast %add3A_190 : i32 to vector<16xi32>
          %add3A_192 = arith.addi %iota3A_189, %add3A_191 : vector<16xi32>
          %gather3A_193 = tpu.vector_load_idx %arg4[%add3A_179, %add3A_192] : memref<64x128xf32, #tpu.memory_space<vmem>>[vector<16xi32>, vector<16xi32>], vector<16xf32>,
          %mul3A_194 = arith.constant 64 : i32
          %mul3A_195 = vector.broadcast %mul3A_194 : i32 to vector<16xi32>
          %mul3A_196 = arith.muli %add3A_192, %mul3A_195 : vector<16xi32>
          %add3A_197 = arith.addi %mul3A_196, %add3A_179 : vector<16xi32>
          tpu.vector_store_idx %arg7[%add3A_197], %gather3A_193 : memref<8192xf32, #tpu.memory_space<vmem>>[vector<16xi32>], vector<16xf32>,
          %iota3A_198 = tpu.iota {dimensions = array<i32: 0>} : vector<16xi32>
          %add3A_199 = arith.constant 32 : i32
          %add3A_200 = vector.broadcast %add3A_199 : i32 to vector<16xi32>
          %add3A_201 = arith.addi %iota3A_198, %add3A_200 : vector<16xi32>
          %gather3A_202 = tpu.vector_load_idx %arg4[%add3A_179, %add3A_201] : memref<64x128xf32, #tpu.memory_space<vmem>>[vector<16xi32>, vector<16xi32>], vector<16xf32>,
          %mul3A_203 = arith.constant 64 : i32
          %mul3A_204 = vector.broadcast %mul3A_203 : i32 to vector<16xi32>
          %mul3A_205 = arith.muli %add3A_201, %mul3A_204 : vector<16xi32>
          %add3A_206 = arith.addi %mul3A_205, %add3A_179 : vector<16xi32>
          tpu.vector_store_idx %arg7[%add3A_206], %gather3A_202 : memref<8192xf32, #tpu.memory_space<vmem>>[vector<16xi32>], vector<16xf32>,
          %iota3A_207 = tpu.iota {dimensions = array<i32: 0>} : vector<16xi32>
          %add3A_208 = arith.constant 48 : i32
          %add3A_209 = vector.broadcast %add3A_208 : i32 to vector<16xi32>
          %add3A_210 = arith.addi %iota3A_207, %add3A_209 : vector<16xi32>
          %gather3A_211 = tpu.vector_load_idx %arg4[%add3A_179, %add3A_210] : memref<64x128xf32, #tpu.memory_space<vmem>>[vector<16xi32>, vector<16xi32>], vector<16xf32>,
          %mul3A_212 = arith.constant 64 : i32
          %mul3A_213 = vector.broadcast %mul3A_212 : i32 to vector<16xi32>
          %mul3A_214 = arith.muli %add3A_210, %mul3A_213 : vector<16xi32>
          %add3A_215 = arith.addi %mul3A_214, %add3A_179 : vector<16xi32>
          tpu.vector_store_idx %arg7[%add3A_215], %gather3A_211 : memref<8192xf32, #tpu.memory_space<vmem>>[vector<16xi32>], vector<16xf32>,
          %iota3A_216 = tpu.iota {dimensions = array<i32: 0>} : vector<16xi32>
          %add3A_217 = arith.constant 64 : i32
          %add3A_218 = vector.broadcast %add3A_217 : i32 to vector<16xi32>
          %add3A_219 = arith.addi %iota3A_216, %add3A_218 : vector<16xi32>
          %gather3A_220 = tpu.vector_load_idx %arg4[%add3A_179, %add3A_219] : memref<64x128xf32, #tpu.memory_space<vmem>>[vector<16xi32>, vector<16xi32>], vector<16xf32>,
          %mul3A_221 = arith.constant 64 : i32
          %mul3A_222 = vector.broadcast %mul3A_221 : i32 to vector<16xi32>
          %mul3A_223 = arith.muli %add3A_219, %mul3A_222 : vector<16xi32>
          %add3A_224 = arith.addi %mul3A_223, %add3A_179 : vector<16xi32>
          tpu.vector_store_idx %arg7[%add3A_224], %gather3A_220 : memref<8192xf32, #tpu.memory_space<vmem>>[vector<16xi32>], vector<16xf32>,
          %iota3A_225 = tpu.iota {dimensions = array<i32: 0>} : vector<16xi32>
          %add3A_226 = arith.constant 80 : i32
          %add3A_227 = vector.broadcast %add3A_226 : i32 to vector<16xi32>
          %add3A_228 = arith.addi %iota3A_225, %add3A_227 : vector<16xi32>
          %gather3A_229 = tpu.vector_load_idx %arg4[%add3A_179, %add3A_228] : memref<64x128xf32, #tpu.memory_space<vmem>>[vector<16xi32>, vector<16xi32>], vector<16xf32>,
          %mul3A_230 = arith.constant 64 : i32
          %mul3A_231 = vector.broadcast %mul3A_230 : i32 to vector<16xi32>
          %mul3A_232 = arith.muli %add3A_228, %mul3A_231 : vector<16xi32>
          %add3A_233 = arith.addi %mul3A_232, %add3A_179 : vector<16xi32>
          tpu.vector_store_idx %arg7[%add3A_233], %gather3A_229 : memref<8192xf32, #tpu.memory_space<vmem>>[vector<16xi32>], vector<16xf32>,
          %iota3A_234 = tpu.iota {dimensions = array<i32: 0>} : vector<16xi32>
          %add3A_235 = arith.constant 96 : i32
          %add3A_236 = vector.broadcast %add3A_235 : i32 to vector<16xi32>
          %add3A_237 = arith.addi %iota3A_234, %add3A_236 : vector<16xi32>
          %gather3A_238 = tpu.vector_load_idx %arg4[%add3A_179, %add3A_237] : memref<64x128xf32, #tpu.memory_space<vmem>>[vector<16xi32>, vector<16xi32>], vector<16xf32>,
          %mul3A_239 = arith.constant 64 : i32
          %mul3A_240 = vector.broadcast %mul3A_239 : i32 to vector<16xi32>
          %mul3A_241 = arith.muli %add3A_237, %mul3A_240 : vector<16xi32>
          %add3A_242 = arith.addi %mul3A_241, %add3A_179 : vector<16xi32>
          tpu.vector_store_idx %arg7[%add3A_242], %gather3A_238 : memref<8192xf32, #tpu.memory_space<vmem>>[vector<16xi32>], vector<16xf32>,
          %iota3A_243 = tpu.iota {dimensions = array<i32: 0>} : vector<16xi32>
          %add3A_244 = arith.constant 112 : i32
          %add3A_245 = vector.broadcast %add3A_244 : i32 to vector<16xi32>
          %add3A_246 = arith.addi %iota3A_243, %add3A_245 : vector<16xi32>
          %gather3A_247 = tpu.vector_load_idx %arg4[%add3A_179, %add3A_246] : memref<64x128xf32, #tpu.memory_space<vmem>>[vector<16xi32>, vector<16xi32>], vector<16xf32>,
          %mul3A_248 = arith.constant 64 : i32
          %mul3A_249 = vector.broadcast %mul3A_248 : i32 to vector<16xi32>
          %mul3A_250 = arith.muli %add3A_246, %mul3A_249 : vector<16xi32>
          %add3A_251 = arith.addi %mul3A_250, %add3A_179 : vector<16xi32>
          tpu.vector_store_idx %arg7[%add3A_251], %gather3A_247 : memref<8192xf32, #tpu.memory_space<vmem>>[vector<16xi32>], vector<16xf32>,
          %add3A_252 = arith.constant 32 : i32
          %add3A_253 = vector.broadcast %add3A_252 : i32 to vector<16xi32>
          %add3A_254 = arith.addi %add3A_253, %select_n3A_102 : vector<16xi32>
          %iota3A_255 = tpu.iota {dimensions = array<i32: 0>} : vector<16xi32>
          %add3A_256 = arith.constant 0 : i32
          %add3A_257 = vector.broadcast %add3A_256 : i32 to vector<16xi32>
          %add3A_258 = arith.addi %iota3A_255, %add3A_257 : vector<16xi32>
          %gather3A_259 = tpu.vector_load_idx %arg4[%add3A_254, %add3A_258] : memref<64x128xf32, #tpu.memory_space<vmem>>[vector<16xi32>, vector<16xi32>], vector<16xf32>,
          %mul3A_260 = arith.constant 64 : i32
          %mul3A_261 = vector.broadcast %mul3A_260 : i32 to vector<16xi32>
          %mul3A_262 = arith.muli %add3A_258, %mul3A_261 : vector<16xi32>
          %add3A_263 = arith.addi %mul3A_262, %add3A_254 : vector<16xi32>
          tpu.vector_store_idx %arg7[%add3A_263], %gather3A_259 : memref<8192xf32, #tpu.memory_space<vmem>>[vector<16xi32>], vector<16xf32>,
          %iota3A_264 = tpu.iota {dimensions = array<i32: 0>} : vector<16xi32>
          %add3A_265 = arith.constant 16 : i32
          %add3A_266 = vector.broadcast %add3A_265 : i32 to vector<16xi32>
          %add3A_267 = arith.addi %iota3A_264, %add3A_266 : vector<16xi32>
          %gather3A_268 = tpu.vector_load_idx %arg4[%add3A_254, %add3A_267] : memref<64x128xf32, #tpu.memory_space<vmem>>[vector<16xi32>, vector<16xi32>], vector<16xf32>,
          %mul3A_269 = arith.constant 64 : i32
          %mul3A_270 = vector.broadcast %mul3A_269 : i32 to vector<16xi32>
          %mul3A_271 = arith.muli %add3A_267, %mul3A_270 : vector<16xi32>
          %add3A_272 = arith.addi %mul3A_271, %add3A_254 : vector<16xi32>
          tpu.vector_store_idx %arg7[%add3A_272], %gather3A_268 : memref<8192xf32, #tpu.memory_space<vmem>>[vector<16xi32>], vector<16xf32>,
          %iota3A_273 = tpu.iota {dimensions = array<i32: 0>} : vector<16xi32>
          %add3A_274 = arith.constant 32 : i32
          %add3A_275 = vector.broadcast %add3A_274 : i32 to vector<16xi32>
          %add3A_276 = arith.addi %iota3A_273, %add3A_275 : vector<16xi32>
          %gather3A_277 = tpu.vector_load_idx %arg4[%add3A_254, %add3A_276] : memref<64x128xf32, #tpu.memory_space<vmem>>[vector<16xi32>, vector<16xi32>], vector<16xf32>,
          %mul3A_278 = arith.constant 64 : i32
          %mul3A_279 = vector.broadcast %mul3A_278 : i32 to vector<16xi32>
          %mul3A_280 = arith.muli %add3A_276, %mul3A_279 : vector<16xi32>
          %add3A_281 = arith.addi %mul3A_280, %add3A_254 : vector<16xi32>
          tpu.vector_store_idx %arg7[%add3A_281], %gather3A_277 : memref<8192xf32, #tpu.memory_space<vmem>>[vector<16xi32>], vector<16xf32>,
          %iota3A_282 = tpu.iota {dimensions = array<i32: 0>} : vector<16xi32>
          %add3A_283 = arith.constant 48 : i32
          %add3A_284 = vector.broadcast %add3A_283 : i32 to vector<16xi32>
          %add3A_285 = arith.addi %iota3A_282, %add3A_284 : vector<16xi32>
          %gather3A_286 = tpu.vector_load_idx %arg4[%add3A_254, %add3A_285] : memref<64x128xf32, #tpu.memory_space<vmem>>[vector<16xi32>, vector<16xi32>], vector<16xf32>,
          %mul3A_287 = arith.constant 64 : i32
          %mul3A_288 = vector.broadcast %mul3A_287 : i32 to vector<16xi32>
          %mul3A_289 = arith.muli %add3A_285, %mul3A_288 : vector<16xi32>
          %add3A_290 = arith.addi %mul3A_289, %add3A_254 : vector<16xi32>
          tpu.vector_store_idx %arg7[%add3A_290], %gather3A_286 : memref<8192xf32, #tpu.memory_space<vmem>>[vector<16xi32>], vector<16xf32>,
          %iota3A_291 = tpu.iota {dimensions = array<i32: 0>} : vector<16xi32>
          %add3A_292 = arith.constant 64 : i32
          %add3A_293 = vector.broadcast %add3A_292 : i32 to vector<16xi32>
          %add3A_294 = arith.addi %iota3A_291, %add3A_293 : vector<16xi32>
          %gather3A_295 = tpu.vector_load_idx %arg4[%add3A_254, %add3A_294] : memref<64x128xf32, #tpu.memory_space<vmem>>[vector<16xi32>, vector<16xi32>], vector<16xf32>,
          %mul3A_296 = arith.constant 64 : i32
          %mul3A_297 = vector.broadcast %mul3A_296 : i32 to vector<16xi32>
          %mul3A_298 = arith.muli %add3A_294, %mul3A_297 : vector<16xi32>
          %add3A_299 = arith.addi %mul3A_298, %add3A_254 : vector<16xi32>
          tpu.vector_store_idx %arg7[%add3A_299], %gather3A_295 : memref<8192xf32, #tpu.memory_space<vmem>>[vector<16xi32>], vector<16xf32>,
          %iota3A_300 = tpu.iota {dimensions = array<i32: 0>} : vector<16xi32>
          %add3A_301 = arith.constant 80 : i32
          %add3A_302 = vector.broadcast %add3A_301 : i32 to vector<16xi32>
          %add3A_303 = arith.addi %iota3A_300, %add3A_302 : vector<16xi32>
          %gather3A_304 = tpu.vector_load_idx %arg4[%add3A_254, %add3A_303] : memref<64x128xf32, #tpu.memory_space<vmem>>[vector<16xi32>, vector<16xi32>], vector<16xf32>,
          %mul3A_305 = arith.constant 64 : i32
          %mul3A_306 = vector.broadcast %mul3A_305 : i32 to vector<16xi32>
          %mul3A_307 = arith.muli %add3A_303, %mul3A_306 : vector<16xi32>
          %add3A_308 = arith.addi %mul3A_307, %add3A_254 : vector<16xi32>
          tpu.vector_store_idx %arg7[%add3A_308], %gather3A_304 : memref<8192xf32, #tpu.memory_space<vmem>>[vector<16xi32>], vector<16xf32>,
          %iota3A_309 = tpu.iota {dimensions = array<i32: 0>} : vector<16xi32>
          %add3A_310 = arith.constant 96 : i32
          %add3A_311 = vector.broadcast %add3A_310 : i32 to vector<16xi32>
          %add3A_312 = arith.addi %iota3A_309, %add3A_311 : vector<16xi32>
          %gather3A_313 = tpu.vector_load_idx %arg4[%add3A_254, %add3A_312] : memref<64x128xf32, #tpu.memory_space<vmem>>[vector<16xi32>, vector<16xi32>], vector<16xf32>,
          %mul3A_314 = arith.constant 64 : i32
          %mul3A_315 = vector.broadcast %mul3A_314 : i32 to vector<16xi32>
          %mul3A_316 = arith.muli %add3A_312, %mul3A_315 : vector<16xi32>
          %add3A_317 = arith.addi %mul3A_316, %add3A_254 : vector<16xi32>
          tpu.vector_store_idx %arg7[%add3A_317], %gather3A_313 : memref<8192xf32, #tpu.memory_space<vmem>>[vector<16xi32>], vector<16xf32>,
          %iota3A_318 = tpu.iota {dimensions = array<i32: 0>} : vector<16xi32>
          %add3A_319 = arith.constant 112 : i32
          %add3A_320 = vector.broadcast %add3A_319 : i32 to vector<16xi32>
          %add3A_321 = arith.addi %iota3A_318, %add3A_320 : vector<16xi32>
          %gather3A_322 = tpu.vector_load_idx %arg4[%add3A_254, %add3A_321] : memref<64x128xf32, #tpu.memory_space<vmem>>[vector<16xi32>, vector<16xi32>], vector<16xf32>,
          %mul3A_323 = arith.constant 64 : i32
          %mul3A_324 = vector.broadcast %mul3A_323 : i32 to vector<16xi32>
          %mul3A_325 = arith.muli %add3A_321, %mul3A_324 : vector<16xi32>
          %add3A_326 = arith.addi %mul3A_325, %add3A_254 : vector<16xi32>
          tpu.vector_store_idx %arg7[%add3A_326], %gather3A_322 : memref<8192xf32, #tpu.memory_space<vmem>>[vector<16xi32>], vector<16xf32>,
          %add3A_327 = arith.constant 48 : i32
          %add3A_328 = vector.broadcast %add3A_327 : i32 to vector<16xi32>
          %add3A_329 = arith.addi %add3A_328, %select_n3A_102 : vector<16xi32>
          %iota3A_330 = tpu.iota {dimensions = array<i32: 0>} : vector<16xi32>
          %add3A_331 = arith.constant 0 : i32
          %add3A_332 = vector.broadcast %add3A_331 : i32 to vector<16xi32>
          %add3A_333 = arith.addi %iota3A_330, %add3A_332 : vector<16xi32>
          %gather3A_334 = tpu.vector_load_idx %arg4[%add3A_329, %add3A_333] : memref<64x128xf32, #tpu.memory_space<vmem>>[vector<16xi32>, vector<16xi32>], vector<16xf32>,
          %mul3A_335 = arith.constant 64 : i32
          %mul3A_336 = vector.broadcast %mul3A_335 : i32 to vector<16xi32>
          %mul3A_337 = arith.muli %add3A_333, %mul3A_336 : vector<16xi32>
          %add3A_338 = arith.addi %mul3A_337, %add3A_329 : vector<16xi32>
          tpu.vector_store_idx %arg7[%add3A_338], %gather3A_334 : memref<8192xf32, #tpu.memory_space<vmem>>[vector<16xi32>], vector<16xf32>,
          %iota3A_339 = tpu.iota {dimensions = array<i32: 0>} : vector<16xi32>
          %add3A_340 = arith.constant 16 : i32
          %add3A_341 = vector.broadcast %add3A_340 : i32 to vector<16xi32>
          %add3A_342 = arith.addi %iota3A_339, %add3A_341 : vector<16xi32>
          %gather3A_343 = tpu.vector_load_idx %arg4[%add3A_329, %add3A_342] : memref<64x128xf32, #tpu.memory_space<vmem>>[vector<16xi32>, vector<16xi32>], vector<16xf32>,
          %mul3A_344 = arith.constant 64 : i32
          %mul3A_345 = vector.broadcast %mul3A_344 : i32 to vector<16xi32>
          %mul3A_346 = arith.muli %add3A_342, %mul3A_345 : vector<16xi32>
          %add3A_347 = arith.addi %mul3A_346, %add3A_329 : vector<16xi32>
          tpu.vector_store_idx %arg7[%add3A_347], %gather3A_343 : memref<8192xf32, #tpu.memory_space<vmem>>[vector<16xi32>], vector<16xf32>,
          %iota3A_348 = tpu.iota {dimensions = array<i32: 0>} : vector<16xi32>
          %add3A_349 = arith.constant 32 : i32
          %add3A_350 = vector.broadcast %add3A_349 : i32 to vector<16xi32>
          %add3A_351 = arith.addi %iota3A_348, %add3A_350 : vector<16xi32>
          %gather3A_352 = tpu.vector_load_idx %arg4[%add3A_329, %add3A_351] : memref<64x128xf32, #tpu.memory_space<vmem>>[vector<16xi32>, vector<16xi32>], vector<16xf32>,
          %mul3A_353 = arith.constant 64 : i32
          %mul3A_354 = vector.broadcast %mul3A_353 : i32 to vector<16xi32>
          %mul3A_355 = arith.muli %add3A_351, %mul3A_354 : vector<16xi32>
          %add3A_356 = arith.addi %mul3A_355, %add3A_329 : vector<16xi32>
          tpu.vector_store_idx %arg7[%add3A_356], %gather3A_352 : memref<8192xf32, #tpu.memory_space<vmem>>[vector<16xi32>], vector<16xf32>,
          %iota3A_357 = tpu.iota {dimensions = array<i32: 0>} : vector<16xi32>
          %add3A_358 = arith.constant 48 : i32
          %add3A_359 = vector.broadcast %add3A_358 : i32 to vector<16xi32>
          %add3A_360 = arith.addi %iota3A_357, %add3A_359 : vector<16xi32>
          %gather3A_361 = tpu.vector_load_idx %arg4[%add3A_329, %add3A_360] : memref<64x128xf32, #tpu.memory_space<vmem>>[vector<16xi32>, vector<16xi32>], vector<16xf32>,
          %mul3A_362 = arith.constant 64 : i32
          %mul3A_363 = vector.broadcast %mul3A_362 : i32 to vector<16xi32>
          %mul3A_364 = arith.muli %add3A_360, %mul3A_363 : vector<16xi32>
          %add3A_365 = arith.addi %mul3A_364, %add3A_329 : vector<16xi32>
          tpu.vector_store_idx %arg7[%add3A_365], %gather3A_361 : memref<8192xf32, #tpu.memory_space<vmem>>[vector<16xi32>], vector<16xf32>,
          %iota3A_366 = tpu.iota {dimensions = array<i32: 0>} : vector<16xi32>
          %add3A_367 = arith.constant 64 : i32
          %add3A_368 = vector.broadcast %add3A_367 : i32 to vector<16xi32>
          %add3A_369 = arith.addi %iota3A_366, %add3A_368 : vector<16xi32>
          %gather3A_370 = tpu.vector_load_idx %arg4[%add3A_329, %add3A_369] : memref<64x128xf32, #tpu.memory_space<vmem>>[vector<16xi32>, vector<16xi32>], vector<16xf32>,
          %mul3A_371 = arith.constant 64 : i32
          %mul3A_372 = vector.broadcast %mul3A_371 : i32 to vector<16xi32>
          %mul3A_373 = arith.muli %add3A_369, %mul3A_372 : vector<16xi32>
          %add3A_374 = arith.addi %mul3A_373, %add3A_329 : vector<16xi32>
          tpu.vector_store_idx %arg7[%add3A_374], %gather3A_370 : memref<8192xf32, #tpu.memory_space<vmem>>[vector<16xi32>], vector<16xf32>,
          %iota3A_375 = tpu.iota {dimensions = array<i32: 0>} : vector<16xi32>
          %add3A_376 = arith.constant 80 : i32
          %add3A_377 = vector.broadcast %add3A_376 : i32 to vector<16xi32>
          %add3A_378 = arith.addi %iota3A_375, %add3A_377 : vector<16xi32>
          %gather3A_379 = tpu.vector_load_idx %arg4[%add3A_329, %add3A_378] : memref<64x128xf32, #tpu.memory_space<vmem>>[vector<16xi32>, vector<16xi32>], vector<16xf32>,
          %mul3A_380 = arith.constant 64 : i32
          %mul3A_381 = vector.broadcast %mul3A_380 : i32 to vector<16xi32>
          %mul3A_382 = arith.muli %add3A_378, %mul3A_381 : vector<16xi32>
          %add3A_383 = arith.addi %mul3A_382, %add3A_329 : vector<16xi32>
          tpu.vector_store_idx %arg7[%add3A_383], %gather3A_379 : memref<8192xf32, #tpu.memory_space<vmem>>[vector<16xi32>], vector<16xf32>,
          %iota3A_384 = tpu.iota {dimensions = array<i32: 0>} : vector<16xi32>
          %add3A_385 = arith.constant 96 : i32
          %add3A_386 = vector.broadcast %add3A_385 : i32 to vector<16xi32>
          %add3A_387 = arith.addi %iota3A_384, %add3A_386 : vector<16xi32>
          %gather3A_388 = tpu.vector_load_idx %arg4[%add3A_329, %add3A_387] : memref<64x128xf32, #tpu.memory_space<vmem>>[vector<16xi32>, vector<16xi32>], vector<16xf32>,
          %mul3A_389 = arith.constant 64 : i32
          %mul3A_390 = vector.broadcast %mul3A_389 : i32 to vector<16xi32>
          %mul3A_391 = arith.muli %add3A_387, %mul3A_390 : vector<16xi32>
          %add3A_392 = arith.addi %mul3A_391, %add3A_329 : vector<16xi32>
          tpu.vector_store_idx %arg7[%add3A_392], %gather3A_388 : memref<8192xf32, #tpu.memory_space<vmem>>[vector<16xi32>], vector<16xf32>,
          %iota3A_393 = tpu.iota {dimensions = array<i32: 0>} : vector<16xi32>
          %add3A_394 = arith.constant 112 : i32
          %add3A_395 = vector.broadcast %add3A_394 : i32 to vector<16xi32>
          %add3A_396 = arith.addi %iota3A_393, %add3A_395 : vector<16xi32>
          %gather3A_397 = tpu.vector_load_idx %arg4[%add3A_329, %add3A_396] : memref<64x128xf32, #tpu.memory_space<vmem>>[vector<16xi32>, vector<16xi32>], vector<16xf32>,
          %mul3A_398 = arith.constant 64 : i32
          %mul3A_399 = vector.broadcast %mul3A_398 : i32 to vector<16xi32>
          %mul3A_400 = arith.muli %add3A_396, %mul3A_399 : vector<16xi32>
          %add3A_401 = arith.addi %mul3A_400, %add3A_329 : vector<16xi32>
          tpu.vector_store_idx %arg7[%add3A_401], %gather3A_397 : memref<8192xf32, #tpu.memory_space<vmem>>[vector<16xi32>], vector<16xf32>,
        }
        %scan3A_68 = arith.constant 16 : i32
        %mul3A_69 = arith.constant 32 : i32
        %mul3A_70 = arith.muli %scan3A_25, %mul3A_69 : i32
        %add3A_71 = arith.addi %mul3A_70, %add3A : i32
        %mul3A_72 = arith.constant 128 : i32
        %mul3A_73 = arith.muli %add3A_71, %mul3A_72 : i32
        %mul3A_74 = arith.constant 64 : i32
        %mul3A_75 = arith.muli %mul3A_73, %mul3A_74 : i32
        %dma_start3A_76 = tpu.memref_slice %arg3[%mul3A_75] : memref<64000000xf32, #tpu.memory_space<hbm>> -> memref<8192xf32, #tpu.memory_space<hbm>>
        %dma_start3A_77 = tpu.memref_slice %arg3[%mul3A_75] : memref<64000000xf32, #tpu.memory_space<hbm>> -> memref<8192xf32, #tpu.memory_space<hbm>>
        tpu.enqueue_dma source(%arg7 : memref<8192xf32, #tpu.memory_space<vmem>>) target(%dma_start3A_77 : memref<8192xf32, #tpu.memory_space<hbm>>) target_semaphore(%arg11 : memref<!tpu.dma_semaphore, #tpu.memory_space<semaphore_mem>>)
      } else {
      }
      %eq3A_42 = arith.constant 1 : i32
      %eq3A_43 = arith.cmpi eq, %select_n3A_36, %eq3A_42 : i32
      %convert_element_type3A_44 = arith.extui %eq3A_43 : i1 to i32
      %cond3A_45 = arith.constant 0 : i32
      %cond3A_46 = arith.cmpi ne, %convert_element_type3A_44, %cond3A_45 : i32
      scf.if %cond3A_46 {
        %add3A_47 = arith.constant 1 : i32
        %add3A_48 = arith.addi %scan3A_25, %add3A_47 : i32
        %lt3A_49 = arith.constant 244 : i32
        %lt3A_50 = arith.cmpi slt, %add3A_48, %lt3A_49 : i32
        %convert_element_type3A_51 = arith.extui %lt3A_50 : i1 to i32
        %cond3A_52 = arith.constant 0 : i32
        %cond3A_53 = arith.cmpi ne, %convert_element_type3A_51, %cond3A_52 : i32
        scf.if %cond3A_53 {
          %add3A_78 = arith.constant 1 : i32
          %add3A_79 = arith.addi %scan3A_25, %add3A_78 : i32
          %mul3A_80 = arith.constant 32 : i32
          %mul3A_81 = arith.muli %add3A_79, %mul3A_80 : i32
          %add3A_82 = arith.addi %mul3A_81, %add3A : i32
          %mul3A_83 = arith.constant 128 : i32
          %mul3A_84 = arith.muli %add3A_82, %mul3A_83 : i32
          %dma_start3A_85 = arith.constant 0 : i32
          %dma_start3A_86 = tpu.memref_slice %arg2[%dma_start3A_85, %mul3A_84] : memref<64x1000000xf32, #tpu.memory_space<hbm>> -> memref<64x128xf32, #tpu.memory_space<hbm>>
          %dma_start3A_87 = arith.constant 0 : i32
          %dma_start3A_88 = tpu.memref_slice %arg2[%dma_start3A_87, %mul3A_84] : memref<64x1000000xf32, #tpu.memory_space<hbm>> -> memref<64x128xf32, #tpu.memory_space<hbm>>
          tpu.enqueue_dma source(%dma_start3A_88 : memref<64x128xf32, #tpu.memory_space<hbm>>) target(%arg4 : memref<64x128xf32, #tpu.memory_space<vmem>>) target_semaphore(%arg9 : memref<!tpu.dma_semaphore, #tpu.memory_space<semaphore_mem>>)
        } else {
        }
        %dma_wait3A_54 = arith.constant 0 : i32
        %dma_wait3A_55 = arith.constant 0 : i32
        %dma_wait3A_56 = tpu.memref_slice %arg2[%dma_wait3A_54, %dma_wait3A_55] : memref<64x1000000xf32, #tpu.memory_space<hbm>> -> memref<64x128xf32, #tpu.memory_space<hbm>>
        %dma_wait3A_57 = arith.constant 0 : i32
        %dma_wait3A_58 = arith.constant 0 : i32
        %dma_wait3A_59 = tpu.memref_slice %arg2[%dma_wait3A_57, %dma_wait3A_58] : memref<64x1000000xf32, #tpu.memory_space<hbm>> -> memref<64x128xf32, #tpu.memory_space<hbm>>
        tpu.wait_dma2 semaphore(%arg10 : memref<!tpu.dma_semaphore, #tpu.memory_space<semaphore_mem>>) src(%dma_wait3A_59 : memref<64x128xf32, #tpu.memory_space<hbm>>) dst(%arg5 : memref<64x128xf32, #tpu.memory_space<vmem>>)
        %ge3A = arith.constant 2 : i32
        %ge3A_60 = arith.cmpi sge, %scan3A_25, %ge3A : i32
        %convert_element_type3A_61 = arith.extui %ge3A_60 : i1 to i32
        %cond3A_62 = arith.constant 0 : i32
        %cond3A_63 = arith.cmpi ne, %convert_element_type3A_61, %cond3A_62 : i32
        scf.if %cond3A_63 {
          %dma_wait3A_78 = arith.constant 0 : i32
          %dma_wait3A_79 = tpu.memref_slice %arg3[%dma_wait3A_78] : memref<64000000xf32, #tpu.memory_space<hbm>> -> memref<8192xf32, #tpu.memory_space<hbm>>
          %dma_wait3A_80 = arith.constant 0 : i32
          %dma_wait3A_81 = tpu.memref_slice %arg3[%dma_wait3A_80] : memref<64000000xf32, #tpu.memory_space<hbm>> -> memref<8192xf32, #tpu.memory_space<hbm>>
          tpu.wait_dma2 semaphore(%arg12 : memref<!tpu.dma_semaphore, #tpu.memory_space<semaphore_mem>>) src(%arg8 : memref<8192xf32, #tpu.memory_space<vmem>>) dst(%dma_wait3A_81 : memref<8192xf32, #tpu.memory_space<hbm>>)
        } else {
        }
        %scan3A_64 = arith.constant 0 : i32
        %scan3A_65 = arith.constant 16 : i32
        %scan3A_66 = arith.addi %scan3A_64, %scan3A_65 : i32
        %scan3A_67 = arith.constant 1 : i32
        scf.for %scan3A_78 = %scan3A_64 to %scan3A_66 step %scan3A_67  : i32 {
          %iota3A = tpu.iota {dimensions = array<i32: 0>} : vector<16xi32>
          %add3A_79 = vector.broadcast %scan3A_78 : i32 to vector<16xi32>
          %add3A_80 = arith.addi %iota3A, %add3A_79 : vector<16xi32>
          %jit3A_81 = arith.constant 16 : i32
          %eq3A_82 = arith.constant 0 : i32
          %eq3A_83 = arith.cmpi eq, %jit3A_81, %eq3A_82 : i32
          %jit3A_84 = arith.constant 1 : i32
          %select_n3A_85 = arith.select %eq3A_83, %jit3A_84, %jit3A_81 : i32
          %rem3A_86 = vector.broadcast %select_n3A_85 : i32 to vector<16xi32>
          %rem3A_87 = arith.remsi %add3A_80, %rem3A_86 : vector<16xi32>
          %ne3A_88 = arith.constant 0 : i32
          %ne3A_89 = vector.broadcast %ne3A_88 : i32 to vector<16xi32>
          %ne3A_90 = arith.cmpi ne, %rem3A_87, %ne3A_89 : vector<16xi32>
          %lt3A_91 = arith.constant 0 : i32
          %lt3A_92 = vector.broadcast %lt3A_91 : i32 to vector<16xi32>
          %lt3A_93 = arith.cmpi slt, %rem3A_87, %lt3A_92 : vector<16xi32>
          %lt3A_94 = arith.constant 0 : i32
          %lt3A_95 = arith.cmpi slt, %select_n3A_85, %lt3A_94 : i32
          %ne3A_96 = vector.broadcast %lt3A_95 : i1 to vector<16xi1>
          %ne3A_97 = vector.broadcast %ne3A_96 : vector<16xi1> to vector<16xi1>
          %ne3A_98 = arith.xori %lt3A_93, %ne3A_97 : vector<16xi1>
          %and3A_99 = arith.andi %ne3A_98, %ne3A_90 : vector<16xi1>
          %add3A_100 = vector.broadcast %select_n3A_85 : i32 to vector<16xi32>
          %add3A_101 = arith.addi %rem3A_87, %add3A_100 : vector<16xi32>
          %select_n3A_102 = arith.select %and3A_99, %add3A_101, %rem3A_87 : vector<16xi1>, vector<16xi32>
          %add3A_103 = arith.constant 0 : i32
          %add3A_104 = vector.broadcast %add3A_103 : i32 to vector<16xi32>
          %add3A_105 = arith.addi %add3A_104, %select_n3A_102 : vector<16xi32>
          %iota3A_106 = tpu.iota {dimensions = array<i32: 0>} : vector<16xi32>
          %add3A_107 = arith.constant 0 : i32
          %add3A_108 = vector.broadcast %add3A_107 : i32 to vector<16xi32>
          %add3A_109 = arith.addi %iota3A_106, %add3A_108 : vector<16xi32>
          %gather3A = tpu.vector_load_idx %arg5[%add3A_105, %add3A_109] : memref<64x128xf32, #tpu.memory_space<vmem>>[vector<16xi32>, vector<16xi32>], vector<16xf32>,
          %mul3A_110 = arith.constant 64 : i32
          %mul3A_111 = vector.broadcast %mul3A_110 : i32 to vector<16xi32>
          %mul3A_112 = arith.muli %add3A_109, %mul3A_111 : vector<16xi32>
          %add3A_113 = arith.addi %mul3A_112, %add3A_105 : vector<16xi32>
          tpu.vector_store_idx %arg8[%add3A_113], %gather3A : memref<8192xf32, #tpu.memory_space<vmem>>[vector<16xi32>], vector<16xf32>,
          %iota3A_114 = tpu.iota {dimensions = array<i32: 0>} : vector<16xi32>
          %add3A_115 = arith.constant 16 : i32
          %add3A_116 = vector.broadcast %add3A_115 : i32 to vector<16xi32>
          %add3A_117 = arith.addi %iota3A_114, %add3A_116 : vector<16xi32>
          %gather3A_118 = tpu.vector_load_idx %arg5[%add3A_105, %add3A_117] : memref<64x128xf32, #tpu.memory_space<vmem>>[vector<16xi32>, vector<16xi32>], vector<16xf32>,
          %mul3A_119 = arith.constant 64 : i32
          %mul3A_120 = vector.broadcast %mul3A_119 : i32 to vector<16xi32>
          %mul3A_121 = arith.muli %add3A_117, %mul3A_120 : vector<16xi32>
          %add3A_122 = arith.addi %mul3A_121, %add3A_105 : vector<16xi32>
          tpu.vector_store_idx %arg8[%add3A_122], %gather3A_118 : memref<8192xf32, #tpu.memory_space<vmem>>[vector<16xi32>], vector<16xf32>,
          %iota3A_123 = tpu.iota {dimensions = array<i32: 0>} : vector<16xi32>
          %add3A_124 = arith.constant 32 : i32
          %add3A_125 = vector.broadcast %add3A_124 : i32 to vector<16xi32>
          %add3A_126 = arith.addi %iota3A_123, %add3A_125 : vector<16xi32>
          %gather3A_127 = tpu.vector_load_idx %arg5[%add3A_105, %add3A_126] : memref<64x128xf32, #tpu.memory_space<vmem>>[vector<16xi32>, vector<16xi32>], vector<16xf32>,
          %mul3A_128 = arith.constant 64 : i32
          %mul3A_129 = vector.broadcast %mul3A_128 : i32 to vector<16xi32>
          %mul3A_130 = arith.muli %add3A_126, %mul3A_129 : vector<16xi32>
          %add3A_131 = arith.addi %mul3A_130, %add3A_105 : vector<16xi32>
          tpu.vector_store_idx %arg8[%add3A_131], %gather3A_127 : memref<8192xf32, #tpu.memory_space<vmem>>[vector<16xi32>], vector<16xf32>,
          %iota3A_132 = tpu.iota {dimensions = array<i32: 0>} : vector<16xi32>
          %add3A_133 = arith.constant 48 : i32
          %add3A_134 = vector.broadcast %add3A_133 : i32 to vector<16xi32>
          %add3A_135 = arith.addi %iota3A_132, %add3A_134 : vector<16xi32>
          %gather3A_136 = tpu.vector_load_idx %arg5[%add3A_105, %add3A_135] : memref<64x128xf32, #tpu.memory_space<vmem>>[vector<16xi32>, vector<16xi32>], vector<16xf32>,
          %mul3A_137 = arith.constant 64 : i32
          %mul3A_138 = vector.broadcast %mul3A_137 : i32 to vector<16xi32>
          %mul3A_139 = arith.muli %add3A_135, %mul3A_138 : vector<16xi32>
          %add3A_140 = arith.addi %mul3A_139, %add3A_105 : vector<16xi32>
          tpu.vector_store_idx %arg8[%add3A_140], %gather3A_136 : memref<8192xf32, #tpu.memory_space<vmem>>[vector<16xi32>], vector<16xf32>,
          %iota3A_141 = tpu.iota {dimensions = array<i32: 0>} : vector<16xi32>
          %add3A_142 = arith.constant 64 : i32
          %add3A_143 = vector.broadcast %add3A_142 : i32 to vector<16xi32>
          %add3A_144 = arith.addi %iota3A_141, %add3A_143 : vector<16xi32>
          %gather3A_145 = tpu.vector_load_idx %arg5[%add3A_105, %add3A_144] : memref<64x128xf32, #tpu.memory_space<vmem>>[vector<16xi32>, vector<16xi32>], vector<16xf32>,
          %mul3A_146 = arith.constant 64 : i32
          %mul3A_147 = vector.broadcast %mul3A_146 : i32 to vector<16xi32>
          %mul3A_148 = arith.muli %add3A_144, %mul3A_147 : vector<16xi32>
          %add3A_149 = arith.addi %mul3A_148, %add3A_105 : vector<16xi32>
          tpu.vector_store_idx %arg8[%add3A_149], %gather3A_145 : memref<8192xf32, #tpu.memory_space<vmem>>[vector<16xi32>], vector<16xf32>,
          %iota3A_150 = tpu.iota {dimensions = array<i32: 0>} : vector<16xi32>
          %add3A_151 = arith.constant 80 : i32
          %add3A_152 = vector.broadcast %add3A_151 : i32 to vector<16xi32>
          %add3A_153 = arith.addi %iota3A_150, %add3A_152 : vector<16xi32>
          %gather3A_154 = tpu.vector_load_idx %arg5[%add3A_105, %add3A_153] : memref<64x128xf32, #tpu.memory_space<vmem>>[vector<16xi32>, vector<16xi32>], vector<16xf32>,
          %mul3A_155 = arith.constant 64 : i32
          %mul3A_156 = vector.broadcast %mul3A_155 : i32 to vector<16xi32>
          %mul3A_157 = arith.muli %add3A_153, %mul3A_156 : vector<16xi32>
          %add3A_158 = arith.addi %mul3A_157, %add3A_105 : vector<16xi32>
          tpu.vector_store_idx %arg8[%add3A_158], %gather3A_154 : memref<8192xf32, #tpu.memory_space<vmem>>[vector<16xi32>], vector<16xf32>,
          %iota3A_159 = tpu.iota {dimensions = array<i32: 0>} : vector<16xi32>
          %add3A_160 = arith.constant 96 : i32
          %add3A_161 = vector.broadcast %add3A_160 : i32 to vector<16xi32>
          %add3A_162 = arith.addi %iota3A_159, %add3A_161 : vector<16xi32>
          %gather3A_163 = tpu.vector_load_idx %arg5[%add3A_105, %add3A_162] : memref<64x128xf32, #tpu.memory_space<vmem>>[vector<16xi32>, vector<16xi32>], vector<16xf32>,
          %mul3A_164 = arith.constant 64 : i32
          %mul3A_165 = vector.broadcast %mul3A_164 : i32 to vector<16xi32>
          %mul3A_166 = arith.muli %add3A_162, %mul3A_165 : vector<16xi32>
          %add3A_167 = arith.addi %mul3A_166, %add3A_105 : vector<16xi32>
          tpu.vector_store_idx %arg8[%add3A_167], %gather3A_163 : memref<8192xf32, #tpu.memory_space<vmem>>[vector<16xi32>], vector<16xf32>,
          %iota3A_168 = tpu.iota {dimensions = array<i32: 0>} : vector<16xi32>
          %add3A_169 = arith.constant 112 : i32
          %add3A_170 = vector.broadcast %add3A_169 : i32 to vector<16xi32>
          %add3A_171 = arith.addi %iota3A_168, %add3A_170 : vector<16xi32>
          %gather3A_172 = tpu.vector_load_idx %arg5[%add3A_105, %add3A_171] : memref<64x128xf32, #tpu.memory_space<vmem>>[vector<16xi32>, vector<16xi32>], vector<16xf32>,
          %mul3A_173 = arith.constant 64 : i32
          %mul3A_174 = vector.broadcast %mul3A_173 : i32 to vector<16xi32>
          %mul3A_175 = arith.muli %add3A_171, %mul3A_174 : vector<16xi32>
          %add3A_176 = arith.addi %mul3A_175, %add3A_105 : vector<16xi32>
          tpu.vector_store_idx %arg8[%add3A_176], %gather3A_172 : memref<8192xf32, #tpu.memory_space<vmem>>[vector<16xi32>], vector<16xf32>,
          %add3A_177 = arith.constant 16 : i32
          %add3A_178 = vector.broadcast %add3A_177 : i32 to vector<16xi32>
          %add3A_179 = arith.addi %add3A_178, %select_n3A_102 : vector<16xi32>
          %iota3A_180 = tpu.iota {dimensions = array<i32: 0>} : vector<16xi32>
          %add3A_181 = arith.constant 0 : i32
          %add3A_182 = vector.broadcast %add3A_181 : i32 to vector<16xi32>
          %add3A_183 = arith.addi %iota3A_180, %add3A_182 : vector<16xi32>
          %gather3A_184 = tpu.vector_load_idx %arg5[%add3A_179, %add3A_183] : memref<64x128xf32, #tpu.memory_space<vmem>>[vector<16xi32>, vector<16xi32>], vector<16xf32>,
          %mul3A_185 = arith.constant 64 : i32
          %mul3A_186 = vector.broadcast %mul3A_185 : i32 to vector<16xi32>
          %mul3A_187 = arith.muli %add3A_183, %mul3A_186 : vector<16xi32>
          %add3A_188 = arith.addi %mul3A_187, %add3A_179 : vector<16xi32>
          tpu.vector_store_idx %arg8[%add3A_188], %gather3A_184 : memref<8192xf32, #tpu.memory_space<vmem>>[vector<16xi32>], vector<16xf32>,
          %iota3A_189 = tpu.iota {dimensions = array<i32: 0>} : vector<16xi32>
          %add3A_190 = arith.constant 16 : i32
          %add3A_191 = vector.broadcast %add3A_190 : i32 to vector<16xi32>
          %add3A_192 = arith.addi %iota3A_189, %add3A_191 : vector<16xi32>
          %gather3A_193 = tpu.vector_load_idx %arg5[%add3A_179, %add3A_192] : memref<64x128xf32, #tpu.memory_space<vmem>>[vector<16xi32>, vector<16xi32>], vector<16xf32>,
          %mul3A_194 = arith.constant 64 : i32
          %mul3A_195 = vector.broadcast %mul3A_194 : i32 to vector<16xi32>
          %mul3A_196 = arith.muli %add3A_192, %mul3A_195 : vector<16xi32>
          %add3A_197 = arith.addi %mul3A_196, %add3A_179 : vector<16xi32>
          tpu.vector_store_idx %arg8[%add3A_197], %gather3A_193 : memref<8192xf32, #tpu.memory_space<vmem>>[vector<16xi32>], vector<16xf32>,
          %iota3A_198 = tpu.iota {dimensions = array<i32: 0>} : vector<16xi32>
          %add3A_199 = arith.constant 32 : i32
          %add3A_200 = vector.broadcast %add3A_199 : i32 to vector<16xi32>
          %add3A_201 = arith.addi %iota3A_198, %add3A_200 : vector<16xi32>
          %gather3A_202 = tpu.vector_load_idx %arg5[%add3A_179, %add3A_201] : memref<64x128xf32, #tpu.memory_space<vmem>>[vector<16xi32>, vector<16xi32>], vector<16xf32>,
          %mul3A_203 = arith.constant 64 : i32
          %mul3A_204 = vector.broadcast %mul3A_203 : i32 to vector<16xi32>
          %mul3A_205 = arith.muli %add3A_201, %mul3A_204 : vector<16xi32>
          %add3A_206 = arith.addi %mul3A_205, %add3A_179 : vector<16xi32>
          tpu.vector_store_idx %arg8[%add3A_206], %gather3A_202 : memref<8192xf32, #tpu.memory_space<vmem>>[vector<16xi32>], vector<16xf32>,
          %iota3A_207 = tpu.iota {dimensions = array<i32: 0>} : vector<16xi32>
          %add3A_208 = arith.constant 48 : i32
          %add3A_209 = vector.broadcast %add3A_208 : i32 to vector<16xi32>
          %add3A_210 = arith.addi %iota3A_207, %add3A_209 : vector<16xi32>
          %gather3A_211 = tpu.vector_load_idx %arg5[%add3A_179, %add3A_210] : memref<64x128xf32, #tpu.memory_space<vmem>>[vector<16xi32>, vector<16xi32>], vector<16xf32>,
          %mul3A_212 = arith.constant 64 : i32
          %mul3A_213 = vector.broadcast %mul3A_212 : i32 to vector<16xi32>
          %mul3A_214 = arith.muli %add3A_210, %mul3A_213 : vector<16xi32>
          %add3A_215 = arith.addi %mul3A_214, %add3A_179 : vector<16xi32>
          tpu.vector_store_idx %arg8[%add3A_215], %gather3A_211 : memref<8192xf32, #tpu.memory_space<vmem>>[vector<16xi32>], vector<16xf32>,
          %iota3A_216 = tpu.iota {dimensions = array<i32: 0>} : vector<16xi32>
          %add3A_217 = arith.constant 64 : i32
          %add3A_218 = vector.broadcast %add3A_217 : i32 to vector<16xi32>
          %add3A_219 = arith.addi %iota3A_216, %add3A_218 : vector<16xi32>
          %gather3A_220 = tpu.vector_load_idx %arg5[%add3A_179, %add3A_219] : memref<64x128xf32, #tpu.memory_space<vmem>>[vector<16xi32>, vector<16xi32>], vector<16xf32>,
          %mul3A_221 = arith.constant 64 : i32
          %mul3A_222 = vector.broadcast %mul3A_221 : i32 to vector<16xi32>
          %mul3A_223 = arith.muli %add3A_219, %mul3A_222 : vector<16xi32>
          %add3A_224 = arith.addi %mul3A_223, %add3A_179 : vector<16xi32>
          tpu.vector_store_idx %arg8[%add3A_224], %gather3A_220 : memref<8192xf32, #tpu.memory_space<vmem>>[vector<16xi32>], vector<16xf32>,
          %iota3A_225 = tpu.iota {dimensions = array<i32: 0>} : vector<16xi32>
          %add3A_226 = arith.constant 80 : i32
          %add3A_227 = vector.broadcast %add3A_226 : i32 to vector<16xi32>
          %add3A_228 = arith.addi %iota3A_225, %add3A_227 : vector<16xi32>
          %gather3A_229 = tpu.vector_load_idx %arg5[%add3A_179, %add3A_228] : memref<64x128xf32, #tpu.memory_space<vmem>>[vector<16xi32>, vector<16xi32>], vector<16xf32>,
          %mul3A_230 = arith.constant 64 : i32
          %mul3A_231 = vector.broadcast %mul3A_230 : i32 to vector<16xi32>
          %mul3A_232 = arith.muli %add3A_228, %mul3A_231 : vector<16xi32>
          %add3A_233 = arith.addi %mul3A_232, %add3A_179 : vector<16xi32>
          tpu.vector_store_idx %arg8[%add3A_233], %gather3A_229 : memref<8192xf32, #tpu.memory_space<vmem>>[vector<16xi32>], vector<16xf32>,
          %iota3A_234 = tpu.iota {dimensions = array<i32: 0>} : vector<16xi32>
          %add3A_235 = arith.constant 96 : i32
          %add3A_236 = vector.broadcast %add3A_235 : i32 to vector<16xi32>
          %add3A_237 = arith.addi %iota3A_234, %add3A_236 : vector<16xi32>
          %gather3A_238 = tpu.vector_load_idx %arg5[%add3A_179, %add3A_237] : memref<64x128xf32, #tpu.memory_space<vmem>>[vector<16xi32>, vector<16xi32>], vector<16xf32>,
          %mul3A_239 = arith.constant 64 : i32
          %mul3A_240 = vector.broadcast %mul3A_239 : i32 to vector<16xi32>
          %mul3A_241 = arith.muli %add3A_237, %mul3A_240 : vector<16xi32>
          %add3A_242 = arith.addi %mul3A_241, %add3A_179 : vector<16xi32>
          tpu.vector_store_idx %arg8[%add3A_242], %gather3A_238 : memref<8192xf32, #tpu.memory_space<vmem>>[vector<16xi32>], vector<16xf32>,
          %iota3A_243 = tpu.iota {dimensions = array<i32: 0>} : vector<16xi32>
          %add3A_244 = arith.constant 112 : i32
          %add3A_245 = vector.broadcast %add3A_244 : i32 to vector<16xi32>
          %add3A_246 = arith.addi %iota3A_243, %add3A_245 : vector<16xi32>
          %gather3A_247 = tpu.vector_load_idx %arg5[%add3A_179, %add3A_246] : memref<64x128xf32, #tpu.memory_space<vmem>>[vector<16xi32>, vector<16xi32>], vector<16xf32>,
          %mul3A_248 = arith.constant 64 : i32
          %mul3A_249 = vector.broadcast %mul3A_248 : i32 to vector<16xi32>
          %mul3A_250 = arith.muli %add3A_246, %mul3A_249 : vector<16xi32>
          %add3A_251 = arith.addi %mul3A_250, %add3A_179 : vector<16xi32>
          tpu.vector_store_idx %arg8[%add3A_251], %gather3A_247 : memref<8192xf32, #tpu.memory_space<vmem>>[vector<16xi32>], vector<16xf32>,
          %add3A_252 = arith.constant 32 : i32
          %add3A_253 = vector.broadcast %add3A_252 : i32 to vector<16xi32>
          %add3A_254 = arith.addi %add3A_253, %select_n3A_102 : vector<16xi32>
          %iota3A_255 = tpu.iota {dimensions = array<i32: 0>} : vector<16xi32>
          %add3A_256 = arith.constant 0 : i32
          %add3A_257 = vector.broadcast %add3A_256 : i32 to vector<16xi32>
          %add3A_258 = arith.addi %iota3A_255, %add3A_257 : vector<16xi32>
          %gather3A_259 = tpu.vector_load_idx %arg5[%add3A_254, %add3A_258] : memref<64x128xf32, #tpu.memory_space<vmem>>[vector<16xi32>, vector<16xi32>], vector<16xf32>,
          %mul3A_260 = arith.constant 64 : i32
          %mul3A_261 = vector.broadcast %mul3A_260 : i32 to vector<16xi32>
          %mul3A_262 = arith.muli %add3A_258, %mul3A_261 : vector<16xi32>
          %add3A_263 = arith.addi %mul3A_262, %add3A_254 : vector<16xi32>
          tpu.vector_store_idx %arg8[%add3A_263], %gather3A_259 : memref<8192xf32, #tpu.memory_space<vmem>>[vector<16xi32>], vector<16xf32>,
          %iota3A_264 = tpu.iota {dimensions = array<i32: 0>} : vector<16xi32>
          %add3A_265 = arith.constant 16 : i32
          %add3A_266 = vector.broadcast %add3A_265 : i32 to vector<16xi32>
          %add3A_267 = arith.addi %iota3A_264, %add3A_266 : vector<16xi32>
          %gather3A_268 = tpu.vector_load_idx %arg5[%add3A_254, %add3A_267] : memref<64x128xf32, #tpu.memory_space<vmem>>[vector<16xi32>, vector<16xi32>], vector<16xf32>,
          %mul3A_269 = arith.constant 64 : i32
          %mul3A_270 = vector.broadcast %mul3A_269 : i32 to vector<16xi32>
          %mul3A_271 = arith.muli %add3A_267, %mul3A_270 : vector<16xi32>
          %add3A_272 = arith.addi %mul3A_271, %add3A_254 : vector<16xi32>
          tpu.vector_store_idx %arg8[%add3A_272], %gather3A_268 : memref<8192xf32, #tpu.memory_space<vmem>>[vector<16xi32>], vector<16xf32>,
          %iota3A_273 = tpu.iota {dimensions = array<i32: 0>} : vector<16xi32>
          %add3A_274 = arith.constant 32 : i32
          %add3A_275 = vector.broadcast %add3A_274 : i32 to vector<16xi32>
          %add3A_276 = arith.addi %iota3A_273, %add3A_275 : vector<16xi32>
          %gather3A_277 = tpu.vector_load_idx %arg5[%add3A_254, %add3A_276] : memref<64x128xf32, #tpu.memory_space<vmem>>[vector<16xi32>, vector<16xi32>], vector<16xf32>,
          %mul3A_278 = arith.constant 64 : i32
          %mul3A_279 = vector.broadcast %mul3A_278 : i32 to vector<16xi32>
          %mul3A_280 = arith.muli %add3A_276, %mul3A_279 : vector<16xi32>
          %add3A_281 = arith.addi %mul3A_280, %add3A_254 : vector<16xi32>
          tpu.vector_store_idx %arg8[%add3A_281], %gather3A_277 : memref<8192xf32, #tpu.memory_space<vmem>>[vector<16xi32>], vector<16xf32>,
          %iota3A_282 = tpu.iota {dimensions = array<i32: 0>} : vector<16xi32>
          %add3A_283 = arith.constant 48 : i32
          %add3A_284 = vector.broadcast %add3A_283 : i32 to vector<16xi32>
          %add3A_285 = arith.addi %iota3A_282, %add3A_284 : vector<16xi32>
          %gather3A_286 = tpu.vector_load_idx %arg5[%add3A_254, %add3A_285] : memref<64x128xf32, #tpu.memory_space<vmem>>[vector<16xi32>, vector<16xi32>], vector<16xf32>,
          %mul3A_287 = arith.constant 64 : i32
          %mul3A_288 = vector.broadcast %mul3A_287 : i32 to vector<16xi32>
          %mul3A_289 = arith.muli %add3A_285, %mul3A_288 : vector<16xi32>
          %add3A_290 = arith.addi %mul3A_289, %add3A_254 : vector<16xi32>
          tpu.vector_store_idx %arg8[%add3A_290], %gather3A_286 : memref<8192xf32, #tpu.memory_space<vmem>>[vector<16xi32>], vector<16xf32>,
          %iota3A_291 = tpu.iota {dimensions = array<i32: 0>} : vector<16xi32>
          %add3A_292 = arith.constant 64 : i32
          %add3A_293 = vector.broadcast %add3A_292 : i32 to vector<16xi32>
          %add3A_294 = arith.addi %iota3A_291, %add3A_293 : vector<16xi32>
          %gather3A_295 = tpu.vector_load_idx %arg5[%add3A_254, %add3A_294] : memref<64x128xf32, #tpu.memory_space<vmem>>[vector<16xi32>, vector<16xi32>], vector<16xf32>,
          %mul3A_296 = arith.constant 64 : i32
          %mul3A_297 = vector.broadcast %mul3A_296 : i32 to vector<16xi32>
          %mul3A_298 = arith.muli %add3A_294, %mul3A_297 : vector<16xi32>
          %add3A_299 = arith.addi %mul3A_298, %add3A_254 : vector<16xi32>
          tpu.vector_store_idx %arg8[%add3A_299], %gather3A_295 : memref<8192xf32, #tpu.memory_space<vmem>>[vector<16xi32>], vector<16xf32>,
          %iota3A_300 = tpu.iota {dimensions = array<i32: 0>} : vector<16xi32>
          %add3A_301 = arith.constant 80 : i32
          %add3A_302 = vector.broadcast %add3A_301 : i32 to vector<16xi32>
          %add3A_303 = arith.addi %iota3A_300, %add3A_302 : vector<16xi32>
          %gather3A_304 = tpu.vector_load_idx %arg5[%add3A_254, %add3A_303] : memref<64x128xf32, #tpu.memory_space<vmem>>[vector<16xi32>, vector<16xi32>], vector<16xf32>,
          %mul3A_305 = arith.constant 64 : i32
          %mul3A_306 = vector.broadcast %mul3A_305 : i32 to vector<16xi32>
          %mul3A_307 = arith.muli %add3A_303, %mul3A_306 : vector<16xi32>
          %add3A_308 = arith.addi %mul3A_307, %add3A_254 : vector<16xi32>
          tpu.vector_store_idx %arg8[%add3A_308], %gather3A_304 : memref<8192xf32, #tpu.memory_space<vmem>>[vector<16xi32>], vector<16xf32>,
          %iota3A_309 = tpu.iota {dimensions = array<i32: 0>} : vector<16xi32>
          %add3A_310 = arith.constant 96 : i32
          %add3A_311 = vector.broadcast %add3A_310 : i32 to vector<16xi32>
          %add3A_312 = arith.addi %iota3A_309, %add3A_311 : vector<16xi32>
          %gather3A_313 = tpu.vector_load_idx %arg5[%add3A_254, %add3A_312] : memref<64x128xf32, #tpu.memory_space<vmem>>[vector<16xi32>, vector<16xi32>], vector<16xf32>,
          %mul3A_314 = arith.constant 64 : i32
          %mul3A_315 = vector.broadcast %mul3A_314 : i32 to vector<16xi32>
          %mul3A_316 = arith.muli %add3A_312, %mul3A_315 : vector<16xi32>
          %add3A_317 = arith.addi %mul3A_316, %add3A_254 : vector<16xi32>
          tpu.vector_store_idx %arg8[%add3A_317], %gather3A_313 : memref<8192xf32, #tpu.memory_space<vmem>>[vector<16xi32>], vector<16xf32>,
          %iota3A_318 = tpu.iota {dimensions = array<i32: 0>} : vector<16xi32>
          %add3A_319 = arith.constant 112 : i32
          %add3A_320 = vector.broadcast %add3A_319 : i32 to vector<16xi32>
          %add3A_321 = arith.addi %iota3A_318, %add3A_320 : vector<16xi32>
          %gather3A_322 = tpu.vector_load_idx %arg5[%add3A_254, %add3A_321] : memref<64x128xf32, #tpu.memory_space<vmem>>[vector<16xi32>, vector<16xi32>], vector<16xf32>,
          %mul3A_323 = arith.constant 64 : i32
          %mul3A_324 = vector.broadcast %mul3A_323 : i32 to vector<16xi32>
          %mul3A_325 = arith.muli %add3A_321, %mul3A_324 : vector<16xi32>
          %add3A_326 = arith.addi %mul3A_325, %add3A_254 : vector<16xi32>
          tpu.vector_store_idx %arg8[%add3A_326], %gather3A_322 : memref<8192xf32, #tpu.memory_space<vmem>>[vector<16xi32>], vector<16xf32>,
          %add3A_327 = arith.constant 48 : i32
          %add3A_328 = vector.broadcast %add3A_327 : i32 to vector<16xi32>
          %add3A_329 = arith.addi %add3A_328, %select_n3A_102 : vector<16xi32>
          %iota3A_330 = tpu.iota {dimensions = array<i32: 0>} : vector<16xi32>
          %add3A_331 = arith.constant 0 : i32
          %add3A_332 = vector.broadcast %add3A_331 : i32 to vector<16xi32>
          %add3A_333 = arith.addi %iota3A_330, %add3A_332 : vector<16xi32>
          %gather3A_334 = tpu.vector_load_idx %arg5[%add3A_329, %add3A_333] : memref<64x128xf32, #tpu.memory_space<vmem>>[vector<16xi32>, vector<16xi32>], vector<16xf32>,
          %mul3A_335 = arith.constant 64 : i32
          %mul3A_336 = vector.broadcast %mul3A_335 : i32 to vector<16xi32>
          %mul3A_337 = arith.muli %add3A_333, %mul3A_336 : vector<16xi32>
          %add3A_338 = arith.addi %mul3A_337, %add3A_329 : vector<16xi32>
          tpu.vector_store_idx %arg8[%add3A_338], %gather3A_334 : memref<8192xf32, #tpu.memory_space<vmem>>[vector<16xi32>], vector<16xf32>,
          %iota3A_339 = tpu.iota {dimensions = array<i32: 0>} : vector<16xi32>
          %add3A_340 = arith.constant 16 : i32
          %add3A_341 = vector.broadcast %add3A_340 : i32 to vector<16xi32>
          %add3A_342 = arith.addi %iota3A_339, %add3A_341 : vector<16xi32>
          %gather3A_343 = tpu.vector_load_idx %arg5[%add3A_329, %add3A_342] : memref<64x128xf32, #tpu.memory_space<vmem>>[vector<16xi32>, vector<16xi32>], vector<16xf32>,
          %mul3A_344 = arith.constant 64 : i32
          %mul3A_345 = vector.broadcast %mul3A_344 : i32 to vector<16xi32>
          %mul3A_346 = arith.muli %add3A_342, %mul3A_345 : vector<16xi32>
          %add3A_347 = arith.addi %mul3A_346, %add3A_329 : vector<16xi32>
          tpu.vector_store_idx %arg8[%add3A_347], %gather3A_343 : memref<8192xf32, #tpu.memory_space<vmem>>[vector<16xi32>], vector<16xf32>,
          %iota3A_348 = tpu.iota {dimensions = array<i32: 0>} : vector<16xi32>
          %add3A_349 = arith.constant 32 : i32
          %add3A_350 = vector.broadcast %add3A_349 : i32 to vector<16xi32>
          %add3A_351 = arith.addi %iota3A_348, %add3A_350 : vector<16xi32>
          %gather3A_352 = tpu.vector_load_idx %arg5[%add3A_329, %add3A_351] : memref<64x128xf32, #tpu.memory_space<vmem>>[vector<16xi32>, vector<16xi32>], vector<16xf32>,
          %mul3A_353 = arith.constant 64 : i32
          %mul3A_354 = vector.broadcast %mul3A_353 : i32 to vector<16xi32>
          %mul3A_355 = arith.muli %add3A_351, %mul3A_354 : vector<16xi32>
          %add3A_356 = arith.addi %mul3A_355, %add3A_329 : vector<16xi32>
          tpu.vector_store_idx %arg8[%add3A_356], %gather3A_352 : memref<8192xf32, #tpu.memory_space<vmem>>[vector<16xi32>], vector<16xf32>,
          %iota3A_357 = tpu.iota {dimensions = array<i32: 0>} : vector<16xi32>
          %add3A_358 = arith.constant 48 : i32
          %add3A_359 = vector.broadcast %add3A_358 : i32 to vector<16xi32>
          %add3A_360 = arith.addi %iota3A_357, %add3A_359 : vector<16xi32>
          %gather3A_361 = tpu.vector_load_idx %arg5[%add3A_329, %add3A_360] : memref<64x128xf32, #tpu.memory_space<vmem>>[vector<16xi32>, vector<16xi32>], vector<16xf32>,
          %mul3A_362 = arith.constant 64 : i32
          %mul3A_363 = vector.broadcast %mul3A_362 : i32 to vector<16xi32>
          %mul3A_364 = arith.muli %add3A_360, %mul3A_363 : vector<16xi32>
          %add3A_365 = arith.addi %mul3A_364, %add3A_329 : vector<16xi32>
          tpu.vector_store_idx %arg8[%add3A_365], %gather3A_361 : memref<8192xf32, #tpu.memory_space<vmem>>[vector<16xi32>], vector<16xf32>,
          %iota3A_366 = tpu.iota {dimensions = array<i32: 0>} : vector<16xi32>
          %add3A_367 = arith.constant 64 : i32
          %add3A_368 = vector.broadcast %add3A_367 : i32 to vector<16xi32>
          %add3A_369 = arith.addi %iota3A_366, %add3A_368 : vector<16xi32>
          %gather3A_370 = tpu.vector_load_idx %arg5[%add3A_329, %add3A_369] : memref<64x128xf32, #tpu.memory_space<vmem>>[vector<16xi32>, vector<16xi32>], vector<16xf32>,
          %mul3A_371 = arith.constant 64 : i32
          %mul3A_372 = vector.broadcast %mul3A_371 : i32 to vector<16xi32>
          %mul3A_373 = arith.muli %add3A_369, %mul3A_372 : vector<16xi32>
          %add3A_374 = arith.addi %mul3A_373, %add3A_329 : vector<16xi32>
          tpu.vector_store_idx %arg8[%add3A_374], %gather3A_370 : memref<8192xf32, #tpu.memory_space<vmem>>[vector<16xi32>], vector<16xf32>,
          %iota3A_375 = tpu.iota {dimensions = array<i32: 0>} : vector<16xi32>
          %add3A_376 = arith.constant 80 : i32
          %add3A_377 = vector.broadcast %add3A_376 : i32 to vector<16xi32>
          %add3A_378 = arith.addi %iota3A_375, %add3A_377 : vector<16xi32>
          %gather3A_379 = tpu.vector_load_idx %arg5[%add3A_329, %add3A_378] : memref<64x128xf32, #tpu.memory_space<vmem>>[vector<16xi32>, vector<16xi32>], vector<16xf32>,
          %mul3A_380 = arith.constant 64 : i32
          %mul3A_381 = vector.broadcast %mul3A_380 : i32 to vector<16xi32>
          %mul3A_382 = arith.muli %add3A_378, %mul3A_381 : vector<16xi32>
          %add3A_383 = arith.addi %mul3A_382, %add3A_329 : vector<16xi32>
          tpu.vector_store_idx %arg8[%add3A_383], %gather3A_379 : memref<8192xf32, #tpu.memory_space<vmem>>[vector<16xi32>], vector<16xf32>,
          %iota3A_384 = tpu.iota {dimensions = array<i32: 0>} : vector<16xi32>
          %add3A_385 = arith.constant 96 : i32
          %add3A_386 = vector.broadcast %add3A_385 : i32 to vector<16xi32>
          %add3A_387 = arith.addi %iota3A_384, %add3A_386 : vector<16xi32>
          %gather3A_388 = tpu.vector_load_idx %arg5[%add3A_329, %add3A_387] : memref<64x128xf32, #tpu.memory_space<vmem>>[vector<16xi32>, vector<16xi32>], vector<16xf32>,
          %mul3A_389 = arith.constant 64 : i32
          %mul3A_390 = vector.broadcast %mul3A_389 : i32 to vector<16xi32>
          %mul3A_391 = arith.muli %add3A_387, %mul3A_390 : vector<16xi32>
          %add3A_392 = arith.addi %mul3A_391, %add3A_329 : vector<16xi32>
          tpu.vector_store_idx %arg8[%add3A_392], %gather3A_388 : memref<8192xf32, #tpu.memory_space<vmem>>[vector<16xi32>], vector<16xf32>,
          %iota3A_393 = tpu.iota {dimensions = array<i32: 0>} : vector<16xi32>
          %add3A_394 = arith.constant 112 : i32
          %add3A_395 = vector.broadcast %add3A_394 : i32 to vector<16xi32>
          %add3A_396 = arith.addi %iota3A_393, %add3A_395 : vector<16xi32>
          %gather3A_397 = tpu.vector_load_idx %arg5[%add3A_329, %add3A_396] : memref<64x128xf32, #tpu.memory_space<vmem>>[vector<16xi32>, vector<16xi32>], vector<16xf32>,
          %mul3A_398 = arith.constant 64 : i32
          %mul3A_399 = vector.broadcast %mul3A_398 : i32 to vector<16xi32>
          %mul3A_400 = arith.muli %add3A_396, %mul3A_399 : vector<16xi32>
          %add3A_401 = arith.addi %mul3A_400, %add3A_329 : vector<16xi32>
          tpu.vector_store_idx %arg8[%add3A_401], %gather3A_397 : memref<8192xf32, #tpu.memory_space<vmem>>[vector<16xi32>], vector<16xf32>,
        }
        %scan3A_68 = arith.constant 16 : i32
        %mul3A_69 = arith.constant 32 : i32
        %mul3A_70 = arith.muli %scan3A_25, %mul3A_69 : i32
        %add3A_71 = arith.addi %mul3A_70, %add3A : i32
        %mul3A_72 = arith.constant 128 : i32
        %mul3A_73 = arith.muli %add3A_71, %mul3A_72 : i32
        %mul3A_74 = arith.constant 64 : i32
        %mul3A_75 = arith.muli %mul3A_73, %mul3A_74 : i32
        %dma_start3A_76 = tpu.memref_slice %arg3[%mul3A_75] : memref<64000000xf32, #tpu.memory_space<hbm>> -> memref<8192xf32, #tpu.memory_space<hbm>>
        %dma_start3A_77 = tpu.memref_slice %arg3[%mul3A_75] : memref<64000000xf32, #tpu.memory_space<hbm>> -> memref<8192xf32, #tpu.memory_space<hbm>>
        tpu.enqueue_dma source(%arg8 : memref<8192xf32, #tpu.memory_space<vmem>>) target(%dma_start3A_77 : memref<8192xf32, #tpu.memory_space<hbm>>) target_semaphore(%arg12 : memref<!tpu.dma_semaphore, #tpu.memory_space<semaphore_mem>>)
      } else {
      }
    }
    %scan3A_11 = arith.constant 244 : i32
    %dma_wait3A = arith.constant 0 : i32
    %dma_wait3A_12 = tpu.memref_slice %arg3[%dma_wait3A] : memref<64000000xf32, #tpu.memory_space<hbm>> -> memref<8192xf32, #tpu.memory_space<hbm>>
    %dma_wait3A_13 = arith.constant 0 : i32
    %dma_wait3A_14 = tpu.memref_slice %arg3[%dma_wait3A_13] : memref<64000000xf32, #tpu.memory_space<hbm>> -> memref<8192xf32, #tpu.memory_space<hbm>>
    tpu.wait_dma2 semaphore(%arg11 : memref<!tpu.dma_semaphore, #tpu.memory_space<semaphore_mem>>) src(%arg7 : memref<8192xf32, #tpu.memory_space<vmem>>) dst(%dma_wait3A_14 : memref<8192xf32, #tpu.memory_space<hbm>>)
    %dma_wait3A_15 = arith.constant 0 : i32
    %dma_wait3A_16 = tpu.memref_slice %arg3[%dma_wait3A_15] : memref<64000000xf32, #tpu.memory_space<hbm>> -> memref<8192xf32, #tpu.memory_space<hbm>>
    %dma_wait3A_17 = arith.constant 0 : i32
    %dma_wait3A_18 = tpu.memref_slice %arg3[%dma_wait3A_17] : memref<64000000xf32, #tpu.memory_space<hbm>> -> memref<8192xf32, #tpu.memory_space<hbm>>
    tpu.wait_dma2 semaphore(%arg12 : memref<!tpu.dma_semaphore, #tpu.memory_space<semaphore_mem>>) src(%arg8 : memref<8192xf32, #tpu.memory_space<vmem>>) dst(%dma_wait3A_18 : memref<8192xf32, #tpu.memory_space<hbm>>)
    %lt3A = arith.constant 4 : i32
    %lt3A_19 = arith.cmpi slt, %add3A, %lt3A : i32
    %convert_element_type3A = arith.extui %lt3A_19 : i1 to i32
    %cond3A = arith.constant 0 : i32
    %cond3A_20 = arith.cmpi ne, %convert_element_type3A, %cond3A : i32
    scf.if %cond3A_20 {
      %add3A_25 = arith.constant 7808 : i32
      %add3A_26 = arith.addi %add3A_25, %add3A : i32
      %mul3A_27 = arith.constant 128 : i32
      %mul3A_28 = arith.muli %add3A_26, %mul3A_27 : i32
      %dma_start3A_29 = arith.constant 0 : i32
      %dma_start3A_30 = tpu.memref_slice %arg2[%dma_start3A_29, %mul3A_28] : memref<64x1000000xf32, #tpu.memory_space<hbm>> -> memref<64x128xf32, #tpu.memory_space<hbm>>
      %dma_start3A_31 = arith.constant 0 : i32
      %dma_start3A_32 = tpu.memref_slice %arg2[%dma_start3A_31, %mul3A_28] : memref<64x1000000xf32, #tpu.memory_space<hbm>> -> memref<64x128xf32, #tpu.memory_space<hbm>>
      tpu.enqueue_dma source(%dma_start3A_32 : memref<64x128xf32, #tpu.memory_space<hbm>>) target(%arg4 : memref<64x128xf32, #tpu.memory_space<vmem>>) target_semaphore(%arg9 : memref<!tpu.dma_semaphore, #tpu.memory_space<semaphore_mem>>)
      %dma_wait3A_33 = arith.constant 0 : i32
      %dma_wait3A_34 = tpu.memref_slice %arg2[%dma_wait3A_33, %mul3A_28] : memref<64x1000000xf32, #tpu.memory_space<hbm>> -> memref<64x128xf32, #tpu.memory_space<hbm>>
      %dma_wait3A_35 = arith.constant 0 : i32
      %dma_wait3A_36 = tpu.memref_slice %arg2[%dma_wait3A_35, %mul3A_28] : memref<64x1000000xf32, #tpu.memory_space<hbm>> -> memref<64x128xf32, #tpu.memory_space<hbm>>
      tpu.wait_dma2 semaphore(%arg9 : memref<!tpu.dma_semaphore, #tpu.memory_space<semaphore_mem>>) src(%dma_wait3A_36 : memref<64x128xf32, #tpu.memory_space<hbm>>) dst(%arg4 : memref<64x128xf32, #tpu.memory_space<vmem>>)
      %scan3A_37 = arith.constant 0 : i32
      %scan3A_38 = arith.constant 16 : i32
      %scan3A_39 = arith.addi %scan3A_37, %scan3A_38 : i32
      %scan3A_40 = arith.constant 1 : i32
      scf.for %scan3A_50 = %scan3A_37 to %scan3A_39 step %scan3A_40  : i32 {
        %iota3A = tpu.iota {dimensions = array<i32: 0>} : vector<16xi32>
        %add3A_51 = vector.broadcast %scan3A_50 : i32 to vector<16xi32>
        %add3A_52 = arith.addi %iota3A, %add3A_51 : vector<16xi32>
        %jit3A = arith.constant 16 : i32
        %eq3A_53 = arith.constant 0 : i32
        %eq3A_54 = arith.cmpi eq, %jit3A, %eq3A_53 : i32
        %jit3A_55 = arith.constant 1 : i32
        %select_n3A = arith.select %eq3A_54, %jit3A_55, %jit3A : i32
        %rem3A = vector.broadcast %select_n3A : i32 to vector<16xi32>
        %rem3A_56 = arith.remsi %add3A_52, %rem3A : vector<16xi32>
        %ne3A = arith.constant 0 : i32
        %ne3A_57 = vector.broadcast %ne3A : i32 to vector<16xi32>
        %ne3A_58 = arith.cmpi ne, %rem3A_56, %ne3A_57 : vector<16xi32>
        %lt3A_59 = arith.constant 0 : i32
        %lt3A_60 = vector.broadcast %lt3A_59 : i32 to vector<16xi32>
        %lt3A_61 = arith.cmpi slt, %rem3A_56, %lt3A_60 : vector<16xi32>
        %lt3A_62 = arith.constant 0 : i32
        %lt3A_63 = arith.cmpi slt, %select_n3A, %lt3A_62 : i32
        %ne3A_64 = vector.broadcast %lt3A_63 : i1 to vector<16xi1>
        %ne3A_65 = vector.broadcast %ne3A_64 : vector<16xi1> to vector<16xi1>
        %ne3A_66 = arith.xori %lt3A_61, %ne3A_65 : vector<16xi1>
        %and3A = arith.andi %ne3A_66, %ne3A_58 : vector<16xi1>
        %add3A_67 = vector.broadcast %select_n3A : i32 to vector<16xi32>
        %add3A_68 = arith.addi %rem3A_56, %add3A_67 : vector<16xi32>
        %select_n3A_69 = arith.select %and3A, %add3A_68, %rem3A_56 : vector<16xi1>, vector<16xi32>
        %add3A_70 = arith.constant 0 : i32
        %add3A_71 = vector.broadcast %add3A_70 : i32 to vector<16xi32>
        %add3A_72 = arith.addi %add3A_71, %select_n3A_69 : vector<16xi32>
        %iota3A_73 = tpu.iota {dimensions = array<i32: 0>} : vector<16xi32>
        %add3A_74 = arith.constant 0 : i32
        %add3A_75 = vector.broadcast %add3A_74 : i32 to vector<16xi32>
        %add3A_76 = arith.addi %iota3A_73, %add3A_75 : vector<16xi32>
        %gather3A = tpu.vector_load_idx %arg4[%add3A_72, %add3A_76] : memref<64x128xf32, #tpu.memory_space<vmem>>[vector<16xi32>, vector<16xi32>], vector<16xf32>,
        %mul3A_77 = arith.constant 64 : i32
        %mul3A_78 = vector.broadcast %mul3A_77 : i32 to vector<16xi32>
        %mul3A_79 = arith.muli %add3A_76, %mul3A_78 : vector<16xi32>
        %add3A_80 = arith.addi %mul3A_79, %add3A_72 : vector<16xi32>
        tpu.vector_store_idx %arg7[%add3A_80], %gather3A : memref<8192xf32, #tpu.memory_space<vmem>>[vector<16xi32>], vector<16xf32>,
        %iota3A_81 = tpu.iota {dimensions = array<i32: 0>} : vector<16xi32>
        %add3A_82 = arith.constant 16 : i32
        %add3A_83 = vector.broadcast %add3A_82 : i32 to vector<16xi32>
        %add3A_84 = arith.addi %iota3A_81, %add3A_83 : vector<16xi32>
        %gather3A_85 = tpu.vector_load_idx %arg4[%add3A_72, %add3A_84] : memref<64x128xf32, #tpu.memory_space<vmem>>[vector<16xi32>, vector<16xi32>], vector<16xf32>,
        %mul3A_86 = arith.constant 64 : i32
        %mul3A_87 = vector.broadcast %mul3A_86 : i32 to vector<16xi32>
        %mul3A_88 = arith.muli %add3A_84, %mul3A_87 : vector<16xi32>
        %add3A_89 = arith.addi %mul3A_88, %add3A_72 : vector<16xi32>
        tpu.vector_store_idx %arg7[%add3A_89], %gather3A_85 : memref<8192xf32, #tpu.memory_space<vmem>>[vector<16xi32>], vector<16xf32>,
        %iota3A_90 = tpu.iota {dimensions = array<i32: 0>} : vector<16xi32>
        %add3A_91 = arith.constant 32 : i32
        %add3A_92 = vector.broadcast %add3A_91 : i32 to vector<16xi32>
        %add3A_93 = arith.addi %iota3A_90, %add3A_92 : vector<16xi32>
        %gather3A_94 = tpu.vector_load_idx %arg4[%add3A_72, %add3A_93] : memref<64x128xf32, #tpu.memory_space<vmem>>[vector<16xi32>, vector<16xi32>], vector<16xf32>,
        %mul3A_95 = arith.constant 64 : i32
        %mul3A_96 = vector.broadcast %mul3A_95 : i32 to vector<16xi32>
        %mul3A_97 = arith.muli %add3A_93, %mul3A_96 : vector<16xi32>
        %add3A_98 = arith.addi %mul3A_97, %add3A_72 : vector<16xi32>
        tpu.vector_store_idx %arg7[%add3A_98], %gather3A_94 : memref<8192xf32, #tpu.memory_space<vmem>>[vector<16xi32>], vector<16xf32>,
        %iota3A_99 = tpu.iota {dimensions = array<i32: 0>} : vector<16xi32>
        %add3A_100 = arith.constant 48 : i32
        %add3A_101 = vector.broadcast %add3A_100 : i32 to vector<16xi32>
        %add3A_102 = arith.addi %iota3A_99, %add3A_101 : vector<16xi32>
        %gather3A_103 = tpu.vector_load_idx %arg4[%add3A_72, %add3A_102] : memref<64x128xf32, #tpu.memory_space<vmem>>[vector<16xi32>, vector<16xi32>], vector<16xf32>,
        %mul3A_104 = arith.constant 64 : i32
        %mul3A_105 = vector.broadcast %mul3A_104 : i32 to vector<16xi32>
        %mul3A_106 = arith.muli %add3A_102, %mul3A_105 : vector<16xi32>
        %add3A_107 = arith.addi %mul3A_106, %add3A_72 : vector<16xi32>
        tpu.vector_store_idx %arg7[%add3A_107], %gather3A_103 : memref<8192xf32, #tpu.memory_space<vmem>>[vector<16xi32>], vector<16xf32>,
        %iota3A_108 = tpu.iota {dimensions = array<i32: 0>} : vector<16xi32>
        %add3A_109 = arith.constant 64 : i32
        %add3A_110 = vector.broadcast %add3A_109 : i32 to vector<16xi32>
        %add3A_111 = arith.addi %iota3A_108, %add3A_110 : vector<16xi32>
        %gather3A_112 = tpu.vector_load_idx %arg4[%add3A_72, %add3A_111] : memref<64x128xf32, #tpu.memory_space<vmem>>[vector<16xi32>, vector<16xi32>], vector<16xf32>,
        %mul3A_113 = arith.constant 64 : i32
        %mul3A_114 = vector.broadcast %mul3A_113 : i32 to vector<16xi32>
        %mul3A_115 = arith.muli %add3A_111, %mul3A_114 : vector<16xi32>
        %add3A_116 = arith.addi %mul3A_115, %add3A_72 : vector<16xi32>
        tpu.vector_store_idx %arg7[%add3A_116], %gather3A_112 : memref<8192xf32, #tpu.memory_space<vmem>>[vector<16xi32>], vector<16xf32>,
        %iota3A_117 = tpu.iota {dimensions = array<i32: 0>} : vector<16xi32>
        %add3A_118 = arith.constant 80 : i32
        %add3A_119 = vector.broadcast %add3A_118 : i32 to vector<16xi32>
        %add3A_120 = arith.addi %iota3A_117, %add3A_119 : vector<16xi32>
        %gather3A_121 = tpu.vector_load_idx %arg4[%add3A_72, %add3A_120] : memref<64x128xf32, #tpu.memory_space<vmem>>[vector<16xi32>, vector<16xi32>], vector<16xf32>,
        %mul3A_122 = arith.constant 64 : i32
        %mul3A_123 = vector.broadcast %mul3A_122 : i32 to vector<16xi32>
        %mul3A_124 = arith.muli %add3A_120, %mul3A_123 : vector<16xi32>
        %add3A_125 = arith.addi %mul3A_124, %add3A_72 : vector<16xi32>
        tpu.vector_store_idx %arg7[%add3A_125], %gather3A_121 : memref<8192xf32, #tpu.memory_space<vmem>>[vector<16xi32>], vector<16xf32>,
        %iota3A_126 = tpu.iota {dimensions = array<i32: 0>} : vector<16xi32>
        %add3A_127 = arith.constant 96 : i32
        %add3A_128 = vector.broadcast %add3A_127 : i32 to vector<16xi32>
        %add3A_129 = arith.addi %iota3A_126, %add3A_128 : vector<16xi32>
        %gather3A_130 = tpu.vector_load_idx %arg4[%add3A_72, %add3A_129] : memref<64x128xf32, #tpu.memory_space<vmem>>[vector<16xi32>, vector<16xi32>], vector<16xf32>,
        %mul3A_131 = arith.constant 64 : i32
        %mul3A_132 = vector.broadcast %mul3A_131 : i32 to vector<16xi32>
        %mul3A_133 = arith.muli %add3A_129, %mul3A_132 : vector<16xi32>
        %add3A_134 = arith.addi %mul3A_133, %add3A_72 : vector<16xi32>
        tpu.vector_store_idx %arg7[%add3A_134], %gather3A_130 : memref<8192xf32, #tpu.memory_space<vmem>>[vector<16xi32>], vector<16xf32>,
        %iota3A_135 = tpu.iota {dimensions = array<i32: 0>} : vector<16xi32>
        %add3A_136 = arith.constant 112 : i32
        %add3A_137 = vector.broadcast %add3A_136 : i32 to vector<16xi32>
        %add3A_138 = arith.addi %iota3A_135, %add3A_137 : vector<16xi32>
        %gather3A_139 = tpu.vector_load_idx %arg4[%add3A_72, %add3A_138] : memref<64x128xf32, #tpu.memory_space<vmem>>[vector<16xi32>, vector<16xi32>], vector<16xf32>,
        %mul3A_140 = arith.constant 64 : i32
        %mul3A_141 = vector.broadcast %mul3A_140 : i32 to vector<16xi32>
        %mul3A_142 = arith.muli %add3A_138, %mul3A_141 : vector<16xi32>
        %add3A_143 = arith.addi %mul3A_142, %add3A_72 : vector<16xi32>
        tpu.vector_store_idx %arg7[%add3A_143], %gather3A_139 : memref<8192xf32, #tpu.memory_space<vmem>>[vector<16xi32>], vector<16xf32>,
        %add3A_144 = arith.constant 16 : i32
        %add3A_145 = vector.broadcast %add3A_144 : i32 to vector<16xi32>
        %add3A_146 = arith.addi %add3A_145, %select_n3A_69 : vector<16xi32>
        %iota3A_147 = tpu.iota {dimensions = array<i32: 0>} : vector<16xi32>
        %add3A_148 = arith.constant 0 : i32
        %add3A_149 = vector.broadcast %add3A_148 : i32 to vector<16xi32>
        %add3A_150 = arith.addi %iota3A_147, %add3A_149 : vector<16xi32>
        %gather3A_151 = tpu.vector_load_idx %arg4[%add3A_146, %add3A_150] : memref<64x128xf32, #tpu.memory_space<vmem>>[vector<16xi32>, vector<16xi32>], vector<16xf32>,
        %mul3A_152 = arith.constant 64 : i32
        %mul3A_153 = vector.broadcast %mul3A_152 : i32 to vector<16xi32>
        %mul3A_154 = arith.muli %add3A_150, %mul3A_153 : vector<16xi32>
        %add3A_155 = arith.addi %mul3A_154, %add3A_146 : vector<16xi32>
        tpu.vector_store_idx %arg7[%add3A_155], %gather3A_151 : memref<8192xf32, #tpu.memory_space<vmem>>[vector<16xi32>], vector<16xf32>,
        %iota3A_156 = tpu.iota {dimensions = array<i32: 0>} : vector<16xi32>
        %add3A_157 = arith.constant 16 : i32
        %add3A_158 = vector.broadcast %add3A_157 : i32 to vector<16xi32>
        %add3A_159 = arith.addi %iota3A_156, %add3A_158 : vector<16xi32>
        %gather3A_160 = tpu.vector_load_idx %arg4[%add3A_146, %add3A_159] : memref<64x128xf32, #tpu.memory_space<vmem>>[vector<16xi32>, vector<16xi32>], vector<16xf32>,
        %mul3A_161 = arith.constant 64 : i32
        %mul3A_162 = vector.broadcast %mul3A_161 : i32 to vector<16xi32>
        %mul3A_163 = arith.muli %add3A_159, %mul3A_162 : vector<16xi32>
        %add3A_164 = arith.addi %mul3A_163, %add3A_146 : vector<16xi32>
        tpu.vector_store_idx %arg7[%add3A_164], %gather3A_160 : memref<8192xf32, #tpu.memory_space<vmem>>[vector<16xi32>], vector<16xf32>,
        %iota3A_165 = tpu.iota {dimensions = array<i32: 0>} : vector<16xi32>
        %add3A_166 = arith.constant 32 : i32
        %add3A_167 = vector.broadcast %add3A_166 : i32 to vector<16xi32>
        %add3A_168 = arith.addi %iota3A_165, %add3A_167 : vector<16xi32>
        %gather3A_169 = tpu.vector_load_idx %arg4[%add3A_146, %add3A_168] : memref<64x128xf32, #tpu.memory_space<vmem>>[vector<16xi32>, vector<16xi32>], vector<16xf32>,
        %mul3A_170 = arith.constant 64 : i32
        %mul3A_171 = vector.broadcast %mul3A_170 : i32 to vector<16xi32>
        %mul3A_172 = arith.muli %add3A_168, %mul3A_171 : vector<16xi32>
        %add3A_173 = arith.addi %mul3A_172, %add3A_146 : vector<16xi32>
        tpu.vector_store_idx %arg7[%add3A_173], %gather3A_169 : memref<8192xf32, #tpu.memory_space<vmem>>[vector<16xi32>], vector<16xf32>,
        %iota3A_174 = tpu.iota {dimensions = array<i32: 0>} : vector<16xi32>
        %add3A_175 = arith.constant 48 : i32
        %add3A_176 = vector.broadcast %add3A_175 : i32 to vector<16xi32>
        %add3A_177 = arith.addi %iota3A_174, %add3A_176 : vector<16xi32>
        %gather3A_178 = tpu.vector_load_idx %arg4[%add3A_146, %add3A_177] : memref<64x128xf32, #tpu.memory_space<vmem>>[vector<16xi32>, vector<16xi32>], vector<16xf32>,
        %mul3A_179 = arith.constant 64 : i32
        %mul3A_180 = vector.broadcast %mul3A_179 : i32 to vector<16xi32>
        %mul3A_181 = arith.muli %add3A_177, %mul3A_180 : vector<16xi32>
        %add3A_182 = arith.addi %mul3A_181, %add3A_146 : vector<16xi32>
        tpu.vector_store_idx %arg7[%add3A_182], %gather3A_178 : memref<8192xf32, #tpu.memory_space<vmem>>[vector<16xi32>], vector<16xf32>,
        %iota3A_183 = tpu.iota {dimensions = array<i32: 0>} : vector<16xi32>
        %add3A_184 = arith.constant 64 : i32
        %add3A_185 = vector.broadcast %add3A_184 : i32 to vector<16xi32>
        %add3A_186 = arith.addi %iota3A_183, %add3A_185 : vector<16xi32>
        %gather3A_187 = tpu.vector_load_idx %arg4[%add3A_146, %add3A_186] : memref<64x128xf32, #tpu.memory_space<vmem>>[vector<16xi32>, vector<16xi32>], vector<16xf32>,
        %mul3A_188 = arith.constant 64 : i32
        %mul3A_189 = vector.broadcast %mul3A_188 : i32 to vector<16xi32>
        %mul3A_190 = arith.muli %add3A_186, %mul3A_189 : vector<16xi32>
        %add3A_191 = arith.addi %mul3A_190, %add3A_146 : vector<16xi32>
        tpu.vector_store_idx %arg7[%add3A_191], %gather3A_187 : memref<8192xf32, #tpu.memory_space<vmem>>[vector<16xi32>], vector<16xf32>,
        %iota3A_192 = tpu.iota {dimensions = array<i32: 0>} : vector<16xi32>
        %add3A_193 = arith.constant 80 : i32
        %add3A_194 = vector.broadcast %add3A_193 : i32 to vector<16xi32>
        %add3A_195 = arith.addi %iota3A_192, %add3A_194 : vector<16xi32>
        %gather3A_196 = tpu.vector_load_idx %arg4[%add3A_146, %add3A_195] : memref<64x128xf32, #tpu.memory_space<vmem>>[vector<16xi32>, vector<16xi32>], vector<16xf32>,
        %mul3A_197 = arith.constant 64 : i32
        %mul3A_198 = vector.broadcast %mul3A_197 : i32 to vector<16xi32>
        %mul3A_199 = arith.muli %add3A_195, %mul3A_198 : vector<16xi32>
        %add3A_200 = arith.addi %mul3A_199, %add3A_146 : vector<16xi32>
        tpu.vector_store_idx %arg7[%add3A_200], %gather3A_196 : memref<8192xf32, #tpu.memory_space<vmem>>[vector<16xi32>], vector<16xf32>,
        %iota3A_201 = tpu.iota {dimensions = array<i32: 0>} : vector<16xi32>
        %add3A_202 = arith.constant 96 : i32
        %add3A_203 = vector.broadcast %add3A_202 : i32 to vector<16xi32>
        %add3A_204 = arith.addi %iota3A_201, %add3A_203 : vector<16xi32>
        %gather3A_205 = tpu.vector_load_idx %arg4[%add3A_146, %add3A_204] : memref<64x128xf32, #tpu.memory_space<vmem>>[vector<16xi32>, vector<16xi32>], vector<16xf32>,
        %mul3A_206 = arith.constant 64 : i32
        %mul3A_207 = vector.broadcast %mul3A_206 : i32 to vector<16xi32>
        %mul3A_208 = arith.muli %add3A_204, %mul3A_207 : vector<16xi32>
        %add3A_209 = arith.addi %mul3A_208, %add3A_146 : vector<16xi32>
        tpu.vector_store_idx %arg7[%add3A_209], %gather3A_205 : memref<8192xf32, #tpu.memory_space<vmem>>[vector<16xi32>], vector<16xf32>,
        %iota3A_210 = tpu.iota {dimensions = array<i32: 0>} : vector<16xi32>
        %add3A_211 = arith.constant 112 : i32
        %add3A_212 = vector.broadcast %add3A_211 : i32 to vector<16xi32>
        %add3A_213 = arith.addi %iota3A_210, %add3A_212 : vector<16xi32>
        %gather3A_214 = tpu.vector_load_idx %arg4[%add3A_146, %add3A_213] : memref<64x128xf32, #tpu.memory_space<vmem>>[vector<16xi32>, vector<16xi32>], vector<16xf32>,
        %mul3A_215 = arith.constant 64 : i32
        %mul3A_216 = vector.broadcast %mul3A_215 : i32 to vector<16xi32>
        %mul3A_217 = arith.muli %add3A_213, %mul3A_216 : vector<16xi32>
        %add3A_218 = arith.addi %mul3A_217, %add3A_146 : vector<16xi32>
        tpu.vector_store_idx %arg7[%add3A_218], %gather3A_214 : memref<8192xf32, #tpu.memory_space<vmem>>[vector<16xi32>], vector<16xf32>,
        %add3A_219 = arith.constant 32 : i32
        %add3A_220 = vector.broadcast %add3A_219 : i32 to vector<16xi32>
        %add3A_221 = arith.addi %add3A_220, %select_n3A_69 : vector<16xi32>
        %iota3A_222 = tpu.iota {dimensions = array<i32: 0>} : vector<16xi32>
        %add3A_223 = arith.constant 0 : i32
        %add3A_224 = vector.broadcast %add3A_223 : i32 to vector<16xi32>
        %add3A_225 = arith.addi %iota3A_222, %add3A_224 : vector<16xi32>
        %gather3A_226 = tpu.vector_load_idx %arg4[%add3A_221, %add3A_225] : memref<64x128xf32, #tpu.memory_space<vmem>>[vector<16xi32>, vector<16xi32>], vector<16xf32>,
        %mul3A_227 = arith.constant 64 : i32
        %mul3A_228 = vector.broadcast %mul3A_227 : i32 to vector<16xi32>
        %mul3A_229 = arith.muli %add3A_225, %mul3A_228 : vector<16xi32>
        %add3A_230 = arith.addi %mul3A_229, %add3A_221 : vector<16xi32>
        tpu.vector_store_idx %arg7[%add3A_230], %gather3A_226 : memref<8192xf32, #tpu.memory_space<vmem>>[vector<16xi32>], vector<16xf32>,
        %iota3A_231 = tpu.iota {dimensions = array<i32: 0>} : vector<16xi32>
        %add3A_232 = arith.constant 16 : i32
        %add3A_233 = vector.broadcast %add3A_232 : i32 to vector<16xi32>
        %add3A_234 = arith.addi %iota3A_231, %add3A_233 : vector<16xi32>
        %gather3A_235 = tpu.vector_load_idx %arg4[%add3A_221, %add3A_234] : memref<64x128xf32, #tpu.memory_space<vmem>>[vector<16xi32>, vector<16xi32>], vector<16xf32>,
        %mul3A_236 = arith.constant 64 : i32
        %mul3A_237 = vector.broadcast %mul3A_236 : i32 to vector<16xi32>
        %mul3A_238 = arith.muli %add3A_234, %mul3A_237 : vector<16xi32>
        %add3A_239 = arith.addi %mul3A_238, %add3A_221 : vector<16xi32>
        tpu.vector_store_idx %arg7[%add3A_239], %gather3A_235 : memref<8192xf32, #tpu.memory_space<vmem>>[vector<16xi32>], vector<16xf32>,
        %iota3A_240 = tpu.iota {dimensions = array<i32: 0>} : vector<16xi32>
        %add3A_241 = arith.constant 32 : i32
        %add3A_242 = vector.broadcast %add3A_241 : i32 to vector<16xi32>
        %add3A_243 = arith.addi %iota3A_240, %add3A_242 : vector<16xi32>
        %gather3A_244 = tpu.vector_load_idx %arg4[%add3A_221, %add3A_243] : memref<64x128xf32, #tpu.memory_space<vmem>>[vector<16xi32>, vector<16xi32>], vector<16xf32>,
        %mul3A_245 = arith.constant 64 : i32
        %mul3A_246 = vector.broadcast %mul3A_245 : i32 to vector<16xi32>
        %mul3A_247 = arith.muli %add3A_243, %mul3A_246 : vector<16xi32>
        %add3A_248 = arith.addi %mul3A_247, %add3A_221 : vector<16xi32>
        tpu.vector_store_idx %arg7[%add3A_248], %gather3A_244 : memref<8192xf32, #tpu.memory_space<vmem>>[vector<16xi32>], vector<16xf32>,
        %iota3A_249 = tpu.iota {dimensions = array<i32: 0>} : vector<16xi32>
        %add3A_250 = arith.constant 48 : i32
        %add3A_251 = vector.broadcast %add3A_250 : i32 to vector<16xi32>
        %add3A_252 = arith.addi %iota3A_249, %add3A_251 : vector<16xi32>
        %gather3A_253 = tpu.vector_load_idx %arg4[%add3A_221, %add3A_252] : memref<64x128xf32, #tpu.memory_space<vmem>>[vector<16xi32>, vector<16xi32>], vector<16xf32>,
        %mul3A_254 = arith.constant 64 : i32
        %mul3A_255 = vector.broadcast %mul3A_254 : i32 to vector<16xi32>
        %mul3A_256 = arith.muli %add3A_252, %mul3A_255 : vector<16xi32>
        %add3A_257 = arith.addi %mul3A_256, %add3A_221 : vector<16xi32>
        tpu.vector_store_idx %arg7[%add3A_257], %gather3A_253 : memref<8192xf32, #tpu.memory_space<vmem>>[vector<16xi32>], vector<16xf32>,
        %iota3A_258 = tpu.iota {dimensions = array<i32: 0>} : vector<16xi32>
        %add3A_259 = arith.constant 64 : i32
        %add3A_260 = vector.broadcast %add3A_259 : i32 to vector<16xi32>
        %add3A_261 = arith.addi %iota3A_258, %add3A_260 : vector<16xi32>
        %gather3A_262 = tpu.vector_load_idx %arg4[%add3A_221, %add3A_261] : memref<64x128xf32, #tpu.memory_space<vmem>>[vector<16xi32>, vector<16xi32>], vector<16xf32>,
        %mul3A_263 = arith.constant 64 : i32
        %mul3A_264 = vector.broadcast %mul3A_263 : i32 to vector<16xi32>
        %mul3A_265 = arith.muli %add3A_261, %mul3A_264 : vector<16xi32>
        %add3A_266 = arith.addi %mul3A_265, %add3A_221 : vector<16xi32>
        tpu.vector_store_idx %arg7[%add3A_266], %gather3A_262 : memref<8192xf32, #tpu.memory_space<vmem>>[vector<16xi32>], vector<16xf32>,
        %iota3A_267 = tpu.iota {dimensions = array<i32: 0>} : vector<16xi32>
        %add3A_268 = arith.constant 80 : i32
        %add3A_269 = vector.broadcast %add3A_268 : i32 to vector<16xi32>
        %add3A_270 = arith.addi %iota3A_267, %add3A_269 : vector<16xi32>
        %gather3A_271 = tpu.vector_load_idx %arg4[%add3A_221, %add3A_270] : memref<64x128xf32, #tpu.memory_space<vmem>>[vector<16xi32>, vector<16xi32>], vector<16xf32>,
        %mul3A_272 = arith.constant 64 : i32
        %mul3A_273 = vector.broadcast %mul3A_272 : i32 to vector<16xi32>
        %mul3A_274 = arith.muli %add3A_270, %mul3A_273 : vector<16xi32>
        %add3A_275 = arith.addi %mul3A_274, %add3A_221 : vector<16xi32>
        tpu.vector_store_idx %arg7[%add3A_275], %gather3A_271 : memref<8192xf32, #tpu.memory_space<vmem>>[vector<16xi32>], vector<16xf32>,
        %iota3A_276 = tpu.iota {dimensions = array<i32: 0>} : vector<16xi32>
        %add3A_277 = arith.constant 96 : i32
        %add3A_278 = vector.broadcast %add3A_277 : i32 to vector<16xi32>
        %add3A_279 = arith.addi %iota3A_276, %add3A_278 : vector<16xi32>
        %gather3A_280 = tpu.vector_load_idx %arg4[%add3A_221, %add3A_279] : memref<64x128xf32, #tpu.memory_space<vmem>>[vector<16xi32>, vector<16xi32>], vector<16xf32>,
        %mul3A_281 = arith.constant 64 : i32
        %mul3A_282 = vector.broadcast %mul3A_281 : i32 to vector<16xi32>
        %mul3A_283 = arith.muli %add3A_279, %mul3A_282 : vector<16xi32>
        %add3A_284 = arith.addi %mul3A_283, %add3A_221 : vector<16xi32>
        tpu.vector_store_idx %arg7[%add3A_284], %gather3A_280 : memref<8192xf32, #tpu.memory_space<vmem>>[vector<16xi32>], vector<16xf32>,
        %iota3A_285 = tpu.iota {dimensions = array<i32: 0>} : vector<16xi32>
        %add3A_286 = arith.constant 112 : i32
        %add3A_287 = vector.broadcast %add3A_286 : i32 to vector<16xi32>
        %add3A_288 = arith.addi %iota3A_285, %add3A_287 : vector<16xi32>
        %gather3A_289 = tpu.vector_load_idx %arg4[%add3A_221, %add3A_288] : memref<64x128xf32, #tpu.memory_space<vmem>>[vector<16xi32>, vector<16xi32>], vector<16xf32>,
        %mul3A_290 = arith.constant 64 : i32
        %mul3A_291 = vector.broadcast %mul3A_290 : i32 to vector<16xi32>
        %mul3A_292 = arith.muli %add3A_288, %mul3A_291 : vector<16xi32>
        %add3A_293 = arith.addi %mul3A_292, %add3A_221 : vector<16xi32>
        tpu.vector_store_idx %arg7[%add3A_293], %gather3A_289 : memref<8192xf32, #tpu.memory_space<vmem>>[vector<16xi32>], vector<16xf32>,
        %add3A_294 = arith.constant 48 : i32
        %add3A_295 = vector.broadcast %add3A_294 : i32 to vector<16xi32>
        %add3A_296 = arith.addi %add3A_295, %select_n3A_69 : vector<16xi32>
        %iota3A_297 = tpu.iota {dimensions = array<i32: 0>} : vector<16xi32>
        %add3A_298 = arith.constant 0 : i32
        %add3A_299 = vector.broadcast %add3A_298 : i32 to vector<16xi32>
        %add3A_300 = arith.addi %iota3A_297, %add3A_299 : vector<16xi32>
        %gather3A_301 = tpu.vector_load_idx %arg4[%add3A_296, %add3A_300] : memref<64x128xf32, #tpu.memory_space<vmem>>[vector<16xi32>, vector<16xi32>], vector<16xf32>,
        %mul3A_302 = arith.constant 64 : i32
        %mul3A_303 = vector.broadcast %mul3A_302 : i32 to vector<16xi32>
        %mul3A_304 = arith.muli %add3A_300, %mul3A_303 : vector<16xi32>
        %add3A_305 = arith.addi %mul3A_304, %add3A_296 : vector<16xi32>
        tpu.vector_store_idx %arg7[%add3A_305], %gather3A_301 : memref<8192xf32, #tpu.memory_space<vmem>>[vector<16xi32>], vector<16xf32>,
        %iota3A_306 = tpu.iota {dimensions = array<i32: 0>} : vector<16xi32>
        %add3A_307 = arith.constant 16 : i32
        %add3A_308 = vector.broadcast %add3A_307 : i32 to vector<16xi32>
        %add3A_309 = arith.addi %iota3A_306, %add3A_308 : vector<16xi32>
        %gather3A_310 = tpu.vector_load_idx %arg4[%add3A_296, %add3A_309] : memref<64x128xf32, #tpu.memory_space<vmem>>[vector<16xi32>, vector<16xi32>], vector<16xf32>,
        %mul3A_311 = arith.constant 64 : i32
        %mul3A_312 = vector.broadcast %mul3A_311 : i32 to vector<16xi32>
        %mul3A_313 = arith.muli %add3A_309, %mul3A_312 : vector<16xi32>
        %add3A_314 = arith.addi %mul3A_313, %add3A_296 : vector<16xi32>
        tpu.vector_store_idx %arg7[%add3A_314], %gather3A_310 : memref<8192xf32, #tpu.memory_space<vmem>>[vector<16xi32>], vector<16xf32>,
        %iota3A_315 = tpu.iota {dimensions = array<i32: 0>} : vector<16xi32>
        %add3A_316 = arith.constant 32 : i32
        %add3A_317 = vector.broadcast %add3A_316 : i32 to vector<16xi32>
        %add3A_318 = arith.addi %iota3A_315, %add3A_317 : vector<16xi32>
        %gather3A_319 = tpu.vector_load_idx %arg4[%add3A_296, %add3A_318] : memref<64x128xf32, #tpu.memory_space<vmem>>[vector<16xi32>, vector<16xi32>], vector<16xf32>,
        %mul3A_320 = arith.constant 64 : i32
        %mul3A_321 = vector.broadcast %mul3A_320 : i32 to vector<16xi32>
        %mul3A_322 = arith.muli %add3A_318, %mul3A_321 : vector<16xi32>
        %add3A_323 = arith.addi %mul3A_322, %add3A_296 : vector<16xi32>
        tpu.vector_store_idx %arg7[%add3A_323], %gather3A_319 : memref<8192xf32, #tpu.memory_space<vmem>>[vector<16xi32>], vector<16xf32>,
        %iota3A_324 = tpu.iota {dimensions = array<i32: 0>} : vector<16xi32>
        %add3A_325 = arith.constant 48 : i32
        %add3A_326 = vector.broadcast %add3A_325 : i32 to vector<16xi32>
        %add3A_327 = arith.addi %iota3A_324, %add3A_326 : vector<16xi32>
        %gather3A_328 = tpu.vector_load_idx %arg4[%add3A_296, %add3A_327] : memref<64x128xf32, #tpu.memory_space<vmem>>[vector<16xi32>, vector<16xi32>], vector<16xf32>,
        %mul3A_329 = arith.constant 64 : i32
        %mul3A_330 = vector.broadcast %mul3A_329 : i32 to vector<16xi32>
        %mul3A_331 = arith.muli %add3A_327, %mul3A_330 : vector<16xi32>
        %add3A_332 = arith.addi %mul3A_331, %add3A_296 : vector<16xi32>
        tpu.vector_store_idx %arg7[%add3A_332], %gather3A_328 : memref<8192xf32, #tpu.memory_space<vmem>>[vector<16xi32>], vector<16xf32>,
        %iota3A_333 = tpu.iota {dimensions = array<i32: 0>} : vector<16xi32>
        %add3A_334 = arith.constant 64 : i32
        %add3A_335 = vector.broadcast %add3A_334 : i32 to vector<16xi32>
        %add3A_336 = arith.addi %iota3A_333, %add3A_335 : vector<16xi32>
        %gather3A_337 = tpu.vector_load_idx %arg4[%add3A_296, %add3A_336] : memref<64x128xf32, #tpu.memory_space<vmem>>[vector<16xi32>, vector<16xi32>], vector<16xf32>,
        %mul3A_338 = arith.constant 64 : i32
        %mul3A_339 = vector.broadcast %mul3A_338 : i32 to vector<16xi32>
        %mul3A_340 = arith.muli %add3A_336, %mul3A_339 : vector<16xi32>
        %add3A_341 = arith.addi %mul3A_340, %add3A_296 : vector<16xi32>
        tpu.vector_store_idx %arg7[%add3A_341], %gather3A_337 : memref<8192xf32, #tpu.memory_space<vmem>>[vector<16xi32>], vector<16xf32>,
        %iota3A_342 = tpu.iota {dimensions = array<i32: 0>} : vector<16xi32>
        %add3A_343 = arith.constant 80 : i32
        %add3A_344 = vector.broadcast %add3A_343 : i32 to vector<16xi32>
        %add3A_345 = arith.addi %iota3A_342, %add3A_344 : vector<16xi32>
        %gather3A_346 = tpu.vector_load_idx %arg4[%add3A_296, %add3A_345] : memref<64x128xf32, #tpu.memory_space<vmem>>[vector<16xi32>, vector<16xi32>], vector<16xf32>,
        %mul3A_347 = arith.constant 64 : i32
        %mul3A_348 = vector.broadcast %mul3A_347 : i32 to vector<16xi32>
        %mul3A_349 = arith.muli %add3A_345, %mul3A_348 : vector<16xi32>
        %add3A_350 = arith.addi %mul3A_349, %add3A_296 : vector<16xi32>
        tpu.vector_store_idx %arg7[%add3A_350], %gather3A_346 : memref<8192xf32, #tpu.memory_space<vmem>>[vector<16xi32>], vector<16xf32>,
        %iota3A_351 = tpu.iota {dimensions = array<i32: 0>} : vector<16xi32>
        %add3A_352 = arith.constant 96 : i32
        %add3A_353 = vector.broadcast %add3A_352 : i32 to vector<16xi32>
        %add3A_354 = arith.addi %iota3A_351, %add3A_353 : vector<16xi32>
        %gather3A_355 = tpu.vector_load_idx %arg4[%add3A_296, %add3A_354] : memref<64x128xf32, #tpu.memory_space<vmem>>[vector<16xi32>, vector<16xi32>], vector<16xf32>,
        %mul3A_356 = arith.constant 64 : i32
        %mul3A_357 = vector.broadcast %mul3A_356 : i32 to vector<16xi32>
        %mul3A_358 = arith.muli %add3A_354, %mul3A_357 : vector<16xi32>
        %add3A_359 = arith.addi %mul3A_358, %add3A_296 : vector<16xi32>
        tpu.vector_store_idx %arg7[%add3A_359], %gather3A_355 : memref<8192xf32, #tpu.memory_space<vmem>>[vector<16xi32>], vector<16xf32>,
        %iota3A_360 = tpu.iota {dimensions = array<i32: 0>} : vector<16xi32>
        %add3A_361 = arith.constant 112 : i32
        %add3A_362 = vector.broadcast %add3A_361 : i32 to vector<16xi32>
        %add3A_363 = arith.addi %iota3A_360, %add3A_362 : vector<16xi32>
        %gather3A_364 = tpu.vector_load_idx %arg4[%add3A_296, %add3A_363] : memref<64x128xf32, #tpu.memory_space<vmem>>[vector<16xi32>, vector<16xi32>], vector<16xf32>,
        %mul3A_365 = arith.constant 64 : i32
        %mul3A_366 = vector.broadcast %mul3A_365 : i32 to vector<16xi32>
        %mul3A_367 = arith.muli %add3A_363, %mul3A_366 : vector<16xi32>
        %add3A_368 = arith.addi %mul3A_367, %add3A_296 : vector<16xi32>
        tpu.vector_store_idx %arg7[%add3A_368], %gather3A_364 : memref<8192xf32, #tpu.memory_space<vmem>>[vector<16xi32>], vector<16xf32>,
      }
      %scan3A_41 = arith.constant 16 : i32
      %mul3A_42 = arith.constant 128 : i32
      %mul3A_43 = arith.muli %add3A_26, %mul3A_42 : i32
      %mul3A_44 = arith.constant 64 : i32
      %mul3A_45 = arith.muli %mul3A_43, %mul3A_44 : i32
      %dma_start3A_46 = tpu.memref_slice %arg3[%mul3A_45] : memref<64000000xf32, #tpu.memory_space<hbm>> -> memref<8192xf32, #tpu.memory_space<hbm>>
      %dma_start3A_47 = tpu.memref_slice %arg3[%mul3A_45] : memref<64000000xf32, #tpu.memory_space<hbm>> -> memref<8192xf32, #tpu.memory_space<hbm>>
      tpu.enqueue_dma source(%arg7 : memref<8192xf32, #tpu.memory_space<vmem>>) target(%dma_start3A_47 : memref<8192xf32, #tpu.memory_space<hbm>>) target_semaphore(%arg11 : memref<!tpu.dma_semaphore, #tpu.memory_space<semaphore_mem>>)
      %dma_wait3A_48 = tpu.memref_slice %arg3[%mul3A_45] : memref<64000000xf32, #tpu.memory_space<hbm>> -> memref<8192xf32, #tpu.memory_space<hbm>>
      %dma_wait3A_49 = tpu.memref_slice %arg3[%mul3A_45] : memref<64000000xf32, #tpu.memory_space<hbm>> -> memref<8192xf32, #tpu.memory_space<hbm>>
      tpu.wait_dma2 semaphore(%arg11 : memref<!tpu.dma_semaphore, #tpu.memory_space<semaphore_mem>>) src(%arg7 : memref<8192xf32, #tpu.memory_space<vmem>>) dst(%dma_wait3A_49 : memref<8192xf32, #tpu.memory_space<hbm>>)
    } else {
    }
    %eq3A = arith.constant 4 : i32
    %eq3A_21 = arith.cmpi eq, %add3A, %eq3A : i32
    %convert_element_type3A_22 = arith.extui %eq3A_21 : i1 to i32
    %cond3A_23 = arith.constant 0 : i32
    %cond3A_24 = arith.cmpi ne, %convert_element_type3A_22, %cond3A_23 : i32
    scf.if %cond3A_24 {
      %dma_start3A_25 = arith.constant 0 : i32
      %dma_start3A_26 = arith.constant 999936 : i32
      %dma_start3A_27 = tpu.memref_slice %arg2[%dma_start3A_25, %dma_start3A_26] : memref<64x1000000xf32, #tpu.memory_space<hbm>> -> memref<64x64xf32, #tpu.memory_space<hbm>>
      %dma_start3A_28 = arith.constant 0 : i32
      %dma_start3A_29 = arith.constant 999936 : i32
      %dma_start3A_30 = tpu.memref_slice %arg2[%dma_start3A_28, %dma_start3A_29] : memref<64x1000000xf32, #tpu.memory_space<hbm>> -> memref<64x64xf32, #tpu.memory_space<hbm>>
      tpu.enqueue_dma source(%dma_start3A_30 : memref<64x64xf32, #tpu.memory_space<hbm>>) target(%arg6 : memref<64x64xf32, #tpu.memory_space<vmem>>) target_semaphore(%arg10 : memref<!tpu.dma_semaphore, #tpu.memory_space<semaphore_mem>>)
      %dma_wait3A_31 = arith.constant 0 : i32
      %dma_wait3A_32 = arith.constant 999936 : i32
      %dma_wait3A_33 = tpu.memref_slice %arg2[%dma_wait3A_31, %dma_wait3A_32] : memref<64x1000000xf32, #tpu.memory_space<hbm>> -> memref<64x64xf32, #tpu.memory_space<hbm>>
      %dma_wait3A_34 = arith.constant 0 : i32
      %dma_wait3A_35 = arith.constant 999936 : i32
      %dma_wait3A_36 = tpu.memref_slice %arg2[%dma_wait3A_34, %dma_wait3A_35] : memref<64x1000000xf32, #tpu.memory_space<hbm>> -> memref<64x64xf32, #tpu.memory_space<hbm>>
      tpu.wait_dma2 semaphore(%arg10 : memref<!tpu.dma_semaphore, #tpu.memory_space<semaphore_mem>>) src(%dma_wait3A_36 : memref<64x64xf32, #tpu.memory_space<hbm>>) dst(%arg6 : memref<64x64xf32, #tpu.memory_space<vmem>>)
      %scan3A_37 = arith.constant 0 : i32
      %scan3A_38 = arith.constant 16 : i32
      %scan3A_39 = arith.addi %scan3A_37, %scan3A_38 : i32
      %scan3A_40 = arith.constant 1 : i32
      scf.for %scan3A_58 = %scan3A_37 to %scan3A_39 step %scan3A_40  : i32 {
        %iota3A = tpu.iota {dimensions = array<i32: 0>} : vector<16xi32>
        %add3A_59 = vector.broadcast %scan3A_58 : i32 to vector<16xi32>
        %add3A_60 = arith.addi %iota3A, %add3A_59 : vector<16xi32>
        %jit3A = arith.constant 16 : i32
        %eq3A_61 = arith.constant 0 : i32
        %eq3A_62 = arith.cmpi eq, %jit3A, %eq3A_61 : i32
        %jit3A_63 = arith.constant 1 : i32
        %select_n3A = arith.select %eq3A_62, %jit3A_63, %jit3A : i32
        %rem3A = vector.broadcast %select_n3A : i32 to vector<16xi32>
        %rem3A_64 = arith.remsi %add3A_60, %rem3A : vector<16xi32>
        %ne3A = arith.constant 0 : i32
        %ne3A_65 = vector.broadcast %ne3A : i32 to vector<16xi32>
        %ne3A_66 = arith.cmpi ne, %rem3A_64, %ne3A_65 : vector<16xi32>
        %lt3A_67 = arith.constant 0 : i32
        %lt3A_68 = vector.broadcast %lt3A_67 : i32 to vector<16xi32>
        %lt3A_69 = arith.cmpi slt, %rem3A_64, %lt3A_68 : vector<16xi32>
        %lt3A_70 = arith.constant 0 : i32
        %lt3A_71 = arith.cmpi slt, %select_n3A, %lt3A_70 : i32
        %ne3A_72 = vector.broadcast %lt3A_71 : i1 to vector<16xi1>
        %ne3A_73 = vector.broadcast %ne3A_72 : vector<16xi1> to vector<16xi1>
        %ne3A_74 = arith.xori %lt3A_69, %ne3A_73 : vector<16xi1>
        %and3A = arith.andi %ne3A_74, %ne3A_66 : vector<16xi1>
        %add3A_75 = vector.broadcast %select_n3A : i32 to vector<16xi32>
        %add3A_76 = arith.addi %rem3A_64, %add3A_75 : vector<16xi32>
        %select_n3A_77 = arith.select %and3A, %add3A_76, %rem3A_64 : vector<16xi1>, vector<16xi32>
        %add3A_78 = arith.constant 0 : i32
        %add3A_79 = vector.broadcast %add3A_78 : i32 to vector<16xi32>
        %add3A_80 = arith.addi %add3A_79, %select_n3A_77 : vector<16xi32>
        %iota3A_81 = tpu.iota {dimensions = array<i32: 0>} : vector<16xi32>
        %add3A_82 = arith.constant 0 : i32
        %add3A_83 = vector.broadcast %add3A_82 : i32 to vector<16xi32>
        %add3A_84 = arith.addi %iota3A_81, %add3A_83 : vector<16xi32>
        %gather3A = tpu.vector_load_idx %arg6[%add3A_80, %add3A_84] : memref<64x64xf32, #tpu.memory_space<vmem>>[vector<16xi32>, vector<16xi32>], vector<16xf32>,
        %mul3A_85 = arith.constant 64 : i32
        %mul3A_86 = vector.broadcast %mul3A_85 : i32 to vector<16xi32>
        %mul3A_87 = arith.muli %add3A_84, %mul3A_86 : vector<16xi32>
        %add3A_88 = arith.addi %mul3A_87, %add3A_80 : vector<16xi32>
        tpu.vector_store_idx %arg8[%add3A_88], %gather3A : memref<8192xf32, #tpu.memory_space<vmem>>[vector<16xi32>], vector<16xf32>,
        %iota3A_89 = tpu.iota {dimensions = array<i32: 0>} : vector<16xi32>
        %add3A_90 = arith.constant 16 : i32
        %add3A_91 = vector.broadcast %add3A_90 : i32 to vector<16xi32>
        %add3A_92 = arith.addi %iota3A_89, %add3A_91 : vector<16xi32>
        %gather3A_93 = tpu.vector_load_idx %arg6[%add3A_80, %add3A_92] : memref<64x64xf32, #tpu.memory_space<vmem>>[vector<16xi32>, vector<16xi32>], vector<16xf32>,
        %mul3A_94 = arith.constant 64 : i32
        %mul3A_95 = vector.broadcast %mul3A_94 : i32 to vector<16xi32>
        %mul3A_96 = arith.muli %add3A_92, %mul3A_95 : vector<16xi32>
        %add3A_97 = arith.addi %mul3A_96, %add3A_80 : vector<16xi32>
        tpu.vector_store_idx %arg8[%add3A_97], %gather3A_93 : memref<8192xf32, #tpu.memory_space<vmem>>[vector<16xi32>], vector<16xf32>,
        %iota3A_98 = tpu.iota {dimensions = array<i32: 0>} : vector<16xi32>
        %add3A_99 = arith.constant 32 : i32
        %add3A_100 = vector.broadcast %add3A_99 : i32 to vector<16xi32>
        %add3A_101 = arith.addi %iota3A_98, %add3A_100 : vector<16xi32>
        %gather3A_102 = tpu.vector_load_idx %arg6[%add3A_80, %add3A_101] : memref<64x64xf32, #tpu.memory_space<vmem>>[vector<16xi32>, vector<16xi32>], vector<16xf32>,
        %mul3A_103 = arith.constant 64 : i32
        %mul3A_104 = vector.broadcast %mul3A_103 : i32 to vector<16xi32>
        %mul3A_105 = arith.muli %add3A_101, %mul3A_104 : vector<16xi32>
        %add3A_106 = arith.addi %mul3A_105, %add3A_80 : vector<16xi32>
        tpu.vector_store_idx %arg8[%add3A_106], %gather3A_102 : memref<8192xf32, #tpu.memory_space<vmem>>[vector<16xi32>], vector<16xf32>,
        %iota3A_107 = tpu.iota {dimensions = array<i32: 0>} : vector<16xi32>
        %add3A_108 = arith.constant 48 : i32
        %add3A_109 = vector.broadcast %add3A_108 : i32 to vector<16xi32>
        %add3A_110 = arith.addi %iota3A_107, %add3A_109 : vector<16xi32>
        %gather3A_111 = tpu.vector_load_idx %arg6[%add3A_80, %add3A_110] : memref<64x64xf32, #tpu.memory_space<vmem>>[vector<16xi32>, vector<16xi32>], vector<16xf32>,
        %mul3A_112 = arith.constant 64 : i32
        %mul3A_113 = vector.broadcast %mul3A_112 : i32 to vector<16xi32>
        %mul3A_114 = arith.muli %add3A_110, %mul3A_113 : vector<16xi32>
        %add3A_115 = arith.addi %mul3A_114, %add3A_80 : vector<16xi32>
        tpu.vector_store_idx %arg8[%add3A_115], %gather3A_111 : memref<8192xf32, #tpu.memory_space<vmem>>[vector<16xi32>], vector<16xf32>,
        %add3A_116 = arith.constant 16 : i32
        %add3A_117 = vector.broadcast %add3A_116 : i32 to vector<16xi32>
        %add3A_118 = arith.addi %add3A_117, %select_n3A_77 : vector<16xi32>
        %iota3A_119 = tpu.iota {dimensions = array<i32: 0>} : vector<16xi32>
        %add3A_120 = arith.constant 0 : i32
        %add3A_121 = vector.broadcast %add3A_120 : i32 to vector<16xi32>
        %add3A_122 = arith.addi %iota3A_119, %add3A_121 : vector<16xi32>
        %gather3A_123 = tpu.vector_load_idx %arg6[%add3A_118, %add3A_122] : memref<64x64xf32, #tpu.memory_space<vmem>>[vector<16xi32>, vector<16xi32>], vector<16xf32>,
        %mul3A_124 = arith.constant 64 : i32
        %mul3A_125 = vector.broadcast %mul3A_124 : i32 to vector<16xi32>
        %mul3A_126 = arith.muli %add3A_122, %mul3A_125 : vector<16xi32>
        %add3A_127 = arith.addi %mul3A_126, %add3A_118 : vector<16xi32>
        tpu.vector_store_idx %arg8[%add3A_127], %gather3A_123 : memref<8192xf32, #tpu.memory_space<vmem>>[vector<16xi32>], vector<16xf32>,
        %iota3A_128 = tpu.iota {dimensions = array<i32: 0>} : vector<16xi32>
        %add3A_129 = arith.constant 16 : i32
        %add3A_130 = vector.broadcast %add3A_129 : i32 to vector<16xi32>
        %add3A_131 = arith.addi %iota3A_128, %add3A_130 : vector<16xi32>
        %gather3A_132 = tpu.vector_load_idx %arg6[%add3A_118, %add3A_131] : memref<64x64xf32, #tpu.memory_space<vmem>>[vector<16xi32>, vector<16xi32>], vector<16xf32>,
        %mul3A_133 = arith.constant 64 : i32
        %mul3A_134 = vector.broadcast %mul3A_133 : i32 to vector<16xi32>
        %mul3A_135 = arith.muli %add3A_131, %mul3A_134 : vector<16xi32>
        %add3A_136 = arith.addi %mul3A_135, %add3A_118 : vector<16xi32>
        tpu.vector_store_idx %arg8[%add3A_136], %gather3A_132 : memref<8192xf32, #tpu.memory_space<vmem>>[vector<16xi32>], vector<16xf32>,
        %iota3A_137 = tpu.iota {dimensions = array<i32: 0>} : vector<16xi32>
        %add3A_138 = arith.constant 32 : i32
        %add3A_139 = vector.broadcast %add3A_138 : i32 to vector<16xi32>
        %add3A_140 = arith.addi %iota3A_137, %add3A_139 : vector<16xi32>
        %gather3A_141 = tpu.vector_load_idx %arg6[%add3A_118, %add3A_140] : memref<64x64xf32, #tpu.memory_space<vmem>>[vector<16xi32>, vector<16xi32>], vector<16xf32>,
        %mul3A_142 = arith.constant 64 : i32
        %mul3A_143 = vector.broadcast %mul3A_142 : i32 to vector<16xi32>
        %mul3A_144 = arith.muli %add3A_140, %mul3A_143 : vector<16xi32>
        %add3A_145 = arith.addi %mul3A_144, %add3A_118 : vector<16xi32>
        tpu.vector_store_idx %arg8[%add3A_145], %gather3A_141 : memref<8192xf32, #tpu.memory_space<vmem>>[vector<16xi32>], vector<16xf32>,
        %iota3A_146 = tpu.iota {dimensions = array<i32: 0>} : vector<16xi32>
        %add3A_147 = arith.constant 48 : i32
        %add3A_148 = vector.broadcast %add3A_147 : i32 to vector<16xi32>
        %add3A_149 = arith.addi %iota3A_146, %add3A_148 : vector<16xi32>
        %gather3A_150 = tpu.vector_load_idx %arg6[%add3A_118, %add3A_149] : memref<64x64xf32, #tpu.memory_space<vmem>>[vector<16xi32>, vector<16xi32>], vector<16xf32>,
        %mul3A_151 = arith.constant 64 : i32
        %mul3A_152 = vector.broadcast %mul3A_151 : i32 to vector<16xi32>
        %mul3A_153 = arith.muli %add3A_149, %mul3A_152 : vector<16xi32>
        %add3A_154 = arith.addi %mul3A_153, %add3A_118 : vector<16xi32>
        tpu.vector_store_idx %arg8[%add3A_154], %gather3A_150 : memref<8192xf32, #tpu.memory_space<vmem>>[vector<16xi32>], vector<16xf32>,
        %add3A_155 = arith.constant 32 : i32
        %add3A_156 = vector.broadcast %add3A_155 : i32 to vector<16xi32>
        %add3A_157 = arith.addi %add3A_156, %select_n3A_77 : vector<16xi32>
        %iota3A_158 = tpu.iota {dimensions = array<i32: 0>} : vector<16xi32>
        %add3A_159 = arith.constant 0 : i32
        %add3A_160 = vector.broadcast %add3A_159 : i32 to vector<16xi32>
        %add3A_161 = arith.addi %iota3A_158, %add3A_160 : vector<16xi32>
        %gather3A_162 = tpu.vector_load_idx %arg6[%add3A_157, %add3A_161] : memref<64x64xf32, #tpu.memory_space<vmem>>[vector<16xi32>, vector<16xi32>], vector<16xf32>,
        %mul3A_163 = arith.constant 64 : i32
        %mul3A_164 = vector.broadcast %mul3A_163 : i32 to vector<16xi32>
        %mul3A_165 = arith.muli %add3A_161, %mul3A_164 : vector<16xi32>
        %add3A_166 = arith.addi %mul3A_165, %add3A_157 : vector<16xi32>
        tpu.vector_store_idx %arg8[%add3A_166], %gather3A_162 : memref<8192xf32, #tpu.memory_space<vmem>>[vector<16xi32>], vector<16xf32>,
        %iota3A_167 = tpu.iota {dimensions = array<i32: 0>} : vector<16xi32>
        %add3A_168 = arith.constant 16 : i32
        %add3A_169 = vector.broadcast %add3A_168 : i32 to vector<16xi32>
        %add3A_170 = arith.addi %iota3A_167, %add3A_169 : vector<16xi32>
        %gather3A_171 = tpu.vector_load_idx %arg6[%add3A_157, %add3A_170] : memref<64x64xf32, #tpu.memory_space<vmem>>[vector<16xi32>, vector<16xi32>], vector<16xf32>,
        %mul3A_172 = arith.constant 64 : i32
        %mul3A_173 = vector.broadcast %mul3A_172 : i32 to vector<16xi32>
        %mul3A_174 = arith.muli %add3A_170, %mul3A_173 : vector<16xi32>
        %add3A_175 = arith.addi %mul3A_174, %add3A_157 : vector<16xi32>
        tpu.vector_store_idx %arg8[%add3A_175], %gather3A_171 : memref<8192xf32, #tpu.memory_space<vmem>>[vector<16xi32>], vector<16xf32>,
        %iota3A_176 = tpu.iota {dimensions = array<i32: 0>} : vector<16xi32>
        %add3A_177 = arith.constant 32 : i32
        %add3A_178 = vector.broadcast %add3A_177 : i32 to vector<16xi32>
        %add3A_179 = arith.addi %iota3A_176, %add3A_178 : vector<16xi32>
        %gather3A_180 = tpu.vector_load_idx %arg6[%add3A_157, %add3A_179] : memref<64x64xf32, #tpu.memory_space<vmem>>[vector<16xi32>, vector<16xi32>], vector<16xf32>,
        %mul3A_181 = arith.constant 64 : i32
        %mul3A_182 = vector.broadcast %mul3A_181 : i32 to vector<16xi32>
        %mul3A_183 = arith.muli %add3A_179, %mul3A_182 : vector<16xi32>
        %add3A_184 = arith.addi %mul3A_183, %add3A_157 : vector<16xi32>
        tpu.vector_store_idx %arg8[%add3A_184], %gather3A_180 : memref<8192xf32, #tpu.memory_space<vmem>>[vector<16xi32>], vector<16xf32>,
        %iota3A_185 = tpu.iota {dimensions = array<i32: 0>} : vector<16xi32>
        %add3A_186 = arith.constant 48 : i32
        %add3A_187 = vector.broadcast %add3A_186 : i32 to vector<16xi32>
        %add3A_188 = arith.addi %iota3A_185, %add3A_187 : vector<16xi32>
        %gather3A_189 = tpu.vector_load_idx %arg6[%add3A_157, %add3A_188] : memref<64x64xf32, #tpu.memory_space<vmem>>[vector<16xi32>, vector<16xi32>], vector<16xf32>,
        %mul3A_190 = arith.constant 64 : i32
        %mul3A_191 = vector.broadcast %mul3A_190 : i32 to vector<16xi32>
        %mul3A_192 = arith.muli %add3A_188, %mul3A_191 : vector<16xi32>
        %add3A_193 = arith.addi %mul3A_192, %add3A_157 : vector<16xi32>
        tpu.vector_store_idx %arg8[%add3A_193], %gather3A_189 : memref<8192xf32, #tpu.memory_space<vmem>>[vector<16xi32>], vector<16xf32>,
        %add3A_194 = arith.constant 48 : i32
        %add3A_195 = vector.broadcast %add3A_194 : i32 to vector<16xi32>
        %add3A_196 = arith.addi %add3A_195, %select_n3A_77 : vector<16xi32>
        %iota3A_197 = tpu.iota {dimensions = array<i32: 0>} : vector<16xi32>
        %add3A_198 = arith.constant 0 : i32
        %add3A_199 = vector.broadcast %add3A_198 : i32 to vector<16xi32>
        %add3A_200 = arith.addi %iota3A_197, %add3A_199 : vector<16xi32>
        %gather3A_201 = tpu.vector_load_idx %arg6[%add3A_196, %add3A_200] : memref<64x64xf32, #tpu.memory_space<vmem>>[vector<16xi32>, vector<16xi32>], vector<16xf32>,
        %mul3A_202 = arith.constant 64 : i32
        %mul3A_203 = vector.broadcast %mul3A_202 : i32 to vector<16xi32>
        %mul3A_204 = arith.muli %add3A_200, %mul3A_203 : vector<16xi32>
        %add3A_205 = arith.addi %mul3A_204, %add3A_196 : vector<16xi32>
        tpu.vector_store_idx %arg8[%add3A_205], %gather3A_201 : memref<8192xf32, #tpu.memory_space<vmem>>[vector<16xi32>], vector<16xf32>,
        %iota3A_206 = tpu.iota {dimensions = array<i32: 0>} : vector<16xi32>
        %add3A_207 = arith.constant 16 : i32
        %add3A_208 = vector.broadcast %add3A_207 : i32 to vector<16xi32>
        %add3A_209 = arith.addi %iota3A_206, %add3A_208 : vector<16xi32>
        %gather3A_210 = tpu.vector_load_idx %arg6[%add3A_196, %add3A_209] : memref<64x64xf32, #tpu.memory_space<vmem>>[vector<16xi32>, vector<16xi32>], vector<16xf32>,
        %mul3A_211 = arith.constant 64 : i32
        %mul3A_212 = vector.broadcast %mul3A_211 : i32 to vector<16xi32>
        %mul3A_213 = arith.muli %add3A_209, %mul3A_212 : vector<16xi32>
        %add3A_214 = arith.addi %mul3A_213, %add3A_196 : vector<16xi32>
        tpu.vector_store_idx %arg8[%add3A_214], %gather3A_210 : memref<8192xf32, #tpu.memory_space<vmem>>[vector<16xi32>], vector<16xf32>,
        %iota3A_215 = tpu.iota {dimensions = array<i32: 0>} : vector<16xi32>
        %add3A_216 = arith.constant 32 : i32
        %add3A_217 = vector.broadcast %add3A_216 : i32 to vector<16xi32>
        %add3A_218 = arith.addi %iota3A_215, %add3A_217 : vector<16xi32>
        %gather3A_219 = tpu.vector_load_idx %arg6[%add3A_196, %add3A_218] : memref<64x64xf32, #tpu.memory_space<vmem>>[vector<16xi32>, vector<16xi32>], vector<16xf32>,
        %mul3A_220 = arith.constant 64 : i32
        %mul3A_221 = vector.broadcast %mul3A_220 : i32 to vector<16xi32>
        %mul3A_222 = arith.muli %add3A_218, %mul3A_221 : vector<16xi32>
        %add3A_223 = arith.addi %mul3A_222, %add3A_196 : vector<16xi32>
        tpu.vector_store_idx %arg8[%add3A_223], %gather3A_219 : memref<8192xf32, #tpu.memory_space<vmem>>[vector<16xi32>], vector<16xf32>,
        %iota3A_224 = tpu.iota {dimensions = array<i32: 0>} : vector<16xi32>
        %add3A_225 = arith.constant 48 : i32
        %add3A_226 = vector.broadcast %add3A_225 : i32 to vector<16xi32>
        %add3A_227 = arith.addi %iota3A_224, %add3A_226 : vector<16xi32>
        %gather3A_228 = tpu.vector_load_idx %arg6[%add3A_196, %add3A_227] : memref<64x64xf32, #tpu.memory_space<vmem>>[vector<16xi32>, vector<16xi32>], vector<16xf32>,
        %mul3A_229 = arith.constant 64 : i32
        %mul3A_230 = vector.broadcast %mul3A_229 : i32 to vector<16xi32>
        %mul3A_231 = arith.muli %add3A_227, %mul3A_230 : vector<16xi32>
        %add3A_232 = arith.addi %mul3A_231, %add3A_196 : vector<16xi32>
        tpu.vector_store_idx %arg8[%add3A_232], %gather3A_228 : memref<8192xf32, #tpu.memory_space<vmem>>[vector<16xi32>], vector<16xf32>,
      }
      %scan3A_41 = arith.constant 16 : i32
      %dma_start3A_42 = arith.constant 0 : i32
      %dma_start3A_43 = tpu.memref_slice %arg8[%dma_start3A_42] : memref<8192xf32, #tpu.memory_space<vmem>> -> memref<4096xf32, #tpu.memory_space<vmem>>
      %dma_start3A_44 = arith.constant 63995904 : i32
      %dma_start3A_45 = tpu.memref_slice %arg3[%dma_start3A_44] : memref<64000000xf32, #tpu.memory_space<hbm>> -> memref<4096xf32, #tpu.memory_space<hbm>>
      %dma_start3A_46 = arith.constant 63995904 : i32
      %dma_start3A_47 = tpu.memref_slice %arg3[%dma_start3A_46] : memref<64000000xf32, #tpu.memory_space<hbm>> -> memref<4096xf32, #tpu.memory_space<hbm>>
      %dma_start3A_48 = arith.constant 0 : i32
      %dma_start3A_49 = tpu.memref_slice %arg8[%dma_start3A_48] : memref<8192xf32, #tpu.memory_space<vmem>> -> memref<4096xf32, #tpu.memory_space<vmem>>
      tpu.enqueue_dma source(%dma_start3A_49 : memref<4096xf32, #tpu.memory_space<vmem>>) target(%dma_start3A_47 : memref<4096xf32, #tpu.memory_space<hbm>>) target_semaphore(%arg12 : memref<!tpu.dma_semaphore, #tpu.memory_space<semaphore_mem>>)
      %dma_wait3A_50 = arith.constant 0 : i32
      %dma_wait3A_51 = tpu.memref_slice %arg8[%dma_wait3A_50] : memref<8192xf32, #tpu.memory_space<vmem>> -> memref<4096xf32, #tpu.memory_space<vmem>>
      %dma_wait3A_52 = arith.constant 63995904 : i32
      %dma_wait3A_53 = tpu.memref_slice %arg3[%dma_wait3A_52] : memref<64000000xf32, #tpu.memory_space<hbm>> -> memref<4096xf32, #tpu.memory_space<hbm>>
      %dma_wait3A_54 = arith.constant 63995904 : i32
      %dma_wait3A_55 = tpu.memref_slice %arg3[%dma_wait3A_54] : memref<64000000xf32, #tpu.memory_space<hbm>> -> memref<4096xf32, #tpu.memory_space<hbm>>
      %dma_wait3A_56 = arith.constant 0 : i32
      %dma_wait3A_57 = tpu.memref_slice %arg8[%dma_wait3A_56] : memref<8192xf32, #tpu.memory_space<vmem>> -> memref<4096xf32, #tpu.memory_space<vmem>>
      tpu.wait_dma2 semaphore(%arg12 : memref<!tpu.dma_semaphore, #tpu.memory_space<semaphore_mem>>) src(%dma_wait3A_57 : memref<4096xf32, #tpu.memory_space<vmem>>) dst(%dma_wait3A_55 : memref<4096xf32, #tpu.memory_space<hbm>>)
    } else {
    }
    return
  }
}

#map = affine_map<(d0, d1) -> (0, 0)>
#map1 = affine_map<(d0, d1) -> (0, 0, 0, 0, 0)>
module attributes {stable_mosaic.version = 14 : i64} {
  func.func @_gather_body(%arg0: i32, %arg1: i32, %arg2: memref<4096x200xi32, #tpu.memory_space<hbm>>, %arg3: memref<1000000x64xf32, #tpu.memory_space<hbm>>, %arg4: memref<200x8x32x8x128xf32, #tpu.memory_space<hbm>>, %arg5: memref<128x200xi32, #tpu.memory_space<vmem>>, %arg6: memref<200x128xi32, #tpu.memory_space<vmem>>, %arg7: memref<2x128x64xf32, #tpu.memory_space<vmem>>, %arg8: memref<2x8x8x128xf32, #tpu.memory_space<vmem>>, %arg9: memref<!tpu.dma_semaphore, #tpu.memory_space<semaphore_mem>>, %arg10: memref<!tpu.dma_semaphore, #tpu.memory_space<semaphore_mem>>, %arg11: memref<!tpu.dma_semaphore, #tpu.memory_space<semaphore_mem>>, %arg12: memref<!tpu.dma_semaphore, #tpu.memory_space<semaphore_mem>>) attributes {dimension_semantics = [#tpu.dimension_semantics<core_parallel>, #tpu.dimension_semantics<subcore_parallel>], iteration_bounds = array<i64: 2, 16>, scalar_prefetch = 0 : i64, scratch_operands = 8 : i64, tpu.core_type = #tpu.core_type<sc_vector_subcore>, window_params = [{transform_indices = #map}, {transform_indices = #map}, {transform_indices = #map1}]} {
    %mul3A = arith.constant 2 : i32
    %mul3A_0 = arith.muli %arg1, %mul3A : i32
    %add3A = arith.addi %mul3A_0, %arg0 : i32
    %mul3A_1 = arith.constant 128 : i32
    %mul3A_2 = arith.muli %add3A, %mul3A_1 : i32
    "tpu.region"() ({
      %run_scoped3A = tpu.sem_alloc : memref<!tpu.dma_semaphore, #tpu.memory_space<semaphore_mem>>
      %dma_start3A_68 = arith.constant 0 : i32
      %dma_start3A_69 = tpu.memref_slice %arg2[%mul3A_2, %dma_start3A_68] : memref<4096x200xi32, #tpu.memory_space<hbm>> -> memref<128x200xi32, #tpu.memory_space<hbm>>
      %dma_start3A_70 = arith.constant 0 : i32
      %dma_start3A_71 = tpu.memref_slice %arg2[%mul3A_2, %dma_start3A_70] : memref<4096x200xi32, #tpu.memory_space<hbm>> -> memref<128x200xi32, #tpu.memory_space<hbm>>
      tpu.enqueue_dma source(%dma_start3A_71 : memref<128x200xi32, #tpu.memory_space<hbm>>) target(%arg5 : memref<128x200xi32, #tpu.memory_space<vmem>>) target_semaphore(%run_scoped3A : memref<!tpu.dma_semaphore, #tpu.memory_space<semaphore_mem>>)
      %dma_wait3A_72 = arith.constant 0 : i32
      %dma_wait3A_73 = tpu.memref_slice %arg2[%mul3A_2, %dma_wait3A_72] : memref<4096x200xi32, #tpu.memory_space<hbm>> -> memref<128x200xi32, #tpu.memory_space<hbm>>
      %dma_wait3A_74 = arith.constant 0 : i32
      %dma_wait3A_75 = tpu.memref_slice %arg2[%mul3A_2, %dma_wait3A_74] : memref<4096x200xi32, #tpu.memory_space<hbm>> -> memref<128x200xi32, #tpu.memory_space<hbm>>
      tpu.wait_dma2 semaphore(%run_scoped3A : memref<!tpu.dma_semaphore, #tpu.memory_space<semaphore_mem>>) src(%dma_wait3A_75 : memref<128x200xi32, #tpu.memory_space<hbm>>) dst(%arg5 : memref<128x200xi32, #tpu.memory_space<vmem>>)
      tpu.yield
    }) : () -> ()
    %scan3A = arith.constant 0 : i32
    %scan3A_3 = arith.constant 200 : i32
    %scan3A_4 = arith.addi %scan3A, %scan3A_3 : i32
    %scan3A_5 = arith.constant 1 : i32
    scf.for %scan3A_68 = %scan3A to %scan3A_4 step %scan3A_5  : i32 {
      %broadcast_in_dim3A = vector.broadcast %scan3A_68 : i32 to vector<16xi32>
      %iota3A = tpu.iota {dimensions = array<i32: 0>} : vector<16xi32>
      %add3A_69 = arith.constant 0 : i32
      %add3A_70 = vector.broadcast %add3A_69 : i32 to vector<16xi32>
      %add3A_71 = arith.addi %iota3A, %add3A_70 : vector<16xi32>
      %gather3A = tpu.vector_load_idx %arg5[%add3A_71, %broadcast_in_dim3A] : memref<128x200xi32, #tpu.memory_space<vmem>>[vector<16xi32>, vector<16xi32>], vector<16xi32>,
      %swap3A = arith.index_cast %scan3A_68 : i32 to index
      %swap3A_72 = arith.constant 0 : index
      %swap3A_73 = tpu.vector_load %arg6[%swap3A, %swap3A_72] {strides = array<i32>} : memref<200x128xi32, #tpu.memory_space<vmem>>, vector<16xi32>,
      tpu.vector_store %arg6[%swap3A, %swap3A_72], %gather3A {strides = array<i32>} : memref<200x128xi32, #tpu.memory_space<vmem>>, vector<16xi32>,
      %iota3A_74 = tpu.iota {dimensions = array<i32: 0>} : vector<16xi32>
      %add3A_75 = arith.constant 16 : i32
      %add3A_76 = vector.broadcast %add3A_75 : i32 to vector<16xi32>
      %add3A_77 = arith.addi %iota3A_74, %add3A_76 : vector<16xi32>
      %gather3A_78 = tpu.vector_load_idx %arg5[%add3A_77, %broadcast_in_dim3A] : memref<128x200xi32, #tpu.memory_space<vmem>>[vector<16xi32>, vector<16xi32>], vector<16xi32>,
      %swap3A_79 = arith.index_cast %scan3A_68 : i32 to index
      %swap3A_80 = arith.constant 16 : index
      %swap3A_81 = tpu.vector_load %arg6[%swap3A_79, %swap3A_80] {strides = array<i32>} : memref<200x128xi32, #tpu.memory_space<vmem>>, vector<16xi32>,
      tpu.vector_store %arg6[%swap3A_79, %swap3A_80], %gather3A_78 {strides = array<i32>} : memref<200x128xi32, #tpu.memory_space<vmem>>, vector<16xi32>,
      %iota3A_82 = tpu.iota {dimensions = array<i32: 0>} : vector<16xi32>
      %add3A_83 = arith.constant 32 : i32
      %add3A_84 = vector.broadcast %add3A_83 : i32 to vector<16xi32>
      %add3A_85 = arith.addi %iota3A_82, %add3A_84 : vector<16xi32>
      %gather3A_86 = tpu.vector_load_idx %arg5[%add3A_85, %broadcast_in_dim3A] : memref<128x200xi32, #tpu.memory_space<vmem>>[vector<16xi32>, vector<16xi32>], vector<16xi32>,
      %swap3A_87 = arith.index_cast %scan3A_68 : i32 to index
      %swap3A_88 = arith.constant 32 : index
      %swap3A_89 = tpu.vector_load %arg6[%swap3A_87, %swap3A_88] {strides = array<i32>} : memref<200x128xi32, #tpu.memory_space<vmem>>, vector<16xi32>,
      tpu.vector_store %arg6[%swap3A_87, %swap3A_88], %gather3A_86 {strides = array<i32>} : memref<200x128xi32, #tpu.memory_space<vmem>>, vector<16xi32>,
      %iota3A_90 = tpu.iota {dimensions = array<i32: 0>} : vector<16xi32>
      %add3A_91 = arith.constant 48 : i32
      %add3A_92 = vector.broadcast %add3A_91 : i32 to vector<16xi32>
      %add3A_93 = arith.addi %iota3A_90, %add3A_92 : vector<16xi32>
      %gather3A_94 = tpu.vector_load_idx %arg5[%add3A_93, %broadcast_in_dim3A] : memref<128x200xi32, #tpu.memory_space<vmem>>[vector<16xi32>, vector<16xi32>], vector<16xi32>,
      %swap3A_95 = arith.index_cast %scan3A_68 : i32 to index
      %swap3A_96 = arith.constant 48 : index
      %swap3A_97 = tpu.vector_load %arg6[%swap3A_95, %swap3A_96] {strides = array<i32>} : memref<200x128xi32, #tpu.memory_space<vmem>>, vector<16xi32>,
      tpu.vector_store %arg6[%swap3A_95, %swap3A_96], %gather3A_94 {strides = array<i32>} : memref<200x128xi32, #tpu.memory_space<vmem>>, vector<16xi32>,
      %iota3A_98 = tpu.iota {dimensions = array<i32: 0>} : vector<16xi32>
      %add3A_99 = arith.constant 64 : i32
      %add3A_100 = vector.broadcast %add3A_99 : i32 to vector<16xi32>
      %add3A_101 = arith.addi %iota3A_98, %add3A_100 : vector<16xi32>
      %gather3A_102 = tpu.vector_load_idx %arg5[%add3A_101, %broadcast_in_dim3A] : memref<128x200xi32, #tpu.memory_space<vmem>>[vector<16xi32>, vector<16xi32>], vector<16xi32>,
      %swap3A_103 = arith.index_cast %scan3A_68 : i32 to index
      %swap3A_104 = arith.constant 64 : index
      %swap3A_105 = tpu.vector_load %arg6[%swap3A_103, %swap3A_104] {strides = array<i32>} : memref<200x128xi32, #tpu.memory_space<vmem>>, vector<16xi32>,
      tpu.vector_store %arg6[%swap3A_103, %swap3A_104], %gather3A_102 {strides = array<i32>} : memref<200x128xi32, #tpu.memory_space<vmem>>, vector<16xi32>,
      %iota3A_106 = tpu.iota {dimensions = array<i32: 0>} : vector<16xi32>
      %add3A_107 = arith.constant 80 : i32
      %add3A_108 = vector.broadcast %add3A_107 : i32 to vector<16xi32>
      %add3A_109 = arith.addi %iota3A_106, %add3A_108 : vector<16xi32>
      %gather3A_110 = tpu.vector_load_idx %arg5[%add3A_109, %broadcast_in_dim3A] : memref<128x200xi32, #tpu.memory_space<vmem>>[vector<16xi32>, vector<16xi32>], vector<16xi32>,
      %swap3A_111 = arith.index_cast %scan3A_68 : i32 to index
      %swap3A_112 = arith.constant 80 : index
      %swap3A_113 = tpu.vector_load %arg6[%swap3A_111, %swap3A_112] {strides = array<i32>} : memref<200x128xi32, #tpu.memory_space<vmem>>, vector<16xi32>,
      tpu.vector_store %arg6[%swap3A_111, %swap3A_112], %gather3A_110 {strides = array<i32>} : memref<200x128xi32, #tpu.memory_space<vmem>>, vector<16xi32>,
      %iota3A_114 = tpu.iota {dimensions = array<i32: 0>} : vector<16xi32>
      %add3A_115 = arith.constant 96 : i32
      %add3A_116 = vector.broadcast %add3A_115 : i32 to vector<16xi32>
      %add3A_117 = arith.addi %iota3A_114, %add3A_116 : vector<16xi32>
      %gather3A_118 = tpu.vector_load_idx %arg5[%add3A_117, %broadcast_in_dim3A] : memref<128x200xi32, #tpu.memory_space<vmem>>[vector<16xi32>, vector<16xi32>], vector<16xi32>,
      %swap3A_119 = arith.index_cast %scan3A_68 : i32 to index
      %swap3A_120 = arith.constant 96 : index
      %swap3A_121 = tpu.vector_load %arg6[%swap3A_119, %swap3A_120] {strides = array<i32>} : memref<200x128xi32, #tpu.memory_space<vmem>>, vector<16xi32>,
      tpu.vector_store %arg6[%swap3A_119, %swap3A_120], %gather3A_118 {strides = array<i32>} : memref<200x128xi32, #tpu.memory_space<vmem>>, vector<16xi32>,
      %iota3A_122 = tpu.iota {dimensions = array<i32: 0>} : vector<16xi32>
      %add3A_123 = arith.constant 112 : i32
      %add3A_124 = vector.broadcast %add3A_123 : i32 to vector<16xi32>
      %add3A_125 = arith.addi %iota3A_122, %add3A_124 : vector<16xi32>
      %gather3A_126 = tpu.vector_load_idx %arg5[%add3A_125, %broadcast_in_dim3A] : memref<128x200xi32, #tpu.memory_space<vmem>>[vector<16xi32>, vector<16xi32>], vector<16xi32>,
      %swap3A_127 = arith.index_cast %scan3A_68 : i32 to index
      %swap3A_128 = arith.constant 112 : index
      %swap3A_129 = tpu.vector_load %arg6[%swap3A_127, %swap3A_128] {strides = array<i32>} : memref<200x128xi32, #tpu.memory_space<vmem>>, vector<16xi32>,
      tpu.vector_store %arg6[%swap3A_127, %swap3A_128], %gather3A_126 {strides = array<i32>} : memref<200x128xi32, #tpu.memory_space<vmem>>, vector<16xi32>,
    }
    %scan3A_6 = arith.constant 200 : i32
    %dma_start3A = arith.constant 0 : i32
    %dma_start3A_7 = arith.constant 0 : i32
    %dma_start3A_8 = arith.constant 0 : i32
    %dma_start3A_9 = arith.constant 0 : i32
    %dma_start3A_10 = tpu.memref_slice %arg7[%dma_start3A_7, %dma_start3A_8, %dma_start3A_9] : memref<2x128x64xf32, #tpu.memory_space<vmem>> -> memref<1x128x64xf32, #tpu.memory_space<vmem>>
    %dma_start3A_11 = tpu.memref_squeeze %dma_start3A_10 : memref<1x128x64xf32, #tpu.memory_space<vmem>> -> memref<128x64xf32, #tpu.memory_space<vmem>>
    %dma_start3A_12 = arith.constant 0 : i32
    %dma_start3A_13 = tpu.memref_slice %arg6[%dma_start3A, %dma_start3A_12] : memref<200x128xi32, #tpu.memory_space<vmem>> -> memref<1x128xi32, #tpu.memory_space<vmem>>
    %dma_start3A_14 = tpu.memref_squeeze %dma_start3A_13 : memref<1x128xi32, #tpu.memory_space<vmem>> -> memref<128xi32, #tpu.memory_space<vmem>>
    %dma_start3A_15 = arith.constant 0 : i32
    %dma_start3A_16 = arith.constant 0 : i32
    %dma_start3A_17 = tpu.memref_slice %arg3[%dma_start3A_15, %dma_start3A_16] : memref<1000000x64xf32, #tpu.memory_space<hbm>> -> memref<1000000x64xf32, #tpu.memory_space<hbm>>
    tpu.enqueue_indirect_dma source(%dma_start3A_17 : memref<1000000x64xf32, #tpu.memory_space<hbm>>) target(%dma_start3A_11 : memref<128x64xf32, #tpu.memory_space<vmem>>) offsets(%dma_start3A_14 : memref<128xi32, #tpu.memory_space<vmem>>) semaphore(%arg9 : memref<!tpu.dma_semaphore, #tpu.memory_space<semaphore_mem>>)
    %scan3A_18 = arith.constant 0 : i32
    %scan3A_19 = arith.constant 200 : i32
    %scan3A_20 = arith.addi %scan3A_18, %scan3A_19 : i32
    %scan3A_21 = arith.constant 1 : i32
    scf.for %scan3A_68 = %scan3A_18 to %scan3A_20 step %scan3A_21  : i32 {
      %jit3A = arith.constant 2 : i32
      %eq3A = arith.constant 0 : i32
      %eq3A_69 = arith.cmpi eq, %jit3A, %eq3A : i32
      %jit3A_70 = arith.constant 1 : i32
      %select_n3A = arith.select %eq3A_69, %jit3A_70, %jit3A : i32
      %rem3A = arith.remsi %scan3A_68, %select_n3A : i32
      %ne3A = arith.constant 0 : i32
      %ne3A_71 = arith.cmpi ne, %rem3A, %ne3A : i32
      %lt3A = arith.constant 0 : i32
      %lt3A_72 = arith.cmpi slt, %rem3A, %lt3A : i32
      %lt3A_73 = arith.constant 0 : i32
      %lt3A_74 = arith.cmpi slt, %select_n3A, %lt3A_73 : i32
      %ne3A_75 = arith.xori %lt3A_72, %lt3A_74 : i1
      %and3A = arith.andi %ne3A_75, %ne3A_71 : i1
      %add3A_76 = arith.addi %rem3A, %select_n3A : i32
      %select_n3A_77 = arith.select %and3A, %add3A_76, %rem3A : i32
      %eq3A_78 = arith.constant 0 : i32
      %eq3A_79 = arith.cmpi eq, %select_n3A_77, %eq3A_78 : i32
      %convert_element_type3A = arith.extui %eq3A_79 : i1 to i32
      %cond3A = arith.constant 0 : i32
      %cond3A_80 = arith.cmpi ne, %convert_element_type3A, %cond3A : i32
      scf.if %cond3A_80 {
        %add3A_86 = arith.constant 1 : i32
        %add3A_87 = arith.addi %scan3A_68, %add3A_86 : i32
        %lt3A_88 = arith.constant 200 : i32
        %lt3A_89 = arith.cmpi slt, %add3A_87, %lt3A_88 : i32
        %convert_element_type3A_90 = arith.extui %lt3A_89 : i1 to i32
        %cond3A_91 = arith.constant 0 : i32
        %cond3A_92 = arith.cmpi ne, %convert_element_type3A_90, %cond3A_91 : i32
        scf.if %cond3A_92 {
          %add3A_138 = arith.constant 1 : i32
          %add3A_139 = arith.addi %scan3A_68, %add3A_138 : i32
          %dma_start3A_140 = arith.constant 1 : i32
          %dma_start3A_141 = arith.constant 0 : i32
          %dma_start3A_142 = arith.constant 0 : i32
          %dma_start3A_143 = tpu.memref_slice %arg7[%dma_start3A_140, %dma_start3A_141, %dma_start3A_142] : memref<2x128x64xf32, #tpu.memory_space<vmem>> -> memref<1x128x64xf32, #tpu.memory_space<vmem>>
          %dma_start3A_144 = tpu.memref_squeeze %dma_start3A_143 : memref<1x128x64xf32, #tpu.memory_space<vmem>> -> memref<128x64xf32, #tpu.memory_space<vmem>>
          %dma_start3A_145 = arith.constant 0 : i32
          %dma_start3A_146 = tpu.memref_slice %arg6[%add3A_139, %dma_start3A_145] : memref<200x128xi32, #tpu.memory_space<vmem>> -> memref<1x128xi32, #tpu.memory_space<vmem>>
          %dma_start3A_147 = tpu.memref_squeeze %dma_start3A_146 : memref<1x128xi32, #tpu.memory_space<vmem>> -> memref<128xi32, #tpu.memory_space<vmem>>
          %dma_start3A_148 = arith.constant 0 : i32
          %dma_start3A_149 = arith.constant 0 : i32
          %dma_start3A_150 = tpu.memref_slice %arg3[%dma_start3A_148, %dma_start3A_149] : memref<1000000x64xf32, #tpu.memory_space<hbm>> -> memref<1000000x64xf32, #tpu.memory_space<hbm>>
          tpu.enqueue_indirect_dma source(%dma_start3A_150 : memref<1000000x64xf32, #tpu.memory_space<hbm>>) target(%dma_start3A_144 : memref<128x64xf32, #tpu.memory_space<vmem>>) offsets(%dma_start3A_147 : memref<128xi32, #tpu.memory_space<vmem>>) semaphore(%arg10 : memref<!tpu.dma_semaphore, #tpu.memory_space<semaphore_mem>>)
        } else {
        }
        %dma_wait3A_93 = arith.constant 0 : i32
        %dma_wait3A_94 = arith.constant 0 : i32
        %dma_wait3A_95 = arith.constant 0 : i32
        %dma_wait3A_96 = tpu.memref_slice %arg7[%dma_wait3A_93, %dma_wait3A_94, %dma_wait3A_95] : memref<2x128x64xf32, #tpu.memory_space<vmem>> -> memref<1x128x64xf32, #tpu.memory_space<vmem>>
        %dma_wait3A_97 = tpu.memref_squeeze %dma_wait3A_96 : memref<1x128x64xf32, #tpu.memory_space<vmem>> -> memref<128x64xf32, #tpu.memory_space<vmem>>
        %dma_wait3A_98 = arith.constant 0 : i32
        %dma_wait3A_99 = arith.constant 0 : i32
        %dma_wait3A_100 = tpu.memref_slice %arg3[%dma_wait3A_98, %dma_wait3A_99] : memref<1000000x64xf32, #tpu.memory_space<hbm>> -> memref<128x64xf32, #tpu.memory_space<hbm>>
        %dma_wait3A_101 = arith.constant 0 : i32
        %dma_wait3A_102 = arith.constant 0 : i32
        %dma_wait3A_103 = tpu.memref_slice %arg7[%dma_wait3A_93, %dma_wait3A_101, %dma_wait3A_102] : memref<2x128x64xf32, #tpu.memory_space<vmem>> -> memref<1x128x64xf32, #tpu.memory_space<vmem>>
        %dma_wait3A_104 = tpu.memref_squeeze %dma_wait3A_103 : memref<1x128x64xf32, #tpu.memory_space<vmem>> -> memref<128x64xf32, #tpu.memory_space<vmem>>
        %dma_wait3A_105 = arith.constant 0 : i32
        %dma_wait3A_106 = arith.constant 0 : i32
        %dma_wait3A_107 = tpu.memref_slice %arg3[%dma_wait3A_105, %dma_wait3A_106] : memref<1000000x64xf32, #tpu.memory_space<hbm>> -> memref<128x64xf32, #tpu.memory_space<hbm>>
        tpu.wait_dma2 semaphore(%arg9 : memref<!tpu.dma_semaphore, #tpu.memory_space<semaphore_mem>>) src(%dma_wait3A_107 : memref<128x64xf32, #tpu.memory_space<hbm>>) dst(%dma_wait3A_104 : memref<128x64xf32, #tpu.memory_space<vmem>>)
        %ge3A = arith.constant 2 : i32
        %ge3A_108 = arith.cmpi sge, %scan3A_68, %ge3A : i32
        %convert_element_type3A_109 = arith.extui %ge3A_108 : i1 to i32
        %cond3A_110 = arith.constant 0 : i32
        %cond3A_111 = arith.cmpi ne, %convert_element_type3A_109, %cond3A_110 : i32
        scf.if %cond3A_111 {
          %dma_wait3A_138 = arith.constant 0 : i32
          %dma_wait3A_139 = arith.constant 0 : i32
          %dma_wait3A_140 = arith.constant 0 : i32
          %dma_wait3A_141 = arith.constant 0 : i32
          %dma_wait3A_142 = arith.constant 0 : i32
          %dma_wait3A_143 = arith.constant 0 : i32
          %dma_wait3A_144 = tpu.memref_slice %arg8[%dma_wait3A_138, %dma_wait3A_141, %dma_wait3A_142, %dma_wait3A_143] : memref<2x8x8x128xf32, #tpu.memory_space<vmem>> -> memref<1x8x8x128xf32, #tpu.memory_space<vmem>>
          %dma_wait3A_145 = tpu.memref_squeeze %dma_wait3A_144 : memref<1x8x8x128xf32, #tpu.memory_space<vmem>> -> memref<8x8x128xf32, #tpu.memory_space<vmem>>
          %dma_wait3A_146 = arith.constant 0 : i32
          %dma_wait3A_147 = arith.constant 0 : i32
          %dma_wait3A_148 = arith.constant 0 : i32
          %dma_wait3A_149 = tpu.memref_slice %arg4[%dma_wait3A_139, %dma_wait3A_146, %dma_wait3A_140, %dma_wait3A_147, %dma_wait3A_148] : memref<200x8x32x8x128xf32, #tpu.memory_space<hbm>> -> memref<1x8x1x8x128xf32, #tpu.memory_space<hbm>>
          %dma_wait3A_150 = tpu.memref_squeeze %dma_wait3A_149 : memref<1x8x1x8x128xf32, #tpu.memory_space<hbm>> -> memref<8x8x128xf32, #tpu.memory_space<hbm>>
          %dma_wait3A_151 = arith.constant 0 : i32
          %dma_wait3A_152 = arith.constant 0 : i32
          %dma_wait3A_153 = arith.constant 0 : i32
          %dma_wait3A_154 = tpu.memref_slice %arg4[%dma_wait3A_139, %dma_wait3A_151, %dma_wait3A_140, %dma_wait3A_152, %dma_wait3A_153] : memref<200x8x32x8x128xf32, #tpu.memory_space<hbm>> -> memref<1x8x1x8x128xf32, #tpu.memory_space<hbm>>
          %dma_wait3A_155 = tpu.memref_squeeze %dma_wait3A_154 : memref<1x8x1x8x128xf32, #tpu.memory_space<hbm>> -> memref<8x8x128xf32, #tpu.memory_space<hbm>>
          %dma_wait3A_156 = arith.constant 0 : i32
          %dma_wait3A_157 = arith.constant 0 : i32
          %dma_wait3A_158 = arith.constant 0 : i32
          %dma_wait3A_159 = tpu.memref_slice %arg8[%dma_wait3A_138, %dma_wait3A_156, %dma_wait3A_157, %dma_wait3A_158] : memref<2x8x8x128xf32, #tpu.memory_space<vmem>> -> memref<1x8x8x128xf32, #tpu.memory_space<vmem>>
          %dma_wait3A_160 = tpu.memref_squeeze %dma_wait3A_159 : memref<1x8x8x128xf32, #tpu.memory_space<vmem>> -> memref<8x8x128xf32, #tpu.memory_space<vmem>>
          tpu.wait_dma2 semaphore(%arg11 : memref<!tpu.dma_semaphore, #tpu.memory_space<semaphore_mem>>) src(%dma_wait3A_160 : memref<8x8x128xf32, #tpu.memory_space<vmem>>) dst(%dma_wait3A_155 : memref<8x8x128xf32, #tpu.memory_space<hbm>>)
        } else {
        }
        %scan3A_112 = arith.constant 0 : i32
        %scan3A_113 = arith.constant 16 : i32
        %scan3A_114 = arith.addi %scan3A_112, %scan3A_113 : i32
        %scan3A_115 = arith.constant 1 : i32
        scf.for %scan3A_138 = %scan3A_112 to %scan3A_114 step %scan3A_115  : i32 {
          %iota3A = tpu.iota {dimensions = array<i32: 0>} : vector<16xi32>
          %add3A_139 = vector.broadcast %scan3A_138 : i32 to vector<16xi32>
          %add3A_140 = arith.addi %iota3A, %add3A_139 : vector<16xi32>
          %jit3A_141 = arith.constant 16 : i32
          %eq3A_142 = arith.constant 0 : i32
          %eq3A_143 = arith.cmpi eq, %jit3A_141, %eq3A_142 : i32
          %jit3A_144 = arith.constant 1 : i32
          %select_n3A_145 = arith.select %eq3A_143, %jit3A_144, %jit3A_141 : i32
          %rem3A_146 = vector.broadcast %select_n3A_145 : i32 to vector<16xi32>
          %rem3A_147 = arith.remsi %add3A_140, %rem3A_146 : vector<16xi32>
          %ne3A_148 = arith.constant 0 : i32
          %ne3A_149 = vector.broadcast %ne3A_148 : i32 to vector<16xi32>
          %ne3A_150 = arith.cmpi ne, %rem3A_147, %ne3A_149 : vector<16xi32>
          %lt3A_151 = arith.constant 0 : i32
          %lt3A_152 = vector.broadcast %lt3A_151 : i32 to vector<16xi32>
          %lt3A_153 = arith.cmpi slt, %rem3A_147, %lt3A_152 : vector<16xi32>
          %lt3A_154 = arith.constant 0 : i32
          %lt3A_155 = arith.cmpi slt, %select_n3A_145, %lt3A_154 : i32
          %ne3A_156 = vector.broadcast %lt3A_155 : i1 to vector<16xi1>
          %ne3A_157 = vector.broadcast %ne3A_156 : vector<16xi1> to vector<16xi1>
          %ne3A_158 = arith.xori %lt3A_153, %ne3A_157 : vector<16xi1>
          %and3A_159 = arith.andi %ne3A_158, %ne3A_150 : vector<16xi1>
          %add3A_160 = vector.broadcast %select_n3A_145 : i32 to vector<16xi32>
          %add3A_161 = arith.addi %rem3A_147, %add3A_160 : vector<16xi32>
          %select_n3A_162 = arith.select %and3A_159, %add3A_161, %rem3A_147 : vector<16xi1>, vector<16xi32>
          %add3A_163 = arith.constant 0 : i32
          %add3A_164 = vector.broadcast %add3A_163 : i32 to vector<16xi32>
          %add3A_165 = arith.addi %add3A_164, %select_n3A_162 : vector<16xi32>
          %jit3A_166 = arith.constant 8 : i32
          %div3A = vector.broadcast %jit3A_166 : i32 to vector<16xi32>
          %div3A_167 = arith.divsi %add3A_165, %div3A : vector<16xi32>
          %sign3A = arith.constant 0 : i32
          %sign3A_168 = vector.broadcast %sign3A : i32 to vector<16xi32>
          %sign3A_169 = arith.cmpi sgt, %add3A_165, %sign3A_168 : vector<16xi32>
          %sign3A_170 = arith.extui %sign3A_169 : vector<16xi1> to vector<16xi32>
          %sign3A_171 = arith.constant 0 : i32
          %sign3A_172 = vector.broadcast %sign3A_171 : i32 to vector<16xi32>
          %sign3A_173 = arith.cmpi slt, %add3A_165, %sign3A_172 : vector<16xi32>
          %sign3A_174 = arith.extui %sign3A_173 : vector<16xi1> to vector<16xi32>
          %sign3A_175 = arith.subi %sign3A_170, %sign3A_174 : vector<16xi32>
          %sign3A_176 = arith.constant 0 : i32
          %sign3A_177 = arith.cmpi sgt, %jit3A_166, %sign3A_176 : i32
          %sign3A_178 = arith.extui %sign3A_177 : i1 to i32
          %sign3A_179 = arith.constant 0 : i32
          %sign3A_180 = arith.cmpi slt, %jit3A_166, %sign3A_179 : i32
          %sign3A_181 = arith.extui %sign3A_180 : i1 to i32
          %sign3A_182 = arith.subi %sign3A_178, %sign3A_181 : i32
          %ne3A_183 = vector.broadcast %sign3A_182 : i32 to vector<16xi32>
          %ne3A_184 = arith.cmpi ne, %sign3A_175, %ne3A_183 : vector<16xi32>
          %rem3A_185 = vector.broadcast %jit3A_166 : i32 to vector<16xi32>
          %rem3A_186 = arith.remsi %add3A_165, %rem3A_185 : vector<16xi32>
          %ne3A_187 = arith.constant 0 : i32
          %ne3A_188 = vector.broadcast %ne3A_187 : i32 to vector<16xi32>
          %ne3A_189 = arith.cmpi ne, %rem3A_186, %ne3A_188 : vector<16xi32>
          %and3A_190 = arith.andi %ne3A_184, %ne3A_189 : vector<16xi1>
          %sub3A = arith.constant 1 : i32
          %sub3A_191 = vector.broadcast %sub3A : i32 to vector<16xi32>
          %sub3A_192 = arith.subi %div3A_167, %sub3A_191 : vector<16xi32>
          %select_n3A_193 = arith.select %and3A_190, %sub3A_192, %div3A_167 : vector<16xi1>, vector<16xi32>
          %jit3A_194 = arith.constant 8 : i32
          %eq3A_195 = arith.constant 0 : i32
          %eq3A_196 = arith.cmpi eq, %jit3A_194, %eq3A_195 : i32
          %jit3A_197 = arith.constant 1 : i32
          %select_n3A_198 = arith.select %eq3A_196, %jit3A_197, %jit3A_194 : i32
          %rem3A_199 = vector.broadcast %select_n3A_198 : i32 to vector<16xi32>
          %rem3A_200 = arith.remsi %add3A_165, %rem3A_199 : vector<16xi32>
          %ne3A_201 = arith.constant 0 : i32
          %ne3A_202 = vector.broadcast %ne3A_201 : i32 to vector<16xi32>
          %ne3A_203 = arith.cmpi ne, %rem3A_200, %ne3A_202 : vector<16xi32>
          %lt3A_204 = arith.constant 0 : i32
          %lt3A_205 = vector.broadcast %lt3A_204 : i32 to vector<16xi32>
          %lt3A_206 = arith.cmpi slt, %rem3A_200, %lt3A_205 : vector<16xi32>
          %lt3A_207 = arith.constant 0 : i32
          %lt3A_208 = arith.cmpi slt, %select_n3A_198, %lt3A_207 : i32
          %ne3A_209 = vector.broadcast %lt3A_208 : i1 to vector<16xi1>
          %ne3A_210 = vector.broadcast %ne3A_209 : vector<16xi1> to vector<16xi1>
          %ne3A_211 = arith.xori %lt3A_206, %ne3A_210 : vector<16xi1>
          %and3A_212 = arith.andi %ne3A_211, %ne3A_203 : vector<16xi1>
          %add3A_213 = vector.broadcast %select_n3A_198 : i32 to vector<16xi32>
          %add3A_214 = arith.addi %rem3A_200, %add3A_213 : vector<16xi32>
          %select_n3A_215 = arith.select %and3A_212, %add3A_214, %rem3A_200 : vector<16xi1>, vector<16xi32>
          %iota3A_216 = tpu.iota {dimensions = array<i32: 0>} : vector<16xi32>
          %add3A_217 = arith.constant 0 : i32
          %add3A_218 = vector.broadcast %add3A_217 : i32 to vector<16xi32>
          %add3A_219 = arith.addi %iota3A_216, %add3A_218 : vector<16xi32>
          %gather3A = arith.constant 0 : i32
          %gather3A_220 = arith.constant 0 : i32
          %gather3A_221 = arith.constant 0 : i32
          %gather3A_222 = tpu.memref_slice %arg7[%gather3A, %gather3A_220, %gather3A_221] : memref<2x128x64xf32, #tpu.memory_space<vmem>> -> memref<1x128x64xf32, #tpu.memory_space<vmem>>
          %gather3A_223 = tpu.memref_squeeze %gather3A_222 : memref<1x128x64xf32, #tpu.memory_space<vmem>> -> memref<128x64xf32, #tpu.memory_space<vmem>>
          %gather3A_224 = tpu.vector_load_idx %gather3A_223[%add3A_219, %add3A_165] : memref<128x64xf32, #tpu.memory_space<vmem>>[vector<16xi32>, vector<16xi32>], vector<16xf32>,
          %scatter3A = arith.constant 0 : i32
          %scatter3A_225 = arith.constant 0 : i32
          %scatter3A_226 = arith.constant 0 : i32
          %scatter3A_227 = arith.constant 0 : i32
          %scatter3A_228 = tpu.memref_slice %arg8[%scatter3A, %scatter3A_225, %scatter3A_226, %scatter3A_227] : memref<2x8x8x128xf32, #tpu.memory_space<vmem>> -> memref<1x8x8x128xf32, #tpu.memory_space<vmem>>
          %scatter3A_229 = tpu.memref_squeeze %scatter3A_228 : memref<1x8x8x128xf32, #tpu.memory_space<vmem>> -> memref<8x8x128xf32, #tpu.memory_space<vmem>>
          tpu.vector_store_idx %scatter3A_229[%select_n3A_193, %select_n3A_215, %add3A_219], %gather3A_224 : memref<8x8x128xf32, #tpu.memory_space<vmem>>[vector<16xi32>, vector<16xi32>, vector<16xi32>], vector<16xf32>,
          %iota3A_230 = tpu.iota {dimensions = array<i32: 0>} : vector<16xi32>
          %add3A_231 = arith.constant 16 : i32
          %add3A_232 = vector.broadcast %add3A_231 : i32 to vector<16xi32>
          %add3A_233 = arith.addi %iota3A_230, %add3A_232 : vector<16xi32>
          %gather3A_234 = arith.constant 0 : i32
          %gather3A_235 = arith.constant 0 : i32
          %gather3A_236 = arith.constant 0 : i32
          %gather3A_237 = tpu.memref_slice %arg7[%gather3A_234, %gather3A_235, %gather3A_236] : memref<2x128x64xf32, #tpu.memory_space<vmem>> -> memref<1x128x64xf32, #tpu.memory_space<vmem>>
          %gather3A_238 = tpu.memref_squeeze %gather3A_237 : memref<1x128x64xf32, #tpu.memory_space<vmem>> -> memref<128x64xf32, #tpu.memory_space<vmem>>
          %gather3A_239 = tpu.vector_load_idx %gather3A_238[%add3A_233, %add3A_165] : memref<128x64xf32, #tpu.memory_space<vmem>>[vector<16xi32>, vector<16xi32>], vector<16xf32>,
          %scatter3A_240 = arith.constant 0 : i32
          %scatter3A_241 = arith.constant 0 : i32
          %scatter3A_242 = arith.constant 0 : i32
          %scatter3A_243 = arith.constant 0 : i32
          %scatter3A_244 = tpu.memref_slice %arg8[%scatter3A_240, %scatter3A_241, %scatter3A_242, %scatter3A_243] : memref<2x8x8x128xf32, #tpu.memory_space<vmem>> -> memref<1x8x8x128xf32, #tpu.memory_space<vmem>>
          %scatter3A_245 = tpu.memref_squeeze %scatter3A_244 : memref<1x8x8x128xf32, #tpu.memory_space<vmem>> -> memref<8x8x128xf32, #tpu.memory_space<vmem>>
          tpu.vector_store_idx %scatter3A_245[%select_n3A_193, %select_n3A_215, %add3A_233], %gather3A_239 : memref<8x8x128xf32, #tpu.memory_space<vmem>>[vector<16xi32>, vector<16xi32>, vector<16xi32>], vector<16xf32>,
          %iota3A_246 = tpu.iota {dimensions = array<i32: 0>} : vector<16xi32>
          %add3A_247 = arith.constant 32 : i32
          %add3A_248 = vector.broadcast %add3A_247 : i32 to vector<16xi32>
          %add3A_249 = arith.addi %iota3A_246, %add3A_248 : vector<16xi32>
          %gather3A_250 = arith.constant 0 : i32
          %gather3A_251 = arith.constant 0 : i32
          %gather3A_252 = arith.constant 0 : i32
          %gather3A_253 = tpu.memref_slice %arg7[%gather3A_250, %gather3A_251, %gather3A_252] : memref<2x128x64xf32, #tpu.memory_space<vmem>> -> memref<1x128x64xf32, #tpu.memory_space<vmem>>
          %gather3A_254 = tpu.memref_squeeze %gather3A_253 : memref<1x128x64xf32, #tpu.memory_space<vmem>> -> memref<128x64xf32, #tpu.memory_space<vmem>>
          %gather3A_255 = tpu.vector_load_idx %gather3A_254[%add3A_249, %add3A_165] : memref<128x64xf32, #tpu.memory_space<vmem>>[vector<16xi32>, vector<16xi32>], vector<16xf32>,
          %scatter3A_256 = arith.constant 0 : i32
          %scatter3A_257 = arith.constant 0 : i32
          %scatter3A_258 = arith.constant 0 : i32
          %scatter3A_259 = arith.constant 0 : i32
          %scatter3A_260 = tpu.memref_slice %arg8[%scatter3A_256, %scatter3A_257, %scatter3A_258, %scatter3A_259] : memref<2x8x8x128xf32, #tpu.memory_space<vmem>> -> memref<1x8x8x128xf32, #tpu.memory_space<vmem>>
          %scatter3A_261 = tpu.memref_squeeze %scatter3A_260 : memref<1x8x8x128xf32, #tpu.memory_space<vmem>> -> memref<8x8x128xf32, #tpu.memory_space<vmem>>
          tpu.vector_store_idx %scatter3A_261[%select_n3A_193, %select_n3A_215, %add3A_249], %gather3A_255 : memref<8x8x128xf32, #tpu.memory_space<vmem>>[vector<16xi32>, vector<16xi32>, vector<16xi32>], vector<16xf32>,
          %iota3A_262 = tpu.iota {dimensions = array<i32: 0>} : vector<16xi32>
          %add3A_263 = arith.constant 48 : i32
          %add3A_264 = vector.broadcast %add3A_263 : i32 to vector<16xi32>
          %add3A_265 = arith.addi %iota3A_262, %add3A_264 : vector<16xi32>
          %gather3A_266 = arith.constant 0 : i32
          %gather3A_267 = arith.constant 0 : i32
          %gather3A_268 = arith.constant 0 : i32
          %gather3A_269 = tpu.memref_slice %arg7[%gather3A_266, %gather3A_267, %gather3A_268] : memref<2x128x64xf32, #tpu.memory_space<vmem>> -> memref<1x128x64xf32, #tpu.memory_space<vmem>>
          %gather3A_270 = tpu.memref_squeeze %gather3A_269 : memref<1x128x64xf32, #tpu.memory_space<vmem>> -> memref<128x64xf32, #tpu.memory_space<vmem>>
          %gather3A_271 = tpu.vector_load_idx %gather3A_270[%add3A_265, %add3A_165] : memref<128x64xf32, #tpu.memory_space<vmem>>[vector<16xi32>, vector<16xi32>], vector<16xf32>,
          %scatter3A_272 = arith.constant 0 : i32
          %scatter3A_273 = arith.constant 0 : i32
          %scatter3A_274 = arith.constant 0 : i32
          %scatter3A_275 = arith.constant 0 : i32
          %scatter3A_276 = tpu.memref_slice %arg8[%scatter3A_272, %scatter3A_273, %scatter3A_274, %scatter3A_275] : memref<2x8x8x128xf32, #tpu.memory_space<vmem>> -> memref<1x8x8x128xf32, #tpu.memory_space<vmem>>
          %scatter3A_277 = tpu.memref_squeeze %scatter3A_276 : memref<1x8x8x128xf32, #tpu.memory_space<vmem>> -> memref<8x8x128xf32, #tpu.memory_space<vmem>>
          tpu.vector_store_idx %scatter3A_277[%select_n3A_193, %select_n3A_215, %add3A_265], %gather3A_271 : memref<8x8x128xf32, #tpu.memory_space<vmem>>[vector<16xi32>, vector<16xi32>, vector<16xi32>], vector<16xf32>,
          %iota3A_278 = tpu.iota {dimensions = array<i32: 0>} : vector<16xi32>
          %add3A_279 = arith.constant 64 : i32
          %add3A_280 = vector.broadcast %add3A_279 : i32 to vector<16xi32>
          %add3A_281 = arith.addi %iota3A_278, %add3A_280 : vector<16xi32>
          %gather3A_282 = arith.constant 0 : i32
          %gather3A_283 = arith.constant 0 : i32
          %gather3A_284 = arith.constant 0 : i32
          %gather3A_285 = tpu.memref_slice %arg7[%gather3A_282, %gather3A_283, %gather3A_284] : memref<2x128x64xf32, #tpu.memory_space<vmem>> -> memref<1x128x64xf32, #tpu.memory_space<vmem>>
          %gather3A_286 = tpu.memref_squeeze %gather3A_285 : memref<1x128x64xf32, #tpu.memory_space<vmem>> -> memref<128x64xf32, #tpu.memory_space<vmem>>
          %gather3A_287 = tpu.vector_load_idx %gather3A_286[%add3A_281, %add3A_165] : memref<128x64xf32, #tpu.memory_space<vmem>>[vector<16xi32>, vector<16xi32>], vector<16xf32>,
          %scatter3A_288 = arith.constant 0 : i32
          %scatter3A_289 = arith.constant 0 : i32
          %scatter3A_290 = arith.constant 0 : i32
          %scatter3A_291 = arith.constant 0 : i32
          %scatter3A_292 = tpu.memref_slice %arg8[%scatter3A_288, %scatter3A_289, %scatter3A_290, %scatter3A_291] : memref<2x8x8x128xf32, #tpu.memory_space<vmem>> -> memref<1x8x8x128xf32, #tpu.memory_space<vmem>>
          %scatter3A_293 = tpu.memref_squeeze %scatter3A_292 : memref<1x8x8x128xf32, #tpu.memory_space<vmem>> -> memref<8x8x128xf32, #tpu.memory_space<vmem>>
          tpu.vector_store_idx %scatter3A_293[%select_n3A_193, %select_n3A_215, %add3A_281], %gather3A_287 : memref<8x8x128xf32, #tpu.memory_space<vmem>>[vector<16xi32>, vector<16xi32>, vector<16xi32>], vector<16xf32>,
          %iota3A_294 = tpu.iota {dimensions = array<i32: 0>} : vector<16xi32>
          %add3A_295 = arith.constant 80 : i32
          %add3A_296 = vector.broadcast %add3A_295 : i32 to vector<16xi32>
          %add3A_297 = arith.addi %iota3A_294, %add3A_296 : vector<16xi32>
          %gather3A_298 = arith.constant 0 : i32
          %gather3A_299 = arith.constant 0 : i32
          %gather3A_300 = arith.constant 0 : i32
          %gather3A_301 = tpu.memref_slice %arg7[%gather3A_298, %gather3A_299, %gather3A_300] : memref<2x128x64xf32, #tpu.memory_space<vmem>> -> memref<1x128x64xf32, #tpu.memory_space<vmem>>
          %gather3A_302 = tpu.memref_squeeze %gather3A_301 : memref<1x128x64xf32, #tpu.memory_space<vmem>> -> memref<128x64xf32, #tpu.memory_space<vmem>>
          %gather3A_303 = tpu.vector_load_idx %gather3A_302[%add3A_297, %add3A_165] : memref<128x64xf32, #tpu.memory_space<vmem>>[vector<16xi32>, vector<16xi32>], vector<16xf32>,
          %scatter3A_304 = arith.constant 0 : i32
          %scatter3A_305 = arith.constant 0 : i32
          %scatter3A_306 = arith.constant 0 : i32
          %scatter3A_307 = arith.constant 0 : i32
          %scatter3A_308 = tpu.memref_slice %arg8[%scatter3A_304, %scatter3A_305, %scatter3A_306, %scatter3A_307] : memref<2x8x8x128xf32, #tpu.memory_space<vmem>> -> memref<1x8x8x128xf32, #tpu.memory_space<vmem>>
          %scatter3A_309 = tpu.memref_squeeze %scatter3A_308 : memref<1x8x8x128xf32, #tpu.memory_space<vmem>> -> memref<8x8x128xf32, #tpu.memory_space<vmem>>
          tpu.vector_store_idx %scatter3A_309[%select_n3A_193, %select_n3A_215, %add3A_297], %gather3A_303 : memref<8x8x128xf32, #tpu.memory_space<vmem>>[vector<16xi32>, vector<16xi32>, vector<16xi32>], vector<16xf32>,
          %iota3A_310 = tpu.iota {dimensions = array<i32: 0>} : vector<16xi32>
          %add3A_311 = arith.constant 96 : i32
          %add3A_312 = vector.broadcast %add3A_311 : i32 to vector<16xi32>
          %add3A_313 = arith.addi %iota3A_310, %add3A_312 : vector<16xi32>
          %gather3A_314 = arith.constant 0 : i32
          %gather3A_315 = arith.constant 0 : i32
          %gather3A_316 = arith.constant 0 : i32
          %gather3A_317 = tpu.memref_slice %arg7[%gather3A_314, %gather3A_315, %gather3A_316] : memref<2x128x64xf32, #tpu.memory_space<vmem>> -> memref<1x128x64xf32, #tpu.memory_space<vmem>>
          %gather3A_318 = tpu.memref_squeeze %gather3A_317 : memref<1x128x64xf32, #tpu.memory_space<vmem>> -> memref<128x64xf32, #tpu.memory_space<vmem>>
          %gather3A_319 = tpu.vector_load_idx %gather3A_318[%add3A_313, %add3A_165] : memref<128x64xf32, #tpu.memory_space<vmem>>[vector<16xi32>, vector<16xi32>], vector<16xf32>,
          %scatter3A_320 = arith.constant 0 : i32
          %scatter3A_321 = arith.constant 0 : i32
          %scatter3A_322 = arith.constant 0 : i32
          %scatter3A_323 = arith.constant 0 : i32
          %scatter3A_324 = tpu.memref_slice %arg8[%scatter3A_320, %scatter3A_321, %scatter3A_322, %scatter3A_323] : memref<2x8x8x128xf32, #tpu.memory_space<vmem>> -> memref<1x8x8x128xf32, #tpu.memory_space<vmem>>
          %scatter3A_325 = tpu.memref_squeeze %scatter3A_324 : memref<1x8x8x128xf32, #tpu.memory_space<vmem>> -> memref<8x8x128xf32, #tpu.memory_space<vmem>>
          tpu.vector_store_idx %scatter3A_325[%select_n3A_193, %select_n3A_215, %add3A_313], %gather3A_319 : memref<8x8x128xf32, #tpu.memory_space<vmem>>[vector<16xi32>, vector<16xi32>, vector<16xi32>], vector<16xf32>,
          %iota3A_326 = tpu.iota {dimensions = array<i32: 0>} : vector<16xi32>
          %add3A_327 = arith.constant 112 : i32
          %add3A_328 = vector.broadcast %add3A_327 : i32 to vector<16xi32>
          %add3A_329 = arith.addi %iota3A_326, %add3A_328 : vector<16xi32>
          %gather3A_330 = arith.constant 0 : i32
          %gather3A_331 = arith.constant 0 : i32
          %gather3A_332 = arith.constant 0 : i32
          %gather3A_333 = tpu.memref_slice %arg7[%gather3A_330, %gather3A_331, %gather3A_332] : memref<2x128x64xf32, #tpu.memory_space<vmem>> -> memref<1x128x64xf32, #tpu.memory_space<vmem>>
          %gather3A_334 = tpu.memref_squeeze %gather3A_333 : memref<1x128x64xf32, #tpu.memory_space<vmem>> -> memref<128x64xf32, #tpu.memory_space<vmem>>
          %gather3A_335 = tpu.vector_load_idx %gather3A_334[%add3A_329, %add3A_165] : memref<128x64xf32, #tpu.memory_space<vmem>>[vector<16xi32>, vector<16xi32>], vector<16xf32>,
          %scatter3A_336 = arith.constant 0 : i32
          %scatter3A_337 = arith.constant 0 : i32
          %scatter3A_338 = arith.constant 0 : i32
          %scatter3A_339 = arith.constant 0 : i32
          %scatter3A_340 = tpu.memref_slice %arg8[%scatter3A_336, %scatter3A_337, %scatter3A_338, %scatter3A_339] : memref<2x8x8x128xf32, #tpu.memory_space<vmem>> -> memref<1x8x8x128xf32, #tpu.memory_space<vmem>>
          %scatter3A_341 = tpu.memref_squeeze %scatter3A_340 : memref<1x8x8x128xf32, #tpu.memory_space<vmem>> -> memref<8x8x128xf32, #tpu.memory_space<vmem>>
          tpu.vector_store_idx %scatter3A_341[%select_n3A_193, %select_n3A_215, %add3A_329], %gather3A_335 : memref<8x8x128xf32, #tpu.memory_space<vmem>>[vector<16xi32>, vector<16xi32>, vector<16xi32>], vector<16xf32>,
          %add3A_342 = arith.constant 16 : i32
          %add3A_343 = vector.broadcast %add3A_342 : i32 to vector<16xi32>
          %add3A_344 = arith.addi %add3A_343, %select_n3A_162 : vector<16xi32>
          %jit3A_345 = arith.constant 8 : i32
          %div3A_346 = vector.broadcast %jit3A_345 : i32 to vector<16xi32>
          %div3A_347 = arith.divsi %add3A_344, %div3A_346 : vector<16xi32>
          %sign3A_348 = arith.constant 0 : i32
          %sign3A_349 = vector.broadcast %sign3A_348 : i32 to vector<16xi32>
          %sign3A_350 = arith.cmpi sgt, %add3A_344, %sign3A_349 : vector<16xi32>
          %sign3A_351 = arith.extui %sign3A_350 : vector<16xi1> to vector<16xi32>
          %sign3A_352 = arith.constant 0 : i32
          %sign3A_353 = vector.broadcast %sign3A_352 : i32 to vector<16xi32>
          %sign3A_354 = arith.cmpi slt, %add3A_344, %sign3A_353 : vector<16xi32>
          %sign3A_355 = arith.extui %sign3A_354 : vector<16xi1> to vector<16xi32>
          %sign3A_356 = arith.subi %sign3A_351, %sign3A_355 : vector<16xi32>
          %sign3A_357 = arith.constant 0 : i32
          %sign3A_358 = arith.cmpi sgt, %jit3A_345, %sign3A_357 : i32
          %sign3A_359 = arith.extui %sign3A_358 : i1 to i32
          %sign3A_360 = arith.constant 0 : i32
          %sign3A_361 = arith.cmpi slt, %jit3A_345, %sign3A_360 : i32
          %sign3A_362 = arith.extui %sign3A_361 : i1 to i32
          %sign3A_363 = arith.subi %sign3A_359, %sign3A_362 : i32
          %ne3A_364 = vector.broadcast %sign3A_363 : i32 to vector<16xi32>
          %ne3A_365 = arith.cmpi ne, %sign3A_356, %ne3A_364 : vector<16xi32>
          %rem3A_366 = vector.broadcast %jit3A_345 : i32 to vector<16xi32>
          %rem3A_367 = arith.remsi %add3A_344, %rem3A_366 : vector<16xi32>
          %ne3A_368 = arith.constant 0 : i32
          %ne3A_369 = vector.broadcast %ne3A_368 : i32 to vector<16xi32>
          %ne3A_370 = arith.cmpi ne, %rem3A_367, %ne3A_369 : vector<16xi32>
          %and3A_371 = arith.andi %ne3A_365, %ne3A_370 : vector<16xi1>
          %sub3A_372 = arith.constant 1 : i32
          %sub3A_373 = vector.broadcast %sub3A_372 : i32 to vector<16xi32>
          %sub3A_374 = arith.subi %div3A_347, %sub3A_373 : vector<16xi32>
          %select_n3A_375 = arith.select %and3A_371, %sub3A_374, %div3A_347 : vector<16xi1>, vector<16xi32>
          %jit3A_376 = arith.constant 8 : i32
          %eq3A_377 = arith.constant 0 : i32
          %eq3A_378 = arith.cmpi eq, %jit3A_376, %eq3A_377 : i32
          %jit3A_379 = arith.constant 1 : i32
          %select_n3A_380 = arith.select %eq3A_378, %jit3A_379, %jit3A_376 : i32
          %rem3A_381 = vector.broadcast %select_n3A_380 : i32 to vector<16xi32>
          %rem3A_382 = arith.remsi %add3A_344, %rem3A_381 : vector<16xi32>
          %ne3A_383 = arith.constant 0 : i32
          %ne3A_384 = vector.broadcast %ne3A_383 : i32 to vector<16xi32>
          %ne3A_385 = arith.cmpi ne, %rem3A_382, %ne3A_384 : vector<16xi32>
          %lt3A_386 = arith.constant 0 : i32
          %lt3A_387 = vector.broadcast %lt3A_386 : i32 to vector<16xi32>
          %lt3A_388 = arith.cmpi slt, %rem3A_382, %lt3A_387 : vector<16xi32>
          %lt3A_389 = arith.constant 0 : i32
          %lt3A_390 = arith.cmpi slt, %select_n3A_380, %lt3A_389 : i32
          %ne3A_391 = vector.broadcast %lt3A_390 : i1 to vector<16xi1>
          %ne3A_392 = vector.broadcast %ne3A_391 : vector<16xi1> to vector<16xi1>
          %ne3A_393 = arith.xori %lt3A_388, %ne3A_392 : vector<16xi1>
          %and3A_394 = arith.andi %ne3A_393, %ne3A_385 : vector<16xi1>
          %add3A_395 = vector.broadcast %select_n3A_380 : i32 to vector<16xi32>
          %add3A_396 = arith.addi %rem3A_382, %add3A_395 : vector<16xi32>
          %select_n3A_397 = arith.select %and3A_394, %add3A_396, %rem3A_382 : vector<16xi1>, vector<16xi32>
          %iota3A_398 = tpu.iota {dimensions = array<i32: 0>} : vector<16xi32>
          %add3A_399 = arith.constant 0 : i32
          %add3A_400 = vector.broadcast %add3A_399 : i32 to vector<16xi32>
          %add3A_401 = arith.addi %iota3A_398, %add3A_400 : vector<16xi32>
          %gather3A_402 = arith.constant 0 : i32
          %gather3A_403 = arith.constant 0 : i32
          %gather3A_404 = arith.constant 0 : i32
          %gather3A_405 = tpu.memref_slice %arg7[%gather3A_402, %gather3A_403, %gather3A_404] : memref<2x128x64xf32, #tpu.memory_space<vmem>> -> memref<1x128x64xf32, #tpu.memory_space<vmem>>
          %gather3A_406 = tpu.memref_squeeze %gather3A_405 : memref<1x128x64xf32, #tpu.memory_space<vmem>> -> memref<128x64xf32, #tpu.memory_space<vmem>>
          %gather3A_407 = tpu.vector_load_idx %gather3A_406[%add3A_401, %add3A_344] : memref<128x64xf32, #tpu.memory_space<vmem>>[vector<16xi32>, vector<16xi32>], vector<16xf32>,
          %scatter3A_408 = arith.constant 0 : i32
          %scatter3A_409 = arith.constant 0 : i32
          %scatter3A_410 = arith.constant 0 : i32
          %scatter3A_411 = arith.constant 0 : i32
          %scatter3A_412 = tpu.memref_slice %arg8[%scatter3A_408, %scatter3A_409, %scatter3A_410, %scatter3A_411] : memref<2x8x8x128xf32, #tpu.memory_space<vmem>> -> memref<1x8x8x128xf32, #tpu.memory_space<vmem>>
          %scatter3A_413 = tpu.memref_squeeze %scatter3A_412 : memref<1x8x8x128xf32, #tpu.memory_space<vmem>> -> memref<8x8x128xf32, #tpu.memory_space<vmem>>
          tpu.vector_store_idx %scatter3A_413[%select_n3A_375, %select_n3A_397, %add3A_401], %gather3A_407 : memref<8x8x128xf32, #tpu.memory_space<vmem>>[vector<16xi32>, vector<16xi32>, vector<16xi32>], vector<16xf32>,
          %iota3A_414 = tpu.iota {dimensions = array<i32: 0>} : vector<16xi32>
          %add3A_415 = arith.constant 16 : i32
          %add3A_416 = vector.broadcast %add3A_415 : i32 to vector<16xi32>
          %add3A_417 = arith.addi %iota3A_414, %add3A_416 : vector<16xi32>
          %gather3A_418 = arith.constant 0 : i32
          %gather3A_419 = arith.constant 0 : i32
          %gather3A_420 = arith.constant 0 : i32
          %gather3A_421 = tpu.memref_slice %arg7[%gather3A_418, %gather3A_419, %gather3A_420] : memref<2x128x64xf32, #tpu.memory_space<vmem>> -> memref<1x128x64xf32, #tpu.memory_space<vmem>>
          %gather3A_422 = tpu.memref_squeeze %gather3A_421 : memref<1x128x64xf32, #tpu.memory_space<vmem>> -> memref<128x64xf32, #tpu.memory_space<vmem>>
          %gather3A_423 = tpu.vector_load_idx %gather3A_422[%add3A_417, %add3A_344] : memref<128x64xf32, #tpu.memory_space<vmem>>[vector<16xi32>, vector<16xi32>], vector<16xf32>,
          %scatter3A_424 = arith.constant 0 : i32
          %scatter3A_425 = arith.constant 0 : i32
          %scatter3A_426 = arith.constant 0 : i32
          %scatter3A_427 = arith.constant 0 : i32
          %scatter3A_428 = tpu.memref_slice %arg8[%scatter3A_424, %scatter3A_425, %scatter3A_426, %scatter3A_427] : memref<2x8x8x128xf32, #tpu.memory_space<vmem>> -> memref<1x8x8x128xf32, #tpu.memory_space<vmem>>
          %scatter3A_429 = tpu.memref_squeeze %scatter3A_428 : memref<1x8x8x128xf32, #tpu.memory_space<vmem>> -> memref<8x8x128xf32, #tpu.memory_space<vmem>>
          tpu.vector_store_idx %scatter3A_429[%select_n3A_375, %select_n3A_397, %add3A_417], %gather3A_423 : memref<8x8x128xf32, #tpu.memory_space<vmem>>[vector<16xi32>, vector<16xi32>, vector<16xi32>], vector<16xf32>,
          %iota3A_430 = tpu.iota {dimensions = array<i32: 0>} : vector<16xi32>
          %add3A_431 = arith.constant 32 : i32
          %add3A_432 = vector.broadcast %add3A_431 : i32 to vector<16xi32>
          %add3A_433 = arith.addi %iota3A_430, %add3A_432 : vector<16xi32>
          %gather3A_434 = arith.constant 0 : i32
          %gather3A_435 = arith.constant 0 : i32
          %gather3A_436 = arith.constant 0 : i32
          %gather3A_437 = tpu.memref_slice %arg7[%gather3A_434, %gather3A_435, %gather3A_436] : memref<2x128x64xf32, #tpu.memory_space<vmem>> -> memref<1x128x64xf32, #tpu.memory_space<vmem>>
          %gather3A_438 = tpu.memref_squeeze %gather3A_437 : memref<1x128x64xf32, #tpu.memory_space<vmem>> -> memref<128x64xf32, #tpu.memory_space<vmem>>
          %gather3A_439 = tpu.vector_load_idx %gather3A_438[%add3A_433, %add3A_344] : memref<128x64xf32, #tpu.memory_space<vmem>>[vector<16xi32>, vector<16xi32>], vector<16xf32>,
          %scatter3A_440 = arith.constant 0 : i32
          %scatter3A_441 = arith.constant 0 : i32
          %scatter3A_442 = arith.constant 0 : i32
          %scatter3A_443 = arith.constant 0 : i32
          %scatter3A_444 = tpu.memref_slice %arg8[%scatter3A_440, %scatter3A_441, %scatter3A_442, %scatter3A_443] : memref<2x8x8x128xf32, #tpu.memory_space<vmem>> -> memref<1x8x8x128xf32, #tpu.memory_space<vmem>>
          %scatter3A_445 = tpu.memref_squeeze %scatter3A_444 : memref<1x8x8x128xf32, #tpu.memory_space<vmem>> -> memref<8x8x128xf32, #tpu.memory_space<vmem>>
          tpu.vector_store_idx %scatter3A_445[%select_n3A_375, %select_n3A_397, %add3A_433], %gather3A_439 : memref<8x8x128xf32, #tpu.memory_space<vmem>>[vector<16xi32>, vector<16xi32>, vector<16xi32>], vector<16xf32>,
          %iota3A_446 = tpu.iota {dimensions = array<i32: 0>} : vector<16xi32>
          %add3A_447 = arith.constant 48 : i32
          %add3A_448 = vector.broadcast %add3A_447 : i32 to vector<16xi32>
          %add3A_449 = arith.addi %iota3A_446, %add3A_448 : vector<16xi32>
          %gather3A_450 = arith.constant 0 : i32
          %gather3A_451 = arith.constant 0 : i32
          %gather3A_452 = arith.constant 0 : i32
          %gather3A_453 = tpu.memref_slice %arg7[%gather3A_450, %gather3A_451, %gather3A_452] : memref<2x128x64xf32, #tpu.memory_space<vmem>> -> memref<1x128x64xf32, #tpu.memory_space<vmem>>
          %gather3A_454 = tpu.memref_squeeze %gather3A_453 : memref<1x128x64xf32, #tpu.memory_space<vmem>> -> memref<128x64xf32, #tpu.memory_space<vmem>>
          %gather3A_455 = tpu.vector_load_idx %gather3A_454[%add3A_449, %add3A_344] : memref<128x64xf32, #tpu.memory_space<vmem>>[vector<16xi32>, vector<16xi32>], vector<16xf32>,
          %scatter3A_456 = arith.constant 0 : i32
          %scatter3A_457 = arith.constant 0 : i32
          %scatter3A_458 = arith.constant 0 : i32
          %scatter3A_459 = arith.constant 0 : i32
          %scatter3A_460 = tpu.memref_slice %arg8[%scatter3A_456, %scatter3A_457, %scatter3A_458, %scatter3A_459] : memref<2x8x8x128xf32, #tpu.memory_space<vmem>> -> memref<1x8x8x128xf32, #tpu.memory_space<vmem>>
          %scatter3A_461 = tpu.memref_squeeze %scatter3A_460 : memref<1x8x8x128xf32, #tpu.memory_space<vmem>> -> memref<8x8x128xf32, #tpu.memory_space<vmem>>
          tpu.vector_store_idx %scatter3A_461[%select_n3A_375, %select_n3A_397, %add3A_449], %gather3A_455 : memref<8x8x128xf32, #tpu.memory_space<vmem>>[vector<16xi32>, vector<16xi32>, vector<16xi32>], vector<16xf32>,
          %iota3A_462 = tpu.iota {dimensions = array<i32: 0>} : vector<16xi32>
          %add3A_463 = arith.constant 64 : i32
          %add3A_464 = vector.broadcast %add3A_463 : i32 to vector<16xi32>
          %add3A_465 = arith.addi %iota3A_462, %add3A_464 : vector<16xi32>
          %gather3A_466 = arith.constant 0 : i32
          %gather3A_467 = arith.constant 0 : i32
          %gather3A_468 = arith.constant 0 : i32
          %gather3A_469 = tpu.memref_slice %arg7[%gather3A_466, %gather3A_467, %gather3A_468] : memref<2x128x64xf32, #tpu.memory_space<vmem>> -> memref<1x128x64xf32, #tpu.memory_space<vmem>>
          %gather3A_470 = tpu.memref_squeeze %gather3A_469 : memref<1x128x64xf32, #tpu.memory_space<vmem>> -> memref<128x64xf32, #tpu.memory_space<vmem>>
          %gather3A_471 = tpu.vector_load_idx %gather3A_470[%add3A_465, %add3A_344] : memref<128x64xf32, #tpu.memory_space<vmem>>[vector<16xi32>, vector<16xi32>], vector<16xf32>,
          %scatter3A_472 = arith.constant 0 : i32
          %scatter3A_473 = arith.constant 0 : i32
          %scatter3A_474 = arith.constant 0 : i32
          %scatter3A_475 = arith.constant 0 : i32
          %scatter3A_476 = tpu.memref_slice %arg8[%scatter3A_472, %scatter3A_473, %scatter3A_474, %scatter3A_475] : memref<2x8x8x128xf32, #tpu.memory_space<vmem>> -> memref<1x8x8x128xf32, #tpu.memory_space<vmem>>
          %scatter3A_477 = tpu.memref_squeeze %scatter3A_476 : memref<1x8x8x128xf32, #tpu.memory_space<vmem>> -> memref<8x8x128xf32, #tpu.memory_space<vmem>>
          tpu.vector_store_idx %scatter3A_477[%select_n3A_375, %select_n3A_397, %add3A_465], %gather3A_471 : memref<8x8x128xf32, #tpu.memory_space<vmem>>[vector<16xi32>, vector<16xi32>, vector<16xi32>], vector<16xf32>,
          %iota3A_478 = tpu.iota {dimensions = array<i32: 0>} : vector<16xi32>
          %add3A_479 = arith.constant 80 : i32
          %add3A_480 = vector.broadcast %add3A_479 : i32 to vector<16xi32>
          %add3A_481 = arith.addi %iota3A_478, %add3A_480 : vector<16xi32>
          %gather3A_482 = arith.constant 0 : i32
          %gather3A_483 = arith.constant 0 : i32
          %gather3A_484 = arith.constant 0 : i32
          %gather3A_485 = tpu.memref_slice %arg7[%gather3A_482, %gather3A_483, %gather3A_484] : memref<2x128x64xf32, #tpu.memory_space<vmem>> -> memref<1x128x64xf32, #tpu.memory_space<vmem>>
          %gather3A_486 = tpu.memref_squeeze %gather3A_485 : memref<1x128x64xf32, #tpu.memory_space<vmem>> -> memref<128x64xf32, #tpu.memory_space<vmem>>
          %gather3A_487 = tpu.vector_load_idx %gather3A_486[%add3A_481, %add3A_344] : memref<128x64xf32, #tpu.memory_space<vmem>>[vector<16xi32>, vector<16xi32>], vector<16xf32>,
          %scatter3A_488 = arith.constant 0 : i32
          %scatter3A_489 = arith.constant 0 : i32
          %scatter3A_490 = arith.constant 0 : i32
          %scatter3A_491 = arith.constant 0 : i32
          %scatter3A_492 = tpu.memref_slice %arg8[%scatter3A_488, %scatter3A_489, %scatter3A_490, %scatter3A_491] : memref<2x8x8x128xf32, #tpu.memory_space<vmem>> -> memref<1x8x8x128xf32, #tpu.memory_space<vmem>>
          %scatter3A_493 = tpu.memref_squeeze %scatter3A_492 : memref<1x8x8x128xf32, #tpu.memory_space<vmem>> -> memref<8x8x128xf32, #tpu.memory_space<vmem>>
          tpu.vector_store_idx %scatter3A_493[%select_n3A_375, %select_n3A_397, %add3A_481], %gather3A_487 : memref<8x8x128xf32, #tpu.memory_space<vmem>>[vector<16xi32>, vector<16xi32>, vector<16xi32>], vector<16xf32>,
          %iota3A_494 = tpu.iota {dimensions = array<i32: 0>} : vector<16xi32>
          %add3A_495 = arith.constant 96 : i32
          %add3A_496 = vector.broadcast %add3A_495 : i32 to vector<16xi32>
          %add3A_497 = arith.addi %iota3A_494, %add3A_496 : vector<16xi32>
          %gather3A_498 = arith.constant 0 : i32
          %gather3A_499 = arith.constant 0 : i32
          %gather3A_500 = arith.constant 0 : i32
          %gather3A_501 = tpu.memref_slice %arg7[%gather3A_498, %gather3A_499, %gather3A_500] : memref<2x128x64xf32, #tpu.memory_space<vmem>> -> memref<1x128x64xf32, #tpu.memory_space<vmem>>
          %gather3A_502 = tpu.memref_squeeze %gather3A_501 : memref<1x128x64xf32, #tpu.memory_space<vmem>> -> memref<128x64xf32, #tpu.memory_space<vmem>>
          %gather3A_503 = tpu.vector_load_idx %gather3A_502[%add3A_497, %add3A_344] : memref<128x64xf32, #tpu.memory_space<vmem>>[vector<16xi32>, vector<16xi32>], vector<16xf32>,
          %scatter3A_504 = arith.constant 0 : i32
          %scatter3A_505 = arith.constant 0 : i32
          %scatter3A_506 = arith.constant 0 : i32
          %scatter3A_507 = arith.constant 0 : i32
          %scatter3A_508 = tpu.memref_slice %arg8[%scatter3A_504, %scatter3A_505, %scatter3A_506, %scatter3A_507] : memref<2x8x8x128xf32, #tpu.memory_space<vmem>> -> memref<1x8x8x128xf32, #tpu.memory_space<vmem>>
          %scatter3A_509 = tpu.memref_squeeze %scatter3A_508 : memref<1x8x8x128xf32, #tpu.memory_space<vmem>> -> memref<8x8x128xf32, #tpu.memory_space<vmem>>
          tpu.vector_store_idx %scatter3A_509[%select_n3A_375, %select_n3A_397, %add3A_497], %gather3A_503 : memref<8x8x128xf32, #tpu.memory_space<vmem>>[vector<16xi32>, vector<16xi32>, vector<16xi32>], vector<16xf32>,
          %iota3A_510 = tpu.iota {dimensions = array<i32: 0>} : vector<16xi32>
          %add3A_511 = arith.constant 112 : i32
          %add3A_512 = vector.broadcast %add3A_511 : i32 to vector<16xi32>
          %add3A_513 = arith.addi %iota3A_510, %add3A_512 : vector<16xi32>
          %gather3A_514 = arith.constant 0 : i32
          %gather3A_515 = arith.constant 0 : i32
          %gather3A_516 = arith.constant 0 : i32
          %gather3A_517 = tpu.memref_slice %arg7[%gather3A_514, %gather3A_515, %gather3A_516] : memref<2x128x64xf32, #tpu.memory_space<vmem>> -> memref<1x128x64xf32, #tpu.memory_space<vmem>>
          %gather3A_518 = tpu.memref_squeeze %gather3A_517 : memref<1x128x64xf32, #tpu.memory_space<vmem>> -> memref<128x64xf32, #tpu.memory_space<vmem>>
          %gather3A_519 = tpu.vector_load_idx %gather3A_518[%add3A_513, %add3A_344] : memref<128x64xf32, #tpu.memory_space<vmem>>[vector<16xi32>, vector<16xi32>], vector<16xf32>,
          %scatter3A_520 = arith.constant 0 : i32
          %scatter3A_521 = arith.constant 0 : i32
          %scatter3A_522 = arith.constant 0 : i32
          %scatter3A_523 = arith.constant 0 : i32
          %scatter3A_524 = tpu.memref_slice %arg8[%scatter3A_520, %scatter3A_521, %scatter3A_522, %scatter3A_523] : memref<2x8x8x128xf32, #tpu.memory_space<vmem>> -> memref<1x8x8x128xf32, #tpu.memory_space<vmem>>
          %scatter3A_525 = tpu.memref_squeeze %scatter3A_524 : memref<1x8x8x128xf32, #tpu.memory_space<vmem>> -> memref<8x8x128xf32, #tpu.memory_space<vmem>>
          tpu.vector_store_idx %scatter3A_525[%select_n3A_375, %select_n3A_397, %add3A_513], %gather3A_519 : memref<8x8x128xf32, #tpu.memory_space<vmem>>[vector<16xi32>, vector<16xi32>, vector<16xi32>], vector<16xf32>,
          %add3A_526 = arith.constant 32 : i32
          %add3A_527 = vector.broadcast %add3A_526 : i32 to vector<16xi32>
          %add3A_528 = arith.addi %add3A_527, %select_n3A_162 : vector<16xi32>
          %jit3A_529 = arith.constant 8 : i32
          %div3A_530 = vector.broadcast %jit3A_529 : i32 to vector<16xi32>
          %div3A_531 = arith.divsi %add3A_528, %div3A_530 : vector<16xi32>
          %sign3A_532 = arith.constant 0 : i32
          %sign3A_533 = vector.broadcast %sign3A_532 : i32 to vector<16xi32>
          %sign3A_534 = arith.cmpi sgt, %add3A_528, %sign3A_533 : vector<16xi32>
          %sign3A_535 = arith.extui %sign3A_534 : vector<16xi1> to vector<16xi32>
          %sign3A_536 = arith.constant 0 : i32
          %sign3A_537 = vector.broadcast %sign3A_536 : i32 to vector<16xi32>
          %sign3A_538 = arith.cmpi slt, %add3A_528, %sign3A_537 : vector<16xi32>
          %sign3A_539 = arith.extui %sign3A_538 : vector<16xi1> to vector<16xi32>
          %sign3A_540 = arith.subi %sign3A_535, %sign3A_539 : vector<16xi32>
          %sign3A_541 = arith.constant 0 : i32
          %sign3A_542 = arith.cmpi sgt, %jit3A_529, %sign3A_541 : i32
          %sign3A_543 = arith.extui %sign3A_542 : i1 to i32
          %sign3A_544 = arith.constant 0 : i32
          %sign3A_545 = arith.cmpi slt, %jit3A_529, %sign3A_544 : i32
          %sign3A_546 = arith.extui %sign3A_545 : i1 to i32
          %sign3A_547 = arith.subi %sign3A_543, %sign3A_546 : i32
          %ne3A_548 = vector.broadcast %sign3A_547 : i32 to vector<16xi32>
          %ne3A_549 = arith.cmpi ne, %sign3A_540, %ne3A_548 : vector<16xi32>
          %rem3A_550 = vector.broadcast %jit3A_529 : i32 to vector<16xi32>
          %rem3A_551 = arith.remsi %add3A_528, %rem3A_550 : vector<16xi32>
          %ne3A_552 = arith.constant 0 : i32
          %ne3A_553 = vector.broadcast %ne3A_552 : i32 to vector<16xi32>
          %ne3A_554 = arith.cmpi ne, %rem3A_551, %ne3A_553 : vector<16xi32>
          %and3A_555 = arith.andi %ne3A_549, %ne3A_554 : vector<16xi1>
          %sub3A_556 = arith.constant 1 : i32
          %sub3A_557 = vector.broadcast %sub3A_556 : i32 to vector<16xi32>
          %sub3A_558 = arith.subi %div3A_531, %sub3A_557 : vector<16xi32>
          %select_n3A_559 = arith.select %and3A_555, %sub3A_558, %div3A_531 : vector<16xi1>, vector<16xi32>
          %jit3A_560 = arith.constant 8 : i32
          %eq3A_561 = arith.constant 0 : i32
          %eq3A_562 = arith.cmpi eq, %jit3A_560, %eq3A_561 : i32
          %jit3A_563 = arith.constant 1 : i32
          %select_n3A_564 = arith.select %eq3A_562, %jit3A_563, %jit3A_560 : i32
          %rem3A_565 = vector.broadcast %select_n3A_564 : i32 to vector<16xi32>
          %rem3A_566 = arith.remsi %add3A_528, %rem3A_565 : vector<16xi32>
          %ne3A_567 = arith.constant 0 : i32
          %ne3A_568 = vector.broadcast %ne3A_567 : i32 to vector<16xi32>
          %ne3A_569 = arith.cmpi ne, %rem3A_566, %ne3A_568 : vector<16xi32>
          %lt3A_570 = arith.constant 0 : i32
          %lt3A_571 = vector.broadcast %lt3A_570 : i32 to vector<16xi32>
          %lt3A_572 = arith.cmpi slt, %rem3A_566, %lt3A_571 : vector<16xi32>
          %lt3A_573 = arith.constant 0 : i32
          %lt3A_574 = arith.cmpi slt, %select_n3A_564, %lt3A_573 : i32
          %ne3A_575 = vector.broadcast %lt3A_574 : i1 to vector<16xi1>
          %ne3A_576 = vector.broadcast %ne3A_575 : vector<16xi1> to vector<16xi1>
          %ne3A_577 = arith.xori %lt3A_572, %ne3A_576 : vector<16xi1>
          %and3A_578 = arith.andi %ne3A_577, %ne3A_569 : vector<16xi1>
          %add3A_579 = vector.broadcast %select_n3A_564 : i32 to vector<16xi32>
          %add3A_580 = arith.addi %rem3A_566, %add3A_579 : vector<16xi32>
          %select_n3A_581 = arith.select %and3A_578, %add3A_580, %rem3A_566 : vector<16xi1>, vector<16xi32>
          %iota3A_582 = tpu.iota {dimensions = array<i32: 0>} : vector<16xi32>
          %add3A_583 = arith.constant 0 : i32
          %add3A_584 = vector.broadcast %add3A_583 : i32 to vector<16xi32>
          %add3A_585 = arith.addi %iota3A_582, %add3A_584 : vector<16xi32>
          %gather3A_586 = arith.constant 0 : i32
          %gather3A_587 = arith.constant 0 : i32
          %gather3A_588 = arith.constant 0 : i32
          %gather3A_589 = tpu.memref_slice %arg7[%gather3A_586, %gather3A_587, %gather3A_588] : memref<2x128x64xf32, #tpu.memory_space<vmem>> -> memref<1x128x64xf32, #tpu.memory_space<vmem>>
          %gather3A_590 = tpu.memref_squeeze %gather3A_589 : memref<1x128x64xf32, #tpu.memory_space<vmem>> -> memref<128x64xf32, #tpu.memory_space<vmem>>
          %gather3A_591 = tpu.vector_load_idx %gather3A_590[%add3A_585, %add3A_528] : memref<128x64xf32, #tpu.memory_space<vmem>>[vector<16xi32>, vector<16xi32>], vector<16xf32>,
          %scatter3A_592 = arith.constant 0 : i32
          %scatter3A_593 = arith.constant 0 : i32
          %scatter3A_594 = arith.constant 0 : i32
          %scatter3A_595 = arith.constant 0 : i32
          %scatter3A_596 = tpu.memref_slice %arg8[%scatter3A_592, %scatter3A_593, %scatter3A_594, %scatter3A_595] : memref<2x8x8x128xf32, #tpu.memory_space<vmem>> -> memref<1x8x8x128xf32, #tpu.memory_space<vmem>>
          %scatter3A_597 = tpu.memref_squeeze %scatter3A_596 : memref<1x8x8x128xf32, #tpu.memory_space<vmem>> -> memref<8x8x128xf32, #tpu.memory_space<vmem>>
          tpu.vector_store_idx %scatter3A_597[%select_n3A_559, %select_n3A_581, %add3A_585], %gather3A_591 : memref<8x8x128xf32, #tpu.memory_space<vmem>>[vector<16xi32>, vector<16xi32>, vector<16xi32>], vector<16xf32>,
          %iota3A_598 = tpu.iota {dimensions = array<i32: 0>} : vector<16xi32>
          %add3A_599 = arith.constant 16 : i32
          %add3A_600 = vector.broadcast %add3A_599 : i32 to vector<16xi32>
          %add3A_601 = arith.addi %iota3A_598, %add3A_600 : vector<16xi32>
          %gather3A_602 = arith.constant 0 : i32
          %gather3A_603 = arith.constant 0 : i32
          %gather3A_604 = arith.constant 0 : i32
          %gather3A_605 = tpu.memref_slice %arg7[%gather3A_602, %gather3A_603, %gather3A_604] : memref<2x128x64xf32, #tpu.memory_space<vmem>> -> memref<1x128x64xf32, #tpu.memory_space<vmem>>
          %gather3A_606 = tpu.memref_squeeze %gather3A_605 : memref<1x128x64xf32, #tpu.memory_space<vmem>> -> memref<128x64xf32, #tpu.memory_space<vmem>>
          %gather3A_607 = tpu.vector_load_idx %gather3A_606[%add3A_601, %add3A_528] : memref<128x64xf32, #tpu.memory_space<vmem>>[vector<16xi32>, vector<16xi32>], vector<16xf32>,
          %scatter3A_608 = arith.constant 0 : i32
          %scatter3A_609 = arith.constant 0 : i32
          %scatter3A_610 = arith.constant 0 : i32
          %scatter3A_611 = arith.constant 0 : i32
          %scatter3A_612 = tpu.memref_slice %arg8[%scatter3A_608, %scatter3A_609, %scatter3A_610, %scatter3A_611] : memref<2x8x8x128xf32, #tpu.memory_space<vmem>> -> memref<1x8x8x128xf32, #tpu.memory_space<vmem>>
          %scatter3A_613 = tpu.memref_squeeze %scatter3A_612 : memref<1x8x8x128xf32, #tpu.memory_space<vmem>> -> memref<8x8x128xf32, #tpu.memory_space<vmem>>
          tpu.vector_store_idx %scatter3A_613[%select_n3A_559, %select_n3A_581, %add3A_601], %gather3A_607 : memref<8x8x128xf32, #tpu.memory_space<vmem>>[vector<16xi32>, vector<16xi32>, vector<16xi32>], vector<16xf32>,
          %iota3A_614 = tpu.iota {dimensions = array<i32: 0>} : vector<16xi32>
          %add3A_615 = arith.constant 32 : i32
          %add3A_616 = vector.broadcast %add3A_615 : i32 to vector<16xi32>
          %add3A_617 = arith.addi %iota3A_614, %add3A_616 : vector<16xi32>
          %gather3A_618 = arith.constant 0 : i32
          %gather3A_619 = arith.constant 0 : i32
          %gather3A_620 = arith.constant 0 : i32
          %gather3A_621 = tpu.memref_slice %arg7[%gather3A_618, %gather3A_619, %gather3A_620] : memref<2x128x64xf32, #tpu.memory_space<vmem>> -> memref<1x128x64xf32, #tpu.memory_space<vmem>>
          %gather3A_622 = tpu.memref_squeeze %gather3A_621 : memref<1x128x64xf32, #tpu.memory_space<vmem>> -> memref<128x64xf32, #tpu.memory_space<vmem>>
          %gather3A_623 = tpu.vector_load_idx %gather3A_622[%add3A_617, %add3A_528] : memref<128x64xf32, #tpu.memory_space<vmem>>[vector<16xi32>, vector<16xi32>], vector<16xf32>,
          %scatter3A_624 = arith.constant 0 : i32
          %scatter3A_625 = arith.constant 0 : i32
          %scatter3A_626 = arith.constant 0 : i32
          %scatter3A_627 = arith.constant 0 : i32
          %scatter3A_628 = tpu.memref_slice %arg8[%scatter3A_624, %scatter3A_625, %scatter3A_626, %scatter3A_627] : memref<2x8x8x128xf32, #tpu.memory_space<vmem>> -> memref<1x8x8x128xf32, #tpu.memory_space<vmem>>
          %scatter3A_629 = tpu.memref_squeeze %scatter3A_628 : memref<1x8x8x128xf32, #tpu.memory_space<vmem>> -> memref<8x8x128xf32, #tpu.memory_space<vmem>>
          tpu.vector_store_idx %scatter3A_629[%select_n3A_559, %select_n3A_581, %add3A_617], %gather3A_623 : memref<8x8x128xf32, #tpu.memory_space<vmem>>[vector<16xi32>, vector<16xi32>, vector<16xi32>], vector<16xf32>,
          %iota3A_630 = tpu.iota {dimensions = array<i32: 0>} : vector<16xi32>
          %add3A_631 = arith.constant 48 : i32
          %add3A_632 = vector.broadcast %add3A_631 : i32 to vector<16xi32>
          %add3A_633 = arith.addi %iota3A_630, %add3A_632 : vector<16xi32>
          %gather3A_634 = arith.constant 0 : i32
          %gather3A_635 = arith.constant 0 : i32
          %gather3A_636 = arith.constant 0 : i32
          %gather3A_637 = tpu.memref_slice %arg7[%gather3A_634, %gather3A_635, %gather3A_636] : memref<2x128x64xf32, #tpu.memory_space<vmem>> -> memref<1x128x64xf32, #tpu.memory_space<vmem>>
          %gather3A_638 = tpu.memref_squeeze %gather3A_637 : memref<1x128x64xf32, #tpu.memory_space<vmem>> -> memref<128x64xf32, #tpu.memory_space<vmem>>
          %gather3A_639 = tpu.vector_load_idx %gather3A_638[%add3A_633, %add3A_528] : memref<128x64xf32, #tpu.memory_space<vmem>>[vector<16xi32>, vector<16xi32>], vector<16xf32>,
          %scatter3A_640 = arith.constant 0 : i32
          %scatter3A_641 = arith.constant 0 : i32
          %scatter3A_642 = arith.constant 0 : i32
          %scatter3A_643 = arith.constant 0 : i32
          %scatter3A_644 = tpu.memref_slice %arg8[%scatter3A_640, %scatter3A_641, %scatter3A_642, %scatter3A_643] : memref<2x8x8x128xf32, #tpu.memory_space<vmem>> -> memref<1x8x8x128xf32, #tpu.memory_space<vmem>>
          %scatter3A_645 = tpu.memref_squeeze %scatter3A_644 : memref<1x8x8x128xf32, #tpu.memory_space<vmem>> -> memref<8x8x128xf32, #tpu.memory_space<vmem>>
          tpu.vector_store_idx %scatter3A_645[%select_n3A_559, %select_n3A_581, %add3A_633], %gather3A_639 : memref<8x8x128xf32, #tpu.memory_space<vmem>>[vector<16xi32>, vector<16xi32>, vector<16xi32>], vector<16xf32>,
          %iota3A_646 = tpu.iota {dimensions = array<i32: 0>} : vector<16xi32>
          %add3A_647 = arith.constant 64 : i32
          %add3A_648 = vector.broadcast %add3A_647 : i32 to vector<16xi32>
          %add3A_649 = arith.addi %iota3A_646, %add3A_648 : vector<16xi32>
          %gather3A_650 = arith.constant 0 : i32
          %gather3A_651 = arith.constant 0 : i32
          %gather3A_652 = arith.constant 0 : i32
          %gather3A_653 = tpu.memref_slice %arg7[%gather3A_650, %gather3A_651, %gather3A_652] : memref<2x128x64xf32, #tpu.memory_space<vmem>> -> memref<1x128x64xf32, #tpu.memory_space<vmem>>
          %gather3A_654 = tpu.memref_squeeze %gather3A_653 : memref<1x128x64xf32, #tpu.memory_space<vmem>> -> memref<128x64xf32, #tpu.memory_space<vmem>>
          %gather3A_655 = tpu.vector_load_idx %gather3A_654[%add3A_649, %add3A_528] : memref<128x64xf32, #tpu.memory_space<vmem>>[vector<16xi32>, vector<16xi32>], vector<16xf32>,
          %scatter3A_656 = arith.constant 0 : i32
          %scatter3A_657 = arith.constant 0 : i32
          %scatter3A_658 = arith.constant 0 : i32
          %scatter3A_659 = arith.constant 0 : i32
          %scatter3A_660 = tpu.memref_slice %arg8[%scatter3A_656, %scatter3A_657, %scatter3A_658, %scatter3A_659] : memref<2x8x8x128xf32, #tpu.memory_space<vmem>> -> memref<1x8x8x128xf32, #tpu.memory_space<vmem>>
          %scatter3A_661 = tpu.memref_squeeze %scatter3A_660 : memref<1x8x8x128xf32, #tpu.memory_space<vmem>> -> memref<8x8x128xf32, #tpu.memory_space<vmem>>
          tpu.vector_store_idx %scatter3A_661[%select_n3A_559, %select_n3A_581, %add3A_649], %gather3A_655 : memref<8x8x128xf32, #tpu.memory_space<vmem>>[vector<16xi32>, vector<16xi32>, vector<16xi32>], vector<16xf32>,
          %iota3A_662 = tpu.iota {dimensions = array<i32: 0>} : vector<16xi32>
          %add3A_663 = arith.constant 80 : i32
          %add3A_664 = vector.broadcast %add3A_663 : i32 to vector<16xi32>
          %add3A_665 = arith.addi %iota3A_662, %add3A_664 : vector<16xi32>
          %gather3A_666 = arith.constant 0 : i32
          %gather3A_667 = arith.constant 0 : i32
          %gather3A_668 = arith.constant 0 : i32
          %gather3A_669 = tpu.memref_slice %arg7[%gather3A_666, %gather3A_667, %gather3A_668] : memref<2x128x64xf32, #tpu.memory_space<vmem>> -> memref<1x128x64xf32, #tpu.memory_space<vmem>>
          %gather3A_670 = tpu.memref_squeeze %gather3A_669 : memref<1x128x64xf32, #tpu.memory_space<vmem>> -> memref<128x64xf32, #tpu.memory_space<vmem>>
          %gather3A_671 = tpu.vector_load_idx %gather3A_670[%add3A_665, %add3A_528] : memref<128x64xf32, #tpu.memory_space<vmem>>[vector<16xi32>, vector<16xi32>], vector<16xf32>,
          %scatter3A_672 = arith.constant 0 : i32
          %scatter3A_673 = arith.constant 0 : i32
          %scatter3A_674 = arith.constant 0 : i32
          %scatter3A_675 = arith.constant 0 : i32
          %scatter3A_676 = tpu.memref_slice %arg8[%scatter3A_672, %scatter3A_673, %scatter3A_674, %scatter3A_675] : memref<2x8x8x128xf32, #tpu.memory_space<vmem>> -> memref<1x8x8x128xf32, #tpu.memory_space<vmem>>
          %scatter3A_677 = tpu.memref_squeeze %scatter3A_676 : memref<1x8x8x128xf32, #tpu.memory_space<vmem>> -> memref<8x8x128xf32, #tpu.memory_space<vmem>>
          tpu.vector_store_idx %scatter3A_677[%select_n3A_559, %select_n3A_581, %add3A_665], %gather3A_671 : memref<8x8x128xf32, #tpu.memory_space<vmem>>[vector<16xi32>, vector<16xi32>, vector<16xi32>], vector<16xf32>,
          %iota3A_678 = tpu.iota {dimensions = array<i32: 0>} : vector<16xi32>
          %add3A_679 = arith.constant 96 : i32
          %add3A_680 = vector.broadcast %add3A_679 : i32 to vector<16xi32>
          %add3A_681 = arith.addi %iota3A_678, %add3A_680 : vector<16xi32>
          %gather3A_682 = arith.constant 0 : i32
          %gather3A_683 = arith.constant 0 : i32
          %gather3A_684 = arith.constant 0 : i32
          %gather3A_685 = tpu.memref_slice %arg7[%gather3A_682, %gather3A_683, %gather3A_684] : memref<2x128x64xf32, #tpu.memory_space<vmem>> -> memref<1x128x64xf32, #tpu.memory_space<vmem>>
          %gather3A_686 = tpu.memref_squeeze %gather3A_685 : memref<1x128x64xf32, #tpu.memory_space<vmem>> -> memref<128x64xf32, #tpu.memory_space<vmem>>
          %gather3A_687 = tpu.vector_load_idx %gather3A_686[%add3A_681, %add3A_528] : memref<128x64xf32, #tpu.memory_space<vmem>>[vector<16xi32>, vector<16xi32>], vector<16xf32>,
          %scatter3A_688 = arith.constant 0 : i32
          %scatter3A_689 = arith.constant 0 : i32
          %scatter3A_690 = arith.constant 0 : i32
          %scatter3A_691 = arith.constant 0 : i32
          %scatter3A_692 = tpu.memref_slice %arg8[%scatter3A_688, %scatter3A_689, %scatter3A_690, %scatter3A_691] : memref<2x8x8x128xf32, #tpu.memory_space<vmem>> -> memref<1x8x8x128xf32, #tpu.memory_space<vmem>>
          %scatter3A_693 = tpu.memref_squeeze %scatter3A_692 : memref<1x8x8x128xf32, #tpu.memory_space<vmem>> -> memref<8x8x128xf32, #tpu.memory_space<vmem>>
          tpu.vector_store_idx %scatter3A_693[%select_n3A_559, %select_n3A_581, %add3A_681], %gather3A_687 : memref<8x8x128xf32, #tpu.memory_space<vmem>>[vector<16xi32>, vector<16xi32>, vector<16xi32>], vector<16xf32>,
          %iota3A_694 = tpu.iota {dimensions = array<i32: 0>} : vector<16xi32>
          %add3A_695 = arith.constant 112 : i32
          %add3A_696 = vector.broadcast %add3A_695 : i32 to vector<16xi32>
          %add3A_697 = arith.addi %iota3A_694, %add3A_696 : vector<16xi32>
          %gather3A_698 = arith.constant 0 : i32
          %gather3A_699 = arith.constant 0 : i32
          %gather3A_700 = arith.constant 0 : i32
          %gather3A_701 = tpu.memref_slice %arg7[%gather3A_698, %gather3A_699, %gather3A_700] : memref<2x128x64xf32, #tpu.memory_space<vmem>> -> memref<1x128x64xf32, #tpu.memory_space<vmem>>
          %gather3A_702 = tpu.memref_squeeze %gather3A_701 : memref<1x128x64xf32, #tpu.memory_space<vmem>> -> memref<128x64xf32, #tpu.memory_space<vmem>>
          %gather3A_703 = tpu.vector_load_idx %gather3A_702[%add3A_697, %add3A_528] : memref<128x64xf32, #tpu.memory_space<vmem>>[vector<16xi32>, vector<16xi32>], vector<16xf32>,
          %scatter3A_704 = arith.constant 0 : i32
          %scatter3A_705 = arith.constant 0 : i32
          %scatter3A_706 = arith.constant 0 : i32
          %scatter3A_707 = arith.constant 0 : i32
          %scatter3A_708 = tpu.memref_slice %arg8[%scatter3A_704, %scatter3A_705, %scatter3A_706, %scatter3A_707] : memref<2x8x8x128xf32, #tpu.memory_space<vmem>> -> memref<1x8x8x128xf32, #tpu.memory_space<vmem>>
          %scatter3A_709 = tpu.memref_squeeze %scatter3A_708 : memref<1x8x8x128xf32, #tpu.memory_space<vmem>> -> memref<8x8x128xf32, #tpu.memory_space<vmem>>
          tpu.vector_store_idx %scatter3A_709[%select_n3A_559, %select_n3A_581, %add3A_697], %gather3A_703 : memref<8x8x128xf32, #tpu.memory_space<vmem>>[vector<16xi32>, vector<16xi32>, vector<16xi32>], vector<16xf32>,
          %add3A_710 = arith.constant 48 : i32
          %add3A_711 = vector.broadcast %add3A_710 : i32 to vector<16xi32>
          %add3A_712 = arith.addi %add3A_711, %select_n3A_162 : vector<16xi32>
          %jit3A_713 = arith.constant 8 : i32
          %div3A_714 = vector.broadcast %jit3A_713 : i32 to vector<16xi32>
          %div3A_715 = arith.divsi %add3A_712, %div3A_714 : vector<16xi32>
          %sign3A_716 = arith.constant 0 : i32
          %sign3A_717 = vector.broadcast %sign3A_716 : i32 to vector<16xi32>
          %sign3A_718 = arith.cmpi sgt, %add3A_712, %sign3A_717 : vector<16xi32>
          %sign3A_719 = arith.extui %sign3A_718 : vector<16xi1> to vector<16xi32>
          %sign3A_720 = arith.constant 0 : i32
          %sign3A_721 = vector.broadcast %sign3A_720 : i32 to vector<16xi32>
          %sign3A_722 = arith.cmpi slt, %add3A_712, %sign3A_721 : vector<16xi32>
          %sign3A_723 = arith.extui %sign3A_722 : vector<16xi1> to vector<16xi32>
          %sign3A_724 = arith.subi %sign3A_719, %sign3A_723 : vector<16xi32>
          %sign3A_725 = arith.constant 0 : i32
          %sign3A_726 = arith.cmpi sgt, %jit3A_713, %sign3A_725 : i32
          %sign3A_727 = arith.extui %sign3A_726 : i1 to i32
          %sign3A_728 = arith.constant 0 : i32
          %sign3A_729 = arith.cmpi slt, %jit3A_713, %sign3A_728 : i32
          %sign3A_730 = arith.extui %sign3A_729 : i1 to i32
          %sign3A_731 = arith.subi %sign3A_727, %sign3A_730 : i32
          %ne3A_732 = vector.broadcast %sign3A_731 : i32 to vector<16xi32>
          %ne3A_733 = arith.cmpi ne, %sign3A_724, %ne3A_732 : vector<16xi32>
          %rem3A_734 = vector.broadcast %jit3A_713 : i32 to vector<16xi32>
          %rem3A_735 = arith.remsi %add3A_712, %rem3A_734 : vector<16xi32>
          %ne3A_736 = arith.constant 0 : i32
          %ne3A_737 = vector.broadcast %ne3A_736 : i32 to vector<16xi32>
          %ne3A_738 = arith.cmpi ne, %rem3A_735, %ne3A_737 : vector<16xi32>
          %and3A_739 = arith.andi %ne3A_733, %ne3A_738 : vector<16xi1>
          %sub3A_740 = arith.constant 1 : i32
          %sub3A_741 = vector.broadcast %sub3A_740 : i32 to vector<16xi32>
          %sub3A_742 = arith.subi %div3A_715, %sub3A_741 : vector<16xi32>
          %select_n3A_743 = arith.select %and3A_739, %sub3A_742, %div3A_715 : vector<16xi1>, vector<16xi32>
          %jit3A_744 = arith.constant 8 : i32
          %eq3A_745 = arith.constant 0 : i32
          %eq3A_746 = arith.cmpi eq, %jit3A_744, %eq3A_745 : i32
          %jit3A_747 = arith.constant 1 : i32
          %select_n3A_748 = arith.select %eq3A_746, %jit3A_747, %jit3A_744 : i32
          %rem3A_749 = vector.broadcast %select_n3A_748 : i32 to vector<16xi32>
          %rem3A_750 = arith.remsi %add3A_712, %rem3A_749 : vector<16xi32>
          %ne3A_751 = arith.constant 0 : i32
          %ne3A_752 = vector.broadcast %ne3A_751 : i32 to vector<16xi32>
          %ne3A_753 = arith.cmpi ne, %rem3A_750, %ne3A_752 : vector<16xi32>
          %lt3A_754 = arith.constant 0 : i32
          %lt3A_755 = vector.broadcast %lt3A_754 : i32 to vector<16xi32>
          %lt3A_756 = arith.cmpi slt, %rem3A_750, %lt3A_755 : vector<16xi32>
          %lt3A_757 = arith.constant 0 : i32
          %lt3A_758 = arith.cmpi slt, %select_n3A_748, %lt3A_757 : i32
          %ne3A_759 = vector.broadcast %lt3A_758 : i1 to vector<16xi1>
          %ne3A_760 = vector.broadcast %ne3A_759 : vector<16xi1> to vector<16xi1>
          %ne3A_761 = arith.xori %lt3A_756, %ne3A_760 : vector<16xi1>
          %and3A_762 = arith.andi %ne3A_761, %ne3A_753 : vector<16xi1>
          %add3A_763 = vector.broadcast %select_n3A_748 : i32 to vector<16xi32>
          %add3A_764 = arith.addi %rem3A_750, %add3A_763 : vector<16xi32>
          %select_n3A_765 = arith.select %and3A_762, %add3A_764, %rem3A_750 : vector<16xi1>, vector<16xi32>
          %iota3A_766 = tpu.iota {dimensions = array<i32: 0>} : vector<16xi32>
          %add3A_767 = arith.constant 0 : i32
          %add3A_768 = vector.broadcast %add3A_767 : i32 to vector<16xi32>
          %add3A_769 = arith.addi %iota3A_766, %add3A_768 : vector<16xi32>
          %gather3A_770 = arith.constant 0 : i32
          %gather3A_771 = arith.constant 0 : i32
          %gather3A_772 = arith.constant 0 : i32
          %gather3A_773 = tpu.memref_slice %arg7[%gather3A_770, %gather3A_771, %gather3A_772] : memref<2x128x64xf32, #tpu.memory_space<vmem>> -> memref<1x128x64xf32, #tpu.memory_space<vmem>>
          %gather3A_774 = tpu.memref_squeeze %gather3A_773 : memref<1x128x64xf32, #tpu.memory_space<vmem>> -> memref<128x64xf32, #tpu.memory_space<vmem>>
          %gather3A_775 = tpu.vector_load_idx %gather3A_774[%add3A_769, %add3A_712] : memref<128x64xf32, #tpu.memory_space<vmem>>[vector<16xi32>, vector<16xi32>], vector<16xf32>,
          %scatter3A_776 = arith.constant 0 : i32
          %scatter3A_777 = arith.constant 0 : i32
          %scatter3A_778 = arith.constant 0 : i32
          %scatter3A_779 = arith.constant 0 : i32
          %scatter3A_780 = tpu.memref_slice %arg8[%scatter3A_776, %scatter3A_777, %scatter3A_778, %scatter3A_779] : memref<2x8x8x128xf32, #tpu.memory_space<vmem>> -> memref<1x8x8x128xf32, #tpu.memory_space<vmem>>
          %scatter3A_781 = tpu.memref_squeeze %scatter3A_780 : memref<1x8x8x128xf32, #tpu.memory_space<vmem>> -> memref<8x8x128xf32, #tpu.memory_space<vmem>>
          tpu.vector_store_idx %scatter3A_781[%select_n3A_743, %select_n3A_765, %add3A_769], %gather3A_775 : memref<8x8x128xf32, #tpu.memory_space<vmem>>[vector<16xi32>, vector<16xi32>, vector<16xi32>], vector<16xf32>,
          %iota3A_782 = tpu.iota {dimensions = array<i32: 0>} : vector<16xi32>
          %add3A_783 = arith.constant 16 : i32
          %add3A_784 = vector.broadcast %add3A_783 : i32 to vector<16xi32>
          %add3A_785 = arith.addi %iota3A_782, %add3A_784 : vector<16xi32>
          %gather3A_786 = arith.constant 0 : i32
          %gather3A_787 = arith.constant 0 : i32
          %gather3A_788 = arith.constant 0 : i32
          %gather3A_789 = tpu.memref_slice %arg7[%gather3A_786, %gather3A_787, %gather3A_788] : memref<2x128x64xf32, #tpu.memory_space<vmem>> -> memref<1x128x64xf32, #tpu.memory_space<vmem>>
          %gather3A_790 = tpu.memref_squeeze %gather3A_789 : memref<1x128x64xf32, #tpu.memory_space<vmem>> -> memref<128x64xf32, #tpu.memory_space<vmem>>
          %gather3A_791 = tpu.vector_load_idx %gather3A_790[%add3A_785, %add3A_712] : memref<128x64xf32, #tpu.memory_space<vmem>>[vector<16xi32>, vector<16xi32>], vector<16xf32>,
          %scatter3A_792 = arith.constant 0 : i32
          %scatter3A_793 = arith.constant 0 : i32
          %scatter3A_794 = arith.constant 0 : i32
          %scatter3A_795 = arith.constant 0 : i32
          %scatter3A_796 = tpu.memref_slice %arg8[%scatter3A_792, %scatter3A_793, %scatter3A_794, %scatter3A_795] : memref<2x8x8x128xf32, #tpu.memory_space<vmem>> -> memref<1x8x8x128xf32, #tpu.memory_space<vmem>>
          %scatter3A_797 = tpu.memref_squeeze %scatter3A_796 : memref<1x8x8x128xf32, #tpu.memory_space<vmem>> -> memref<8x8x128xf32, #tpu.memory_space<vmem>>
          tpu.vector_store_idx %scatter3A_797[%select_n3A_743, %select_n3A_765, %add3A_785], %gather3A_791 : memref<8x8x128xf32, #tpu.memory_space<vmem>>[vector<16xi32>, vector<16xi32>, vector<16xi32>], vector<16xf32>,
          %iota3A_798 = tpu.iota {dimensions = array<i32: 0>} : vector<16xi32>
          %add3A_799 = arith.constant 32 : i32
          %add3A_800 = vector.broadcast %add3A_799 : i32 to vector<16xi32>
          %add3A_801 = arith.addi %iota3A_798, %add3A_800 : vector<16xi32>
          %gather3A_802 = arith.constant 0 : i32
          %gather3A_803 = arith.constant 0 : i32
          %gather3A_804 = arith.constant 0 : i32
          %gather3A_805 = tpu.memref_slice %arg7[%gather3A_802, %gather3A_803, %gather3A_804] : memref<2x128x64xf32, #tpu.memory_space<vmem>> -> memref<1x128x64xf32, #tpu.memory_space<vmem>>
          %gather3A_806 = tpu.memref_squeeze %gather3A_805 : memref<1x128x64xf32, #tpu.memory_space<vmem>> -> memref<128x64xf32, #tpu.memory_space<vmem>>
          %gather3A_807 = tpu.vector_load_idx %gather3A_806[%add3A_801, %add3A_712] : memref<128x64xf32, #tpu.memory_space<vmem>>[vector<16xi32>, vector<16xi32>], vector<16xf32>,
          %scatter3A_808 = arith.constant 0 : i32
          %scatter3A_809 = arith.constant 0 : i32
          %scatter3A_810 = arith.constant 0 : i32
          %scatter3A_811 = arith.constant 0 : i32
          %scatter3A_812 = tpu.memref_slice %arg8[%scatter3A_808, %scatter3A_809, %scatter3A_810, %scatter3A_811] : memref<2x8x8x128xf32, #tpu.memory_space<vmem>> -> memref<1x8x8x128xf32, #tpu.memory_space<vmem>>
          %scatter3A_813 = tpu.memref_squeeze %scatter3A_812 : memref<1x8x8x128xf32, #tpu.memory_space<vmem>> -> memref<8x8x128xf32, #tpu.memory_space<vmem>>
          tpu.vector_store_idx %scatter3A_813[%select_n3A_743, %select_n3A_765, %add3A_801], %gather3A_807 : memref<8x8x128xf32, #tpu.memory_space<vmem>>[vector<16xi32>, vector<16xi32>, vector<16xi32>], vector<16xf32>,
          %iota3A_814 = tpu.iota {dimensions = array<i32: 0>} : vector<16xi32>
          %add3A_815 = arith.constant 48 : i32
          %add3A_816 = vector.broadcast %add3A_815 : i32 to vector<16xi32>
          %add3A_817 = arith.addi %iota3A_814, %add3A_816 : vector<16xi32>
          %gather3A_818 = arith.constant 0 : i32
          %gather3A_819 = arith.constant 0 : i32
          %gather3A_820 = arith.constant 0 : i32
          %gather3A_821 = tpu.memref_slice %arg7[%gather3A_818, %gather3A_819, %gather3A_820] : memref<2x128x64xf32, #tpu.memory_space<vmem>> -> memref<1x128x64xf32, #tpu.memory_space<vmem>>
          %gather3A_822 = tpu.memref_squeeze %gather3A_821 : memref<1x128x64xf32, #tpu.memory_space<vmem>> -> memref<128x64xf32, #tpu.memory_space<vmem>>
          %gather3A_823 = tpu.vector_load_idx %gather3A_822[%add3A_817, %add3A_712] : memref<128x64xf32, #tpu.memory_space<vmem>>[vector<16xi32>, vector<16xi32>], vector<16xf32>,
          %scatter3A_824 = arith.constant 0 : i32
          %scatter3A_825 = arith.constant 0 : i32
          %scatter3A_826 = arith.constant 0 : i32
          %scatter3A_827 = arith.constant 0 : i32
          %scatter3A_828 = tpu.memref_slice %arg8[%scatter3A_824, %scatter3A_825, %scatter3A_826, %scatter3A_827] : memref<2x8x8x128xf32, #tpu.memory_space<vmem>> -> memref<1x8x8x128xf32, #tpu.memory_space<vmem>>
          %scatter3A_829 = tpu.memref_squeeze %scatter3A_828 : memref<1x8x8x128xf32, #tpu.memory_space<vmem>> -> memref<8x8x128xf32, #tpu.memory_space<vmem>>
          tpu.vector_store_idx %scatter3A_829[%select_n3A_743, %select_n3A_765, %add3A_817], %gather3A_823 : memref<8x8x128xf32, #tpu.memory_space<vmem>>[vector<16xi32>, vector<16xi32>, vector<16xi32>], vector<16xf32>,
          %iota3A_830 = tpu.iota {dimensions = array<i32: 0>} : vector<16xi32>
          %add3A_831 = arith.constant 64 : i32
          %add3A_832 = vector.broadcast %add3A_831 : i32 to vector<16xi32>
          %add3A_833 = arith.addi %iota3A_830, %add3A_832 : vector<16xi32>
          %gather3A_834 = arith.constant 0 : i32
          %gather3A_835 = arith.constant 0 : i32
          %gather3A_836 = arith.constant 0 : i32
          %gather3A_837 = tpu.memref_slice %arg7[%gather3A_834, %gather3A_835, %gather3A_836] : memref<2x128x64xf32, #tpu.memory_space<vmem>> -> memref<1x128x64xf32, #tpu.memory_space<vmem>>
          %gather3A_838 = tpu.memref_squeeze %gather3A_837 : memref<1x128x64xf32, #tpu.memory_space<vmem>> -> memref<128x64xf32, #tpu.memory_space<vmem>>
          %gather3A_839 = tpu.vector_load_idx %gather3A_838[%add3A_833, %add3A_712] : memref<128x64xf32, #tpu.memory_space<vmem>>[vector<16xi32>, vector<16xi32>], vector<16xf32>,
          %scatter3A_840 = arith.constant 0 : i32
          %scatter3A_841 = arith.constant 0 : i32
          %scatter3A_842 = arith.constant 0 : i32
          %scatter3A_843 = arith.constant 0 : i32
          %scatter3A_844 = tpu.memref_slice %arg8[%scatter3A_840, %scatter3A_841, %scatter3A_842, %scatter3A_843] : memref<2x8x8x128xf32, #tpu.memory_space<vmem>> -> memref<1x8x8x128xf32, #tpu.memory_space<vmem>>
          %scatter3A_845 = tpu.memref_squeeze %scatter3A_844 : memref<1x8x8x128xf32, #tpu.memory_space<vmem>> -> memref<8x8x128xf32, #tpu.memory_space<vmem>>
          tpu.vector_store_idx %scatter3A_845[%select_n3A_743, %select_n3A_765, %add3A_833], %gather3A_839 : memref<8x8x128xf32, #tpu.memory_space<vmem>>[vector<16xi32>, vector<16xi32>, vector<16xi32>], vector<16xf32>,
          %iota3A_846 = tpu.iota {dimensions = array<i32: 0>} : vector<16xi32>
          %add3A_847 = arith.constant 80 : i32
          %add3A_848 = vector.broadcast %add3A_847 : i32 to vector<16xi32>
          %add3A_849 = arith.addi %iota3A_846, %add3A_848 : vector<16xi32>
          %gather3A_850 = arith.constant 0 : i32
          %gather3A_851 = arith.constant 0 : i32
          %gather3A_852 = arith.constant 0 : i32
          %gather3A_853 = tpu.memref_slice %arg7[%gather3A_850, %gather3A_851, %gather3A_852] : memref<2x128x64xf32, #tpu.memory_space<vmem>> -> memref<1x128x64xf32, #tpu.memory_space<vmem>>
          %gather3A_854 = tpu.memref_squeeze %gather3A_853 : memref<1x128x64xf32, #tpu.memory_space<vmem>> -> memref<128x64xf32, #tpu.memory_space<vmem>>
          %gather3A_855 = tpu.vector_load_idx %gather3A_854[%add3A_849, %add3A_712] : memref<128x64xf32, #tpu.memory_space<vmem>>[vector<16xi32>, vector<16xi32>], vector<16xf32>,
          %scatter3A_856 = arith.constant 0 : i32
          %scatter3A_857 = arith.constant 0 : i32
          %scatter3A_858 = arith.constant 0 : i32
          %scatter3A_859 = arith.constant 0 : i32
          %scatter3A_860 = tpu.memref_slice %arg8[%scatter3A_856, %scatter3A_857, %scatter3A_858, %scatter3A_859] : memref<2x8x8x128xf32, #tpu.memory_space<vmem>> -> memref<1x8x8x128xf32, #tpu.memory_space<vmem>>
          %scatter3A_861 = tpu.memref_squeeze %scatter3A_860 : memref<1x8x8x128xf32, #tpu.memory_space<vmem>> -> memref<8x8x128xf32, #tpu.memory_space<vmem>>
          tpu.vector_store_idx %scatter3A_861[%select_n3A_743, %select_n3A_765, %add3A_849], %gather3A_855 : memref<8x8x128xf32, #tpu.memory_space<vmem>>[vector<16xi32>, vector<16xi32>, vector<16xi32>], vector<16xf32>,
          %iota3A_862 = tpu.iota {dimensions = array<i32: 0>} : vector<16xi32>
          %add3A_863 = arith.constant 96 : i32
          %add3A_864 = vector.broadcast %add3A_863 : i32 to vector<16xi32>
          %add3A_865 = arith.addi %iota3A_862, %add3A_864 : vector<16xi32>
          %gather3A_866 = arith.constant 0 : i32
          %gather3A_867 = arith.constant 0 : i32
          %gather3A_868 = arith.constant 0 : i32
          %gather3A_869 = tpu.memref_slice %arg7[%gather3A_866, %gather3A_867, %gather3A_868] : memref<2x128x64xf32, #tpu.memory_space<vmem>> -> memref<1x128x64xf32, #tpu.memory_space<vmem>>
          %gather3A_870 = tpu.memref_squeeze %gather3A_869 : memref<1x128x64xf32, #tpu.memory_space<vmem>> -> memref<128x64xf32, #tpu.memory_space<vmem>>
          %gather3A_871 = tpu.vector_load_idx %gather3A_870[%add3A_865, %add3A_712] : memref<128x64xf32, #tpu.memory_space<vmem>>[vector<16xi32>, vector<16xi32>], vector<16xf32>,
          %scatter3A_872 = arith.constant 0 : i32
          %scatter3A_873 = arith.constant 0 : i32
          %scatter3A_874 = arith.constant 0 : i32
          %scatter3A_875 = arith.constant 0 : i32
          %scatter3A_876 = tpu.memref_slice %arg8[%scatter3A_872, %scatter3A_873, %scatter3A_874, %scatter3A_875] : memref<2x8x8x128xf32, #tpu.memory_space<vmem>> -> memref<1x8x8x128xf32, #tpu.memory_space<vmem>>
          %scatter3A_877 = tpu.memref_squeeze %scatter3A_876 : memref<1x8x8x128xf32, #tpu.memory_space<vmem>> -> memref<8x8x128xf32, #tpu.memory_space<vmem>>
          tpu.vector_store_idx %scatter3A_877[%select_n3A_743, %select_n3A_765, %add3A_865], %gather3A_871 : memref<8x8x128xf32, #tpu.memory_space<vmem>>[vector<16xi32>, vector<16xi32>, vector<16xi32>], vector<16xf32>,
          %iota3A_878 = tpu.iota {dimensions = array<i32: 0>} : vector<16xi32>
          %add3A_879 = arith.constant 112 : i32
          %add3A_880 = vector.broadcast %add3A_879 : i32 to vector<16xi32>
          %add3A_881 = arith.addi %iota3A_878, %add3A_880 : vector<16xi32>
          %gather3A_882 = arith.constant 0 : i32
          %gather3A_883 = arith.constant 0 : i32
          %gather3A_884 = arith.constant 0 : i32
          %gather3A_885 = tpu.memref_slice %arg7[%gather3A_882, %gather3A_883, %gather3A_884] : memref<2x128x64xf32, #tpu.memory_space<vmem>> -> memref<1x128x64xf32, #tpu.memory_space<vmem>>
          %gather3A_886 = tpu.memref_squeeze %gather3A_885 : memref<1x128x64xf32, #tpu.memory_space<vmem>> -> memref<128x64xf32, #tpu.memory_space<vmem>>
          %gather3A_887 = tpu.vector_load_idx %gather3A_886[%add3A_881, %add3A_712] : memref<128x64xf32, #tpu.memory_space<vmem>>[vector<16xi32>, vector<16xi32>], vector<16xf32>,
          %scatter3A_888 = arith.constant 0 : i32
          %scatter3A_889 = arith.constant 0 : i32
          %scatter3A_890 = arith.constant 0 : i32
          %scatter3A_891 = arith.constant 0 : i32
          %scatter3A_892 = tpu.memref_slice %arg8[%scatter3A_888, %scatter3A_889, %scatter3A_890, %scatter3A_891] : memref<2x8x8x128xf32, #tpu.memory_space<vmem>> -> memref<1x8x8x128xf32, #tpu.memory_space<vmem>>
          %scatter3A_893 = tpu.memref_squeeze %scatter3A_892 : memref<1x8x8x128xf32, #tpu.memory_space<vmem>> -> memref<8x8x128xf32, #tpu.memory_space<vmem>>
          tpu.vector_store_idx %scatter3A_893[%select_n3A_743, %select_n3A_765, %add3A_881], %gather3A_887 : memref<8x8x128xf32, #tpu.memory_space<vmem>>[vector<16xi32>, vector<16xi32>, vector<16xi32>], vector<16xf32>,
        }
        %scan3A_116 = arith.constant 16 : i32
        %dma_start3A_117 = arith.constant 0 : i32
        %dma_start3A_118 = arith.constant 0 : i32
        %dma_start3A_119 = arith.constant 0 : i32
        %dma_start3A_120 = arith.constant 0 : i32
        %dma_start3A_121 = tpu.memref_slice %arg8[%dma_start3A_117, %dma_start3A_118, %dma_start3A_119, %dma_start3A_120] : memref<2x8x8x128xf32, #tpu.memory_space<vmem>> -> memref<1x8x8x128xf32, #tpu.memory_space<vmem>>
        %dma_start3A_122 = tpu.memref_squeeze %dma_start3A_121 : memref<1x8x8x128xf32, #tpu.memory_space<vmem>> -> memref<8x8x128xf32, #tpu.memory_space<vmem>>
        %dma_start3A_123 = arith.constant 0 : i32
        %dma_start3A_124 = arith.constant 0 : i32
        %dma_start3A_125 = arith.constant 0 : i32
        %dma_start3A_126 = tpu.memref_slice %arg4[%scan3A_68, %dma_start3A_123, %add3A, %dma_start3A_124, %dma_start3A_125] : memref<200x8x32x8x128xf32, #tpu.memory_space<hbm>> -> memref<1x8x1x8x128xf32, #tpu.memory_space<hbm>>
        %dma_start3A_127 = tpu.memref_squeeze %dma_start3A_126 : memref<1x8x1x8x128xf32, #tpu.memory_space<hbm>> -> memref<8x8x128xf32, #tpu.memory_space<hbm>>
        %dma_start3A_128 = arith.constant 0 : i32
        %dma_start3A_129 = arith.constant 0 : i32
        %dma_start3A_130 = arith.constant 0 : i32
        %dma_start3A_131 = tpu.memref_slice %arg4[%scan3A_68, %dma_start3A_128, %add3A, %dma_start3A_129, %dma_start3A_130] : memref<200x8x32x8x128xf32, #tpu.memory_space<hbm>> -> memref<1x8x1x8x128xf32, #tpu.memory_space<hbm>>
        %dma_start3A_132 = tpu.memref_squeeze %dma_start3A_131 : memref<1x8x1x8x128xf32, #tpu.memory_space<hbm>> -> memref<8x8x128xf32, #tpu.memory_space<hbm>>
        %dma_start3A_133 = arith.constant 0 : i32
        %dma_start3A_134 = arith.constant 0 : i32
        %dma_start3A_135 = arith.constant 0 : i32
        %dma_start3A_136 = tpu.memref_slice %arg8[%dma_start3A_117, %dma_start3A_133, %dma_start3A_134, %dma_start3A_135] : memref<2x8x8x128xf32, #tpu.memory_space<vmem>> -> memref<1x8x8x128xf32, #tpu.memory_space<vmem>>
        %dma_start3A_137 = tpu.memref_squeeze %dma_start3A_136 : memref<1x8x8x128xf32, #tpu.memory_space<vmem>> -> memref<8x8x128xf32, #tpu.memory_space<vmem>>
        tpu.enqueue_dma source(%dma_start3A_137 : memref<8x8x128xf32, #tpu.memory_space<vmem>>) target(%dma_start3A_132 : memref<8x8x128xf32, #tpu.memory_space<hbm>>) target_semaphore(%arg11 : memref<!tpu.dma_semaphore, #tpu.memory_space<semaphore_mem>>)
      } else {
      }
      %eq3A_81 = arith.constant 1 : i32
      %eq3A_82 = arith.cmpi eq, %select_n3A_77, %eq3A_81 : i32
      %convert_element_type3A_83 = arith.extui %eq3A_82 : i1 to i32
      %cond3A_84 = arith.constant 0 : i32
      %cond3A_85 = arith.cmpi ne, %convert_element_type3A_83, %cond3A_84 : i32
      scf.if %cond3A_85 {
        %add3A_86 = arith.constant 1 : i32
        %add3A_87 = arith.addi %scan3A_68, %add3A_86 : i32
        %lt3A_88 = arith.constant 200 : i32
        %lt3A_89 = arith.cmpi slt, %add3A_87, %lt3A_88 : i32
        %convert_element_type3A_90 = arith.extui %lt3A_89 : i1 to i32
        %cond3A_91 = arith.constant 0 : i32
        %cond3A_92 = arith.cmpi ne, %convert_element_type3A_90, %cond3A_91 : i32
        scf.if %cond3A_92 {
          %add3A_138 = arith.constant 1 : i32
          %add3A_139 = arith.addi %scan3A_68, %add3A_138 : i32
          %dma_start3A_140 = arith.constant 0 : i32
          %dma_start3A_141 = arith.constant 0 : i32
          %dma_start3A_142 = arith.constant 0 : i32
          %dma_start3A_143 = tpu.memref_slice %arg7[%dma_start3A_140, %dma_start3A_141, %dma_start3A_142] : memref<2x128x64xf32, #tpu.memory_space<vmem>> -> memref<1x128x64xf32, #tpu.memory_space<vmem>>
          %dma_start3A_144 = tpu.memref_squeeze %dma_start3A_143 : memref<1x128x64xf32, #tpu.memory_space<vmem>> -> memref<128x64xf32, #tpu.memory_space<vmem>>
          %dma_start3A_145 = arith.constant 0 : i32
          %dma_start3A_146 = tpu.memref_slice %arg6[%add3A_139, %dma_start3A_145] : memref<200x128xi32, #tpu.memory_space<vmem>> -> memref<1x128xi32, #tpu.memory_space<vmem>>
          %dma_start3A_147 = tpu.memref_squeeze %dma_start3A_146 : memref<1x128xi32, #tpu.memory_space<vmem>> -> memref<128xi32, #tpu.memory_space<vmem>>
          %dma_start3A_148 = arith.constant 0 : i32
          %dma_start3A_149 = arith.constant 0 : i32
          %dma_start3A_150 = tpu.memref_slice %arg3[%dma_start3A_148, %dma_start3A_149] : memref<1000000x64xf32, #tpu.memory_space<hbm>> -> memref<1000000x64xf32, #tpu.memory_space<hbm>>
          tpu.enqueue_indirect_dma source(%dma_start3A_150 : memref<1000000x64xf32, #tpu.memory_space<hbm>>) target(%dma_start3A_144 : memref<128x64xf32, #tpu.memory_space<vmem>>) offsets(%dma_start3A_147 : memref<128xi32, #tpu.memory_space<vmem>>) semaphore(%arg9 : memref<!tpu.dma_semaphore, #tpu.memory_space<semaphore_mem>>)
        } else {
        }
        %dma_wait3A_93 = arith.constant 1 : i32
        %dma_wait3A_94 = arith.constant 0 : i32
        %dma_wait3A_95 = arith.constant 0 : i32
        %dma_wait3A_96 = tpu.memref_slice %arg7[%dma_wait3A_93, %dma_wait3A_94, %dma_wait3A_95] : memref<2x128x64xf32, #tpu.memory_space<vmem>> -> memref<1x128x64xf32, #tpu.memory_space<vmem>>
        %dma_wait3A_97 = tpu.memref_squeeze %dma_wait3A_96 : memref<1x128x64xf32, #tpu.memory_space<vmem>> -> memref<128x64xf32, #tpu.memory_space<vmem>>
        %dma_wait3A_98 = arith.constant 0 : i32
        %dma_wait3A_99 = arith.constant 0 : i32
        %dma_wait3A_100 = tpu.memref_slice %arg3[%dma_wait3A_98, %dma_wait3A_99] : memref<1000000x64xf32, #tpu.memory_space<hbm>> -> memref<128x64xf32, #tpu.memory_space<hbm>>
        %dma_wait3A_101 = arith.constant 0 : i32
        %dma_wait3A_102 = arith.constant 0 : i32
        %dma_wait3A_103 = tpu.memref_slice %arg7[%dma_wait3A_93, %dma_wait3A_101, %dma_wait3A_102] : memref<2x128x64xf32, #tpu.memory_space<vmem>> -> memref<1x128x64xf32, #tpu.memory_space<vmem>>
        %dma_wait3A_104 = tpu.memref_squeeze %dma_wait3A_103 : memref<1x128x64xf32, #tpu.memory_space<vmem>> -> memref<128x64xf32, #tpu.memory_space<vmem>>
        %dma_wait3A_105 = arith.constant 0 : i32
        %dma_wait3A_106 = arith.constant 0 : i32
        %dma_wait3A_107 = tpu.memref_slice %arg3[%dma_wait3A_105, %dma_wait3A_106] : memref<1000000x64xf32, #tpu.memory_space<hbm>> -> memref<128x64xf32, #tpu.memory_space<hbm>>
        tpu.wait_dma2 semaphore(%arg10 : memref<!tpu.dma_semaphore, #tpu.memory_space<semaphore_mem>>) src(%dma_wait3A_107 : memref<128x64xf32, #tpu.memory_space<hbm>>) dst(%dma_wait3A_104 : memref<128x64xf32, #tpu.memory_space<vmem>>)
        %ge3A = arith.constant 2 : i32
        %ge3A_108 = arith.cmpi sge, %scan3A_68, %ge3A : i32
        %convert_element_type3A_109 = arith.extui %ge3A_108 : i1 to i32
        %cond3A_110 = arith.constant 0 : i32
        %cond3A_111 = arith.cmpi ne, %convert_element_type3A_109, %cond3A_110 : i32
        scf.if %cond3A_111 {
          %dma_wait3A_138 = arith.constant 1 : i32
          %dma_wait3A_139 = arith.constant 0 : i32
          %dma_wait3A_140 = arith.constant 0 : i32
          %dma_wait3A_141 = arith.constant 0 : i32
          %dma_wait3A_142 = arith.constant 0 : i32
          %dma_wait3A_143 = arith.constant 0 : i32
          %dma_wait3A_144 = tpu.memref_slice %arg8[%dma_wait3A_138, %dma_wait3A_141, %dma_wait3A_142, %dma_wait3A_143] : memref<2x8x8x128xf32, #tpu.memory_space<vmem>> -> memref<1x8x8x128xf32, #tpu.memory_space<vmem>>
          %dma_wait3A_145 = tpu.memref_squeeze %dma_wait3A_144 : memref<1x8x8x128xf32, #tpu.memory_space<vmem>> -> memref<8x8x128xf32, #tpu.memory_space<vmem>>
          %dma_wait3A_146 = arith.constant 0 : i32
          %dma_wait3A_147 = arith.constant 0 : i32
          %dma_wait3A_148 = arith.constant 0 : i32
          %dma_wait3A_149 = tpu.memref_slice %arg4[%dma_wait3A_139, %dma_wait3A_146, %dma_wait3A_140, %dma_wait3A_147, %dma_wait3A_148] : memref<200x8x32x8x128xf32, #tpu.memory_space<hbm>> -> memref<1x8x1x8x128xf32, #tpu.memory_space<hbm>>
          %dma_wait3A_150 = tpu.memref_squeeze %dma_wait3A_149 : memref<1x8x1x8x128xf32, #tpu.memory_space<hbm>> -> memref<8x8x128xf32, #tpu.memory_space<hbm>>
          %dma_wait3A_151 = arith.constant 0 : i32
          %dma_wait3A_152 = arith.constant 0 : i32
          %dma_wait3A_153 = arith.constant 0 : i32
          %dma_wait3A_154 = tpu.memref_slice %arg4[%dma_wait3A_139, %dma_wait3A_151, %dma_wait3A_140, %dma_wait3A_152, %dma_wait3A_153] : memref<200x8x32x8x128xf32, #tpu.memory_space<hbm>> -> memref<1x8x1x8x128xf32, #tpu.memory_space<hbm>>
          %dma_wait3A_155 = tpu.memref_squeeze %dma_wait3A_154 : memref<1x8x1x8x128xf32, #tpu.memory_space<hbm>> -> memref<8x8x128xf32, #tpu.memory_space<hbm>>
          %dma_wait3A_156 = arith.constant 0 : i32
          %dma_wait3A_157 = arith.constant 0 : i32
          %dma_wait3A_158 = arith.constant 0 : i32
          %dma_wait3A_159 = tpu.memref_slice %arg8[%dma_wait3A_138, %dma_wait3A_156, %dma_wait3A_157, %dma_wait3A_158] : memref<2x8x8x128xf32, #tpu.memory_space<vmem>> -> memref<1x8x8x128xf32, #tpu.memory_space<vmem>>
          %dma_wait3A_160 = tpu.memref_squeeze %dma_wait3A_159 : memref<1x8x8x128xf32, #tpu.memory_space<vmem>> -> memref<8x8x128xf32, #tpu.memory_space<vmem>>
          tpu.wait_dma2 semaphore(%arg12 : memref<!tpu.dma_semaphore, #tpu.memory_space<semaphore_mem>>) src(%dma_wait3A_160 : memref<8x8x128xf32, #tpu.memory_space<vmem>>) dst(%dma_wait3A_155 : memref<8x8x128xf32, #tpu.memory_space<hbm>>)
        } else {
        }
        %scan3A_112 = arith.constant 0 : i32
        %scan3A_113 = arith.constant 16 : i32
        %scan3A_114 = arith.addi %scan3A_112, %scan3A_113 : i32
        %scan3A_115 = arith.constant 1 : i32
        scf.for %scan3A_138 = %scan3A_112 to %scan3A_114 step %scan3A_115  : i32 {
          %iota3A = tpu.iota {dimensions = array<i32: 0>} : vector<16xi32>
          %add3A_139 = vector.broadcast %scan3A_138 : i32 to vector<16xi32>
          %add3A_140 = arith.addi %iota3A, %add3A_139 : vector<16xi32>
          %jit3A_141 = arith.constant 16 : i32
          %eq3A_142 = arith.constant 0 : i32
          %eq3A_143 = arith.cmpi eq, %jit3A_141, %eq3A_142 : i32
          %jit3A_144 = arith.constant 1 : i32
          %select_n3A_145 = arith.select %eq3A_143, %jit3A_144, %jit3A_141 : i32
          %rem3A_146 = vector.broadcast %select_n3A_145 : i32 to vector<16xi32>
          %rem3A_147 = arith.remsi %add3A_140, %rem3A_146 : vector<16xi32>
          %ne3A_148 = arith.constant 0 : i32
          %ne3A_149 = vector.broadcast %ne3A_148 : i32 to vector<16xi32>
          %ne3A_150 = arith.cmpi ne, %rem3A_147, %ne3A_149 : vector<16xi32>
          %lt3A_151 = arith.constant 0 : i32
          %lt3A_152 = vector.broadcast %lt3A_151 : i32 to vector<16xi32>
          %lt3A_153 = arith.cmpi slt, %rem3A_147, %lt3A_152 : vector<16xi32>
          %lt3A_154 = arith.constant 0 : i32
          %lt3A_155 = arith.cmpi slt, %select_n3A_145, %lt3A_154 : i32
          %ne3A_156 = vector.broadcast %lt3A_155 : i1 to vector<16xi1>
          %ne3A_157 = vector.broadcast %ne3A_156 : vector<16xi1> to vector<16xi1>
          %ne3A_158 = arith.xori %lt3A_153, %ne3A_157 : vector<16xi1>
          %and3A_159 = arith.andi %ne3A_158, %ne3A_150 : vector<16xi1>
          %add3A_160 = vector.broadcast %select_n3A_145 : i32 to vector<16xi32>
          %add3A_161 = arith.addi %rem3A_147, %add3A_160 : vector<16xi32>
          %select_n3A_162 = arith.select %and3A_159, %add3A_161, %rem3A_147 : vector<16xi1>, vector<16xi32>
          %add3A_163 = arith.constant 0 : i32
          %add3A_164 = vector.broadcast %add3A_163 : i32 to vector<16xi32>
          %add3A_165 = arith.addi %add3A_164, %select_n3A_162 : vector<16xi32>
          %jit3A_166 = arith.constant 8 : i32
          %div3A = vector.broadcast %jit3A_166 : i32 to vector<16xi32>
          %div3A_167 = arith.divsi %add3A_165, %div3A : vector<16xi32>
          %sign3A = arith.constant 0 : i32
          %sign3A_168 = vector.broadcast %sign3A : i32 to vector<16xi32>
          %sign3A_169 = arith.cmpi sgt, %add3A_165, %sign3A_168 : vector<16xi32>
          %sign3A_170 = arith.extui %sign3A_169 : vector<16xi1> to vector<16xi32>
          %sign3A_171 = arith.constant 0 : i32
          %sign3A_172 = vector.broadcast %sign3A_171 : i32 to vector<16xi32>
          %sign3A_173 = arith.cmpi slt, %add3A_165, %sign3A_172 : vector<16xi32>
          %sign3A_174 = arith.extui %sign3A_173 : vector<16xi1> to vector<16xi32>
          %sign3A_175 = arith.subi %sign3A_170, %sign3A_174 : vector<16xi32>
          %sign3A_176 = arith.constant 0 : i32
          %sign3A_177 = arith.cmpi sgt, %jit3A_166, %sign3A_176 : i32
          %sign3A_178 = arith.extui %sign3A_177 : i1 to i32
          %sign3A_179 = arith.constant 0 : i32
          %sign3A_180 = arith.cmpi slt, %jit3A_166, %sign3A_179 : i32
          %sign3A_181 = arith.extui %sign3A_180 : i1 to i32
          %sign3A_182 = arith.subi %sign3A_178, %sign3A_181 : i32
          %ne3A_183 = vector.broadcast %sign3A_182 : i32 to vector<16xi32>
          %ne3A_184 = arith.cmpi ne, %sign3A_175, %ne3A_183 : vector<16xi32>
          %rem3A_185 = vector.broadcast %jit3A_166 : i32 to vector<16xi32>
          %rem3A_186 = arith.remsi %add3A_165, %rem3A_185 : vector<16xi32>
          %ne3A_187 = arith.constant 0 : i32
          %ne3A_188 = vector.broadcast %ne3A_187 : i32 to vector<16xi32>
          %ne3A_189 = arith.cmpi ne, %rem3A_186, %ne3A_188 : vector<16xi32>
          %and3A_190 = arith.andi %ne3A_184, %ne3A_189 : vector<16xi1>
          %sub3A = arith.constant 1 : i32
          %sub3A_191 = vector.broadcast %sub3A : i32 to vector<16xi32>
          %sub3A_192 = arith.subi %div3A_167, %sub3A_191 : vector<16xi32>
          %select_n3A_193 = arith.select %and3A_190, %sub3A_192, %div3A_167 : vector<16xi1>, vector<16xi32>
          %jit3A_194 = arith.constant 8 : i32
          %eq3A_195 = arith.constant 0 : i32
          %eq3A_196 = arith.cmpi eq, %jit3A_194, %eq3A_195 : i32
          %jit3A_197 = arith.constant 1 : i32
          %select_n3A_198 = arith.select %eq3A_196, %jit3A_197, %jit3A_194 : i32
          %rem3A_199 = vector.broadcast %select_n3A_198 : i32 to vector<16xi32>
          %rem3A_200 = arith.remsi %add3A_165, %rem3A_199 : vector<16xi32>
          %ne3A_201 = arith.constant 0 : i32
          %ne3A_202 = vector.broadcast %ne3A_201 : i32 to vector<16xi32>
          %ne3A_203 = arith.cmpi ne, %rem3A_200, %ne3A_202 : vector<16xi32>
          %lt3A_204 = arith.constant 0 : i32
          %lt3A_205 = vector.broadcast %lt3A_204 : i32 to vector<16xi32>
          %lt3A_206 = arith.cmpi slt, %rem3A_200, %lt3A_205 : vector<16xi32>
          %lt3A_207 = arith.constant 0 : i32
          %lt3A_208 = arith.cmpi slt, %select_n3A_198, %lt3A_207 : i32
          %ne3A_209 = vector.broadcast %lt3A_208 : i1 to vector<16xi1>
          %ne3A_210 = vector.broadcast %ne3A_209 : vector<16xi1> to vector<16xi1>
          %ne3A_211 = arith.xori %lt3A_206, %ne3A_210 : vector<16xi1>
          %and3A_212 = arith.andi %ne3A_211, %ne3A_203 : vector<16xi1>
          %add3A_213 = vector.broadcast %select_n3A_198 : i32 to vector<16xi32>
          %add3A_214 = arith.addi %rem3A_200, %add3A_213 : vector<16xi32>
          %select_n3A_215 = arith.select %and3A_212, %add3A_214, %rem3A_200 : vector<16xi1>, vector<16xi32>
          %iota3A_216 = tpu.iota {dimensions = array<i32: 0>} : vector<16xi32>
          %add3A_217 = arith.constant 0 : i32
          %add3A_218 = vector.broadcast %add3A_217 : i32 to vector<16xi32>
          %add3A_219 = arith.addi %iota3A_216, %add3A_218 : vector<16xi32>
          %gather3A = arith.constant 1 : i32
          %gather3A_220 = arith.constant 0 : i32
          %gather3A_221 = arith.constant 0 : i32
          %gather3A_222 = tpu.memref_slice %arg7[%gather3A, %gather3A_220, %gather3A_221] : memref<2x128x64xf32, #tpu.memory_space<vmem>> -> memref<1x128x64xf32, #tpu.memory_space<vmem>>
          %gather3A_223 = tpu.memref_squeeze %gather3A_222 : memref<1x128x64xf32, #tpu.memory_space<vmem>> -> memref<128x64xf32, #tpu.memory_space<vmem>>
          %gather3A_224 = tpu.vector_load_idx %gather3A_223[%add3A_219, %add3A_165] : memref<128x64xf32, #tpu.memory_space<vmem>>[vector<16xi32>, vector<16xi32>], vector<16xf32>,
          %scatter3A = arith.constant 1 : i32
          %scatter3A_225 = arith.constant 0 : i32
          %scatter3A_226 = arith.constant 0 : i32
          %scatter3A_227 = arith.constant 0 : i32
          %scatter3A_228 = tpu.memref_slice %arg8[%scatter3A, %scatter3A_225, %scatter3A_226, %scatter3A_227] : memref<2x8x8x128xf32, #tpu.memory_space<vmem>> -> memref<1x8x8x128xf32, #tpu.memory_space<vmem>>
          %scatter3A_229 = tpu.memref_squeeze %scatter3A_228 : memref<1x8x8x128xf32, #tpu.memory_space<vmem>> -> memref<8x8x128xf32, #tpu.memory_space<vmem>>
          tpu.vector_store_idx %scatter3A_229[%select_n3A_193, %select_n3A_215, %add3A_219], %gather3A_224 : memref<8x8x128xf32, #tpu.memory_space<vmem>>[vector<16xi32>, vector<16xi32>, vector<16xi32>], vector<16xf32>,
          %iota3A_230 = tpu.iota {dimensions = array<i32: 0>} : vector<16xi32>
          %add3A_231 = arith.constant 16 : i32
          %add3A_232 = vector.broadcast %add3A_231 : i32 to vector<16xi32>
          %add3A_233 = arith.addi %iota3A_230, %add3A_232 : vector<16xi32>
          %gather3A_234 = arith.constant 1 : i32
          %gather3A_235 = arith.constant 0 : i32
          %gather3A_236 = arith.constant 0 : i32
          %gather3A_237 = tpu.memref_slice %arg7[%gather3A_234, %gather3A_235, %gather3A_236] : memref<2x128x64xf32, #tpu.memory_space<vmem>> -> memref<1x128x64xf32, #tpu.memory_space<vmem>>
          %gather3A_238 = tpu.memref_squeeze %gather3A_237 : memref<1x128x64xf32, #tpu.memory_space<vmem>> -> memref<128x64xf32, #tpu.memory_space<vmem>>
          %gather3A_239 = tpu.vector_load_idx %gather3A_238[%add3A_233, %add3A_165] : memref<128x64xf32, #tpu.memory_space<vmem>>[vector<16xi32>, vector<16xi32>], vector<16xf32>,
          %scatter3A_240 = arith.constant 1 : i32
          %scatter3A_241 = arith.constant 0 : i32
          %scatter3A_242 = arith.constant 0 : i32
          %scatter3A_243 = arith.constant 0 : i32
          %scatter3A_244 = tpu.memref_slice %arg8[%scatter3A_240, %scatter3A_241, %scatter3A_242, %scatter3A_243] : memref<2x8x8x128xf32, #tpu.memory_space<vmem>> -> memref<1x8x8x128xf32, #tpu.memory_space<vmem>>
          %scatter3A_245 = tpu.memref_squeeze %scatter3A_244 : memref<1x8x8x128xf32, #tpu.memory_space<vmem>> -> memref<8x8x128xf32, #tpu.memory_space<vmem>>
          tpu.vector_store_idx %scatter3A_245[%select_n3A_193, %select_n3A_215, %add3A_233], %gather3A_239 : memref<8x8x128xf32, #tpu.memory_space<vmem>>[vector<16xi32>, vector<16xi32>, vector<16xi32>], vector<16xf32>,
          %iota3A_246 = tpu.iota {dimensions = array<i32: 0>} : vector<16xi32>
          %add3A_247 = arith.constant 32 : i32
          %add3A_248 = vector.broadcast %add3A_247 : i32 to vector<16xi32>
          %add3A_249 = arith.addi %iota3A_246, %add3A_248 : vector<16xi32>
          %gather3A_250 = arith.constant 1 : i32
          %gather3A_251 = arith.constant 0 : i32
          %gather3A_252 = arith.constant 0 : i32
          %gather3A_253 = tpu.memref_slice %arg7[%gather3A_250, %gather3A_251, %gather3A_252] : memref<2x128x64xf32, #tpu.memory_space<vmem>> -> memref<1x128x64xf32, #tpu.memory_space<vmem>>
          %gather3A_254 = tpu.memref_squeeze %gather3A_253 : memref<1x128x64xf32, #tpu.memory_space<vmem>> -> memref<128x64xf32, #tpu.memory_space<vmem>>
          %gather3A_255 = tpu.vector_load_idx %gather3A_254[%add3A_249, %add3A_165] : memref<128x64xf32, #tpu.memory_space<vmem>>[vector<16xi32>, vector<16xi32>], vector<16xf32>,
          %scatter3A_256 = arith.constant 1 : i32
          %scatter3A_257 = arith.constant 0 : i32
          %scatter3A_258 = arith.constant 0 : i32
          %scatter3A_259 = arith.constant 0 : i32
          %scatter3A_260 = tpu.memref_slice %arg8[%scatter3A_256, %scatter3A_257, %scatter3A_258, %scatter3A_259] : memref<2x8x8x128xf32, #tpu.memory_space<vmem>> -> memref<1x8x8x128xf32, #tpu.memory_space<vmem>>
          %scatter3A_261 = tpu.memref_squeeze %scatter3A_260 : memref<1x8x8x128xf32, #tpu.memory_space<vmem>> -> memref<8x8x128xf32, #tpu.memory_space<vmem>>
          tpu.vector_store_idx %scatter3A_261[%select_n3A_193, %select_n3A_215, %add3A_249], %gather3A_255 : memref<8x8x128xf32, #tpu.memory_space<vmem>>[vector<16xi32>, vector<16xi32>, vector<16xi32>], vector<16xf32>,
          %iota3A_262 = tpu.iota {dimensions = array<i32: 0>} : vector<16xi32>
          %add3A_263 = arith.constant 48 : i32
          %add3A_264 = vector.broadcast %add3A_263 : i32 to vector<16xi32>
          %add3A_265 = arith.addi %iota3A_262, %add3A_264 : vector<16xi32>
          %gather3A_266 = arith.constant 1 : i32
          %gather3A_267 = arith.constant 0 : i32
          %gather3A_268 = arith.constant 0 : i32
          %gather3A_269 = tpu.memref_slice %arg7[%gather3A_266, %gather3A_267, %gather3A_268] : memref<2x128x64xf32, #tpu.memory_space<vmem>> -> memref<1x128x64xf32, #tpu.memory_space<vmem>>
          %gather3A_270 = tpu.memref_squeeze %gather3A_269 : memref<1x128x64xf32, #tpu.memory_space<vmem>> -> memref<128x64xf32, #tpu.memory_space<vmem>>
          %gather3A_271 = tpu.vector_load_idx %gather3A_270[%add3A_265, %add3A_165] : memref<128x64xf32, #tpu.memory_space<vmem>>[vector<16xi32>, vector<16xi32>], vector<16xf32>,
          %scatter3A_272 = arith.constant 1 : i32
          %scatter3A_273 = arith.constant 0 : i32
          %scatter3A_274 = arith.constant 0 : i32
          %scatter3A_275 = arith.constant 0 : i32
          %scatter3A_276 = tpu.memref_slice %arg8[%scatter3A_272, %scatter3A_273, %scatter3A_274, %scatter3A_275] : memref<2x8x8x128xf32, #tpu.memory_space<vmem>> -> memref<1x8x8x128xf32, #tpu.memory_space<vmem>>
          %scatter3A_277 = tpu.memref_squeeze %scatter3A_276 : memref<1x8x8x128xf32, #tpu.memory_space<vmem>> -> memref<8x8x128xf32, #tpu.memory_space<vmem>>
          tpu.vector_store_idx %scatter3A_277[%select_n3A_193, %select_n3A_215, %add3A_265], %gather3A_271 : memref<8x8x128xf32, #tpu.memory_space<vmem>>[vector<16xi32>, vector<16xi32>, vector<16xi32>], vector<16xf32>,
          %iota3A_278 = tpu.iota {dimensions = array<i32: 0>} : vector<16xi32>
          %add3A_279 = arith.constant 64 : i32
          %add3A_280 = vector.broadcast %add3A_279 : i32 to vector<16xi32>
          %add3A_281 = arith.addi %iota3A_278, %add3A_280 : vector<16xi32>
          %gather3A_282 = arith.constant 1 : i32
          %gather3A_283 = arith.constant 0 : i32
          %gather3A_284 = arith.constant 0 : i32
          %gather3A_285 = tpu.memref_slice %arg7[%gather3A_282, %gather3A_283, %gather3A_284] : memref<2x128x64xf32, #tpu.memory_space<vmem>> -> memref<1x128x64xf32, #tpu.memory_space<vmem>>
          %gather3A_286 = tpu.memref_squeeze %gather3A_285 : memref<1x128x64xf32, #tpu.memory_space<vmem>> -> memref<128x64xf32, #tpu.memory_space<vmem>>
          %gather3A_287 = tpu.vector_load_idx %gather3A_286[%add3A_281, %add3A_165] : memref<128x64xf32, #tpu.memory_space<vmem>>[vector<16xi32>, vector<16xi32>], vector<16xf32>,
          %scatter3A_288 = arith.constant 1 : i32
          %scatter3A_289 = arith.constant 0 : i32
          %scatter3A_290 = arith.constant 0 : i32
          %scatter3A_291 = arith.constant 0 : i32
          %scatter3A_292 = tpu.memref_slice %arg8[%scatter3A_288, %scatter3A_289, %scatter3A_290, %scatter3A_291] : memref<2x8x8x128xf32, #tpu.memory_space<vmem>> -> memref<1x8x8x128xf32, #tpu.memory_space<vmem>>
          %scatter3A_293 = tpu.memref_squeeze %scatter3A_292 : memref<1x8x8x128xf32, #tpu.memory_space<vmem>> -> memref<8x8x128xf32, #tpu.memory_space<vmem>>
          tpu.vector_store_idx %scatter3A_293[%select_n3A_193, %select_n3A_215, %add3A_281], %gather3A_287 : memref<8x8x128xf32, #tpu.memory_space<vmem>>[vector<16xi32>, vector<16xi32>, vector<16xi32>], vector<16xf32>,
          %iota3A_294 = tpu.iota {dimensions = array<i32: 0>} : vector<16xi32>
          %add3A_295 = arith.constant 80 : i32
          %add3A_296 = vector.broadcast %add3A_295 : i32 to vector<16xi32>
          %add3A_297 = arith.addi %iota3A_294, %add3A_296 : vector<16xi32>
          %gather3A_298 = arith.constant 1 : i32
          %gather3A_299 = arith.constant 0 : i32
          %gather3A_300 = arith.constant 0 : i32
          %gather3A_301 = tpu.memref_slice %arg7[%gather3A_298, %gather3A_299, %gather3A_300] : memref<2x128x64xf32, #tpu.memory_space<vmem>> -> memref<1x128x64xf32, #tpu.memory_space<vmem>>
          %gather3A_302 = tpu.memref_squeeze %gather3A_301 : memref<1x128x64xf32, #tpu.memory_space<vmem>> -> memref<128x64xf32, #tpu.memory_space<vmem>>
          %gather3A_303 = tpu.vector_load_idx %gather3A_302[%add3A_297, %add3A_165] : memref<128x64xf32, #tpu.memory_space<vmem>>[vector<16xi32>, vector<16xi32>], vector<16xf32>,
          %scatter3A_304 = arith.constant 1 : i32
          %scatter3A_305 = arith.constant 0 : i32
          %scatter3A_306 = arith.constant 0 : i32
          %scatter3A_307 = arith.constant 0 : i32
          %scatter3A_308 = tpu.memref_slice %arg8[%scatter3A_304, %scatter3A_305, %scatter3A_306, %scatter3A_307] : memref<2x8x8x128xf32, #tpu.memory_space<vmem>> -> memref<1x8x8x128xf32, #tpu.memory_space<vmem>>
          %scatter3A_309 = tpu.memref_squeeze %scatter3A_308 : memref<1x8x8x128xf32, #tpu.memory_space<vmem>> -> memref<8x8x128xf32, #tpu.memory_space<vmem>>
          tpu.vector_store_idx %scatter3A_309[%select_n3A_193, %select_n3A_215, %add3A_297], %gather3A_303 : memref<8x8x128xf32, #tpu.memory_space<vmem>>[vector<16xi32>, vector<16xi32>, vector<16xi32>], vector<16xf32>,
          %iota3A_310 = tpu.iota {dimensions = array<i32: 0>} : vector<16xi32>
          %add3A_311 = arith.constant 96 : i32
          %add3A_312 = vector.broadcast %add3A_311 : i32 to vector<16xi32>
          %add3A_313 = arith.addi %iota3A_310, %add3A_312 : vector<16xi32>
          %gather3A_314 = arith.constant 1 : i32
          %gather3A_315 = arith.constant 0 : i32
          %gather3A_316 = arith.constant 0 : i32
          %gather3A_317 = tpu.memref_slice %arg7[%gather3A_314, %gather3A_315, %gather3A_316] : memref<2x128x64xf32, #tpu.memory_space<vmem>> -> memref<1x128x64xf32, #tpu.memory_space<vmem>>
          %gather3A_318 = tpu.memref_squeeze %gather3A_317 : memref<1x128x64xf32, #tpu.memory_space<vmem>> -> memref<128x64xf32, #tpu.memory_space<vmem>>
          %gather3A_319 = tpu.vector_load_idx %gather3A_318[%add3A_313, %add3A_165] : memref<128x64xf32, #tpu.memory_space<vmem>>[vector<16xi32>, vector<16xi32>], vector<16xf32>,
          %scatter3A_320 = arith.constant 1 : i32
          %scatter3A_321 = arith.constant 0 : i32
          %scatter3A_322 = arith.constant 0 : i32
          %scatter3A_323 = arith.constant 0 : i32
          %scatter3A_324 = tpu.memref_slice %arg8[%scatter3A_320, %scatter3A_321, %scatter3A_322, %scatter3A_323] : memref<2x8x8x128xf32, #tpu.memory_space<vmem>> -> memref<1x8x8x128xf32, #tpu.memory_space<vmem>>
          %scatter3A_325 = tpu.memref_squeeze %scatter3A_324 : memref<1x8x8x128xf32, #tpu.memory_space<vmem>> -> memref<8x8x128xf32, #tpu.memory_space<vmem>>
          tpu.vector_store_idx %scatter3A_325[%select_n3A_193, %select_n3A_215, %add3A_313], %gather3A_319 : memref<8x8x128xf32, #tpu.memory_space<vmem>>[vector<16xi32>, vector<16xi32>, vector<16xi32>], vector<16xf32>,
          %iota3A_326 = tpu.iota {dimensions = array<i32: 0>} : vector<16xi32>
          %add3A_327 = arith.constant 112 : i32
          %add3A_328 = vector.broadcast %add3A_327 : i32 to vector<16xi32>
          %add3A_329 = arith.addi %iota3A_326, %add3A_328 : vector<16xi32>
          %gather3A_330 = arith.constant 1 : i32
          %gather3A_331 = arith.constant 0 : i32
          %gather3A_332 = arith.constant 0 : i32
          %gather3A_333 = tpu.memref_slice %arg7[%gather3A_330, %gather3A_331, %gather3A_332] : memref<2x128x64xf32, #tpu.memory_space<vmem>> -> memref<1x128x64xf32, #tpu.memory_space<vmem>>
          %gather3A_334 = tpu.memref_squeeze %gather3A_333 : memref<1x128x64xf32, #tpu.memory_space<vmem>> -> memref<128x64xf32, #tpu.memory_space<vmem>>
          %gather3A_335 = tpu.vector_load_idx %gather3A_334[%add3A_329, %add3A_165] : memref<128x64xf32, #tpu.memory_space<vmem>>[vector<16xi32>, vector<16xi32>], vector<16xf32>,
          %scatter3A_336 = arith.constant 1 : i32
          %scatter3A_337 = arith.constant 0 : i32
          %scatter3A_338 = arith.constant 0 : i32
          %scatter3A_339 = arith.constant 0 : i32
          %scatter3A_340 = tpu.memref_slice %arg8[%scatter3A_336, %scatter3A_337, %scatter3A_338, %scatter3A_339] : memref<2x8x8x128xf32, #tpu.memory_space<vmem>> -> memref<1x8x8x128xf32, #tpu.memory_space<vmem>>
          %scatter3A_341 = tpu.memref_squeeze %scatter3A_340 : memref<1x8x8x128xf32, #tpu.memory_space<vmem>> -> memref<8x8x128xf32, #tpu.memory_space<vmem>>
          tpu.vector_store_idx %scatter3A_341[%select_n3A_193, %select_n3A_215, %add3A_329], %gather3A_335 : memref<8x8x128xf32, #tpu.memory_space<vmem>>[vector<16xi32>, vector<16xi32>, vector<16xi32>], vector<16xf32>,
          %add3A_342 = arith.constant 16 : i32
          %add3A_343 = vector.broadcast %add3A_342 : i32 to vector<16xi32>
          %add3A_344 = arith.addi %add3A_343, %select_n3A_162 : vector<16xi32>
          %jit3A_345 = arith.constant 8 : i32
          %div3A_346 = vector.broadcast %jit3A_345 : i32 to vector<16xi32>
          %div3A_347 = arith.divsi %add3A_344, %div3A_346 : vector<16xi32>
          %sign3A_348 = arith.constant 0 : i32
          %sign3A_349 = vector.broadcast %sign3A_348 : i32 to vector<16xi32>
          %sign3A_350 = arith.cmpi sgt, %add3A_344, %sign3A_349 : vector<16xi32>
          %sign3A_351 = arith.extui %sign3A_350 : vector<16xi1> to vector<16xi32>
          %sign3A_352 = arith.constant 0 : i32
          %sign3A_353 = vector.broadcast %sign3A_352 : i32 to vector<16xi32>
          %sign3A_354 = arith.cmpi slt, %add3A_344, %sign3A_353 : vector<16xi32>
          %sign3A_355 = arith.extui %sign3A_354 : vector<16xi1> to vector<16xi32>
          %sign3A_356 = arith.subi %sign3A_351, %sign3A_355 : vector<16xi32>
          %sign3A_357 = arith.constant 0 : i32
          %sign3A_358 = arith.cmpi sgt, %jit3A_345, %sign3A_357 : i32
          %sign3A_359 = arith.extui %sign3A_358 : i1 to i32
          %sign3A_360 = arith.constant 0 : i32
          %sign3A_361 = arith.cmpi slt, %jit3A_345, %sign3A_360 : i32
          %sign3A_362 = arith.extui %sign3A_361 : i1 to i32
          %sign3A_363 = arith.subi %sign3A_359, %sign3A_362 : i32
          %ne3A_364 = vector.broadcast %sign3A_363 : i32 to vector<16xi32>
          %ne3A_365 = arith.cmpi ne, %sign3A_356, %ne3A_364 : vector<16xi32>
          %rem3A_366 = vector.broadcast %jit3A_345 : i32 to vector<16xi32>
          %rem3A_367 = arith.remsi %add3A_344, %rem3A_366 : vector<16xi32>
          %ne3A_368 = arith.constant 0 : i32
          %ne3A_369 = vector.broadcast %ne3A_368 : i32 to vector<16xi32>
          %ne3A_370 = arith.cmpi ne, %rem3A_367, %ne3A_369 : vector<16xi32>
          %and3A_371 = arith.andi %ne3A_365, %ne3A_370 : vector<16xi1>
          %sub3A_372 = arith.constant 1 : i32
          %sub3A_373 = vector.broadcast %sub3A_372 : i32 to vector<16xi32>
          %sub3A_374 = arith.subi %div3A_347, %sub3A_373 : vector<16xi32>
          %select_n3A_375 = arith.select %and3A_371, %sub3A_374, %div3A_347 : vector<16xi1>, vector<16xi32>
          %jit3A_376 = arith.constant 8 : i32
          %eq3A_377 = arith.constant 0 : i32
          %eq3A_378 = arith.cmpi eq, %jit3A_376, %eq3A_377 : i32
          %jit3A_379 = arith.constant 1 : i32
          %select_n3A_380 = arith.select %eq3A_378, %jit3A_379, %jit3A_376 : i32
          %rem3A_381 = vector.broadcast %select_n3A_380 : i32 to vector<16xi32>
          %rem3A_382 = arith.remsi %add3A_344, %rem3A_381 : vector<16xi32>
          %ne3A_383 = arith.constant 0 : i32
          %ne3A_384 = vector.broadcast %ne3A_383 : i32 to vector<16xi32>
          %ne3A_385 = arith.cmpi ne, %rem3A_382, %ne3A_384 : vector<16xi32>
          %lt3A_386 = arith.constant 0 : i32
          %lt3A_387 = vector.broadcast %lt3A_386 : i32 to vector<16xi32>
          %lt3A_388 = arith.cmpi slt, %rem3A_382, %lt3A_387 : vector<16xi32>
          %lt3A_389 = arith.constant 0 : i32
          %lt3A_390 = arith.cmpi slt, %select_n3A_380, %lt3A_389 : i32
          %ne3A_391 = vector.broadcast %lt3A_390 : i1 to vector<16xi1>
          %ne3A_392 = vector.broadcast %ne3A_391 : vector<16xi1> to vector<16xi1>
          %ne3A_393 = arith.xori %lt3A_388, %ne3A_392 : vector<16xi1>
          %and3A_394 = arith.andi %ne3A_393, %ne3A_385 : vector<16xi1>
          %add3A_395 = vector.broadcast %select_n3A_380 : i32 to vector<16xi32>
          %add3A_396 = arith.addi %rem3A_382, %add3A_395 : vector<16xi32>
          %select_n3A_397 = arith.select %and3A_394, %add3A_396, %rem3A_382 : vector<16xi1>, vector<16xi32>
          %iota3A_398 = tpu.iota {dimensions = array<i32: 0>} : vector<16xi32>
          %add3A_399 = arith.constant 0 : i32
          %add3A_400 = vector.broadcast %add3A_399 : i32 to vector<16xi32>
          %add3A_401 = arith.addi %iota3A_398, %add3A_400 : vector<16xi32>
          %gather3A_402 = arith.constant 1 : i32
          %gather3A_403 = arith.constant 0 : i32
          %gather3A_404 = arith.constant 0 : i32
          %gather3A_405 = tpu.memref_slice %arg7[%gather3A_402, %gather3A_403, %gather3A_404] : memref<2x128x64xf32, #tpu.memory_space<vmem>> -> memref<1x128x64xf32, #tpu.memory_space<vmem>>
          %gather3A_406 = tpu.memref_squeeze %gather3A_405 : memref<1x128x64xf32, #tpu.memory_space<vmem>> -> memref<128x64xf32, #tpu.memory_space<vmem>>
          %gather3A_407 = tpu.vector_load_idx %gather3A_406[%add3A_401, %add3A_344] : memref<128x64xf32, #tpu.memory_space<vmem>>[vector<16xi32>, vector<16xi32>], vector<16xf32>,
          %scatter3A_408 = arith.constant 1 : i32
          %scatter3A_409 = arith.constant 0 : i32
          %scatter3A_410 = arith.constant 0 : i32
          %scatter3A_411 = arith.constant 0 : i32
          %scatter3A_412 = tpu.memref_slice %arg8[%scatter3A_408, %scatter3A_409, %scatter3A_410, %scatter3A_411] : memref<2x8x8x128xf32, #tpu.memory_space<vmem>> -> memref<1x8x8x128xf32, #tpu.memory_space<vmem>>
          %scatter3A_413 = tpu.memref_squeeze %scatter3A_412 : memref<1x8x8x128xf32, #tpu.memory_space<vmem>> -> memref<8x8x128xf32, #tpu.memory_space<vmem>>
          tpu.vector_store_idx %scatter3A_413[%select_n3A_375, %select_n3A_397, %add3A_401], %gather3A_407 : memref<8x8x128xf32, #tpu.memory_space<vmem>>[vector<16xi32>, vector<16xi32>, vector<16xi32>], vector<16xf32>,
          %iota3A_414 = tpu.iota {dimensions = array<i32: 0>} : vector<16xi32>
          %add3A_415 = arith.constant 16 : i32
          %add3A_416 = vector.broadcast %add3A_415 : i32 to vector<16xi32>
          %add3A_417 = arith.addi %iota3A_414, %add3A_416 : vector<16xi32>
          %gather3A_418 = arith.constant 1 : i32
          %gather3A_419 = arith.constant 0 : i32
          %gather3A_420 = arith.constant 0 : i32
          %gather3A_421 = tpu.memref_slice %arg7[%gather3A_418, %gather3A_419, %gather3A_420] : memref<2x128x64xf32, #tpu.memory_space<vmem>> -> memref<1x128x64xf32, #tpu.memory_space<vmem>>
          %gather3A_422 = tpu.memref_squeeze %gather3A_421 : memref<1x128x64xf32, #tpu.memory_space<vmem>> -> memref<128x64xf32, #tpu.memory_space<vmem>>
          %gather3A_423 = tpu.vector_load_idx %gather3A_422[%add3A_417, %add3A_344] : memref<128x64xf32, #tpu.memory_space<vmem>>[vector<16xi32>, vector<16xi32>], vector<16xf32>,
          %scatter3A_424 = arith.constant 1 : i32
          %scatter3A_425 = arith.constant 0 : i32
          %scatter3A_426 = arith.constant 0 : i32
          %scatter3A_427 = arith.constant 0 : i32
          %scatter3A_428 = tpu.memref_slice %arg8[%scatter3A_424, %scatter3A_425, %scatter3A_426, %scatter3A_427] : memref<2x8x8x128xf32, #tpu.memory_space<vmem>> -> memref<1x8x8x128xf32, #tpu.memory_space<vmem>>
          %scatter3A_429 = tpu.memref_squeeze %scatter3A_428 : memref<1x8x8x128xf32, #tpu.memory_space<vmem>> -> memref<8x8x128xf32, #tpu.memory_space<vmem>>
          tpu.vector_store_idx %scatter3A_429[%select_n3A_375, %select_n3A_397, %add3A_417], %gather3A_423 : memref<8x8x128xf32, #tpu.memory_space<vmem>>[vector<16xi32>, vector<16xi32>, vector<16xi32>], vector<16xf32>,
          %iota3A_430 = tpu.iota {dimensions = array<i32: 0>} : vector<16xi32>
          %add3A_431 = arith.constant 32 : i32
          %add3A_432 = vector.broadcast %add3A_431 : i32 to vector<16xi32>
          %add3A_433 = arith.addi %iota3A_430, %add3A_432 : vector<16xi32>
          %gather3A_434 = arith.constant 1 : i32
          %gather3A_435 = arith.constant 0 : i32
          %gather3A_436 = arith.constant 0 : i32
          %gather3A_437 = tpu.memref_slice %arg7[%gather3A_434, %gather3A_435, %gather3A_436] : memref<2x128x64xf32, #tpu.memory_space<vmem>> -> memref<1x128x64xf32, #tpu.memory_space<vmem>>
          %gather3A_438 = tpu.memref_squeeze %gather3A_437 : memref<1x128x64xf32, #tpu.memory_space<vmem>> -> memref<128x64xf32, #tpu.memory_space<vmem>>
          %gather3A_439 = tpu.vector_load_idx %gather3A_438[%add3A_433, %add3A_344] : memref<128x64xf32, #tpu.memory_space<vmem>>[vector<16xi32>, vector<16xi32>], vector<16xf32>,
          %scatter3A_440 = arith.constant 1 : i32
          %scatter3A_441 = arith.constant 0 : i32
          %scatter3A_442 = arith.constant 0 : i32
          %scatter3A_443 = arith.constant 0 : i32
          %scatter3A_444 = tpu.memref_slice %arg8[%scatter3A_440, %scatter3A_441, %scatter3A_442, %scatter3A_443] : memref<2x8x8x128xf32, #tpu.memory_space<vmem>> -> memref<1x8x8x128xf32, #tpu.memory_space<vmem>>
          %scatter3A_445 = tpu.memref_squeeze %scatter3A_444 : memref<1x8x8x128xf32, #tpu.memory_space<vmem>> -> memref<8x8x128xf32, #tpu.memory_space<vmem>>
          tpu.vector_store_idx %scatter3A_445[%select_n3A_375, %select_n3A_397, %add3A_433], %gather3A_439 : memref<8x8x128xf32, #tpu.memory_space<vmem>>[vector<16xi32>, vector<16xi32>, vector<16xi32>], vector<16xf32>,
          %iota3A_446 = tpu.iota {dimensions = array<i32: 0>} : vector<16xi32>
          %add3A_447 = arith.constant 48 : i32
          %add3A_448 = vector.broadcast %add3A_447 : i32 to vector<16xi32>
          %add3A_449 = arith.addi %iota3A_446, %add3A_448 : vector<16xi32>
          %gather3A_450 = arith.constant 1 : i32
          %gather3A_451 = arith.constant 0 : i32
          %gather3A_452 = arith.constant 0 : i32
          %gather3A_453 = tpu.memref_slice %arg7[%gather3A_450, %gather3A_451, %gather3A_452] : memref<2x128x64xf32, #tpu.memory_space<vmem>> -> memref<1x128x64xf32, #tpu.memory_space<vmem>>
          %gather3A_454 = tpu.memref_squeeze %gather3A_453 : memref<1x128x64xf32, #tpu.memory_space<vmem>> -> memref<128x64xf32, #tpu.memory_space<vmem>>
          %gather3A_455 = tpu.vector_load_idx %gather3A_454[%add3A_449, %add3A_344] : memref<128x64xf32, #tpu.memory_space<vmem>>[vector<16xi32>, vector<16xi32>], vector<16xf32>,
          %scatter3A_456 = arith.constant 1 : i32
          %scatter3A_457 = arith.constant 0 : i32
          %scatter3A_458 = arith.constant 0 : i32
          %scatter3A_459 = arith.constant 0 : i32
          %scatter3A_460 = tpu.memref_slice %arg8[%scatter3A_456, %scatter3A_457, %scatter3A_458, %scatter3A_459] : memref<2x8x8x128xf32, #tpu.memory_space<vmem>> -> memref<1x8x8x128xf32, #tpu.memory_space<vmem>>
          %scatter3A_461 = tpu.memref_squeeze %scatter3A_460 : memref<1x8x8x128xf32, #tpu.memory_space<vmem>> -> memref<8x8x128xf32, #tpu.memory_space<vmem>>
          tpu.vector_store_idx %scatter3A_461[%select_n3A_375, %select_n3A_397, %add3A_449], %gather3A_455 : memref<8x8x128xf32, #tpu.memory_space<vmem>>[vector<16xi32>, vector<16xi32>, vector<16xi32>], vector<16xf32>,
          %iota3A_462 = tpu.iota {dimensions = array<i32: 0>} : vector<16xi32>
          %add3A_463 = arith.constant 64 : i32
          %add3A_464 = vector.broadcast %add3A_463 : i32 to vector<16xi32>
          %add3A_465 = arith.addi %iota3A_462, %add3A_464 : vector<16xi32>
          %gather3A_466 = arith.constant 1 : i32
          %gather3A_467 = arith.constant 0 : i32
          %gather3A_468 = arith.constant 0 : i32
          %gather3A_469 = tpu.memref_slice %arg7[%gather3A_466, %gather3A_467, %gather3A_468] : memref<2x128x64xf32, #tpu.memory_space<vmem>> -> memref<1x128x64xf32, #tpu.memory_space<vmem>>
          %gather3A_470 = tpu.memref_squeeze %gather3A_469 : memref<1x128x64xf32, #tpu.memory_space<vmem>> -> memref<128x64xf32, #tpu.memory_space<vmem>>
          %gather3A_471 = tpu.vector_load_idx %gather3A_470[%add3A_465, %add3A_344] : memref<128x64xf32, #tpu.memory_space<vmem>>[vector<16xi32>, vector<16xi32>], vector<16xf32>,
          %scatter3A_472 = arith.constant 1 : i32
          %scatter3A_473 = arith.constant 0 : i32
          %scatter3A_474 = arith.constant 0 : i32
          %scatter3A_475 = arith.constant 0 : i32
          %scatter3A_476 = tpu.memref_slice %arg8[%scatter3A_472, %scatter3A_473, %scatter3A_474, %scatter3A_475] : memref<2x8x8x128xf32, #tpu.memory_space<vmem>> -> memref<1x8x8x128xf32, #tpu.memory_space<vmem>>
          %scatter3A_477 = tpu.memref_squeeze %scatter3A_476 : memref<1x8x8x128xf32, #tpu.memory_space<vmem>> -> memref<8x8x128xf32, #tpu.memory_space<vmem>>
          tpu.vector_store_idx %scatter3A_477[%select_n3A_375, %select_n3A_397, %add3A_465], %gather3A_471 : memref<8x8x128xf32, #tpu.memory_space<vmem>>[vector<16xi32>, vector<16xi32>, vector<16xi32>], vector<16xf32>,
          %iota3A_478 = tpu.iota {dimensions = array<i32: 0>} : vector<16xi32>
          %add3A_479 = arith.constant 80 : i32
          %add3A_480 = vector.broadcast %add3A_479 : i32 to vector<16xi32>
          %add3A_481 = arith.addi %iota3A_478, %add3A_480 : vector<16xi32>
          %gather3A_482 = arith.constant 1 : i32
          %gather3A_483 = arith.constant 0 : i32
          %gather3A_484 = arith.constant 0 : i32
          %gather3A_485 = tpu.memref_slice %arg7[%gather3A_482, %gather3A_483, %gather3A_484] : memref<2x128x64xf32, #tpu.memory_space<vmem>> -> memref<1x128x64xf32, #tpu.memory_space<vmem>>
          %gather3A_486 = tpu.memref_squeeze %gather3A_485 : memref<1x128x64xf32, #tpu.memory_space<vmem>> -> memref<128x64xf32, #tpu.memory_space<vmem>>
          %gather3A_487 = tpu.vector_load_idx %gather3A_486[%add3A_481, %add3A_344] : memref<128x64xf32, #tpu.memory_space<vmem>>[vector<16xi32>, vector<16xi32>], vector<16xf32>,
          %scatter3A_488 = arith.constant 1 : i32
          %scatter3A_489 = arith.constant 0 : i32
          %scatter3A_490 = arith.constant 0 : i32
          %scatter3A_491 = arith.constant 0 : i32
          %scatter3A_492 = tpu.memref_slice %arg8[%scatter3A_488, %scatter3A_489, %scatter3A_490, %scatter3A_491] : memref<2x8x8x128xf32, #tpu.memory_space<vmem>> -> memref<1x8x8x128xf32, #tpu.memory_space<vmem>>
          %scatter3A_493 = tpu.memref_squeeze %scatter3A_492 : memref<1x8x8x128xf32, #tpu.memory_space<vmem>> -> memref<8x8x128xf32, #tpu.memory_space<vmem>>
          tpu.vector_store_idx %scatter3A_493[%select_n3A_375, %select_n3A_397, %add3A_481], %gather3A_487 : memref<8x8x128xf32, #tpu.memory_space<vmem>>[vector<16xi32>, vector<16xi32>, vector<16xi32>], vector<16xf32>,
          %iota3A_494 = tpu.iota {dimensions = array<i32: 0>} : vector<16xi32>
          %add3A_495 = arith.constant 96 : i32
          %add3A_496 = vector.broadcast %add3A_495 : i32 to vector<16xi32>
          %add3A_497 = arith.addi %iota3A_494, %add3A_496 : vector<16xi32>
          %gather3A_498 = arith.constant 1 : i32
          %gather3A_499 = arith.constant 0 : i32
          %gather3A_500 = arith.constant 0 : i32
          %gather3A_501 = tpu.memref_slice %arg7[%gather3A_498, %gather3A_499, %gather3A_500] : memref<2x128x64xf32, #tpu.memory_space<vmem>> -> memref<1x128x64xf32, #tpu.memory_space<vmem>>
          %gather3A_502 = tpu.memref_squeeze %gather3A_501 : memref<1x128x64xf32, #tpu.memory_space<vmem>> -> memref<128x64xf32, #tpu.memory_space<vmem>>
          %gather3A_503 = tpu.vector_load_idx %gather3A_502[%add3A_497, %add3A_344] : memref<128x64xf32, #tpu.memory_space<vmem>>[vector<16xi32>, vector<16xi32>], vector<16xf32>,
          %scatter3A_504 = arith.constant 1 : i32
          %scatter3A_505 = arith.constant 0 : i32
          %scatter3A_506 = arith.constant 0 : i32
          %scatter3A_507 = arith.constant 0 : i32
          %scatter3A_508 = tpu.memref_slice %arg8[%scatter3A_504, %scatter3A_505, %scatter3A_506, %scatter3A_507] : memref<2x8x8x128xf32, #tpu.memory_space<vmem>> -> memref<1x8x8x128xf32, #tpu.memory_space<vmem>>
          %scatter3A_509 = tpu.memref_squeeze %scatter3A_508 : memref<1x8x8x128xf32, #tpu.memory_space<vmem>> -> memref<8x8x128xf32, #tpu.memory_space<vmem>>
          tpu.vector_store_idx %scatter3A_509[%select_n3A_375, %select_n3A_397, %add3A_497], %gather3A_503 : memref<8x8x128xf32, #tpu.memory_space<vmem>>[vector<16xi32>, vector<16xi32>, vector<16xi32>], vector<16xf32>,
          %iota3A_510 = tpu.iota {dimensions = array<i32: 0>} : vector<16xi32>
          %add3A_511 = arith.constant 112 : i32
          %add3A_512 = vector.broadcast %add3A_511 : i32 to vector<16xi32>
          %add3A_513 = arith.addi %iota3A_510, %add3A_512 : vector<16xi32>
          %gather3A_514 = arith.constant 1 : i32
          %gather3A_515 = arith.constant 0 : i32
          %gather3A_516 = arith.constant 0 : i32
          %gather3A_517 = tpu.memref_slice %arg7[%gather3A_514, %gather3A_515, %gather3A_516] : memref<2x128x64xf32, #tpu.memory_space<vmem>> -> memref<1x128x64xf32, #tpu.memory_space<vmem>>
          %gather3A_518 = tpu.memref_squeeze %gather3A_517 : memref<1x128x64xf32, #tpu.memory_space<vmem>> -> memref<128x64xf32, #tpu.memory_space<vmem>>
          %gather3A_519 = tpu.vector_load_idx %gather3A_518[%add3A_513, %add3A_344] : memref<128x64xf32, #tpu.memory_space<vmem>>[vector<16xi32>, vector<16xi32>], vector<16xf32>,
          %scatter3A_520 = arith.constant 1 : i32
          %scatter3A_521 = arith.constant 0 : i32
          %scatter3A_522 = arith.constant 0 : i32
          %scatter3A_523 = arith.constant 0 : i32
          %scatter3A_524 = tpu.memref_slice %arg8[%scatter3A_520, %scatter3A_521, %scatter3A_522, %scatter3A_523] : memref<2x8x8x128xf32, #tpu.memory_space<vmem>> -> memref<1x8x8x128xf32, #tpu.memory_space<vmem>>
          %scatter3A_525 = tpu.memref_squeeze %scatter3A_524 : memref<1x8x8x128xf32, #tpu.memory_space<vmem>> -> memref<8x8x128xf32, #tpu.memory_space<vmem>>
          tpu.vector_store_idx %scatter3A_525[%select_n3A_375, %select_n3A_397, %add3A_513], %gather3A_519 : memref<8x8x128xf32, #tpu.memory_space<vmem>>[vector<16xi32>, vector<16xi32>, vector<16xi32>], vector<16xf32>,
          %add3A_526 = arith.constant 32 : i32
          %add3A_527 = vector.broadcast %add3A_526 : i32 to vector<16xi32>
          %add3A_528 = arith.addi %add3A_527, %select_n3A_162 : vector<16xi32>
          %jit3A_529 = arith.constant 8 : i32
          %div3A_530 = vector.broadcast %jit3A_529 : i32 to vector<16xi32>
          %div3A_531 = arith.divsi %add3A_528, %div3A_530 : vector<16xi32>
          %sign3A_532 = arith.constant 0 : i32
          %sign3A_533 = vector.broadcast %sign3A_532 : i32 to vector<16xi32>
          %sign3A_534 = arith.cmpi sgt, %add3A_528, %sign3A_533 : vector<16xi32>
          %sign3A_535 = arith.extui %sign3A_534 : vector<16xi1> to vector<16xi32>
          %sign3A_536 = arith.constant 0 : i32
          %sign3A_537 = vector.broadcast %sign3A_536 : i32 to vector<16xi32>
          %sign3A_538 = arith.cmpi slt, %add3A_528, %sign3A_537 : vector<16xi32>
          %sign3A_539 = arith.extui %sign3A_538 : vector<16xi1> to vector<16xi32>
          %sign3A_540 = arith.subi %sign3A_535, %sign3A_539 : vector<16xi32>
          %sign3A_541 = arith.constant 0 : i32
          %sign3A_542 = arith.cmpi sgt, %jit3A_529, %sign3A_541 : i32
          %sign3A_543 = arith.extui %sign3A_542 : i1 to i32
          %sign3A_544 = arith.constant 0 : i32
          %sign3A_545 = arith.cmpi slt, %jit3A_529, %sign3A_544 : i32
          %sign3A_546 = arith.extui %sign3A_545 : i1 to i32
          %sign3A_547 = arith.subi %sign3A_543, %sign3A_546 : i32
          %ne3A_548 = vector.broadcast %sign3A_547 : i32 to vector<16xi32>
          %ne3A_549 = arith.cmpi ne, %sign3A_540, %ne3A_548 : vector<16xi32>
          %rem3A_550 = vector.broadcast %jit3A_529 : i32 to vector<16xi32>
          %rem3A_551 = arith.remsi %add3A_528, %rem3A_550 : vector<16xi32>
          %ne3A_552 = arith.constant 0 : i32
          %ne3A_553 = vector.broadcast %ne3A_552 : i32 to vector<16xi32>
          %ne3A_554 = arith.cmpi ne, %rem3A_551, %ne3A_553 : vector<16xi32>
          %and3A_555 = arith.andi %ne3A_549, %ne3A_554 : vector<16xi1>
          %sub3A_556 = arith.constant 1 : i32
          %sub3A_557 = vector.broadcast %sub3A_556 : i32 to vector<16xi32>
          %sub3A_558 = arith.subi %div3A_531, %sub3A_557 : vector<16xi32>
          %select_n3A_559 = arith.select %and3A_555, %sub3A_558, %div3A_531 : vector<16xi1>, vector<16xi32>
          %jit3A_560 = arith.constant 8 : i32
          %eq3A_561 = arith.constant 0 : i32
          %eq3A_562 = arith.cmpi eq, %jit3A_560, %eq3A_561 : i32
          %jit3A_563 = arith.constant 1 : i32
          %select_n3A_564 = arith.select %eq3A_562, %jit3A_563, %jit3A_560 : i32
          %rem3A_565 = vector.broadcast %select_n3A_564 : i32 to vector<16xi32>
          %rem3A_566 = arith.remsi %add3A_528, %rem3A_565 : vector<16xi32>
          %ne3A_567 = arith.constant 0 : i32
          %ne3A_568 = vector.broadcast %ne3A_567 : i32 to vector<16xi32>
          %ne3A_569 = arith.cmpi ne, %rem3A_566, %ne3A_568 : vector<16xi32>
          %lt3A_570 = arith.constant 0 : i32
          %lt3A_571 = vector.broadcast %lt3A_570 : i32 to vector<16xi32>
          %lt3A_572 = arith.cmpi slt, %rem3A_566, %lt3A_571 : vector<16xi32>
          %lt3A_573 = arith.constant 0 : i32
          %lt3A_574 = arith.cmpi slt, %select_n3A_564, %lt3A_573 : i32
          %ne3A_575 = vector.broadcast %lt3A_574 : i1 to vector<16xi1>
          %ne3A_576 = vector.broadcast %ne3A_575 : vector<16xi1> to vector<16xi1>
          %ne3A_577 = arith.xori %lt3A_572, %ne3A_576 : vector<16xi1>
          %and3A_578 = arith.andi %ne3A_577, %ne3A_569 : vector<16xi1>
          %add3A_579 = vector.broadcast %select_n3A_564 : i32 to vector<16xi32>
          %add3A_580 = arith.addi %rem3A_566, %add3A_579 : vector<16xi32>
          %select_n3A_581 = arith.select %and3A_578, %add3A_580, %rem3A_566 : vector<16xi1>, vector<16xi32>
          %iota3A_582 = tpu.iota {dimensions = array<i32: 0>} : vector<16xi32>
          %add3A_583 = arith.constant 0 : i32
          %add3A_584 = vector.broadcast %add3A_583 : i32 to vector<16xi32>
          %add3A_585 = arith.addi %iota3A_582, %add3A_584 : vector<16xi32>
          %gather3A_586 = arith.constant 1 : i32
          %gather3A_587 = arith.constant 0 : i32
          %gather3A_588 = arith.constant 0 : i32
          %gather3A_589 = tpu.memref_slice %arg7[%gather3A_586, %gather3A_587, %gather3A_588] : memref<2x128x64xf32, #tpu.memory_space<vmem>> -> memref<1x128x64xf32, #tpu.memory_space<vmem>>
          %gather3A_590 = tpu.memref_squeeze %gather3A_589 : memref<1x128x64xf32, #tpu.memory_space<vmem>> -> memref<128x64xf32, #tpu.memory_space<vmem>>
          %gather3A_591 = tpu.vector_load_idx %gather3A_590[%add3A_585, %add3A_528] : memref<128x64xf32, #tpu.memory_space<vmem>>[vector<16xi32>, vector<16xi32>], vector<16xf32>,
          %scatter3A_592 = arith.constant 1 : i32
          %scatter3A_593 = arith.constant 0 : i32
          %scatter3A_594 = arith.constant 0 : i32
          %scatter3A_595 = arith.constant 0 : i32
          %scatter3A_596 = tpu.memref_slice %arg8[%scatter3A_592, %scatter3A_593, %scatter3A_594, %scatter3A_595] : memref<2x8x8x128xf32, #tpu.memory_space<vmem>> -> memref<1x8x8x128xf32, #tpu.memory_space<vmem>>
          %scatter3A_597 = tpu.memref_squeeze %scatter3A_596 : memref<1x8x8x128xf32, #tpu.memory_space<vmem>> -> memref<8x8x128xf32, #tpu.memory_space<vmem>>
          tpu.vector_store_idx %scatter3A_597[%select_n3A_559, %select_n3A_581, %add3A_585], %gather3A_591 : memref<8x8x128xf32, #tpu.memory_space<vmem>>[vector<16xi32>, vector<16xi32>, vector<16xi32>], vector<16xf32>,
          %iota3A_598 = tpu.iota {dimensions = array<i32: 0>} : vector<16xi32>
          %add3A_599 = arith.constant 16 : i32
          %add3A_600 = vector.broadcast %add3A_599 : i32 to vector<16xi32>
          %add3A_601 = arith.addi %iota3A_598, %add3A_600 : vector<16xi32>
          %gather3A_602 = arith.constant 1 : i32
          %gather3A_603 = arith.constant 0 : i32
          %gather3A_604 = arith.constant 0 : i32
          %gather3A_605 = tpu.memref_slice %arg7[%gather3A_602, %gather3A_603, %gather3A_604] : memref<2x128x64xf32, #tpu.memory_space<vmem>> -> memref<1x128x64xf32, #tpu.memory_space<vmem>>
          %gather3A_606 = tpu.memref_squeeze %gather3A_605 : memref<1x128x64xf32, #tpu.memory_space<vmem>> -> memref<128x64xf32, #tpu.memory_space<vmem>>
          %gather3A_607 = tpu.vector_load_idx %gather3A_606[%add3A_601, %add3A_528] : memref<128x64xf32, #tpu.memory_space<vmem>>[vector<16xi32>, vector<16xi32>], vector<16xf32>,
          %scatter3A_608 = arith.constant 1 : i32
          %scatter3A_609 = arith.constant 0 : i32
          %scatter3A_610 = arith.constant 0 : i32
          %scatter3A_611 = arith.constant 0 : i32
          %scatter3A_612 = tpu.memref_slice %arg8[%scatter3A_608, %scatter3A_609, %scatter3A_610, %scatter3A_611] : memref<2x8x8x128xf32, #tpu.memory_space<vmem>> -> memref<1x8x8x128xf32, #tpu.memory_space<vmem>>
          %scatter3A_613 = tpu.memref_squeeze %scatter3A_612 : memref<1x8x8x128xf32, #tpu.memory_space<vmem>> -> memref<8x8x128xf32, #tpu.memory_space<vmem>>
          tpu.vector_store_idx %scatter3A_613[%select_n3A_559, %select_n3A_581, %add3A_601], %gather3A_607 : memref<8x8x128xf32, #tpu.memory_space<vmem>>[vector<16xi32>, vector<16xi32>, vector<16xi32>], vector<16xf32>,
          %iota3A_614 = tpu.iota {dimensions = array<i32: 0>} : vector<16xi32>
          %add3A_615 = arith.constant 32 : i32
          %add3A_616 = vector.broadcast %add3A_615 : i32 to vector<16xi32>
          %add3A_617 = arith.addi %iota3A_614, %add3A_616 : vector<16xi32>
          %gather3A_618 = arith.constant 1 : i32
          %gather3A_619 = arith.constant 0 : i32
          %gather3A_620 = arith.constant 0 : i32
          %gather3A_621 = tpu.memref_slice %arg7[%gather3A_618, %gather3A_619, %gather3A_620] : memref<2x128x64xf32, #tpu.memory_space<vmem>> -> memref<1x128x64xf32, #tpu.memory_space<vmem>>
          %gather3A_622 = tpu.memref_squeeze %gather3A_621 : memref<1x128x64xf32, #tpu.memory_space<vmem>> -> memref<128x64xf32, #tpu.memory_space<vmem>>
          %gather3A_623 = tpu.vector_load_idx %gather3A_622[%add3A_617, %add3A_528] : memref<128x64xf32, #tpu.memory_space<vmem>>[vector<16xi32>, vector<16xi32>], vector<16xf32>,
          %scatter3A_624 = arith.constant 1 : i32
          %scatter3A_625 = arith.constant 0 : i32
          %scatter3A_626 = arith.constant 0 : i32
          %scatter3A_627 = arith.constant 0 : i32
          %scatter3A_628 = tpu.memref_slice %arg8[%scatter3A_624, %scatter3A_625, %scatter3A_626, %scatter3A_627] : memref<2x8x8x128xf32, #tpu.memory_space<vmem>> -> memref<1x8x8x128xf32, #tpu.memory_space<vmem>>
          %scatter3A_629 = tpu.memref_squeeze %scatter3A_628 : memref<1x8x8x128xf32, #tpu.memory_space<vmem>> -> memref<8x8x128xf32, #tpu.memory_space<vmem>>
          tpu.vector_store_idx %scatter3A_629[%select_n3A_559, %select_n3A_581, %add3A_617], %gather3A_623 : memref<8x8x128xf32, #tpu.memory_space<vmem>>[vector<16xi32>, vector<16xi32>, vector<16xi32>], vector<16xf32>,
          %iota3A_630 = tpu.iota {dimensions = array<i32: 0>} : vector<16xi32>
          %add3A_631 = arith.constant 48 : i32
          %add3A_632 = vector.broadcast %add3A_631 : i32 to vector<16xi32>
          %add3A_633 = arith.addi %iota3A_630, %add3A_632 : vector<16xi32>
          %gather3A_634 = arith.constant 1 : i32
          %gather3A_635 = arith.constant 0 : i32
          %gather3A_636 = arith.constant 0 : i32
          %gather3A_637 = tpu.memref_slice %arg7[%gather3A_634, %gather3A_635, %gather3A_636] : memref<2x128x64xf32, #tpu.memory_space<vmem>> -> memref<1x128x64xf32, #tpu.memory_space<vmem>>
          %gather3A_638 = tpu.memref_squeeze %gather3A_637 : memref<1x128x64xf32, #tpu.memory_space<vmem>> -> memref<128x64xf32, #tpu.memory_space<vmem>>
          %gather3A_639 = tpu.vector_load_idx %gather3A_638[%add3A_633, %add3A_528] : memref<128x64xf32, #tpu.memory_space<vmem>>[vector<16xi32>, vector<16xi32>], vector<16xf32>,
          %scatter3A_640 = arith.constant 1 : i32
          %scatter3A_641 = arith.constant 0 : i32
          %scatter3A_642 = arith.constant 0 : i32
          %scatter3A_643 = arith.constant 0 : i32
          %scatter3A_644 = tpu.memref_slice %arg8[%scatter3A_640, %scatter3A_641, %scatter3A_642, %scatter3A_643] : memref<2x8x8x128xf32, #tpu.memory_space<vmem>> -> memref<1x8x8x128xf32, #tpu.memory_space<vmem>>
          %scatter3A_645 = tpu.memref_squeeze %scatter3A_644 : memref<1x8x8x128xf32, #tpu.memory_space<vmem>> -> memref<8x8x128xf32, #tpu.memory_space<vmem>>
          tpu.vector_store_idx %scatter3A_645[%select_n3A_559, %select_n3A_581, %add3A_633], %gather3A_639 : memref<8x8x128xf32, #tpu.memory_space<vmem>>[vector<16xi32>, vector<16xi32>, vector<16xi32>], vector<16xf32>,
          %iota3A_646 = tpu.iota {dimensions = array<i32: 0>} : vector<16xi32>
          %add3A_647 = arith.constant 64 : i32
          %add3A_648 = vector.broadcast %add3A_647 : i32 to vector<16xi32>
          %add3A_649 = arith.addi %iota3A_646, %add3A_648 : vector<16xi32>
          %gather3A_650 = arith.constant 1 : i32
          %gather3A_651 = arith.constant 0 : i32
          %gather3A_652 = arith.constant 0 : i32
          %gather3A_653 = tpu.memref_slice %arg7[%gather3A_650, %gather3A_651, %gather3A_652] : memref<2x128x64xf32, #tpu.memory_space<vmem>> -> memref<1x128x64xf32, #tpu.memory_space<vmem>>
          %gather3A_654 = tpu.memref_squeeze %gather3A_653 : memref<1x128x64xf32, #tpu.memory_space<vmem>> -> memref<128x64xf32, #tpu.memory_space<vmem>>
          %gather3A_655 = tpu.vector_load_idx %gather3A_654[%add3A_649, %add3A_528] : memref<128x64xf32, #tpu.memory_space<vmem>>[vector<16xi32>, vector<16xi32>], vector<16xf32>,
          %scatter3A_656 = arith.constant 1 : i32
          %scatter3A_657 = arith.constant 0 : i32
          %scatter3A_658 = arith.constant 0 : i32
          %scatter3A_659 = arith.constant 0 : i32
          %scatter3A_660 = tpu.memref_slice %arg8[%scatter3A_656, %scatter3A_657, %scatter3A_658, %scatter3A_659] : memref<2x8x8x128xf32, #tpu.memory_space<vmem>> -> memref<1x8x8x128xf32, #tpu.memory_space<vmem>>
          %scatter3A_661 = tpu.memref_squeeze %scatter3A_660 : memref<1x8x8x128xf32, #tpu.memory_space<vmem>> -> memref<8x8x128xf32, #tpu.memory_space<vmem>>
          tpu.vector_store_idx %scatter3A_661[%select_n3A_559, %select_n3A_581, %add3A_649], %gather3A_655 : memref<8x8x128xf32, #tpu.memory_space<vmem>>[vector<16xi32>, vector<16xi32>, vector<16xi32>], vector<16xf32>,
          %iota3A_662 = tpu.iota {dimensions = array<i32: 0>} : vector<16xi32>
          %add3A_663 = arith.constant 80 : i32
          %add3A_664 = vector.broadcast %add3A_663 : i32 to vector<16xi32>
          %add3A_665 = arith.addi %iota3A_662, %add3A_664 : vector<16xi32>
          %gather3A_666 = arith.constant 1 : i32
          %gather3A_667 = arith.constant 0 : i32
          %gather3A_668 = arith.constant 0 : i32
          %gather3A_669 = tpu.memref_slice %arg7[%gather3A_666, %gather3A_667, %gather3A_668] : memref<2x128x64xf32, #tpu.memory_space<vmem>> -> memref<1x128x64xf32, #tpu.memory_space<vmem>>
          %gather3A_670 = tpu.memref_squeeze %gather3A_669 : memref<1x128x64xf32, #tpu.memory_space<vmem>> -> memref<128x64xf32, #tpu.memory_space<vmem>>
          %gather3A_671 = tpu.vector_load_idx %gather3A_670[%add3A_665, %add3A_528] : memref<128x64xf32, #tpu.memory_space<vmem>>[vector<16xi32>, vector<16xi32>], vector<16xf32>,
          %scatter3A_672 = arith.constant 1 : i32
          %scatter3A_673 = arith.constant 0 : i32
          %scatter3A_674 = arith.constant 0 : i32
          %scatter3A_675 = arith.constant 0 : i32
          %scatter3A_676 = tpu.memref_slice %arg8[%scatter3A_672, %scatter3A_673, %scatter3A_674, %scatter3A_675] : memref<2x8x8x128xf32, #tpu.memory_space<vmem>> -> memref<1x8x8x128xf32, #tpu.memory_space<vmem>>
          %scatter3A_677 = tpu.memref_squeeze %scatter3A_676 : memref<1x8x8x128xf32, #tpu.memory_space<vmem>> -> memref<8x8x128xf32, #tpu.memory_space<vmem>>
          tpu.vector_store_idx %scatter3A_677[%select_n3A_559, %select_n3A_581, %add3A_665], %gather3A_671 : memref<8x8x128xf32, #tpu.memory_space<vmem>>[vector<16xi32>, vector<16xi32>, vector<16xi32>], vector<16xf32>,
          %iota3A_678 = tpu.iota {dimensions = array<i32: 0>} : vector<16xi32>
          %add3A_679 = arith.constant 96 : i32
          %add3A_680 = vector.broadcast %add3A_679 : i32 to vector<16xi32>
          %add3A_681 = arith.addi %iota3A_678, %add3A_680 : vector<16xi32>
          %gather3A_682 = arith.constant 1 : i32
          %gather3A_683 = arith.constant 0 : i32
          %gather3A_684 = arith.constant 0 : i32
          %gather3A_685 = tpu.memref_slice %arg7[%gather3A_682, %gather3A_683, %gather3A_684] : memref<2x128x64xf32, #tpu.memory_space<vmem>> -> memref<1x128x64xf32, #tpu.memory_space<vmem>>
          %gather3A_686 = tpu.memref_squeeze %gather3A_685 : memref<1x128x64xf32, #tpu.memory_space<vmem>> -> memref<128x64xf32, #tpu.memory_space<vmem>>
          %gather3A_687 = tpu.vector_load_idx %gather3A_686[%add3A_681, %add3A_528] : memref<128x64xf32, #tpu.memory_space<vmem>>[vector<16xi32>, vector<16xi32>], vector<16xf32>,
          %scatter3A_688 = arith.constant 1 : i32
          %scatter3A_689 = arith.constant 0 : i32
          %scatter3A_690 = arith.constant 0 : i32
          %scatter3A_691 = arith.constant 0 : i32
          %scatter3A_692 = tpu.memref_slice %arg8[%scatter3A_688, %scatter3A_689, %scatter3A_690, %scatter3A_691] : memref<2x8x8x128xf32, #tpu.memory_space<vmem>> -> memref<1x8x8x128xf32, #tpu.memory_space<vmem>>
          %scatter3A_693 = tpu.memref_squeeze %scatter3A_692 : memref<1x8x8x128xf32, #tpu.memory_space<vmem>> -> memref<8x8x128xf32, #tpu.memory_space<vmem>>
          tpu.vector_store_idx %scatter3A_693[%select_n3A_559, %select_n3A_581, %add3A_681], %gather3A_687 : memref<8x8x128xf32, #tpu.memory_space<vmem>>[vector<16xi32>, vector<16xi32>, vector<16xi32>], vector<16xf32>,
          %iota3A_694 = tpu.iota {dimensions = array<i32: 0>} : vector<16xi32>
          %add3A_695 = arith.constant 112 : i32
          %add3A_696 = vector.broadcast %add3A_695 : i32 to vector<16xi32>
          %add3A_697 = arith.addi %iota3A_694, %add3A_696 : vector<16xi32>
          %gather3A_698 = arith.constant 1 : i32
          %gather3A_699 = arith.constant 0 : i32
          %gather3A_700 = arith.constant 0 : i32
          %gather3A_701 = tpu.memref_slice %arg7[%gather3A_698, %gather3A_699, %gather3A_700] : memref<2x128x64xf32, #tpu.memory_space<vmem>> -> memref<1x128x64xf32, #tpu.memory_space<vmem>>
          %gather3A_702 = tpu.memref_squeeze %gather3A_701 : memref<1x128x64xf32, #tpu.memory_space<vmem>> -> memref<128x64xf32, #tpu.memory_space<vmem>>
          %gather3A_703 = tpu.vector_load_idx %gather3A_702[%add3A_697, %add3A_528] : memref<128x64xf32, #tpu.memory_space<vmem>>[vector<16xi32>, vector<16xi32>], vector<16xf32>,
          %scatter3A_704 = arith.constant 1 : i32
          %scatter3A_705 = arith.constant 0 : i32
          %scatter3A_706 = arith.constant 0 : i32
          %scatter3A_707 = arith.constant 0 : i32
          %scatter3A_708 = tpu.memref_slice %arg8[%scatter3A_704, %scatter3A_705, %scatter3A_706, %scatter3A_707] : memref<2x8x8x128xf32, #tpu.memory_space<vmem>> -> memref<1x8x8x128xf32, #tpu.memory_space<vmem>>
          %scatter3A_709 = tpu.memref_squeeze %scatter3A_708 : memref<1x8x8x128xf32, #tpu.memory_space<vmem>> -> memref<8x8x128xf32, #tpu.memory_space<vmem>>
          tpu.vector_store_idx %scatter3A_709[%select_n3A_559, %select_n3A_581, %add3A_697], %gather3A_703 : memref<8x8x128xf32, #tpu.memory_space<vmem>>[vector<16xi32>, vector<16xi32>, vector<16xi32>], vector<16xf32>,
          %add3A_710 = arith.constant 48 : i32
          %add3A_711 = vector.broadcast %add3A_710 : i32 to vector<16xi32>
          %add3A_712 = arith.addi %add3A_711, %select_n3A_162 : vector<16xi32>
          %jit3A_713 = arith.constant 8 : i32
          %div3A_714 = vector.broadcast %jit3A_713 : i32 to vector<16xi32>
          %div3A_715 = arith.divsi %add3A_712, %div3A_714 : vector<16xi32>
          %sign3A_716 = arith.constant 0 : i32
          %sign3A_717 = vector.broadcast %sign3A_716 : i32 to vector<16xi32>
          %sign3A_718 = arith.cmpi sgt, %add3A_712, %sign3A_717 : vector<16xi32>
          %sign3A_719 = arith.extui %sign3A_718 : vector<16xi1> to vector<16xi32>
          %sign3A_720 = arith.constant 0 : i32
          %sign3A_721 = vector.broadcast %sign3A_720 : i32 to vector<16xi32>
          %sign3A_722 = arith.cmpi slt, %add3A_712, %sign3A_721 : vector<16xi32>
          %sign3A_723 = arith.extui %sign3A_722 : vector<16xi1> to vector<16xi32>
          %sign3A_724 = arith.subi %sign3A_719, %sign3A_723 : vector<16xi32>
          %sign3A_725 = arith.constant 0 : i32
          %sign3A_726 = arith.cmpi sgt, %jit3A_713, %sign3A_725 : i32
          %sign3A_727 = arith.extui %sign3A_726 : i1 to i32
          %sign3A_728 = arith.constant 0 : i32
          %sign3A_729 = arith.cmpi slt, %jit3A_713, %sign3A_728 : i32
          %sign3A_730 = arith.extui %sign3A_729 : i1 to i32
          %sign3A_731 = arith.subi %sign3A_727, %sign3A_730 : i32
          %ne3A_732 = vector.broadcast %sign3A_731 : i32 to vector<16xi32>
          %ne3A_733 = arith.cmpi ne, %sign3A_724, %ne3A_732 : vector<16xi32>
          %rem3A_734 = vector.broadcast %jit3A_713 : i32 to vector<16xi32>
          %rem3A_735 = arith.remsi %add3A_712, %rem3A_734 : vector<16xi32>
          %ne3A_736 = arith.constant 0 : i32
          %ne3A_737 = vector.broadcast %ne3A_736 : i32 to vector<16xi32>
          %ne3A_738 = arith.cmpi ne, %rem3A_735, %ne3A_737 : vector<16xi32>
          %and3A_739 = arith.andi %ne3A_733, %ne3A_738 : vector<16xi1>
          %sub3A_740 = arith.constant 1 : i32
          %sub3A_741 = vector.broadcast %sub3A_740 : i32 to vector<16xi32>
          %sub3A_742 = arith.subi %div3A_715, %sub3A_741 : vector<16xi32>
          %select_n3A_743 = arith.select %and3A_739, %sub3A_742, %div3A_715 : vector<16xi1>, vector<16xi32>
          %jit3A_744 = arith.constant 8 : i32
          %eq3A_745 = arith.constant 0 : i32
          %eq3A_746 = arith.cmpi eq, %jit3A_744, %eq3A_745 : i32
          %jit3A_747 = arith.constant 1 : i32
          %select_n3A_748 = arith.select %eq3A_746, %jit3A_747, %jit3A_744 : i32
          %rem3A_749 = vector.broadcast %select_n3A_748 : i32 to vector<16xi32>
          %rem3A_750 = arith.remsi %add3A_712, %rem3A_749 : vector<16xi32>
          %ne3A_751 = arith.constant 0 : i32
          %ne3A_752 = vector.broadcast %ne3A_751 : i32 to vector<16xi32>
          %ne3A_753 = arith.cmpi ne, %rem3A_750, %ne3A_752 : vector<16xi32>
          %lt3A_754 = arith.constant 0 : i32
          %lt3A_755 = vector.broadcast %lt3A_754 : i32 to vector<16xi32>
          %lt3A_756 = arith.cmpi slt, %rem3A_750, %lt3A_755 : vector<16xi32>
          %lt3A_757 = arith.constant 0 : i32
          %lt3A_758 = arith.cmpi slt, %select_n3A_748, %lt3A_757 : i32
          %ne3A_759 = vector.broadcast %lt3A_758 : i1 to vector<16xi1>
          %ne3A_760 = vector.broadcast %ne3A_759 : vector<16xi1> to vector<16xi1>
          %ne3A_761 = arith.xori %lt3A_756, %ne3A_760 : vector<16xi1>
          %and3A_762 = arith.andi %ne3A_761, %ne3A_753 : vector<16xi1>
          %add3A_763 = vector.broadcast %select_n3A_748 : i32 to vector<16xi32>
          %add3A_764 = arith.addi %rem3A_750, %add3A_763 : vector<16xi32>
          %select_n3A_765 = arith.select %and3A_762, %add3A_764, %rem3A_750 : vector<16xi1>, vector<16xi32>
          %iota3A_766 = tpu.iota {dimensions = array<i32: 0>} : vector<16xi32>
          %add3A_767 = arith.constant 0 : i32
          %add3A_768 = vector.broadcast %add3A_767 : i32 to vector<16xi32>
          %add3A_769 = arith.addi %iota3A_766, %add3A_768 : vector<16xi32>
          %gather3A_770 = arith.constant 1 : i32
          %gather3A_771 = arith.constant 0 : i32
          %gather3A_772 = arith.constant 0 : i32
          %gather3A_773 = tpu.memref_slice %arg7[%gather3A_770, %gather3A_771, %gather3A_772] : memref<2x128x64xf32, #tpu.memory_space<vmem>> -> memref<1x128x64xf32, #tpu.memory_space<vmem>>
          %gather3A_774 = tpu.memref_squeeze %gather3A_773 : memref<1x128x64xf32, #tpu.memory_space<vmem>> -> memref<128x64xf32, #tpu.memory_space<vmem>>
          %gather3A_775 = tpu.vector_load_idx %gather3A_774[%add3A_769, %add3A_712] : memref<128x64xf32, #tpu.memory_space<vmem>>[vector<16xi32>, vector<16xi32>], vector<16xf32>,
          %scatter3A_776 = arith.constant 1 : i32
          %scatter3A_777 = arith.constant 0 : i32
          %scatter3A_778 = arith.constant 0 : i32
          %scatter3A_779 = arith.constant 0 : i32
          %scatter3A_780 = tpu.memref_slice %arg8[%scatter3A_776, %scatter3A_777, %scatter3A_778, %scatter3A_779] : memref<2x8x8x128xf32, #tpu.memory_space<vmem>> -> memref<1x8x8x128xf32, #tpu.memory_space<vmem>>
          %scatter3A_781 = tpu.memref_squeeze %scatter3A_780 : memref<1x8x8x128xf32, #tpu.memory_space<vmem>> -> memref<8x8x128xf32, #tpu.memory_space<vmem>>
          tpu.vector_store_idx %scatter3A_781[%select_n3A_743, %select_n3A_765, %add3A_769], %gather3A_775 : memref<8x8x128xf32, #tpu.memory_space<vmem>>[vector<16xi32>, vector<16xi32>, vector<16xi32>], vector<16xf32>,
          %iota3A_782 = tpu.iota {dimensions = array<i32: 0>} : vector<16xi32>
          %add3A_783 = arith.constant 16 : i32
          %add3A_784 = vector.broadcast %add3A_783 : i32 to vector<16xi32>
          %add3A_785 = arith.addi %iota3A_782, %add3A_784 : vector<16xi32>
          %gather3A_786 = arith.constant 1 : i32
          %gather3A_787 = arith.constant 0 : i32
          %gather3A_788 = arith.constant 0 : i32
          %gather3A_789 = tpu.memref_slice %arg7[%gather3A_786, %gather3A_787, %gather3A_788] : memref<2x128x64xf32, #tpu.memory_space<vmem>> -> memref<1x128x64xf32, #tpu.memory_space<vmem>>
          %gather3A_790 = tpu.memref_squeeze %gather3A_789 : memref<1x128x64xf32, #tpu.memory_space<vmem>> -> memref<128x64xf32, #tpu.memory_space<vmem>>
          %gather3A_791 = tpu.vector_load_idx %gather3A_790[%add3A_785, %add3A_712] : memref<128x64xf32, #tpu.memory_space<vmem>>[vector<16xi32>, vector<16xi32>], vector<16xf32>,
          %scatter3A_792 = arith.constant 1 : i32
          %scatter3A_793 = arith.constant 0 : i32
          %scatter3A_794 = arith.constant 0 : i32
          %scatter3A_795 = arith.constant 0 : i32
          %scatter3A_796 = tpu.memref_slice %arg8[%scatter3A_792, %scatter3A_793, %scatter3A_794, %scatter3A_795] : memref<2x8x8x128xf32, #tpu.memory_space<vmem>> -> memref<1x8x8x128xf32, #tpu.memory_space<vmem>>
          %scatter3A_797 = tpu.memref_squeeze %scatter3A_796 : memref<1x8x8x128xf32, #tpu.memory_space<vmem>> -> memref<8x8x128xf32, #tpu.memory_space<vmem>>
          tpu.vector_store_idx %scatter3A_797[%select_n3A_743, %select_n3A_765, %add3A_785], %gather3A_791 : memref<8x8x128xf32, #tpu.memory_space<vmem>>[vector<16xi32>, vector<16xi32>, vector<16xi32>], vector<16xf32>,
          %iota3A_798 = tpu.iota {dimensions = array<i32: 0>} : vector<16xi32>
          %add3A_799 = arith.constant 32 : i32
          %add3A_800 = vector.broadcast %add3A_799 : i32 to vector<16xi32>
          %add3A_801 = arith.addi %iota3A_798, %add3A_800 : vector<16xi32>
          %gather3A_802 = arith.constant 1 : i32
          %gather3A_803 = arith.constant 0 : i32
          %gather3A_804 = arith.constant 0 : i32
          %gather3A_805 = tpu.memref_slice %arg7[%gather3A_802, %gather3A_803, %gather3A_804] : memref<2x128x64xf32, #tpu.memory_space<vmem>> -> memref<1x128x64xf32, #tpu.memory_space<vmem>>
          %gather3A_806 = tpu.memref_squeeze %gather3A_805 : memref<1x128x64xf32, #tpu.memory_space<vmem>> -> memref<128x64xf32, #tpu.memory_space<vmem>>
          %gather3A_807 = tpu.vector_load_idx %gather3A_806[%add3A_801, %add3A_712] : memref<128x64xf32, #tpu.memory_space<vmem>>[vector<16xi32>, vector<16xi32>], vector<16xf32>,
          %scatter3A_808 = arith.constant 1 : i32
          %scatter3A_809 = arith.constant 0 : i32
          %scatter3A_810 = arith.constant 0 : i32
          %scatter3A_811 = arith.constant 0 : i32
          %scatter3A_812 = tpu.memref_slice %arg8[%scatter3A_808, %scatter3A_809, %scatter3A_810, %scatter3A_811] : memref<2x8x8x128xf32, #tpu.memory_space<vmem>> -> memref<1x8x8x128xf32, #tpu.memory_space<vmem>>
          %scatter3A_813 = tpu.memref_squeeze %scatter3A_812 : memref<1x8x8x128xf32, #tpu.memory_space<vmem>> -> memref<8x8x128xf32, #tpu.memory_space<vmem>>
          tpu.vector_store_idx %scatter3A_813[%select_n3A_743, %select_n3A_765, %add3A_801], %gather3A_807 : memref<8x8x128xf32, #tpu.memory_space<vmem>>[vector<16xi32>, vector<16xi32>, vector<16xi32>], vector<16xf32>,
          %iota3A_814 = tpu.iota {dimensions = array<i32: 0>} : vector<16xi32>
          %add3A_815 = arith.constant 48 : i32
          %add3A_816 = vector.broadcast %add3A_815 : i32 to vector<16xi32>
          %add3A_817 = arith.addi %iota3A_814, %add3A_816 : vector<16xi32>
          %gather3A_818 = arith.constant 1 : i32
          %gather3A_819 = arith.constant 0 : i32
          %gather3A_820 = arith.constant 0 : i32
          %gather3A_821 = tpu.memref_slice %arg7[%gather3A_818, %gather3A_819, %gather3A_820] : memref<2x128x64xf32, #tpu.memory_space<vmem>> -> memref<1x128x64xf32, #tpu.memory_space<vmem>>
          %gather3A_822 = tpu.memref_squeeze %gather3A_821 : memref<1x128x64xf32, #tpu.memory_space<vmem>> -> memref<128x64xf32, #tpu.memory_space<vmem>>
          %gather3A_823 = tpu.vector_load_idx %gather3A_822[%add3A_817, %add3A_712] : memref<128x64xf32, #tpu.memory_space<vmem>>[vector<16xi32>, vector<16xi32>], vector<16xf32>,
          %scatter3A_824 = arith.constant 1 : i32
          %scatter3A_825 = arith.constant 0 : i32
          %scatter3A_826 = arith.constant 0 : i32
          %scatter3A_827 = arith.constant 0 : i32
          %scatter3A_828 = tpu.memref_slice %arg8[%scatter3A_824, %scatter3A_825, %scatter3A_826, %scatter3A_827] : memref<2x8x8x128xf32, #tpu.memory_space<vmem>> -> memref<1x8x8x128xf32, #tpu.memory_space<vmem>>
          %scatter3A_829 = tpu.memref_squeeze %scatter3A_828 : memref<1x8x8x128xf32, #tpu.memory_space<vmem>> -> memref<8x8x128xf32, #tpu.memory_space<vmem>>
          tpu.vector_store_idx %scatter3A_829[%select_n3A_743, %select_n3A_765, %add3A_817], %gather3A_823 : memref<8x8x128xf32, #tpu.memory_space<vmem>>[vector<16xi32>, vector<16xi32>, vector<16xi32>], vector<16xf32>,
          %iota3A_830 = tpu.iota {dimensions = array<i32: 0>} : vector<16xi32>
          %add3A_831 = arith.constant 64 : i32
          %add3A_832 = vector.broadcast %add3A_831 : i32 to vector<16xi32>
          %add3A_833 = arith.addi %iota3A_830, %add3A_832 : vector<16xi32>
          %gather3A_834 = arith.constant 1 : i32
          %gather3A_835 = arith.constant 0 : i32
          %gather3A_836 = arith.constant 0 : i32
          %gather3A_837 = tpu.memref_slice %arg7[%gather3A_834, %gather3A_835, %gather3A_836] : memref<2x128x64xf32, #tpu.memory_space<vmem>> -> memref<1x128x64xf32, #tpu.memory_space<vmem>>
          %gather3A_838 = tpu.memref_squeeze %gather3A_837 : memref<1x128x64xf32, #tpu.memory_space<vmem>> -> memref<128x64xf32, #tpu.memory_space<vmem>>
          %gather3A_839 = tpu.vector_load_idx %gather3A_838[%add3A_833, %add3A_712] : memref<128x64xf32, #tpu.memory_space<vmem>>[vector<16xi32>, vector<16xi32>], vector<16xf32>,
          %scatter3A_840 = arith.constant 1 : i32
          %scatter3A_841 = arith.constant 0 : i32
          %scatter3A_842 = arith.constant 0 : i32
          %scatter3A_843 = arith.constant 0 : i32
          %scatter3A_844 = tpu.memref_slice %arg8[%scatter3A_840, %scatter3A_841, %scatter3A_842, %scatter3A_843] : memref<2x8x8x128xf32, #tpu.memory_space<vmem>> -> memref<1x8x8x128xf32, #tpu.memory_space<vmem>>
          %scatter3A_845 = tpu.memref_squeeze %scatter3A_844 : memref<1x8x8x128xf32, #tpu.memory_space<vmem>> -> memref<8x8x128xf32, #tpu.memory_space<vmem>>
          tpu.vector_store_idx %scatter3A_845[%select_n3A_743, %select_n3A_765, %add3A_833], %gather3A_839 : memref<8x8x128xf32, #tpu.memory_space<vmem>>[vector<16xi32>, vector<16xi32>, vector<16xi32>], vector<16xf32>,
          %iota3A_846 = tpu.iota {dimensions = array<i32: 0>} : vector<16xi32>
          %add3A_847 = arith.constant 80 : i32
          %add3A_848 = vector.broadcast %add3A_847 : i32 to vector<16xi32>
          %add3A_849 = arith.addi %iota3A_846, %add3A_848 : vector<16xi32>
          %gather3A_850 = arith.constant 1 : i32
          %gather3A_851 = arith.constant 0 : i32
          %gather3A_852 = arith.constant 0 : i32
          %gather3A_853 = tpu.memref_slice %arg7[%gather3A_850, %gather3A_851, %gather3A_852] : memref<2x128x64xf32, #tpu.memory_space<vmem>> -> memref<1x128x64xf32, #tpu.memory_space<vmem>>
          %gather3A_854 = tpu.memref_squeeze %gather3A_853 : memref<1x128x64xf32, #tpu.memory_space<vmem>> -> memref<128x64xf32, #tpu.memory_space<vmem>>
          %gather3A_855 = tpu.vector_load_idx %gather3A_854[%add3A_849, %add3A_712] : memref<128x64xf32, #tpu.memory_space<vmem>>[vector<16xi32>, vector<16xi32>], vector<16xf32>,
          %scatter3A_856 = arith.constant 1 : i32
          %scatter3A_857 = arith.constant 0 : i32
          %scatter3A_858 = arith.constant 0 : i32
          %scatter3A_859 = arith.constant 0 : i32
          %scatter3A_860 = tpu.memref_slice %arg8[%scatter3A_856, %scatter3A_857, %scatter3A_858, %scatter3A_859] : memref<2x8x8x128xf32, #tpu.memory_space<vmem>> -> memref<1x8x8x128xf32, #tpu.memory_space<vmem>>
          %scatter3A_861 = tpu.memref_squeeze %scatter3A_860 : memref<1x8x8x128xf32, #tpu.memory_space<vmem>> -> memref<8x8x128xf32, #tpu.memory_space<vmem>>
          tpu.vector_store_idx %scatter3A_861[%select_n3A_743, %select_n3A_765, %add3A_849], %gather3A_855 : memref<8x8x128xf32, #tpu.memory_space<vmem>>[vector<16xi32>, vector<16xi32>, vector<16xi32>], vector<16xf32>,
          %iota3A_862 = tpu.iota {dimensions = array<i32: 0>} : vector<16xi32>
          %add3A_863 = arith.constant 96 : i32
          %add3A_864 = vector.broadcast %add3A_863 : i32 to vector<16xi32>
          %add3A_865 = arith.addi %iota3A_862, %add3A_864 : vector<16xi32>
          %gather3A_866 = arith.constant 1 : i32
          %gather3A_867 = arith.constant 0 : i32
          %gather3A_868 = arith.constant 0 : i32
          %gather3A_869 = tpu.memref_slice %arg7[%gather3A_866, %gather3A_867, %gather3A_868] : memref<2x128x64xf32, #tpu.memory_space<vmem>> -> memref<1x128x64xf32, #tpu.memory_space<vmem>>
          %gather3A_870 = tpu.memref_squeeze %gather3A_869 : memref<1x128x64xf32, #tpu.memory_space<vmem>> -> memref<128x64xf32, #tpu.memory_space<vmem>>
          %gather3A_871 = tpu.vector_load_idx %gather3A_870[%add3A_865, %add3A_712] : memref<128x64xf32, #tpu.memory_space<vmem>>[vector<16xi32>, vector<16xi32>], vector<16xf32>,
          %scatter3A_872 = arith.constant 1 : i32
          %scatter3A_873 = arith.constant 0 : i32
          %scatter3A_874 = arith.constant 0 : i32
          %scatter3A_875 = arith.constant 0 : i32
          %scatter3A_876 = tpu.memref_slice %arg8[%scatter3A_872, %scatter3A_873, %scatter3A_874, %scatter3A_875] : memref<2x8x8x128xf32, #tpu.memory_space<vmem>> -> memref<1x8x8x128xf32, #tpu.memory_space<vmem>>
          %scatter3A_877 = tpu.memref_squeeze %scatter3A_876 : memref<1x8x8x128xf32, #tpu.memory_space<vmem>> -> memref<8x8x128xf32, #tpu.memory_space<vmem>>
          tpu.vector_store_idx %scatter3A_877[%select_n3A_743, %select_n3A_765, %add3A_865], %gather3A_871 : memref<8x8x128xf32, #tpu.memory_space<vmem>>[vector<16xi32>, vector<16xi32>, vector<16xi32>], vector<16xf32>,
          %iota3A_878 = tpu.iota {dimensions = array<i32: 0>} : vector<16xi32>
          %add3A_879 = arith.constant 112 : i32
          %add3A_880 = vector.broadcast %add3A_879 : i32 to vector<16xi32>
          %add3A_881 = arith.addi %iota3A_878, %add3A_880 : vector<16xi32>
          %gather3A_882 = arith.constant 1 : i32
          %gather3A_883 = arith.constant 0 : i32
          %gather3A_884 = arith.constant 0 : i32
          %gather3A_885 = tpu.memref_slice %arg7[%gather3A_882, %gather3A_883, %gather3A_884] : memref<2x128x64xf32, #tpu.memory_space<vmem>> -> memref<1x128x64xf32, #tpu.memory_space<vmem>>
          %gather3A_886 = tpu.memref_squeeze %gather3A_885 : memref<1x128x64xf32, #tpu.memory_space<vmem>> -> memref<128x64xf32, #tpu.memory_space<vmem>>
          %gather3A_887 = tpu.vector_load_idx %gather3A_886[%add3A_881, %add3A_712] : memref<128x64xf32, #tpu.memory_space<vmem>>[vector<16xi32>, vector<16xi32>], vector<16xf32>,
          %scatter3A_888 = arith.constant 1 : i32
          %scatter3A_889 = arith.constant 0 : i32
          %scatter3A_890 = arith.constant 0 : i32
          %scatter3A_891 = arith.constant 0 : i32
          %scatter3A_892 = tpu.memref_slice %arg8[%scatter3A_888, %scatter3A_889, %scatter3A_890, %scatter3A_891] : memref<2x8x8x128xf32, #tpu.memory_space<vmem>> -> memref<1x8x8x128xf32, #tpu.memory_space<vmem>>
          %scatter3A_893 = tpu.memref_squeeze %scatter3A_892 : memref<1x8x8x128xf32, #tpu.memory_space<vmem>> -> memref<8x8x128xf32, #tpu.memory_space<vmem>>
          tpu.vector_store_idx %scatter3A_893[%select_n3A_743, %select_n3A_765, %add3A_881], %gather3A_887 : memref<8x8x128xf32, #tpu.memory_space<vmem>>[vector<16xi32>, vector<16xi32>, vector<16xi32>], vector<16xf32>,
        }
        %scan3A_116 = arith.constant 16 : i32
        %dma_start3A_117 = arith.constant 1 : i32
        %dma_start3A_118 = arith.constant 0 : i32
        %dma_start3A_119 = arith.constant 0 : i32
        %dma_start3A_120 = arith.constant 0 : i32
        %dma_start3A_121 = tpu.memref_slice %arg8[%dma_start3A_117, %dma_start3A_118, %dma_start3A_119, %dma_start3A_120] : memref<2x8x8x128xf32, #tpu.memory_space<vmem>> -> memref<1x8x8x128xf32, #tpu.memory_space<vmem>>
        %dma_start3A_122 = tpu.memref_squeeze %dma_start3A_121 : memref<1x8x8x128xf32, #tpu.memory_space<vmem>> -> memref<8x8x128xf32, #tpu.memory_space<vmem>>
        %dma_start3A_123 = arith.constant 0 : i32
        %dma_start3A_124 = arith.constant 0 : i32
        %dma_start3A_125 = arith.constant 0 : i32
        %dma_start3A_126 = tpu.memref_slice %arg4[%scan3A_68, %dma_start3A_123, %add3A, %dma_start3A_124, %dma_start3A_125] : memref<200x8x32x8x128xf32, #tpu.memory_space<hbm>> -> memref<1x8x1x8x128xf32, #tpu.memory_space<hbm>>
        %dma_start3A_127 = tpu.memref_squeeze %dma_start3A_126 : memref<1x8x1x8x128xf32, #tpu.memory_space<hbm>> -> memref<8x8x128xf32, #tpu.memory_space<hbm>>
        %dma_start3A_128 = arith.constant 0 : i32
        %dma_start3A_129 = arith.constant 0 : i32
        %dma_start3A_130 = arith.constant 0 : i32
        %dma_start3A_131 = tpu.memref_slice %arg4[%scan3A_68, %dma_start3A_128, %add3A, %dma_start3A_129, %dma_start3A_130] : memref<200x8x32x8x128xf32, #tpu.memory_space<hbm>> -> memref<1x8x1x8x128xf32, #tpu.memory_space<hbm>>
        %dma_start3A_132 = tpu.memref_squeeze %dma_start3A_131 : memref<1x8x1x8x128xf32, #tpu.memory_space<hbm>> -> memref<8x8x128xf32, #tpu.memory_space<hbm>>
        %dma_start3A_133 = arith.constant 0 : i32
        %dma_start3A_134 = arith.constant 0 : i32
        %dma_start3A_135 = arith.constant 0 : i32
        %dma_start3A_136 = tpu.memref_slice %arg8[%dma_start3A_117, %dma_start3A_133, %dma_start3A_134, %dma_start3A_135] : memref<2x8x8x128xf32, #tpu.memory_space<vmem>> -> memref<1x8x8x128xf32, #tpu.memory_space<vmem>>
        %dma_start3A_137 = tpu.memref_squeeze %dma_start3A_136 : memref<1x8x8x128xf32, #tpu.memory_space<vmem>> -> memref<8x8x128xf32, #tpu.memory_space<vmem>>
        tpu.enqueue_dma source(%dma_start3A_137 : memref<8x8x128xf32, #tpu.memory_space<vmem>>) target(%dma_start3A_132 : memref<8x8x128xf32, #tpu.memory_space<hbm>>) target_semaphore(%arg12 : memref<!tpu.dma_semaphore, #tpu.memory_space<semaphore_mem>>)
      } else {
      }
    }
    %scan3A_22 = arith.constant 200 : i32
    %dma_wait3A = arith.constant 0 : i32
    %dma_wait3A_23 = arith.constant 0 : i32
    %dma_wait3A_24 = arith.constant 0 : i32
    %dma_wait3A_25 = arith.constant 0 : i32
    %dma_wait3A_26 = arith.constant 0 : i32
    %dma_wait3A_27 = arith.constant 0 : i32
    %dma_wait3A_28 = tpu.memref_slice %arg8[%dma_wait3A, %dma_wait3A_25, %dma_wait3A_26, %dma_wait3A_27] : memref<2x8x8x128xf32, #tpu.memory_space<vmem>> -> memref<1x8x8x128xf32, #tpu.memory_space<vmem>>
    %dma_wait3A_29 = tpu.memref_squeeze %dma_wait3A_28 : memref<1x8x8x128xf32, #tpu.memory_space<vmem>> -> memref<8x8x128xf32, #tpu.memory_space<vmem>>
    %dma_wait3A_30 = arith.constant 0 : i32
    %dma_wait3A_31 = arith.constant 0 : i32
    %dma_wait3A_32 = arith.constant 0 : i32
    %dma_wait3A_33 = tpu.memref_slice %arg4[%dma_wait3A_23, %dma_wait3A_30, %dma_wait3A_24, %dma_wait3A_31, %dma_wait3A_32] : memref<200x8x32x8x128xf32, #tpu.memory_space<hbm>> -> memref<1x8x1x8x128xf32, #tpu.memory_space<hbm>>
    %dma_wait3A_34 = tpu.memref_squeeze %dma_wait3A_33 : memref<1x8x1x8x128xf32, #tpu.memory_space<hbm>> -> memref<8x8x128xf32, #tpu.memory_space<hbm>>
    %dma_wait3A_35 = arith.constant 0 : i32
    %dma_wait3A_36 = arith.constant 0 : i32
    %dma_wait3A_37 = arith.constant 0 : i32
    %dma_wait3A_38 = tpu.memref_slice %arg4[%dma_wait3A_23, %dma_wait3A_35, %dma_wait3A_24, %dma_wait3A_36, %dma_wait3A_37] : memref<200x8x32x8x128xf32, #tpu.memory_space<hbm>> -> memref<1x8x1x8x128xf32, #tpu.memory_space<hbm>>
    %dma_wait3A_39 = tpu.memref_squeeze %dma_wait3A_38 : memref<1x8x1x8x128xf32, #tpu.memory_space<hbm>> -> memref<8x8x128xf32, #tpu.memory_space<hbm>>
    %dma_wait3A_40 = arith.constant 0 : i32
    %dma_wait3A_41 = arith.constant 0 : i32
    %dma_wait3A_42 = arith.constant 0 : i32
    %dma_wait3A_43 = tpu.memref_slice %arg8[%dma_wait3A, %dma_wait3A_40, %dma_wait3A_41, %dma_wait3A_42] : memref<2x8x8x128xf32, #tpu.memory_space<vmem>> -> memref<1x8x8x128xf32, #tpu.memory_space<vmem>>
    %dma_wait3A_44 = tpu.memref_squeeze %dma_wait3A_43 : memref<1x8x8x128xf32, #tpu.memory_space<vmem>> -> memref<8x8x128xf32, #tpu.memory_space<vmem>>
    tpu.wait_dma2 semaphore(%arg11 : memref<!tpu.dma_semaphore, #tpu.memory_space<semaphore_mem>>) src(%dma_wait3A_44 : memref<8x8x128xf32, #tpu.memory_space<vmem>>) dst(%dma_wait3A_39 : memref<8x8x128xf32, #tpu.memory_space<hbm>>)
    %dma_wait3A_45 = arith.constant 1 : i32
    %dma_wait3A_46 = arith.constant 0 : i32
    %dma_wait3A_47 = arith.constant 0 : i32
    %dma_wait3A_48 = arith.constant 0 : i32
    %dma_wait3A_49 = arith.constant 0 : i32
    %dma_wait3A_50 = arith.constant 0 : i32
    %dma_wait3A_51 = tpu.memref_slice %arg8[%dma_wait3A_45, %dma_wait3A_48, %dma_wait3A_49, %dma_wait3A_50] : memref<2x8x8x128xf32, #tpu.memory_space<vmem>> -> memref<1x8x8x128xf32, #tpu.memory_space<vmem>>
    %dma_wait3A_52 = tpu.memref_squeeze %dma_wait3A_51 : memref<1x8x8x128xf32, #tpu.memory_space<vmem>> -> memref<8x8x128xf32, #tpu.memory_space<vmem>>
    %dma_wait3A_53 = arith.constant 0 : i32
    %dma_wait3A_54 = arith.constant 0 : i32
    %dma_wait3A_55 = arith.constant 0 : i32
    %dma_wait3A_56 = tpu.memref_slice %arg4[%dma_wait3A_46, %dma_wait3A_53, %dma_wait3A_47, %dma_wait3A_54, %dma_wait3A_55] : memref<200x8x32x8x128xf32, #tpu.memory_space<hbm>> -> memref<1x8x1x8x128xf32, #tpu.memory_space<hbm>>
    %dma_wait3A_57 = tpu.memref_squeeze %dma_wait3A_56 : memref<1x8x1x8x128xf32, #tpu.memory_space<hbm>> -> memref<8x8x128xf32, #tpu.memory_space<hbm>>
    %dma_wait3A_58 = arith.constant 0 : i32
    %dma_wait3A_59 = arith.constant 0 : i32
    %dma_wait3A_60 = arith.constant 0 : i32
    %dma_wait3A_61 = tpu.memref_slice %arg4[%dma_wait3A_46, %dma_wait3A_58, %dma_wait3A_47, %dma_wait3A_59, %dma_wait3A_60] : memref<200x8x32x8x128xf32, #tpu.memory_space<hbm>> -> memref<1x8x1x8x128xf32, #tpu.memory_space<hbm>>
    %dma_wait3A_62 = tpu.memref_squeeze %dma_wait3A_61 : memref<1x8x1x8x128xf32, #tpu.memory_space<hbm>> -> memref<8x8x128xf32, #tpu.memory_space<hbm>>
    %dma_wait3A_63 = arith.constant 0 : i32
    %dma_wait3A_64 = arith.constant 0 : i32
    %dma_wait3A_65 = arith.constant 0 : i32
    %dma_wait3A_66 = tpu.memref_slice %arg8[%dma_wait3A_45, %dma_wait3A_63, %dma_wait3A_64, %dma_wait3A_65] : memref<2x8x8x128xf32, #tpu.memory_space<vmem>> -> memref<1x8x8x128xf32, #tpu.memory_space<vmem>>
    %dma_wait3A_67 = tpu.memref_squeeze %dma_wait3A_66 : memref<1x8x8x128xf32, #tpu.memory_space<vmem>> -> memref<8x8x128xf32, #tpu.memory_space<vmem>>
    tpu.wait_dma2 semaphore(%arg12 : memref<!tpu.dma_semaphore, #tpu.memory_space<semaphore_mem>>) src(%dma_wait3A_67 : memref<8x8x128xf32, #tpu.memory_space<vmem>>) dst(%dma_wait3A_62 : memref<8x8x128xf32, #tpu.memory_space<hbm>>)
    return
  }
}

</mosaic_0001>

<sc_bundles>
// kernel: kernel.4.cloned.1.call-start
scs
__scs_entry_jumppad:
0x0: {  	(pc) =	sbr.rel $0x88, $3  }
0x1: {  	(tag) =	ssettag $0x0;
	lr =	simm.s32 $0x1  }
0x2: {  	[smem:$0x3F9F] =	sst lr;
	_ =	strace $0xD0000000  }
0x3: {  	_ = 	snop  }
0x4: {  	_ = 	snop  }
0x5: {  	_ = 	snop  }
0x6: {  	_ = 	snop  }
0x7: {  	_ = 	snop  }
__scs_overlays_trampoline_lowered:
0x8: {  	[smem:$0x3FAE] =	sst s0  }
0x9: {  	[smem:$0x3FAF] =	sst s1  }
0xa: {  	[smem:$0x3FB0] =	sst s2  }
0xb: {  	[smem:$0x3FB1] =	sst s3  }
0xc: {  	[smem:$0x3FB2] =	sst s4  }
0xd: {  	[smem:$0x3FB3] =	sst s5  }
0xe: {  	[smem:$0x3FB4] =	sst s6  }
0xf: {  	[smem:$0x3FB5] =	sst s7  }
0x10: {  	[smem:$0x3FB6] =	sst s8  }
0x11: {  	[smem:$0x3FB7] =	sst s9;
	s0 =	simm.s32 @!p0 $0x0  }
0x12: {  	s1 =	sld [smem:$0x3F9D];
	s0 =	simm.s32 @p0 $0x1  }
0x13: {  	[smem:$0x3FB8] =	sst s0;
	s0 =	simm.s32 @!p1 $0x0  }
0x14: {  	s2 =	sld [smem:$0x3F9C];
	s0 =	simm.s32 @p1 $0x1  }
0x15: {  	[smem:$0x3FB9] =	sst s0;
	s0 =	simm.s32 @!p2 $0x0  }
0x16: {  	s3 =	sld [smem:$0x3FDB];
	s0 =	simm.s32 @p2 $0x1  }
0x17: {  	s4 =	simm.s32 $0x1BF5;
	[smem:$0x3FBB] =	sst s0  }
0x18: {  	s0 =	sld [smem:$0x3F9E];
	_ =	swait.ge [sflag:s4], $0x0  }
0x19: {  	s7 =	sld [smem:$0x3F9F]  }
0x1a: {  	s8 =	sadd.s32 $0xFFFFE003, lr  }
0x1b: {  	s9 =	sadd.s32 $0xFFFFFEF7, lr;
	s5 =	simm.s32 $0xFFFFFFFF;
	p2 =	slt.u32 s8, $0xFFFFF086  }
0x1c: {  	p1 =	slt.u32 s9, $0xF7A;
	s5 =	simm.s32 @!p2 $0x0  }
0x1d: {  	s5 =	simm.s32 @p1 $0x1;
	p0 =	seq.s32 s7, s2  }
0x1e: {  	s7 =	smul.u32 @!p0 $0xF7A, s2;
	p2 =	seq.s32 @!p0 s5, $0x0  }
0x1f: {  	s9 =	smul.u32 $0xF7A, s1;
	s8 =	simm.s32 @!p0 $0x1BF5;
	p2 =	por !p2, p0  }
0x20: {  	[sflag:s8] =	ssyncset.s32 @!p0 $0xFFFFF086;
	s6 =	sadd.s32 @!p0 s3, s7;
	s7 =	simm.s32 @!p0 $0x108  }
0x21: {  	s3 =	sadd.s32 s3, s9;
	s6 =	sadd.s32 @!p0 $0x88, s6;
	s7 =	simm.s32 @p2 $0x1082  }
0x22: {  	[simem:s7], [sflag:s8] =	dma.local @!p0 [hbm:s6], $0xF7A  }
0x23: {  	s9 =	sor.u32 $0xD0000000, s2;
	s6 =	simm.s32 $0x108;
	_ =	swait.ge @!p0 [sflag:s8], $0x0  }
0x24: {  	s3 =	sadd.s32 $0x88, s3;
	s6 =	simm.s32 @!p1 $0x1082;
	[sflag:s4] =	ssyncset.s32 $0xFFFFF086  }
0x25: {  	[simem:s6], [sflag:s4] =	dma.local [hbm:s3], $0xF7A  }
0x26: {  	[smem:$0x3F9F] =	sst s1;
	(tag) =	ssettag s2;
	_ =	strace s9  }
0x27: {  	s1 =	sld [smem:$0x3FAF]  }
0x28: {  	s2 =	sld [smem:$0x3FB0]  }
0x29: {  	s4 =	sld [smem:$0x3FB2]  }
0x2a: {  	p0 =	seq.s32 s5, $0x0;
	s5 =	sld [smem:$0x3FB3]  }
0x2b: {  	s6 =	sld [smem:$0x3FB4]  }
0x2c: {  	s7 =	sld [smem:$0x3FB5]  }
0x2d: {  	s3 =	simm.s32 $0x108;
	s8 =	sld [smem:$0x3FB6]  }
0x2e: {  	s3 =	simm.s32 @!p0 $0x1082;
	s9 =	sld [smem:$0x3FB7]  }
0x2f: {  	lr =	sadd.s32 s0, s3;
	s0 =	sld [smem:$0x3FAE]  }
0x30: {  	s3 =	sld [smem:$0x3FB1]  }
0x31: {  	[smem:$0x3FBA] =	sst s10  }
0x32: {  	s10 =	sld [smem:$0x3FB8];
	_ =	sdelay $0x3  }
0x33: {  	p0 =	seq.s32 s10, $0x1;
	s10 =	sld [smem:$0x3FBA];
	_ =	sdelay $0x3  }
0x34: {  	[smem:$0x3FBA] =	sst s10  }
0x35: {  	s10 =	sld [smem:$0x3FB9];
	_ =	sdelay $0x3  }
0x36: {  	p1 =	seq.s32 s10, $0x1;
	s10 =	sld [smem:$0x3FBA];
	_ =	sdelay $0x3  }
0x37: {  	[smem:$0x3FBA] =	sst s10  }
0x38: {  	s10 =	sld [smem:$0x3FBB]  }
0x39: {  	_ = 	snop;
	(pc) =	sbr.ind lr, $3  }
0x3a: {  	_ = 	snop  }
0x3b: {  	_ = 	snop  }
0x3c: {  	p2 =	seq.s32 s10, $0x1;
	s10 =	sld [smem:$0x3FBA]  }
0x3d: {  	_ =	shalt  }
0x3e: {  	_ =	shalt  }
0x3f: {  	_ =	shalt  }
0x40: {  	_ =	shalt  }
0x41: {  	_ =	shalt  }
0x42: {  	_ =	shalt  }
0x43: {  	_ =	shalt  }
0x44: {  	_ =	shalt  }
0x45: {  	_ =	shalt  }
0x46: {  	_ =	shalt  }
0x47: {  	_ =	shalt  }
0x48: {  	_ =	shalt  }
0x49: {  	_ =	shalt  }
0x4a: {  	_ =	shalt  }
0x4b: {  	_ =	shalt  }
0x4c: {  	_ =	shalt  }
0x4d: {  	_ =	shalt  }
0x4e: {  	_ =	shalt  }
0x4f: {  	_ =	shalt  }
0x50: {  	_ =	shalt  }
0x51: {  	_ =	shalt  }
0x52: {  	_ =	shalt  }
0x53: {  	_ =	shalt  }
0x54: {  	_ =	shalt  }
0x55: {  	_ =	shalt  }
0x56: {  	_ =	shalt  }
0x57: {  	_ =	shalt  }
0x58: {  	_ =	shalt  }
0x59: {  	_ =	shalt  }
0x5a: {  	_ =	shalt  }
0x5b: {  	_ =	shalt  }
0x5c: {  	_ =	shalt  }
0x5d: {  	_ =	shalt  }
0x5e: {  	_ =	shalt  }
0x5f: {  	_ =	shalt  }
0x60: {  	_ =	shalt  }
0x61: {  	_ =	shalt  }
0x62: {  	_ =	shalt  }
0x63: {  	_ =	shalt  }
0x64: {  	_ =	shalt  }
0x65: {  	_ =	shalt  }
0x66: {  	_ =	shalt  }
0x67: {  	_ =	shalt  }
0x68: {  	_ =	shalt  }
0x69: {  	_ =	shalt  }
0x6a: {  	_ =	shalt  }
0x6b: {  	_ =	shalt  }
0x6c: {  	_ =	shalt  }
0x6d: {  	_ =	shalt  }
0x6e: {  	_ =	shalt  }
0x6f: {  	_ =	shalt  }
0x70: {  	_ =	shalt  }
0x71: {  	_ =	shalt  }
0x72: {  	_ =	shalt  }
0x73: {  	_ =	shalt  }
0x74: {  	_ =	shalt  }
0x75: {  	_ =	shalt  }
0x76: {  	_ =	shalt  }
0x77: {  	_ =	shalt  }
0x78: {  	_ =	shalt  }
0x79: {  	_ =	shalt  }
0x7a: {  	_ =	shalt  }
0x7b: {  	_ =	shalt  }
0x7c: {  	_ =	shalt  }
0x7d: {  	_ =	shalt  }
0x7e: {  	_ =	shalt  }
0x7f: {  	_ =	shalt  }
0x80: {  	_ =	shalt  }
0x81: {  	_ =	shalt  }
0x82: {  	_ =	shalt  }
0x83: {  	_ =	shalt  }
0x84: {  	_ =	shalt  }
0x85: {  	_ =	shalt  }
0x86: {  	_ =	shalt  }
0x87: {  	_ =	shalt  }
.Lfunc_end0:
.L_simem_size_0:
called_computation_lowered:
.L_overlay_start_0:
0x88: {  	s2 =	sld [smem:$0x3FD9]  }
0x89: {  	s3 =	sld [smem:$0x3FFE];
	_ =	sdelay $0x1  }
0x8a: {  	s1 =	srdreg.scid  }
0x8b: {  	s0 =	sand.u32 $0x1, s1  }
0x8c: {  	s17 =	sshll.u32 s0, $0xA;
	s2 =	sadd.s32 s3, s2  }
0x8d: {  	s2 =	sadd.s32 s2, s17  }
0x8e: {  	[smem:$0x3FC6] =	sst s2  }
0x8f: {  	_ = 	snop  }
0x90: {  	s2 =	sld [smem:$0x3FC8];
	(tm) =	ssettm $0x1  }
0x91: {  	s18 =	sld [smem:$0x3FFB];
	_ =	sdelay $0x3  }
0x92: {  	_ =	strace s18  }
0x93: {  	s3 =	sld [smem:$0x3FFC];
	_ =	sdelay $0x3  }
0x94: {  	_ =	strace s3  }
0x95: {  	s3 =	sld [smem:$0x3FFD];
	_ =	sdelay $0x3  }
0x96: {  	_ =	strace s3  }
0x97: {  	_ =	strace $0x8FFFFFFF  }
0x98: {  	s19 =	sld [smem:$0x3FDB];
	_ =	sdelay $0x1  }
0x99: {  	s4 =	simm.s32 $_scs_section_size  }
0x9a: {  	s5 =	simm.s32 $_size__tile_overlayer_lowered;
	s6 =	simm.s32 $_tile_overlayer_lowered  }
0x9b: {  	s22 =	simm.s32 $0x1BFF;
	s21 =	sshll.u32 s6, $0x1;
	s3 =	sadd.s32 s4, s19  }
0x9c: {  	s7 =	simm.s32 $0x0;
	s20 =	sshll.u32 s5, $0x1;
	s5 =	sadd.s32 s21, s3  }
0x9d: {  	[timem:s7], [sflag:s22] =	dma.local [hbm:s5], s20  }
0x9e: {  	_ =	swait.ge [sflag:s22], s20  }
0x9f: {  	s4 =	ssub.s32 $0x0, s20;
	[sflag:s22] =	ssyncset.done $0x0  }
0xa0: {  	[sflag:s22] =	ssyncadd.s32 s4;
	_ =	sdelay $0x1  }
0xa1: {  	s23 =	simm.s32 $0x1B8B  }
0xa2: {  	_ =	swait.ge [sflag:s23], $0x1  }
0xa3: {  	[sflag:s23] =	ssyncset.done $0x0  }
0xa4: {  	s25 =	simm.s32 $0x1B8E;
	s24 =	sld [smem:$0x3FFE];
	[sflag:s23] =	ssyncadd.s32 $0xFFFFFFFF  }
0xa5: {  	s26 =	simm.s32 $execute0_lowered;
	[smem:$0x3FD2] =	sst s25  }
0xa6: {  	s5 =	sshll.u32 s26, $0x1;
	_ =	strace $0x80000046;
	[dreg:$0x1] =	wrdreg $0xFFFFFFFF  }
0xa7: {  	s28 =	simm.s32 $_size_execute0_lowered;
	s3 =	sadd.s32 s3, s5;
	[dreg:$0x0] =	wrdreg $0x0  }
0xa8: {  	s5 =	sshll.u32 s28, $0x1;
	[dreg:$0x2] =	wrdreg s3  }
0xa9: {  	[dreg:$0x3] =	wrdreg s5  }
0xaa: {  	[dreg:$0x4] =	wrdreg $0xC0  }
0xab: {  	_ =	task [dreg:s7], $0x5FFFF  }
0xac: {  	[dreg:$0x1] =	wrdreg $0xFFFFFFFF  }
0xad: {  	[dreg:$0x0] =	wrdreg $0x60  }
0xae: {  	[dreg:$0x2] =	wrdreg s2  }
0xaf: {  	[dreg:$0x3] =	wrdreg s24  }
0xb0: {  	[dreg:$0x4] =	wrdreg $0x9  }
0xb1: {  	_ =	task.clear_ibuf [dreg:s7], $0x5FFFF;
	_ =	strace $0x90000046  }
0xb2: {  	s29 =	simm.s32 $0x9;
	_ =	strace $0x80000048  }
0xb3: {  	_ =	swait.ge [sflag:s29], $0x1  }
0xb4: {  	[sflag:s29] =	ssyncadd.s32 $0xFFFFFFFF  }
0xb5: {  	_ =	strace $0x90000048  }
0xb6: {  	_ =	sfence  }
0xb7: {  	s30 =	sld [smem:$0x0];
	_ =	sdelay $0x2  }
0xb8: {  	s31 =	sshll.u32 s1, $0xD;
	s1 =	sshrl.u32 s1, $0x2  }
0xb9: {  	s3 =	sand.u32 $0x4000, s31;
	s1 =	sadd.s32 s1, s30  }
0xba: {  	s0 =	sor.u32 s3, s0;
	s1 =	sshll.u32 s1, $0x11  }
0xbb: {  	s0 =	sor.u32 s1, s0  }
0xbc: {  	s0 =	sadd.s32 $0x8F2B, s0  }
0xbd: {  	[sflag:s0] =	ssyncadd.remote.s32 $0x1  }
0xbe: {  	_ =	sfence.sel $0xFFFF  }
0xbf: {  	[dreg:$0x0] =	wrdreg $0xFFFFFFFF;
	(pc) =	sbr.abs _section_cstart, $3  }
0xc0: {  	[dreg:$0x1] =	wrdreg $0xFFFFFFFF  }
0xc1: {  	_ =	task.clear_ibuf [dreg:s7], $0x2FFFF;
	_ =	strace $0x9FFFFFFF  }
0xc2: {  	(tm) =	ssettm $0x7FFFFFFF  }
0xc3: {  	_ =	shalt  }
tec
execute0_lowered:
.L_overlay_start_1:
0x0: {  	(tag) =	ssettag $0x1  }
0x1: {  	v0 =	vlaneseq.u32  }
0x2: {  	v59 =	vmul.u32 $0x40, v0  }
0x3: {  	v1 =	vor.u32 $0x50, v0  }
0x4: {  	[tilespmem:$0x1FD80] =	vst v1;
	v8 =	vor.u32 $0x1000, v59  }
0x5: {  	v1 =	vor.u32 $0x1400, v59;
	[tilespmem:$0x1FD70] =	vst v8  }
0x6: {  	s8 =	rddreg [dreg:$0x0];
	[tilespmem:$0x1FD90] =	vst v1;
	v1 =	vor.u32 $0x1010, v59  }
0x7: {  	s9 =	rddreg [dreg:$0x1];
	s2 =	simm.s32 $0x0;
	[tilespmem:$0x1FDA0] =	vst v1;
	v1 =	vor.u32 $0x870, v0  }
0x8: {  	[smem:$0x7FF] =	sst s2;
	[tilespmem:$0x1FDB0] =	vst v1;
	v1 =	vor.u32 $0x1070, v0  }
0x9: {  	s0 =	rddreg [dreg:$0x2];
	v19 =	vor.u32 $0x1800, v59;
	_ =	strace $0x80000047;
	[tilespmem:$0x1FDC0] =	vst v1  }
0xa: {  	v15 =	vor.u32 $0x70, v0;
	[tilespmem:$0x1FE00] =	vst v19  }
0xb: {  	v61 =	vor.u32 $0x1C00, v59;
	[tilespmem:$0x1FE10] =	vst v15  }
0xc: {  	v29 =	vor.u32 $0x840, v0;
	[tilespmem:$0x1FE20] =	vst v61  }
0xd: {  	v54 =	vor.u32 $0x850, v0;
	[tilespmem:$0x1FE30] =	vst v29  }
0xe: {  	v51 =	vor.u32 $0x1410, v59;
	[tilespmem:$0x1FE40] =	vst v54  }
0xf: {  	v30 =	vor.u32 $0x1810, v59;
	[tilespmem:$0x1FE50] =	vst v51  }
0x10: {  	v40 =	vor.u32 $0x1C10, v59;
	[tilespmem:$0x1FE60] =	vst v30  }
0x11: {  	v32 =	vor.u32 $0x1000, v0;
	[tilespmem:$0x1FE70] =	vst v40  }
0x12: {  	v33 =	vor.u32 $0x20, v59;
	[tilespmem:$0x1FE80] =	vst v32  }
0x13: {  	v34 =	vor.u32 $0x1010, v0;
	[tilespmem:$0x1FE90] =	vst v33  }
0x14: {  	v36 =	vor.u32 $0x1020, v0;
	[tilespmem:$0x1FEA0] =	vst v34  }
0x15: {  	v38 =	vor.u32 $0x1030, v0;
	[tilespmem:$0x1FEB0] =	vst v36  }
0x16: {  	v44 =	vor.u32 $0x1420, v59;
	[tilespmem:$0x1FEC0] =	vst v38  }
0x17: {  	v20 =	vor.u32 $0x1820, v59;
	[tilespmem:$0x1FED0] =	vst v44  }
0x18: {  	v37 =	vor.u32 $0x1C20, v59;
	[tilespmem:$0x1FEE0] =	vst v20  }
0x19: {  	v28 =	vor.u32 $0x1030, v59;
	[tilespmem:$0x1FEF0] =	vst v37  }
0x1a: {  	v24 =	vor.u32 $0x1870, v0;
	[tilespmem:$0x1FF00] =	vst v28  }
0x1b: {  	v12 =	vor.u32 $0x40, v0;
	[tilespmem:$0x1FF20] =	vst v24  }
0x1c: {  	v46 =	vor.u32 $0x1020, v59;
	[tilespmem:$0x1FF30] =	vst v12  }
0x1d: {  	v52 =	vor.u32 $0xC20, v59;
	[tilespmem:$0x1FF40] =	vst v46  }
0x1e: {  	v13 =	vor.u32 $0x1430, v59;
	[tilespmem:$0x1FF50] =	vst v52  }
0x1f: {  	v63 =	vor.u32 $0x1040, v0;
	[tilespmem:$0x1FF60] =	vst v13  }
0x20: {  	v47 =	vor.u32 $0x1050, v0;
	[tilespmem:$0x1FF70] =	vst v63  }
0x21: {  	s3 =	srdreg.scid;
	s1 =	stileid.u32;
	s13 =	simm.s32 $0x2;
	v58 =	vor.u32 $0x1850, v0;
	[tilespmem:$0x1FF80] =	vst v47  }
0x22: {  	s14 =	simm.s32 $0x2000;
	s15 =	simm.s32 $0x8000;
	s16 =	simm.s32 $0x3;
	v2 =	vor.u32 $0x10, v0;
	v14 =	vor.u32 $0x1860, v0;
	[tilespmem:$0x1FF90] =	vst v58  }
0x23: {  	s17 =	simm.s32 $0x4;
	s18 =	simm.s32 $0x1;
	s19 =	simm.s32 $0x6000;
	v45 =	vor.u32 $0x20, v0;
	v6 =	vor.u32 $0x30, v0;
	v57 =	vor.u32 $0x1060, v0;
	[tilespmem:$0x1FFA0] =	vst v14  }
0x24: {  	s21 =	simm.s32 $0x0;
	v25 =	vor.u32 $0x60, v0;
	v41 =	vor.u32 $0x800, v0;
	s3 =	sand.u32 $0x1, s3;
	s4 =	sshll.u32 s1, $0x1;
	v7 =	vor.u32 $0xC00, v59;
	[tilespmem:$0x1FFB0] =	vst v57  }
0x25: {  	v18 =	vor.u32 $0x810, v0;
	v43 =	vor.u32 $0x820, v0;
	s7 =	sadd.s32 $0xA00, s9;
	s9 =	sadd.s32 $0x7A1A00, s9;
	s5 =	ssub.s32 $0x2, s3;
	[tilespmem:$0x1FFC0] =	vst v7  }
0x26: {  	v22 =	vor.u32 $0x830, v0;
	v42 =	vor.u32 $0x860, v0;
	v23 =	vor.u32 $0x1800, v0;
	p0 =	sgt.u32 s1, $0x1;
	s20 =	sor.u32 s3, s4;
	s30 =	sshrl.u32 s5, $0x1;
	[tilespmem:$0x1FFD0] =	vst v2  }
0x27: {  	v53 =	vor.u32 $0x1810, v0;
	v55 =	vor.u32 $0x1830, v0;
	v17 =	vor.u32 $0x10, v59;
	s4 =	sshll.u32 s20, $0x7;
	s31 =	sshll.u32 s20, $0xA;
	s6 =	sor.u32 $0x1E80, s20;
	[tilespmem:$0x1FFE0] =	vst v25  }
.Ltmp0:
0x28: {  	v5 =	vor.u32 $0x800, v59;
	v16 =	vor.u32 $0x410, v59;
	p1 =	sne.s32 s20, $0x4;
	s20 =	simm.s32 $0x4000;
	v1 =	vor.u32 $0x1820, v0;
	[tilespmem:$0x1FFF0] =	vst v17;
	(pc) =	sbr.rel .LBB2_1-.Ltmp0, $4  }
0x29: {  	v21 =	vor.u32 $0x810, v59;
	v31 =	vor.u32 $0xC10, v59;
	s10 =	ssub.s32 s5, s30;
	s3 =	sadd.s32 s8, s4;
	s5 =	sadd.s32 s7, s31;
	[tilespmem:$0x1FDD0] =	vst v1;
	v1 =	vor.u32 $0x830, v59  }
0x2a: {  	v56 =	vor.u32 $0x420, v59;
	v39 =	vor.u32 $0x820, v59;
	s11 =	sshll.u32 s6, $0x7;
	s12 =	sshll.u32 s6, $0xA;
	s4 =	sadd.s32 $0x1000, s3;
	[tilespmem:$0x1FDE0] =	vst v1;
	v1 =	vor.u32 $0x1840, v0  }
0x2b: {  	v60 =	vor.u32 $0x30, v59;
	v50 =	vor.u32 $0x430, v59;
	s6 =	sadd.s32 s8, s11;
	s7 =	sadd.s32 s7, s12;
	s8 =	sadd.s32 $0xF4200, s8;
	[tilespmem:$0x1FDF0] =	vst v1;
	v1 =	vor.u32 $0x1830, v59  }
0x2c: {  	v3 =	vor.u32 $0x400, v59;
	v48 =	vor.u32 $0xC30, v59;
	v26 =	vor.u32 $0x1C30, v59;
	s10 =	smax.u32 s10, $0x1;
	s11 =	simm.s32 $0x400;
	s12 =	simm.s32 $0x7A1400;
	[tilespmem:$0x1FF10] =	vst v1  }
.LBB2_17:
0x2d: {  	_ =	sdelay $0x2  }
0x2e: {  	v10 =	vand.u32 $0xF, v11  }
0x2f: {  	v9 =	vld.idx.msk [tilespmem:v9+s20+$0x0], $0xffff;
	v8 =	vor.u32 v48, v8;
	v12 =	vshll.u32 v10, $0x7  }
0x30: {  	v13 =	vor.u32 v0, v12;
	_ =	sdelay $0x3  }
0x31: {  	[tilespmem:v8+s15+$0x0] =	vst.idx.msk $0xffff, v9  }
0x32: {  	v35 =	vor.u32 v59, v10;
	v8 =	vld.idx.msk [tilespmem:v13+s20+$0x0], $0xffff  }
0x33: {  	v13 =	vor.u32 v2, v12;
	_ =	sdelay $0x3  }
0x34: {  	[tilespmem:v35+s15+$0x0] =	vst.idx.msk $0xffff, v8  }
0x35: {  	v37 =	vor.u32 v3, v10;
	v8 =	vld.idx.msk [tilespmem:v13+s20+$0x0], $0xffff  }
0x36: {  	v13 =	vor.u32 v45, v12;
	_ =	sdelay $0x3  }
0x37: {  	[tilespmem:v37+s15+$0x0] =	vst.idx.msk $0xffff, v8  }
0x38: {  	v40 =	vor.u32 v5, v10;
	v8 =	vld.idx.msk [tilespmem:v13+s20+$0x0], $0xffff  }
0x39: {  	v13 =	vor.u32 v6, v12;
	_ =	sdelay $0x3  }
0x3a: {  	[tilespmem:v40+s15+$0x0] =	vst.idx.msk $0xffff, v8  }
0x3b: {  	v44 =	vor.u32 v7, v10;
	v8 =	vld.idx.msk [tilespmem:v13+s20+$0x0], $0xffff  }
0x3c: {  	v13 =	vor.u32 v41, v12;
	_ =	sdelay $0x3  }
0x3d: {  	[tilespmem:v44+s15+$0x0] =	vst.idx.msk $0xffff, v8  }
0x3e: {  	v51 =	vor.u32 v17, v11;
	v8 =	vld.idx.msk [tilespmem:v13+s20+$0x0], $0xffff  }
0x3f: {  	v13 =	vor.u32 v18, v12;
	_ =	sdelay $0x3  }
0x40: {  	[tilespmem:v51+s15+$0x0] =	vst.idx.msk $0xffff, v8  }
0x41: {  	v54 =	vor.u32 v16, v11;
	v8 =	vld.idx.msk [tilespmem:v13+s20+$0x0], $0xffff  }
0x42: {  	v13 =	vor.u32 v43, v12;
	_ =	sdelay $0x3  }
0x43: {  	[tilespmem:v54+s15+$0x0] =	vst.idx.msk $0xffff, v8  }
0x44: {  	v61 =	vor.u32 v21, v11;
	v8 =	vld.idx.msk [tilespmem:v13+s20+$0x0], $0xffff  }
0x45: {  	v13 =	vor.u32 v22, v12;
	_ =	sdelay $0x3  }
0x46: {  	[tilespmem:v61+s15+$0x0] =	vst.idx.msk $0xffff, v8  }
0x47: {  	v62 =	vor.u32 v31, v11;
	v8 =	vld.idx.msk [tilespmem:v13+s20+$0x0], $0xffff  }
0x48: {  	v13 =	vor.u32 v32, v12;
	_ =	sdelay $0x3  }
0x49: {  	[tilespmem:v62+s15+$0x0] =	vst.idx.msk $0xffff, v8  }
0x4a: {  	v33 =	vor.u32 v33, v10;
	v8 =	vld.idx.msk [tilespmem:v13+s20+$0x0], $0xffff  }
0x4b: {  	v13 =	vor.u32 v34, v12;
	_ =	sdelay $0x3  }
0x4c: {  	[tilespmem:v33+s15+$0x0] =	vst.idx.msk $0xffff, v8  }
0x4d: {  	v34 =	vor.u32 v56, v10;
	v8 =	vld.idx.msk [tilespmem:v13+s20+$0x0], $0xffff  }
0x4e: {  	v13 =	vor.u32 v36, v12;
	_ =	sdelay $0x3  }
0x4f: {  	[tilespmem:v34+s15+$0x0] =	vst.idx.msk $0xffff, v8  }
0x50: {  	v35 =	vor.u32 v39, v10;
	v8 =	vld.idx.msk [tilespmem:v13+s20+$0x0], $0xffff  }
0x51: {  	v13 =	vor.u32 v38, v12;
	_ =	sdelay $0x3  }
0x52: {  	[tilespmem:v35+s15+$0x0] =	vst.idx.msk $0xffff, v8  }
0x53: {  	v36 =	vor.u32 v52, v10;
	v8 =	vld.idx.msk [tilespmem:v13+s20+$0x0], $0xffff  }
0x54: {  	v37 =	vor.u32 v23, v12;
	_ =	sdelay $0x3  }
0x55: {  	[tilespmem:v36+s15+$0x0] =	vst.idx.msk $0xffff, v8  }
0x56: {  	v38 =	vor.u32 v60, v11;
	v8 =	vld.idx.msk [tilespmem:v37+s20+$0x0], $0xffff  }
0x57: {  	v40 =	vor.u32 v53, v12  }
0x58: {  	v4 =	vld [tilespmem:$0x1FDD0];
	_ =	sdelay $0x2  }
0x59: {  	[tilespmem:v38+s15+$0x0] =	vst.idx.msk $0xffff, v8  }
0x5a: {  	v44 =	vor.u32 v50, v11;
	v8 =	vld.idx.msk [tilespmem:v40+s20+$0x0], $0xffff  }
0x5b: {  	v51 =	vor.u32 v4, v12;
	v4 =	vld [tilespmem:$0x1FDE0];
	_ =	sdelay $0x3  }
0x5c: {  	[tilespmem:v44+s15+$0x0] =	vst.idx.msk $0xffff, v8  }
0x5d: {  	v54 =	vor.u32 v4, v11;
	v8 =	vld.idx.msk [tilespmem:v51+s20+$0x0], $0xffff  }
0x5e: {  	v61 =	vor.u32 v55, v12;
	_ =	sdelay $0x3  }
0x5f: {  	[tilespmem:v54+s15+$0x0] =	vst.idx.msk $0xffff, v8  }
0x60: {  	v62 =	vor.u32 v48, v11;
	v8 =	vld.idx.msk [tilespmem:v61+s20+$0x0], $0xffff;
	_ =	sdelay $0x4  }
0x61: {  	[tilespmem:v62+s15+$0x0] =	vst.idx.msk $0xffff, v8  }
0x62: {  	[hbm4b:s9+s2] =	stream.linear.scatter [tilespmem:s15], [sflag:$0x4], $0x1000, $0x38;
	[tilespmem:$0xA000] =	vst v63  }
0x63: {  	_ =	swait.ge [sflag:s17], $0x1000  }
0x64: {  	[sflag:s17] =	ssyncset.done $0x0  }
0x65: {  	v12 =	vmov v14;
	v14 =	vmov v1;
	v13 =	vmov v49;
	[sflag:s17] =	ssyncadd.s32 $0xFFFFF000  }
.LBB2_18:
0x66: {  	s21 =	sadd.s32 $0x1, s21  }
0x67: {  	p2 =	sne.s32 s21, s10  }
.Ltmp1:
0x68: {  	_ = 	snop;
	(pc) =	sbr.rel @!p2 .LBB2_19-.Ltmp1, $1  }
0x69: {  	_ =	sdelay $0x3  }
.LBB2_1:
.Ltmp2:
0x6a: {  	v36 =	vld [tilespmem:$0x1FDC0];
	(pc) =	sbr.rel .LBB2_2-.Ltmp2, $4  }
0x6b: {  	v44 =	vld [tilespmem:$0x1FDB0]  }
0x6c: {  	v28 =	vld [tilespmem:$0x1FDA0]  }
0x6d: {  	[tilespmem:s2], [sflag:$0x1] =	stream.strided.gather [hbm4b:s3+s11], $0x2000, s12, s11, $0x38;
	v15 =	vld [tilespmem:$0x1FD80]  }
0x6e: {  	s22 =	simm.s32 $0x0;
	v29 =	vld [tilespmem:$0x1FDF0];
	v20 =	vmov v14  }
.LBB2_9:
0x6f: {  	s22 =	sadd.s32 $0x1, s22  }
0x70: {  	p2 =	sne.s32 s22, $0xF4  }
.Ltmp3:
0x71: {  	_ = 	snop;
	(pc) =	sbr.rel @!p2 .LBB2_10-.Ltmp3, $1  }
0x72: {  	_ =	sdelay $0x3  }
.LBB2_2:
0x73: {  	s23 =	sand.u32 $0x1, s22  }
0x74: {  	p2 =	seq.s32 s23, $0x1  }
.Ltmp4:
0x75: {  	_ = 	snop;
	(pc) =	sbr.rel @p2 .LBB2_6-.Ltmp4, $1  }
0x76: {  	_ =	sdelay $0x3  }
0x77: {  	s24 =	sshll.u32 s22, $0xC;
	s25 =	simm.s32 $0x0  }
0x78: {  	v8 =	vadd.s32 s25, v0;
	s24 =	sadd.s32 s24, s4  }
0x79: {  	[tilespmem:s14], [sflag:$0x2] =	stream.strided.gather [hbm4b:s24+s11], $0x2000, s12, s11, $0x38;
	v10 =	vand.u32 $0xF, v8;
	[tilespmem:$0xA000] =	vst v63  }
0x7a: {  	_ =	swait.ge [sflag:s18], $0x2000;
	v9 =	vshll.u32 v10, $0x7  }
0x7b: {  	p2 =	slt.u32 s22, $0x2;
	[sflag:s18] =	ssyncset.done $0x0;
	v11 =	vor.u32 v0, v9  }
0x7c: {  	s24 =	simm.s32 @!p2 $0x3;
	[sflag:s18] =	ssyncadd.s32 $0xFFFFE000  }
0x7d: {  	_ =	swait.ge @!p2 [sflag:s24], $0x2000  }
0x7e: {  	[sflag:s24] =	ssyncset.done @!p2 $0x0  }
0x7f: {  	[sflag:s24] =	ssyncadd.s32 @!p2 $0xFFFFE000  }
0x80: {  	v0 =	vld.idx.msk [tilespmem:v11+s2+$0x0], $0xffff;
	v11 =	vor.u32 v59, v10  }
0x81: {  	v1 =	vor.u32 v2, v9;
	_ =	sdelay $0x3  }
0x82: {  	[tilespmem:v11+s19+$0x0] =	vst.idx.msk $0xffff, v0  }
0x83: {  	v11 =	vor.u32 v3, v10;
	v0 =	vld.idx.msk [tilespmem:v1+s2+$0x0], $0xffff  }
0x84: {  	v1 =	vor.u32 v45, v9;
	_ =	sdelay $0x3  }
0x85: {  	[tilespmem:v11+s19+$0x0] =	vst.idx.msk $0xffff, v0  }
0x86: {  	v11 =	vor.u32 v5, v10;
	v0 =	vld.idx.msk [tilespmem:v1+s2+$0x0], $0xffff  }
0x87: {  	v1 =	vor.u32 v6, v9;
	_ =	sdelay $0x3  }
0x88: {  	[tilespmem:v11+s19+$0x0] =	vst.idx.msk $0xffff, v0  }
0x89: {  	v11 =	vor.u32 v7, v10;
	v0 =	vld.idx.msk [tilespmem:v1+s2+$0x0], $0xffff  }
0x8a: {  	v1 =	vor.u32 v12, v9;
	_ =	sdelay $0x3  }
0x8b: {  	[tilespmem:v11+s19+$0x0] =	vst.idx.msk $0xffff, v0  }
0x8c: {  	v4 =	vld.idx.msk [tilespmem:v1+s2+$0x0], $0xffff  }
0x8d: {  	v1 =	vmov v15;
	v15 =	vld [tilespmem:$0x1FD70];
	_ =	sdelay $0x4  }
0x8e: {  	v11 =	vor.u32 v15, v10;
	_ =	sdelay $0x4  }
0x8f: {  	v0 =	vmov v1;
	v1 =	vor.u32 v1, v9;
	[tilespmem:v11+s19+$0x0] =	vst.idx.msk $0xffff, v4;
	v4 =	vld [tilespmem:$0x1FD90];
	_ =	sdelay $0x4  }
0x90: {  	v24 =	vmov v25;
	v14 =	vld.idx.msk [tilespmem:v1+s2+$0x0], $0xffff;
	v11 =	vor.u32 v4, v10  }
0x91: {  	v62 =	vmov v23;
	v19 =	vor.u32 v24, v9;
	v23 =	vld [tilespmem:$0x1FE00]  }
0x92: {  	v40 =	vld [tilespmem:$0x1FE10];
	_ =	sdelay $0x2  }
0x93: {  	[tilespmem:v11+s19+$0x0] =	vst.idx.msk $0xffff, v14  }
0x94: {  	v11 =	vor.u32 v23, v10;
	v14 =	vld.idx.msk [tilespmem:v19+s2+$0x0], $0xffff  }
0x95: {  	v19 =	vor.u32 v40, v9;
	_ =	sdelay $0x3  }
0x96: {  	[tilespmem:v11+s19+$0x0] =	vst.idx.msk $0xffff, v14  }
0x97: {  	v14 =	vld.idx.msk [tilespmem:v19+s2+$0x0], $0xffff  }
0x98: {  	v19 =	vld [tilespmem:$0x1FE20];
	_ =	sdelay $0x4  }
0x99: {  	v11 =	vor.u32 v19, v10  }
0x9a: {  	v1 =	vmov v24;
	v24 =	vor.u32 v41, v9;
	_ =	sdelay $0x3  }
0x9b: {  	[tilespmem:v11+s19+$0x0] =	vst.idx.msk $0xffff, v14  }
0x9c: {  	v11 =	vor.u32 v17, v8;
	v14 =	vld.idx.msk [tilespmem:v24+s2+$0x0], $0xffff  }
0x9d: {  	v24 =	vor.u32 v18, v9;
	_ =	sdelay $0x3  }
0x9e: {  	[tilespmem:v11+s19+$0x0] =	vst.idx.msk $0xffff, v14  }
0x9f: {  	v11 =	vor.u32 v16, v8;
	v14 =	vld.idx.msk [tilespmem:v24+s2+$0x0], $0xffff  }
0xa0: {  	v24 =	vor.u32 v43, v9;
	_ =	sdelay $0x3  }
0xa1: {  	[tilespmem:v11+s19+$0x0] =	vst.idx.msk $0xffff, v14  }
0xa2: {  	v11 =	vor.u32 v21, v8;
	v14 =	vld.idx.msk [tilespmem:v24+s2+$0x0], $0xffff  }
0xa3: {  	v24 =	vor.u32 v22, v9  }
0xa4: {  	v30 =	vld [tilespmem:$0x1FE30];
	_ =	sdelay $0x2  }
0xa5: {  	[tilespmem:v11+s19+$0x0] =	vst.idx.msk $0xffff, v14  }
0xa6: {  	v11 =	vor.u32 v31, v8;
	v14 =	vld.idx.msk [tilespmem:v24+s2+$0x0], $0xffff  }
0xa7: {  	v24 =	vor.u32 v30, v9  }
0xa8: {  	v32 =	vld [tilespmem:$0x1FE40];
	_ =	sdelay $0x2  }
0xa9: {  	[tilespmem:v11+s19+$0x0] =	vst.idx.msk $0xffff, v14  }
0xaa: {  	v11 =	vor.u32 v28, v8;
	v14 =	vld.idx.msk [tilespmem:v24+s2+$0x0], $0xffff  }
0xab: {  	v38 =	vld [tilespmem:$0x1FE50];
	v24 =	vor.u32 v32, v9;
	_ =	sdelay $0x3  }
0xac: {  	[tilespmem:v11+s19+$0x0] =	vst.idx.msk $0xffff, v14  }
0xad: {  	v11 =	vor.u32 v38, v8;
	v14 =	vld.idx.msk [tilespmem:v24+s2+$0x0], $0xffff  }
0xae: {  	v61 =	vmov v43;
	v43 =	vld [tilespmem:$0x1FE60];
	v24 =	vor.u32 v42, v9;
	_ =	sdelay $0x3  }
0xaf: {  	[tilespmem:v11+s19+$0x0] =	vst.idx.msk $0xffff, v14  }
0xb0: {  	v11 =	vor.u32 v43, v8;
	v14 =	vld.idx.msk [tilespmem:v24+s2+$0x0], $0xffff;
	_ =	sdelay $0x3  }
0xb1: {  	v33 =	vld [tilespmem:$0x1FE70];
	v24 =	vor.u32 v44, v9  }
0xb2: {  	[tilespmem:v11+s19+$0x0] =	vst.idx.msk $0xffff, v14;
	v14 =	vmov v29;
	v29 =	vmov v46;
	v46 =	vld [tilespmem:$0x1FE80];
	_ =	sdelay $0x3  }
0xb3: {  	v11 =	vor.u32 v33, v8;
	v24 =	vld.idx.msk [tilespmem:v24+s2+$0x0], $0xffff  }
0xb4: {  	v28 =	vmov v47;
	v47 =	vld [tilespmem:$0x1FE90];
	v27 =	vor.u32 v46, v9  }
0xb5: {  	v35 =	vld [tilespmem:$0x1FEA0];
	_ =	sdelay $0x2  }
0xb6: {  	[tilespmem:v11+s19+$0x0] =	vst.idx.msk $0xffff, v24  }
0xb7: {  	v11 =	vor.u32 v47, v10;
	v24 =	vld.idx.msk [tilespmem:v27+s2+$0x0], $0xffff  }
0xb8: {  	v34 =	vor.u32 v35, v9  }
0xb9: {  	v37 =	vld [tilespmem:$0x1FEB0];
	_ =	sdelay $0x2  }
0xba: {  	[tilespmem:v11+s19+$0x0] =	vst.idx.msk $0xffff, v24  }
0xbb: {  	v11 =	vor.u32 v56, v10;
	v34 =	vld.idx.msk [tilespmem:v34+s2+$0x0], $0xffff  }
0xbc: {  	v49 =	vor.u32 v37, v9  }
0xbd: {  	v27 =	vmov v39;
	v39 =	vld [tilespmem:$0x1FEC0];
	_ =	sdelay $0x2  }
0xbe: {  	[tilespmem:v11+s19+$0x0] =	vst.idx.msk $0xffff, v34  }
0xbf: {  	v11 =	vor.u32 v27, v10;
	v34 =	vld.idx.msk [tilespmem:v49+s2+$0x0], $0xffff  }
0xc0: {  	v49 =	vor.u32 v39, v9;
	_ =	sdelay $0x3  }
0xc1: {  	[tilespmem:v11+s19+$0x0] =	vst.idx.msk $0xffff, v34  }
0xc2: {  	v11 =	vor.u32 v52, v10;
	v49 =	vld.idx.msk [tilespmem:v49+s2+$0x0], $0xffff  }
0xc3: {  	v54 =	vmovc v12;
	v12 =	vmov v55;
	v55 =	vmov v27;
	v27 =	vor.u32 v63, v9;
	_ =	sdelay $0x3  }
0xc4: {  	[tilespmem:v11+s19+$0x0] =	vst.idx.msk $0xffff, v49  }
0xc5: {  	v11 =	vor.u32 v29, v10;
	v27 =	vld.idx.msk [tilespmem:v27+s2+$0x0], $0xffff  }
0xc6: {  	v29 =	vmov v60;
	v60 =	vmov v28;
	v28 =	vor.u32 v28, v9;
	_ =	sdelay $0x3  }
0xc7: {  	[tilespmem:v11+s19+$0x0] =	vst.idx.msk $0xffff, v27  }
0xc8: {  	v27 =	vld.idx.msk [tilespmem:v28+s2+$0x0], $0xffff  }
0xc9: {  	v28 =	vmov v57;
	v57 =	vld [tilespmem:$0x1FED0];
	_ =	sdelay $0x4  }
0xca: {  	v11 =	vor.u32 v57, v10  }
0xcb: {  	v52 =	vmov v36;
	v36 =	vld [tilespmem:$0x1FEE0];
	v28 =	vor.u32 v28, v9;
	_ =	sdelay $0x3  }
0xcc: {  	[tilespmem:v11+s19+$0x0] =	vst.idx.msk $0xffff, v27  }
0xcd: {  	v11 =	vor.u32 v36, v10;
	v27 =	vld.idx.msk [tilespmem:v28+s2+$0x0], $0xffff  }
0xce: {  	v24 =	vmov v56;
	v56 =	vld [tilespmem:$0x1FEF0];
	v28 =	vor.u32 v52, v9;
	_ =	sdelay $0x3  }
0xcf: {  	[tilespmem:v11+s19+$0x0] =	vst.idx.msk $0xffff, v27  }
0xd0: {  	v10 =	vor.u32 v56, v10;
	v27 =	vld.idx.msk [tilespmem:v28+s2+$0x0], $0xffff  }
0xd1: {  	v11 =	vor.u32 v62, v9;
	_ =	sdelay $0x3  }
0xd2: {  	[tilespmem:v10+s19+$0x0] =	vst.idx.msk $0xffff, v27  }
0xd3: {  	v28 =	vmov v14;
	v14 =	vld.idx.msk [tilespmem:v11+s2+$0x0], $0xffff;
	v11 =	vor.u32 v29, v8  }
0xd4: {  	v10 =	vor.u32 v53, v9;
	_ =	sdelay $0x3  }
0xd5: {  	v51 =	vmov v20;
	v20 =	vmov v58;
	v58 =	vmov v63;
	v63 =	vld [tilespmem:$0x1FDD0];
	[tilespmem:v11+s19+$0x0] =	vst.idx.msk $0xffff, v14  }
0xd6: {  	v11 =	vor.u32 v50, v8;
	v14 =	vld.idx.msk [tilespmem:v10+s2+$0x0], $0xffff;
	_ =	sdelay $0x4  }
0xd7: {  	v10 =	vor.u32 v63, v9;
	[tilespmem:v11+s19+$0x0] =	vst.idx.msk $0xffff, v14;
	v14 =	vld [tilespmem:$0x1FDE0];
	_ =	sdelay $0x4  }
0xd8: {  	v27 =	vld.idx.msk [tilespmem:v10+s2+$0x0], $0xffff;
	v11 =	vor.u32 v14, v8  }
0xd9: {  	v10 =	vor.u32 v12, v9;
	_ =	sdelay $0x3  }
0xda: {  	[tilespmem:v11+s19+$0x0] =	vst.idx.msk $0xffff, v27  }
0xdb: {  	v11 =	vor.u32 v48, v8;
	v27 =	vld.idx.msk [tilespmem:v10+s2+$0x0], $0xffff;
	_ =	sdelay $0x4  }
0xdc: {  	v10 =	vor.u32 v28, v9;
	[tilespmem:v11+s19+$0x0] =	vst.idx.msk $0xffff, v27;
	v27 =	vld [tilespmem:$0x1FF00];
	_ =	sdelay $0x4  }
0xdd: {  	v28 =	vld.idx.msk [tilespmem:v10+s2+$0x0], $0xffff;
	v11 =	vor.u32 v27, v8  }
0xde: {  	v10 =	vor.u32 v20, v9;
	_ =	sdelay $0x3  }
0xdf: {  	[tilespmem:v11+s19+$0x0] =	vst.idx.msk $0xffff, v28  }
0xe0: {  	v52 =	vmov v20;
	v11 =	vor.u32 v13, v8;
	v20 =	vld.idx.msk [tilespmem:v10+s2+$0x0], $0xffff;
	_ =	sdelay $0x4  }
0xe1: {  	v10 =	vor.u32 v51, v9;
	[tilespmem:v11+s19+$0x0] =	vst.idx.msk $0xffff, v20;
	v20 =	vld [tilespmem:$0x1FF10];
	_ =	sdelay $0x3  }
0xe2: {  	v28 =	vld [tilespmem:$0x1FF20]  }
0xe3: {  	v10 =	vld.idx.msk [tilespmem:v10+s2+$0x0], $0xffff;
	v11 =	vor.u32 v20, v8;
	_ =	sdelay $0x3  }
0xe4: {  	v25 =	vlaneseq.u32;
	s31 =	simm.s32 $0x1;
	v34 =	vmov v53;
	v49 =	vmov v12  }
0xe5: {  	s24 =	simm.s32 $0x2;
	v53 =	vmovc v54;
	v54 =	vmov v13;
	v9 =	vor.u32 v28, v9;
	[tilespmem:v11+s19+$0x0] =	vst.idx.msk $0xffff, v10;
	v11 =	vadd.s32 s31, v25  }
.LBB2_4:
0xe6: {  	_ =	sdelay $0x2  }
0xe7: {  	v10 =	vand.u32 $0xF, v11  }
0xe8: {  	v12 =	vld.idx.msk [tilespmem:v9+s2+$0x0], $0xffff;
	v13 =	vor.u32 v26, v8;
	v9 =	vshll.u32 v10, $0x7  }
0xe9: {  	v8 =	vmov v11;
	v11 =	vor.u32 v25, v9;
	_ =	sdelay $0x3  }
0xea: {  	[tilespmem:v13+s19+$0x0] =	vst.idx.msk $0xffff, v12  }
0xeb: {  	v12 =	vor.u32 v59, v10;
	v11 =	vld.idx.msk [tilespmem:v11+s2+$0x0], $0xffff  }
0xec: {  	v13 =	vor.u32 v2, v9;
	_ =	sdelay $0x3  }
0xed: {  	[tilespmem:v12+s19+$0x0] =	vst.idx.msk $0xffff, v11  }
0xee: {  	v12 =	vor.u32 v3, v10;
	v11 =	vld.idx.msk [tilespmem:v13+s2+$0x0], $0xffff  }
0xef: {  	v13 =	vor.u32 v45, v9;
	_ =	sdelay $0x3  }
0xf0: {  	[tilespmem:v12+s19+$0x0] =	vst.idx.msk $0xffff, v11  }
0xf1: {  	v12 =	vor.u32 v5, v10;
	v11 =	vld.idx.msk [tilespmem:v13+s2+$0x0], $0xffff  }
0xf2: {  	v13 =	vor.u32 v6, v9;
	_ =	sdelay $0x3  }
0xf3: {  	[tilespmem:v12+s19+$0x0] =	vst.idx.msk $0xffff, v11  }
0xf4: {  	v12 =	vor.u32 v7, v10;
	v11 =	vld.idx.msk [tilespmem:v13+s2+$0x0], $0xffff  }
0xf5: {  	v13 =	vor.u32 v53, v9;
	_ =	sdelay $0x3  }
0xf6: {  	[tilespmem:v12+s19+$0x0] =	vst.idx.msk $0xffff, v11  }
0xf7: {  	v12 =	vor.u32 v15, v10;
	v11 =	vld.idx.msk [tilespmem:v13+s2+$0x0], $0xffff  }
0xf8: {  	v13 =	vor.u32 v0, v9;
	_ =	sdelay $0x3  }
0xf9: {  	[tilespmem:v12+s19+$0x0] =	vst.idx.msk $0xffff, v11  }
0xfa: {  	v12 =	vor.u32 v4, v10;
	v11 =	vld.idx.msk [tilespmem:v13+s2+$0x0], $0xffff  }
0xfb: {  	v13 =	vor.u32 v1, v9;
	_ =	sdelay $0x3  }
0xfc: {  	[tilespmem:v12+s19+$0x0] =	vst.idx.msk $0xffff, v11  }
0xfd: {  	v12 =	vor.u32 v23, v10;
	v11 =	vld.idx.msk [tilespmem:v13+s2+$0x0], $0xffff  }
0xfe: {  	v13 =	vor.u32 v40, v9;
	_ =	sdelay $0x3  }
0xff: {  	[tilespmem:v12+s19+$0x0] =	vst.idx.msk $0xffff, v11  }
0x100: {  	v12 =	vor.u32 v19, v10;
	v11 =	vld.idx.msk [tilespmem:v13+s2+$0x0], $0xffff  }
0x101: {  	v13 =	vor.u32 v41, v9;
	_ =	sdelay $0x3  }
0x102: {  	[tilespmem:v12+s19+$0x0] =	vst.idx.msk $0xffff, v11  }
0x103: {  	v12 =	vor.u32 v17, v8;
	v11 =	vld.idx.msk [tilespmem:v13+s2+$0x0], $0xffff  }
0x104: {  	v13 =	vor.u32 v18, v9;
	_ =	sdelay $0x3  }
0x105: {  	[tilespmem:v12+s19+$0x0] =	vst.idx.msk $0xffff, v11  }
0x106: {  	v12 =	vor.u32 v16, v8;
	v11 =	vld.idx.msk [tilespmem:v13+s2+$0x0], $0xffff  }
0x107: {  	v13 =	vor.u32 v61, v9;
	_ =	sdelay $0x3  }
0x108: {  	[tilespmem:v12+s19+$0x0] =	vst.idx.msk $0xffff, v11  }
0x109: {  	v12 =	vor.u32 v21, v8;
	v11 =	vld.idx.msk [tilespmem:v13+s2+$0x0], $0xffff  }
0x10a: {  	v13 =	vor.u32 v22, v9;
	_ =	sdelay $0x3  }
0x10b: {  	[tilespmem:v12+s19+$0x0] =	vst.idx.msk $0xffff, v11  }
0x10c: {  	v12 =	vor.u32 v31, v8;
	v11 =	vld.idx.msk [tilespmem:v13+s2+$0x0], $0xffff;
	_ =	sdelay $0x4  }
0x10d: {  	v13 =	vor.u32 v30, v9;
	[tilespmem:v12+s19+$0x0] =	vst.idx.msk $0xffff, v11;
	v12 =	vld [tilespmem:$0x1FDA0];
	_ =	sdelay $0x4  }
0x10e: {  	v11 =	vld.idx.msk [tilespmem:v13+s2+$0x0], $0xffff;
	v12 =	vor.u32 v12, v8  }
0x10f: {  	v13 =	vor.u32 v32, v9;
	_ =	sdelay $0x3  }
0x110: {  	[tilespmem:v12+s19+$0x0] =	vst.idx.msk $0xffff, v11  }
0x111: {  	v12 =	vor.u32 v38, v8;
	v11 =	vld.idx.msk [tilespmem:v13+s2+$0x0], $0xffff  }
0x112: {  	v13 =	vor.u32 v42, v9;
	_ =	sdelay $0x3  }
0x113: {  	[tilespmem:v12+s19+$0x0] =	vst.idx.msk $0xffff, v11  }
0x114: {  	v12 =	vor.u32 v43, v8;
	v11 =	vld.idx.msk [tilespmem:v13+s2+$0x0], $0xffff  }
0x115: {  	v13 =	vor.u32 v44, v9;
	_ =	sdelay $0x3  }
0x116: {  	[tilespmem:v12+s19+$0x0] =	vst.idx.msk $0xffff, v11  }
0x117: {  	v12 =	vor.u32 v33, v8;
	v11 =	vld.idx.msk [tilespmem:v13+s2+$0x0], $0xffff  }
0x118: {  	v13 =	vor.u32 v46, v9;
	_ =	sdelay $0x3  }
0x119: {  	[tilespmem:v12+s19+$0x0] =	vst.idx.msk $0xffff, v11  }
0x11a: {  	v12 =	vor.u32 v47, v10;
	v11 =	vld.idx.msk [tilespmem:v13+s2+$0x0], $0xffff  }
0x11b: {  	v13 =	vor.u32 v35, v9;
	_ =	sdelay $0x3  }
0x11c: {  	[tilespmem:v12+s19+$0x0] =	vst.idx.msk $0xffff, v11  }
0x11d: {  	v12 =	vor.u32 v24, v10;
	v11 =	vld.idx.msk [tilespmem:v13+s2+$0x0], $0xffff  }
0x11e: {  	v13 =	vor.u32 v37, v9;
	_ =	sdelay $0x3  }
0x11f: {  	[tilespmem:v12+s19+$0x0] =	vst.idx.msk $0xffff, v11  }
0x120: {  	v12 =	vor.u32 v55, v10;
	v11 =	vld.idx.msk [tilespmem:v13+s2+$0x0], $0xffff;
	_ =	sdelay $0x4  }
0x121: {  	v13 =	vor.u32 v39, v9;
	[tilespmem:v12+s19+$0x0] =	vst.idx.msk $0xffff, v11;
	v12 =	vld [tilespmem:$0x1FF50];
	_ =	sdelay $0x4  }
0x122: {  	v11 =	vld.idx.msk [tilespmem:v13+s2+$0x0], $0xffff;
	v12 =	vor.u32 v12, v10;
	_ =	sdelay $0x4  }
0x123: {  	v13 =	vor.u32 v58, v9;
	[tilespmem:v12+s19+$0x0] =	vst.idx.msk $0xffff, v11;
	v12 =	vld [tilespmem:$0x1FF40];
	_ =	sdelay $0x4  }
0x124: {  	v11 =	vld.idx.msk [tilespmem:v13+s2+$0x0], $0xffff;
	v12 =	vor.u32 v12, v10  }
0x125: {  	v13 =	vor.u32 v60, v9;
	_ =	sdelay $0x3  }
0x126: {  	[tilespmem:v12+s19+$0x0] =	vst.idx.msk $0xffff, v11  }
0x127: {  	v11 =	vld.idx.msk [tilespmem:v13+s2+$0x0], $0xffff  }
0x128: {  	v13 =	vld [tilespmem:$0x1FFB0];
	_ =	sdelay $0x3  }
0x129: {  	v12 =	vor.u32 v57, v10  }
0x12a: {  	v13 =	vor.u32 v13, v9;
	_ =	sdelay $0x3  }
0x12b: {  	[tilespmem:v12+s19+$0x0] =	vst.idx.msk $0xffff, v11  }
0x12c: {  	v11 =	vld.idx.msk [tilespmem:v13+s2+$0x0], $0xffff  }
0x12d: {  	v13 =	vld [tilespmem:$0x1FDC0];
	_ =	sdelay $0x3  }
0x12e: {  	v12 =	vor.u32 v36, v10  }
0x12f: {  	v13 =	vor.u32 v13, v9;
	_ =	sdelay $0x3  }
0x130: {  	[tilespmem:v12+s19+$0x0] =	vst.idx.msk $0xffff, v11  }
0x131: {  	v10 =	vor.u32 v56, v10;
	v11 =	vld.idx.msk [tilespmem:v13+s2+$0x0], $0xffff  }
0x132: {  	v12 =	vor.u32 v62, v9;
	_ =	sdelay $0x3  }
0x133: {  	[tilespmem:v10+s19+$0x0] =	vst.idx.msk $0xffff, v11  }
0x134: {  	v11 =	vor.u32 v29, v8;
	v10 =	vld.idx.msk [tilespmem:v12+s2+$0x0], $0xffff  }
0x135: {  	v12 =	vor.u32 v34, v9;
	_ =	sdelay $0x3  }
0x136: {  	[tilespmem:v11+s19+$0x0] =	vst.idx.msk $0xffff, v10  }
0x137: {  	v11 =	vor.u32 v50, v8;
	v10 =	vld.idx.msk [tilespmem:v12+s2+$0x0], $0xffff  }
0x138: {  	v12 =	vor.u32 v63, v9;
	_ =	sdelay $0x3  }
0x139: {  	[tilespmem:v11+s19+$0x0] =	vst.idx.msk $0xffff, v10  }
0x13a: {  	v11 =	vor.u32 v14, v8;
	v10 =	vld.idx.msk [tilespmem:v12+s2+$0x0], $0xffff  }
0x13b: {  	v12 =	vor.u32 v49, v9;
	_ =	sdelay $0x3  }
0x13c: {  	[tilespmem:v11+s19+$0x0] =	vst.idx.msk $0xffff, v10  }
0x13d: {  	v10 =	vld.idx.msk [tilespmem:v12+s2+$0x0], $0xffff  }
0x13e: {  	v12 =	vld [tilespmem:$0x1FDF0];
	_ =	sdelay $0x3  }
0x13f: {  	v11 =	vor.u32 v48, v8  }
0x140: {  	v12 =	vor.u32 v12, v9;
	_ =	sdelay $0x3  }
0x141: {  	[tilespmem:v11+s19+$0x0] =	vst.idx.msk $0xffff, v10  }
0x142: {  	v11 =	vor.u32 v27, v8;
	v10 =	vld.idx.msk [tilespmem:v12+s2+$0x0], $0xffff  }
0x143: {  	v12 =	vor.u32 v52, v9;
	_ =	sdelay $0x3  }
0x144: {  	[tilespmem:v11+s19+$0x0] =	vst.idx.msk $0xffff, v10  }
0x145: {  	v11 =	vor.u32 v54, v8;
	v10 =	vld.idx.msk [tilespmem:v12+s2+$0x0], $0xffff  }
0x146: {  	v12 =	vor.u32 v51, v9;
	_ =	sdelay $0x3  }
0x147: {  	[tilespmem:v11+s19+$0x0] =	vst.idx.msk $0xffff, v10  }
0x148: {  	p2 =	sne.s32 s24, $0xF;
	v10 =	vld.idx.msk [tilespmem:v12+s2+$0x0], $0xffff;
	v12 =	vor.u32 v20, v8  }
.Ltmp5:
0x149: {  	_ = 	snop;
	(pc) =	sbr.rel @p2 .LBB2_4-.Ltmp5, $2  }
0x14a: {  	_ =	sdelay $0x2  }
0x14b: {  	v9 =	vor.u32 v28, v9;
	v11 =	vadd.s32 s24, v25;
	s24 =	sadd.s32 $0x1, s24;
	[tilespmem:v12+s19+$0x0] =	vst.idx.msk $0xffff, v10  }
0x14c: {  	_ =	sdelay $0x2  }
0x14d: {  	v10 =	vand.u32 $0xF, v11  }
0x14e: {  	v9 =	vld.idx.msk [tilespmem:v9+s2+$0x0], $0xffff;
	v8 =	vor.u32 v26, v8;
	v12 =	vshll.u32 v10, $0x7  }
0x14f: {  	v13 =	vor.u32 v25, v12;
	_ =	sdelay $0x3  }
0x150: {  	[tilespmem:v8+s19+$0x0] =	vst.idx.msk $0xffff, v9  }
0x151: {  	v9 =	vor.u32 v59, v10;
	v8 =	vld.idx.msk [tilespmem:v13+s2+$0x0], $0xffff  }
0x152: {  	v13 =	vor.u32 v2, v12;
	_ =	sdelay $0x3  }
0x153: {  	[tilespmem:v9+s19+$0x0] =	vst.idx.msk $0xffff, v8  }
0x154: {  	v9 =	vor.u32 v3, v10;
	v8 =	vld.idx.msk [tilespmem:v13+s2+$0x0], $0xffff  }
0x155: {  	v13 =	vor.u32 v45, v12;
	_ =	sdelay $0x3  }
0x156: {  	[tilespmem:v9+s19+$0x0] =	vst.idx.msk $0xffff, v8  }
0x157: {  	v9 =	vor.u32 v5, v10;
	v8 =	vld.idx.msk [tilespmem:v13+s2+$0x0], $0xffff  }
0x158: {  	v13 =	vor.u32 v6, v12;
	_ =	sdelay $0x3  }
0x159: {  	[tilespmem:v9+s19+$0x0] =	vst.idx.msk $0xffff, v8  }
0x15a: {  	v9 =	vor.u32 v7, v10;
	v8 =	vld.idx.msk [tilespmem:v13+s2+$0x0], $0xffff  }
0x15b: {  	v13 =	vor.u32 v53, v12;
	_ =	sdelay $0x3  }
0x15c: {  	[tilespmem:v9+s19+$0x0] =	vst.idx.msk $0xffff, v8  }
0x15d: {  	v2 =	vmov v53;
	v53 =	vor.u32 v15, v10;
	v8 =	vld.idx.msk [tilespmem:v13+s2+$0x0], $0xffff  }
0x15e: {  	v13 =	vor.u32 v0, v12;
	_ =	sdelay $0x3  }
0x15f: {  	[tilespmem:v53+s19+$0x0] =	vst.idx.msk $0xffff, v8  }
0x160: {  	v53 =	vor.u32 v4, v10;
	v8 =	vld.idx.msk [tilespmem:v13+s2+$0x0], $0xffff  }
0x161: {  	v13 =	vor.u32 v1, v12;
	_ =	sdelay $0x3  }
0x162: {  	[tilespmem:v53+s19+$0x0] =	vst.idx.msk $0xffff, v8  }
0x163: {  	v53 =	vor.u32 v23, v10;
	v8 =	vld.idx.msk [tilespmem:v13+s2+$0x0], $0xffff  }
0x164: {  	v13 =	vor.u32 v40, v12;
	_ =	sdelay $0x3  }
0x165: {  	[tilespmem:v53+s19+$0x0] =	vst.idx.msk $0xffff, v8  }
0x166: {  	v40 =	vor.u32 v19, v10;
	v8 =	vld.idx.msk [tilespmem:v13+s2+$0x0], $0xffff  }
0x167: {  	v13 =	vor.u32 v41, v12;
	_ =	sdelay $0x3  }
0x168: {  	[tilespmem:v40+s19+$0x0] =	vst.idx.msk $0xffff, v8  }
0x169: {  	v53 =	vor.u32 v17, v11;
	v8 =	vld.idx.msk [tilespmem:v13+s2+$0x0], $0xffff  }
0x16a: {  	v13 =	vor.u32 v18, v12;
	_ =	sdelay $0x3  }
0x16b: {  	[tilespmem:v53+s19+$0x0] =	vst.idx.msk $0xffff, v8  }
0x16c: {  	v40 =	vor.u32 v16, v11;
	v8 =	vld.idx.msk [tilespmem:v13+s2+$0x0], $0xffff  }
0x16d: {  	v13 =	vor.u32 v61, v12;
	_ =	sdelay $0x3  }
0x16e: {  	[tilespmem:v40+s19+$0x0] =	vst.idx.msk $0xffff, v8  }
0x16f: {  	v53 =	vor.u32 v21, v11;
	v8 =	vld.idx.msk [tilespmem:v13+s2+$0x0], $0xffff  }
0x170: {  	v13 =	vor.u32 v22, v12;
	_ =	sdelay $0x3  }
0x171: {  	[tilespmem:v53+s19+$0x0] =	vst.idx.msk $0xffff, v8  }
0x172: {  	v40 =	vor.u32 v31, v11;
	v8 =	vld.idx.msk [tilespmem:v13+s2+$0x0], $0xffff  }
0x173: {  	v25 =	vmov v1;
	v1 =	vld [tilespmem:$0x1FDA0];
	v13 =	vor.u32 v30, v12;
	_ =	sdelay $0x3  }
0x174: {  	[tilespmem:v40+s19+$0x0] =	vst.idx.msk $0xffff, v8  }
0x175: {  	v53 =	vor.u32 v1, v11;
	v8 =	vld.idx.msk [tilespmem:v13+s2+$0x0], $0xffff  }
0x176: {  	v13 =	vor.u32 v32, v12;
	_ =	sdelay $0x3  }
0x177: {  	[tilespmem:v53+s19+$0x0] =	vst.idx.msk $0xffff, v8  }
0x178: {  	v38 =	vor.u32 v38, v11;
	v8 =	vld.idx.msk [tilespmem:v13+s2+$0x0], $0xffff  }
0x179: {  	v13 =	vor.u32 v42, v12;
	_ =	sdelay $0x3  }
0x17a: {  	[tilespmem:v38+s19+$0x0] =	vst.idx.msk $0xffff, v8  }
0x17b: {  	v40 =	vor.u32 v43, v11;
	v8 =	vld.idx.msk [tilespmem:v13+s2+$0x0], $0xffff  }
0x17c: {  	v13 =	vor.u32 v44, v12;
	_ =	sdelay $0x3  }
0x17d: {  	[tilespmem:v40+s19+$0x0] =	vst.idx.msk $0xffff, v8  }
0x17e: {  	v43 =	vor.u32 v33, v11;
	v8 =	vld.idx.msk [tilespmem:v13+s2+$0x0], $0xffff  }
0x17f: {  	v13 =	vor.u32 v46, v12;
	_ =	sdelay $0x3  }
0x180: {  	[tilespmem:v43+s19+$0x0] =	vst.idx.msk $0xffff, v8  }
0x181: {  	v46 =	vor.u32 v47, v10;
	v8 =	vld.idx.msk [tilespmem:v13+s2+$0x0], $0xffff  }
0x182: {  	v13 =	vor.u32 v35, v12;
	_ =	sdelay $0x3  }
0x183: {  	[tilespmem:v46+s19+$0x0] =	vst.idx.msk $0xffff, v8  }
0x184: {  	v47 =	vor.u32 v24, v10;
	v8 =	vld.idx.msk [tilespmem:v13+s2+$0x0], $0xffff  }
0x185: {  	v13 =	vor.u32 v37, v12;
	_ =	sdelay $0x3  }
0x186: {  	[tilespmem:v47+s19+$0x0] =	vst.idx.msk $0xffff, v8  }
0x187: {  	v53 =	vor.u32 v55, v10;
	v8 =	vld.idx.msk [tilespmem:v13+s2+$0x0], $0xffff  }
0x188: {  	v30 =	vld [tilespmem:$0x1FF50];
	v13 =	vor.u32 v39, v12;
	_ =	sdelay $0x3  }
0x189: {  	[tilespmem:v53+s19+$0x0] =	vst.idx.msk $0xffff, v8  }
0x18a: {  	v37 =	vmov v55;
	v55 =	vor.u32 v30, v10;
	v8 =	vld.idx.msk [tilespmem:v13+s2+$0x0], $0xffff  }
0x18b: {  	v46 =	vld [tilespmem:$0x1FF40];
	v13 =	vor.u32 v58, v12;
	_ =	sdelay $0x3  }
0x18c: {  	[tilespmem:v55+s19+$0x0] =	vst.idx.msk $0xffff, v8  }
0x18d: {  	v32 =	vor.u32 v46, v10;
	v8 =	vld.idx.msk [tilespmem:v13+s2+$0x0], $0xffff  }
0x18e: {  	v13 =	vor.u32 v60, v12  }
0x18f: {  	v33 =	vor.u32 v57, v10;
	v57 =	vld [tilespmem:$0x1FFB0];
	_ =	sdelay $0x2  }
0x190: {  	[tilespmem:v32+s19+$0x0] =	vst.idx.msk $0xffff, v8  }
0x191: {  	v8 =	vld.idx.msk [tilespmem:v13+s2+$0x0], $0xffff  }
0x192: {  	v13 =	vor.u32 v57, v12  }
0x193: {  	v35 =	vor.u32 v36, v10;
	v36 =	vld [tilespmem:$0x1FDC0];
	_ =	sdelay $0x2  }
0x194: {  	[tilespmem:v33+s19+$0x0] =	vst.idx.msk $0xffff, v8  }
0x195: {  	v8 =	vld.idx.msk [tilespmem:v13+s2+$0x0], $0xffff  }
0x196: {  	v13 =	vor.u32 v36, v12;
	_ =	sdelay $0x3  }
0x197: {  	[tilespmem:v35+s19+$0x0] =	vst.idx.msk $0xffff, v8  }
0x198: {  	v39 =	vor.u32 v56, v10;
	v8 =	vld.idx.msk [tilespmem:v13+s2+$0x0], $0xffff  }
0x199: {  	v40 =	vor.u32 v62, v12;
	_ =	sdelay $0x3  }
0x19a: {  	[tilespmem:v39+s19+$0x0] =	vst.idx.msk $0xffff, v8  }
0x19b: {  	v43 =	vor.u32 v29, v11;
	v8 =	vld.idx.msk [tilespmem:v40+s2+$0x0], $0xffff  }
0x19c: {  	v55 =	vor.u32 v34, v12;
	_ =	sdelay $0x3  }
0x19d: {  	[tilespmem:v43+s19+$0x0] =	vst.idx.msk $0xffff, v8  }
0x19e: {  	v56 =	vor.u32 v50, v11;
	v8 =	vld.idx.msk [tilespmem:v55+s2+$0x0], $0xffff  }
0x19f: {  	v32 =	vor.u32 v63, v12;
	_ =	sdelay $0x3  }
0x1a0: {  	[tilespmem:v56+s19+$0x0] =	vst.idx.msk $0xffff, v8  }
0x1a1: {  	v33 =	vor.u32 v14, v11;
	v8 =	vld.idx.msk [tilespmem:v32+s2+$0x0], $0xffff  }
0x1a2: {  	v53 =	vmov v34;
	v34 =	vor.u32 v49, v12  }
0x1a3: {  	v47 =	vmov v60;
	v60 =	vmov v29;
	v29 =	vld [tilespmem:$0x1FDF0];
	_ =	sdelay $0x2  }
0x1a4: {  	[tilespmem:v33+s19+$0x0] =	vst.idx.msk $0xffff, v8  }
0x1a5: {  	v35 =	vor.u32 v48, v11;
	v8 =	vld.idx.msk [tilespmem:v34+s2+$0x0], $0xffff  }
0x1a6: {  	v38 =	vor.u32 v29, v12;
	_ =	sdelay $0x3  }
0x1a7: {  	[tilespmem:v35+s19+$0x0] =	vst.idx.msk $0xffff, v8  }
0x1a8: {  	v39 =	vor.u32 v27, v11;
	v8 =	vld.idx.msk [tilespmem:v38+s2+$0x0], $0xffff  }
0x1a9: {  	v40 =	vor.u32 v52, v12;
	_ =	sdelay $0x3  }
0x1aa: {  	[tilespmem:v39+s19+$0x0] =	vst.idx.msk $0xffff, v8  }
0x1ab: {  	v43 =	vor.u32 v54, v11;
	v8 =	vld.idx.msk [tilespmem:v40+s2+$0x0], $0xffff  }
0x1ac: {  	v55 =	vmov v49;
	v49 =	vor.u32 v51, v12;
	_ =	sdelay $0x3  }
0x1ad: {  	[tilespmem:v43+s19+$0x0] =	vst.idx.msk $0xffff, v8  }
0x1ae: {  	v27 =	vmov v52;
	v52 =	vor.u32 v20, v11;
	v8 =	vld.idx.msk [tilespmem:v49+s2+$0x0], $0xffff  }
0x1af: {  	v56 =	vor.u32 v28, v12;
	_ =	sdelay $0x3  }
0x1b0: {  	[tilespmem:v52+s19+$0x0] =	vst.idx.msk $0xffff, v8  }
0x1b1: {  	v63 =	vor.u32 v26, v11;
	v8 =	vld.idx.msk [tilespmem:v56+s2+$0x0], $0xffff  }
0x1b2: {  	p2 =	seq.s32 s23, $0x0  }
.Ltmp6:
0x1b3: {  	_ = 	snop;
	(pc) =	sbr.rel @p2 .LBB2_9-.Ltmp6, $4  }
0x1b4: {  	_ = 	snop  }
0x1b5: {  	s24 =	sshll.u32 s22, $0xF;
	v15 =	vmov v0;
	v0 =	vlaneseq.u32;
	v23 =	vmov v62  }
0x1b6: {  	s24 =	sadd.s32 s24, s5;
	v13 =	vmovc v54;
	v20 =	vmovc v51;
	v12 =	vmov v2;
	v28 =	vmov v1;
	v39 =	vmov v37;
	[tilespmem:v63+s19+$0x0] =	vst.idx.msk $0xffff, v8  }
0x1b7: {  	v2 =	vld [tilespmem:$0x1FFD0];
	v43 =	vmovc v61;
	v52 =	vmovc v30;
	v56 =	vmov v24;
	v63 =	vmov v58;
	v58 =	vmov v27;
	[hbm4b:s24+s2] =	stream.linear.scatter [tilespmem:s19], [sflag:$0x3], $0x2000, $0x38  }
.LBB2_6:
0x1b8: {  	p2 =	seq.s32 s22, $0xF3  }
0x1b9: {  	s24 =	simm.s32 $0x0;
	s23 =	sshll.u32 @!p2 s22, $0xC;
	s25 =	simm.s32 @!p2 $0x400  }
0x1ba: {  	s26 =	simm.s32 @!p2 $0x7A1400;
	v8 =	vadd.s32 s24, v0;
	s24 =	simm.s32 @!p2 $0x0;
	s23 =	sadd.s32 @!p2 s23, s4  }
0x1bb: {  	v10 =	vand.u32 $0xF, v8;
	[tilespmem:s24], [sflag:$0x1] =	stream.strided.gather @!p2 [hbm4b:s23+s25], $0x2000, s26, s25, $0x38;
	[tilespmem:$0xA000] =	vst v63  }
0x1bc: {  	v9 =	vshll.u32 v10, $0x7;
	_ =	swait.ge [sflag:s13], $0x2000  }
0x1bd: {  	p2 =	slt.u32 s22, $0x2;
	v11 =	vor.u32 v0, v9;
	[sflag:s13] =	ssyncset.done $0x0  }
0x1be: {  	s23 =	simm.s32 @!p2 $0x4;
	[sflag:s13] =	ssyncadd.s32 $0xFFFFE000  }
0x1bf: {  	_ =	swait.ge @!p2 [sflag:s23], $0x2000  }
0x1c0: {  	[sflag:s23] =	ssyncset.done @!p2 $0x0  }
0x1c1: {  	[sflag:s23] =	ssyncadd.s32 @!p2 $0xFFFFE000  }
0x1c2: {  	v0 =	vmov v12;
	v12 =	vor.u32 v59, v10;
	v11 =	vld.idx.msk [tilespmem:v11+s14+$0x0], $0xffff  }
0x1c3: {  	v27 =	vmov v13;
	v13 =	vor.u32 v2, v9;
	_ =	sdelay $0x3  }
0x1c4: {  	[tilespmem:v12+s15+$0x0] =	vst.idx.msk $0xffff, v11  }
0x1c5: {  	v12 =	vor.u32 v3, v10;
	v11 =	vld.idx.msk [tilespmem:v13+s14+$0x0], $0xffff  }
0x1c6: {  	v13 =	vor.u32 v45, v9;
	_ =	sdelay $0x3  }
0x1c7: {  	[tilespmem:v12+s15+$0x0] =	vst.idx.msk $0xffff, v11  }
0x1c8: {  	v12 =	vor.u32 v5, v10;
	v11 =	vld.idx.msk [tilespmem:v13+s14+$0x0], $0xffff  }
0x1c9: {  	v13 =	vor.u32 v6, v9;
	_ =	sdelay $0x3  }
0x1ca: {  	[tilespmem:v12+s15+$0x0] =	vst.idx.msk $0xffff, v11  }
0x1cb: {  	v12 =	vor.u32 v7, v10;
	v11 =	vld.idx.msk [tilespmem:v13+s14+$0x0], $0xffff  }
0x1cc: {  	v13 =	vor.u32 v0, v9;
	v0 =	vmov v15;
	v15 =	vld [tilespmem:$0x1FD70];
	_ =	sdelay $0x3  }
0x1cd: {  	[tilespmem:v12+s15+$0x0] =	vst.idx.msk $0xffff, v11  }
0x1ce: {  	v12 =	vor.u32 v15, v10;
	v11 =	vld.idx.msk [tilespmem:v13+s14+$0x0], $0xffff  }
0x1cf: {  	v13 =	vor.u32 v0, v9;
	v0 =	vld [tilespmem:$0x1FD90];
	_ =	sdelay $0x3  }
0x1d0: {  	[tilespmem:v12+s15+$0x0] =	vst.idx.msk $0xffff, v11  }
0x1d1: {  	v1 =	vmov v25;
	v12 =	vor.u32 v0, v10;
	v11 =	vld.idx.msk [tilespmem:v13+s14+$0x0], $0xffff  }
0x1d2: {  	v34 =	vmov v23;
	v23 =	vld [tilespmem:$0x1FE00];
	v13 =	vor.u32 v1, v9  }
0x1d3: {  	v40 =	vld [tilespmem:$0x1FE10];
	_ =	sdelay $0x2  }
0x1d4: {  	[tilespmem:v12+s15+$0x0] =	vst.idx.msk $0xffff, v11  }
0x1d5: {  	v12 =	vor.u32 v23, v10;
	v11 =	vld.idx.msk [tilespmem:v13+s14+$0x0], $0xffff  }
0x1d6: {  	v19 =	vld [tilespmem:$0x1FE20];
	v13 =	vor.u32 v40, v9;
	_ =	sdelay $0x3  }
0x1d7: {  	[tilespmem:v12+s15+$0x0] =	vst.idx.msk $0xffff, v11  }
0x1d8: {  	v12 =	vor.u32 v19, v10;
	v11 =	vld.idx.msk [tilespmem:v13+s14+$0x0], $0xffff  }
0x1d9: {  	v13 =	vor.u32 v41, v9;
	_ =	sdelay $0x3  }
0x1da: {  	[tilespmem:v12+s15+$0x0] =	vst.idx.msk $0xffff, v11  }
0x1db: {  	v12 =	vor.u32 v17, v8;
	v11 =	vld.idx.msk [tilespmem:v13+s14+$0x0], $0xffff  }
0x1dc: {  	v13 =	vor.u32 v18, v9;
	_ =	sdelay $0x3  }
0x1dd: {  	[tilespmem:v12+s15+$0x0] =	vst.idx.msk $0xffff, v11  }
0x1de: {  	v12 =	vor.u32 v16, v8;
	v11 =	vld.idx.msk [tilespmem:v13+s14+$0x0], $0xffff  }
0x1df: {  	v13 =	vor.u32 v43, v9;
	_ =	sdelay $0x3  }
0x1e0: {  	[tilespmem:v12+s15+$0x0] =	vst.idx.msk $0xffff, v11  }
0x1e1: {  	v12 =	vor.u32 v21, v8;
	v11 =	vld.idx.msk [tilespmem:v13+s14+$0x0], $0xffff  }
0x1e2: {  	v13 =	vor.u32 v22, v9  }
0x1e3: {  	v30 =	vld [tilespmem:$0x1FE30];
	_ =	sdelay $0x2  }
0x1e4: {  	[tilespmem:v12+s15+$0x0] =	vst.idx.msk $0xffff, v11  }
0x1e5: {  	v12 =	vor.u32 v31, v8;
	v11 =	vld.idx.msk [tilespmem:v13+s14+$0x0], $0xffff  }
0x1e6: {  	v13 =	vor.u32 v30, v9  }
0x1e7: {  	v32 =	vld [tilespmem:$0x1FE40];
	_ =	sdelay $0x2  }
0x1e8: {  	[tilespmem:v12+s15+$0x0] =	vst.idx.msk $0xffff, v11  }
0x1e9: {  	v12 =	vor.u32 v28, v8;
	v11 =	vld.idx.msk [tilespmem:v13+s14+$0x0], $0xffff  }
0x1ea: {  	v38 =	vld [tilespmem:$0x1FE50];
	v13 =	vor.u32 v32, v9;
	_ =	sdelay $0x3  }
0x1eb: {  	[tilespmem:v12+s15+$0x0] =	vst.idx.msk $0xffff, v11  }
0x1ec: {  	v12 =	vor.u32 v38, v8;
	v11 =	vld.idx.msk [tilespmem:v13+s14+$0x0], $0xffff  }
0x1ed: {  	v61 =	vmov v43;
	v43 =	vld [tilespmem:$0x1FE60];
	v13 =	vor.u32 v42, v9;
	_ =	sdelay $0x3  }
0x1ee: {  	[tilespmem:v12+s15+$0x0] =	vst.idx.msk $0xffff, v11  }
0x1ef: {  	v12 =	vor.u32 v43, v8;
	v11 =	vld.idx.msk [tilespmem:v13+s14+$0x0], $0xffff  }
0x1f0: {  	v33 =	vld [tilespmem:$0x1FE70];
	v13 =	vor.u32 v44, v9  }
0x1f1: {  	v4 =	vmov v1;
	v1 =	vmov v46;
	v46 =	vld [tilespmem:$0x1FE80];
	_ =	sdelay $0x2  }
0x1f2: {  	[tilespmem:v12+s15+$0x0] =	vst.idx.msk $0xffff, v11  }
0x1f3: {  	v12 =	vor.u32 v33, v8;
	v11 =	vld.idx.msk [tilespmem:v13+s14+$0x0], $0xffff  }
0x1f4: {  	v28 =	vmov v47;
	v47 =	vld [tilespmem:$0x1FE90];
	v13 =	vor.u32 v46, v9  }
0x1f5: {  	v35 =	vld [tilespmem:$0x1FEA0];
	_ =	sdelay $0x2  }
0x1f6: {  	[tilespmem:v12+s15+$0x0] =	vst.idx.msk $0xffff, v11  }
0x1f7: {  	v12 =	vor.u32 v47, v10;
	v11 =	vld.idx.msk [tilespmem:v13+s14+$0x0], $0xffff  }
0x1f8: {  	v13 =	vor.u32 v35, v9;
	_ =	sdelay $0x3  }
0x1f9: {  	v37 =	vld [tilespmem:$0x1FEB0];
	[tilespmem:v12+s15+$0x0] =	vst.idx.msk $0xffff, v11  }
0x1fa: {  	v12 =	vor.u32 v56, v10;
	v11 =	vld.idx.msk [tilespmem:v13+s14+$0x0], $0xffff;
	_ =	sdelay $0x3  }
0x1fb: {  	v13 =	vor.u32 v37, v9  }
0x1fc: {  	v49 =	vmov v55;
	v55 =	vmov v39;
	[tilespmem:v12+s15+$0x0] =	vst.idx.msk $0xffff, v11;
	v12 =	vor.u32 v39, v10;
	v39 =	vld [tilespmem:$0x1FEC0];
	_ =	sdelay $0x3  }
0x1fd: {  	v11 =	vld.idx.msk [tilespmem:v13+s14+$0x0], $0xffff  }
0x1fe: {  	v13 =	vor.u32 v39, v9;
	_ =	sdelay $0x3  }
0x1ff: {  	[tilespmem:v12+s15+$0x0] =	vst.idx.msk $0xffff, v11  }
0x200: {  	v12 =	vor.u32 v52, v10;
	v11 =	vld.idx.msk [tilespmem:v13+s14+$0x0], $0xffff  }
0x201: {  	v13 =	vor.u32 v63, v9;
	_ =	sdelay $0x3  }
0x202: {  	[tilespmem:v12+s15+$0x0] =	vst.idx.msk $0xffff, v11  }
0x203: {  	v12 =	vor.u32 v1, v10;
	v11 =	vld.idx.msk [tilespmem:v13+s14+$0x0], $0xffff  }
0x204: {  	v63 =	vmovc v60;
	v60 =	vmov v1;
	v1 =	vmov v57;
	v57 =	vld [tilespmem:$0x1FED0];
	v13 =	vor.u32 v28, v9;
	_ =	sdelay $0x3  }
0x205: {  	[tilespmem:v12+s15+$0x0] =	vst.idx.msk $0xffff, v11  }
0x206: {  	v12 =	vor.u32 v57, v10;
	v11 =	vld.idx.msk [tilespmem:v13+s14+$0x0], $0xffff  }
0x207: {  	v54 =	vmov v36;
	v36 =	vld [tilespmem:$0x1FEE0];
	v13 =	vor.u32 v1, v9;
	_ =	sdelay $0x3  }
0x208: {  	[tilespmem:v12+s15+$0x0] =	vst.idx.msk $0xffff, v11  }
0x209: {  	v12 =	vor.u32 v36, v10;
	v11 =	vld.idx.msk [tilespmem:v13+s14+$0x0], $0xffff  }
0x20a: {  	v24 =	vmov v56;
	v56 =	vld [tilespmem:$0x1FEF0];
	v13 =	vor.u32 v54, v9;
	_ =	sdelay $0x3  }
0x20b: {  	[tilespmem:v12+s15+$0x0] =	vst.idx.msk $0xffff, v11  }
0x20c: {  	v10 =	vor.u32 v56, v10;
	v11 =	vld.idx.msk [tilespmem:v13+s14+$0x0], $0xffff  }
0x20d: {  	v12 =	vor.u32 v34, v9;
	_ =	sdelay $0x3  }
0x20e: {  	[tilespmem:v10+s15+$0x0] =	vst.idx.msk $0xffff, v11  }
0x20f: {  	v51 =	vmov v53;
	v11 =	vor.u32 v63, v8;
	v10 =	vld.idx.msk [tilespmem:v12+s14+$0x0], $0xffff  }
0x210: {  	v12 =	vor.u32 v51, v9  }
0x211: {  	v14 =	vmov v50;
	v50 =	vmov v1;
	v1 =	vld [tilespmem:$0x1FDD0];
	_ =	sdelay $0x2  }
0x212: {  	[tilespmem:v11+s15+$0x0] =	vst.idx.msk $0xffff, v10  }
0x213: {  	v11 =	vor.u32 v14, v8;
	v10 =	vld.idx.msk [tilespmem:v12+s14+$0x0], $0xffff  }
0x214: {  	v62 =	vmov v28;
	v28 =	vld [tilespmem:$0x1FDE0];
	v12 =	vor.u32 v1, v9;
	_ =	sdelay $0x3  }
0x215: {  	[tilespmem:v11+s15+$0x0] =	vst.idx.msk $0xffff, v10  }
0x216: {  	v11 =	vor.u32 v28, v8;
	v10 =	vld.idx.msk [tilespmem:v12+s14+$0x0], $0xffff  }
0x217: {  	v12 =	vor.u32 v49, v9;
	_ =	sdelay $0x3  }
0x218: {  	[tilespmem:v11+s15+$0x0] =	vst.idx.msk $0xffff, v10  }
0x219: {  	v11 =	vor.u32 v48, v8;
	v10 =	vld.idx.msk [tilespmem:v12+s14+$0x0], $0xffff  }
0x21a: {  	v12 =	vor.u32 v29, v9;
	v29 =	vld [tilespmem:$0x1FF00];
	_ =	sdelay $0x3  }
0x21b: {  	[tilespmem:v11+s15+$0x0] =	vst.idx.msk $0xffff, v10  }
0x21c: {  	v11 =	vor.u32 v29, v8;
	v10 =	vld.idx.msk [tilespmem:v12+s14+$0x0], $0xffff  }
0x21d: {  	v12 =	vor.u32 v58, v9;
	_ =	sdelay $0x3  }
0x21e: {  	[tilespmem:v11+s15+$0x0] =	vst.idx.msk $0xffff, v10  }
0x21f: {  	v11 =	vor.u32 v27, v8;
	v10 =	vld.idx.msk [tilespmem:v12+s14+$0x0], $0xffff  }
0x220: {  	v53 =	vmov v54;
	v54 =	vld [tilespmem:$0x1FF10];
	v12 =	vor.u32 v20, v9;
	_ =	sdelay $0x3  }
0x221: {  	v52 =	vld [tilespmem:$0x1FF20];
	[tilespmem:v11+s15+$0x0] =	vst.idx.msk $0xffff, v10  }
0x222: {  	v11 =	vor.u32 v54, v8;
	v10 =	vld.idx.msk [tilespmem:v12+s14+$0x0], $0xffff;
	_ =	sdelay $0x3  }
0x223: {  	v25 =	vlaneseq.u32;
	s31 =	simm.s32 $0x1  }
0x224: {  	s23 =	simm.s32 $0x2;
	v9 =	vor.u32 v52, v9;
	[tilespmem:v11+s15+$0x0] =	vst.idx.msk $0xffff, v10;
	v11 =	vadd.s32 s31, v25  }
.LBB2_7:
0x225: {  	_ =	sdelay $0x2  }
0x226: {  	v10 =	vand.u32 $0xF, v11  }
0x227: {  	v12 =	vld.idx.msk [tilespmem:v9+s14+$0x0], $0xffff;
	v13 =	vor.u32 v26, v8;
	v9 =	vshll.u32 v10, $0x7  }
0x228: {  	v8 =	vmov v11;
	v11 =	vor.u32 v25, v9;
	_ =	sdelay $0x3  }
0x229: {  	[tilespmem:v13+s15+$0x0] =	vst.idx.msk $0xffff, v12  }
0x22a: {  	v12 =	vor.u32 v59, v10;
	v11 =	vld.idx.msk [tilespmem:v11+s14+$0x0], $0xffff  }
0x22b: {  	v13 =	vor.u32 v2, v9;
	_ =	sdelay $0x3  }
0x22c: {  	[tilespmem:v12+s15+$0x0] =	vst.idx.msk $0xffff, v11  }
0x22d: {  	v12 =	vor.u32 v3, v10;
	v11 =	vld.idx.msk [tilespmem:v13+s14+$0x0], $0xffff  }
0x22e: {  	v13 =	vor.u32 v45, v9;
	_ =	sdelay $0x3  }
0x22f: {  	[tilespmem:v12+s15+$0x0] =	vst.idx.msk $0xffff, v11  }
0x230: {  	v12 =	vor.u32 v5, v10;
	v11 =	vld.idx.msk [tilespmem:v13+s14+$0x0], $0xffff  }
0x231: {  	v13 =	vor.u32 v6, v9;
	_ =	sdelay $0x3  }
0x232: {  	[tilespmem:v12+s15+$0x0] =	vst.idx.msk $0xffff, v11  }
0x233: {  	v11 =	vld.idx.msk [tilespmem:v13+s14+$0x0], $0xffff  }
0x234: {  	v13 =	vld [tilespmem:$0x1FF30];
	_ =	sdelay $0x3  }
0x235: {  	v12 =	vor.u32 v7, v10  }
0x236: {  	v13 =	vor.u32 v13, v9;
	_ =	sdelay $0x3  }
0x237: {  	[tilespmem:v12+s15+$0x0] =	vst.idx.msk $0xffff, v11  }
0x238: {  	v11 =	vld.idx.msk [tilespmem:v13+s14+$0x0], $0xffff  }
0x239: {  	v13 =	vld [tilespmem:$0x1FD80];
	_ =	sdelay $0x3  }
0x23a: {  	v12 =	vor.u32 v15, v10  }
0x23b: {  	v13 =	vor.u32 v13, v9;
	_ =	sdelay $0x3  }
0x23c: {  	[tilespmem:v12+s15+$0x0] =	vst.idx.msk $0xffff, v11  }
0x23d: {  	v12 =	vor.u32 v0, v10;
	v11 =	vld.idx.msk [tilespmem:v13+s14+$0x0], $0xffff  }
0x23e: {  	v13 =	vor.u32 v4, v9;
	_ =	sdelay $0x3  }
0x23f: {  	[tilespmem:v12+s15+$0x0] =	vst.idx.msk $0xffff, v11  }
0x240: {  	v12 =	vor.u32 v23, v10;
	v11 =	vld.idx.msk [tilespmem:v13+s14+$0x0], $0xffff  }
0x241: {  	v13 =	vor.u32 v40, v9;
	_ =	sdelay $0x3  }
0x242: {  	[tilespmem:v12+s15+$0x0] =	vst.idx.msk $0xffff, v11  }
0x243: {  	v12 =	vor.u32 v19, v10;
	v11 =	vld.idx.msk [tilespmem:v13+s14+$0x0], $0xffff  }
0x244: {  	v13 =	vor.u32 v41, v9;
	_ =	sdelay $0x3  }
0x245: {  	[tilespmem:v12+s15+$0x0] =	vst.idx.msk $0xffff, v11  }
0x246: {  	v12 =	vor.u32 v17, v8;
	v11 =	vld.idx.msk [tilespmem:v13+s14+$0x0], $0xffff  }
0x247: {  	v13 =	vor.u32 v18, v9;
	_ =	sdelay $0x3  }
0x248: {  	[tilespmem:v12+s15+$0x0] =	vst.idx.msk $0xffff, v11  }
0x249: {  	v12 =	vor.u32 v16, v8;
	v11 =	vld.idx.msk [tilespmem:v13+s14+$0x0], $0xffff  }
0x24a: {  	v13 =	vor.u32 v61, v9;
	_ =	sdelay $0x3  }
0x24b: {  	[tilespmem:v12+s15+$0x0] =	vst.idx.msk $0xffff, v11  }
0x24c: {  	v12 =	vor.u32 v21, v8;
	v11 =	vld.idx.msk [tilespmem:v13+s14+$0x0], $0xffff  }
0x24d: {  	v13 =	vor.u32 v22, v9;
	_ =	sdelay $0x3  }
0x24e: {  	[tilespmem:v12+s15+$0x0] =	vst.idx.msk $0xffff, v11  }
0x24f: {  	v12 =	vor.u32 v31, v8;
	v11 =	vld.idx.msk [tilespmem:v13+s14+$0x0], $0xffff;
	_ =	sdelay $0x4  }
0x250: {  	v13 =	vor.u32 v30, v9;
	[tilespmem:v12+s15+$0x0] =	vst.idx.msk $0xffff, v11;
	v12 =	vld [tilespmem:$0x1FDA0];
	_ =	sdelay $0x4  }
0x251: {  	v11 =	vld.idx.msk [tilespmem:v13+s14+$0x0], $0xffff;
	v12 =	vor.u32 v12, v8  }
0x252: {  	v13 =	vor.u32 v32, v9;
	_ =	sdelay $0x3  }
0x253: {  	[tilespmem:v12+s15+$0x0] =	vst.idx.msk $0xffff, v11  }
0x254: {  	v12 =	vor.u32 v38, v8;
	v11 =	vld.idx.msk [tilespmem:v13+s14+$0x0], $0xffff  }
0x255: {  	v13 =	vor.u32 v42, v9;
	_ =	sdelay $0x3  }
0x256: {  	[tilespmem:v12+s15+$0x0] =	vst.idx.msk $0xffff, v11  }
0x257: {  	v12 =	vor.u32 v43, v8;
	v11 =	vld.idx.msk [tilespmem:v13+s14+$0x0], $0xffff  }
0x258: {  	v13 =	vor.u32 v44, v9;
	_ =	sdelay $0x3  }
0x259: {  	[tilespmem:v12+s15+$0x0] =	vst.idx.msk $0xffff, v11  }
0x25a: {  	v12 =	vor.u32 v33, v8;
	v11 =	vld.idx.msk [tilespmem:v13+s14+$0x0], $0xffff  }
0x25b: {  	v13 =	vor.u32 v46, v9;
	_ =	sdelay $0x3  }
0x25c: {  	[tilespmem:v12+s15+$0x0] =	vst.idx.msk $0xffff, v11  }
0x25d: {  	v12 =	vor.u32 v47, v10;
	v11 =	vld.idx.msk [tilespmem:v13+s14+$0x0], $0xffff  }
0x25e: {  	v13 =	vor.u32 v35, v9;
	_ =	sdelay $0x3  }
0x25f: {  	[tilespmem:v12+s15+$0x0] =	vst.idx.msk $0xffff, v11  }
0x260: {  	v12 =	vor.u32 v24, v10;
	v11 =	vld.idx.msk [tilespmem:v13+s14+$0x0], $0xffff  }
0x261: {  	v13 =	vor.u32 v37, v9;
	_ =	sdelay $0x3  }
0x262: {  	[tilespmem:v12+s15+$0x0] =	vst.idx.msk $0xffff, v11  }
0x263: {  	v12 =	vor.u32 v55, v10;
	v11 =	vld.idx.msk [tilespmem:v13+s14+$0x0], $0xffff  }
0x264: {  	v13 =	vor.u32 v39, v9;
	_ =	sdelay $0x3  }
0x265: {  	[tilespmem:v12+s15+$0x0] =	vst.idx.msk $0xffff, v11;
	v12 =	vld [tilespmem:$0x1FF50]  }
0x266: {  	v11 =	vld.idx.msk [tilespmem:v13+s14+$0x0], $0xffff  }
0x267: {  	v13 =	vld [tilespmem:$0x1FF70];
	_ =	sdelay $0x3  }
0x268: {  	v12 =	vor.u32 v12, v10  }
0x269: {  	v13 =	vor.u32 v13, v9;
	_ =	sdelay $0x3  }
0x26a: {  	[tilespmem:v12+s15+$0x0] =	vst.idx.msk $0xffff, v11  }
0x26b: {  	v12 =	vor.u32 v60, v10;
	v11 =	vld.idx.msk [tilespmem:v13+s14+$0x0], $0xffff  }
0x26c: {  	v13 =	vor.u32 v62, v9;
	_ =	sdelay $0x3  }
0x26d: {  	[tilespmem:v12+s15+$0x0] =	vst.idx.msk $0xffff, v11  }
0x26e: {  	v12 =	vor.u32 v57, v10;
	v11 =	vld.idx.msk [tilespmem:v13+s14+$0x0], $0xffff  }
0x26f: {  	v13 =	vor.u32 v50, v9;
	_ =	sdelay $0x3  }
0x270: {  	[tilespmem:v12+s15+$0x0] =	vst.idx.msk $0xffff, v11  }
0x271: {  	v12 =	vor.u32 v36, v10;
	v11 =	vld.idx.msk [tilespmem:v13+s14+$0x0], $0xffff  }
0x272: {  	v13 =	vor.u32 v53, v9;
	_ =	sdelay $0x3  }
0x273: {  	[tilespmem:v12+s15+$0x0] =	vst.idx.msk $0xffff, v11  }
0x274: {  	v10 =	vor.u32 v56, v10;
	v11 =	vld.idx.msk [tilespmem:v13+s14+$0x0], $0xffff  }
0x275: {  	v12 =	vor.u32 v34, v9;
	_ =	sdelay $0x3  }
0x276: {  	[tilespmem:v10+s15+$0x0] =	vst.idx.msk $0xffff, v11  }
0x277: {  	v11 =	vor.u32 v63, v8;
	v10 =	vld.idx.msk [tilespmem:v12+s14+$0x0], $0xffff  }
0x278: {  	v12 =	vor.u32 v51, v9;
	_ =	sdelay $0x3  }
0x279: {  	[tilespmem:v11+s15+$0x0] =	vst.idx.msk $0xffff, v10  }
0x27a: {  	v11 =	vor.u32 v14, v8;
	v10 =	vld.idx.msk [tilespmem:v12+s14+$0x0], $0xffff  }
0x27b: {  	v12 =	vor.u32 v1, v9;
	_ =	sdelay $0x3  }
0x27c: {  	[tilespmem:v11+s15+$0x0] =	vst.idx.msk $0xffff, v10  }
0x27d: {  	v11 =	vor.u32 v28, v8;
	v10 =	vld.idx.msk [tilespmem:v12+s14+$0x0], $0xffff  }
0x27e: {  	v12 =	vor.u32 v49, v9;
	_ =	sdelay $0x3  }
0x27f: {  	[tilespmem:v11+s15+$0x0] =	vst.idx.msk $0xffff, v10  }
0x280: {  	v10 =	vld.idx.msk [tilespmem:v12+s14+$0x0], $0xffff  }
0x281: {  	v12 =	vld [tilespmem:$0x1FDF0];
	_ =	sdelay $0x3  }
0x282: {  	v11 =	vor.u32 v48, v8  }
0x283: {  	v12 =	vor.u32 v12, v9;
	_ =	sdelay $0x3  }
0x284: {  	[tilespmem:v11+s15+$0x0] =	vst.idx.msk $0xffff, v10  }
0x285: {  	v11 =	vor.u32 v29, v8;
	v10 =	vld.idx.msk [tilespmem:v12+s14+$0x0], $0xffff  }
0x286: {  	v12 =	vor.u32 v58, v9;
	_ =	sdelay $0x3  }
0x287: {  	[tilespmem:v11+s15+$0x0] =	vst.idx.msk $0xffff, v10  }
0x288: {  	v11 =	vor.u32 v27, v8;
	v10 =	vld.idx.msk [tilespmem:v12+s14+$0x0], $0xffff  }
0x289: {  	v12 =	vor.u32 v20, v9;
	_ =	sdelay $0x3  }
0x28a: {  	[tilespmem:v11+s15+$0x0] =	vst.idx.msk $0xffff, v10  }
0x28b: {  	p2 =	sne.s32 s23, $0xF;
	v10 =	vld.idx.msk [tilespmem:v12+s14+$0x0], $0xffff;
	v12 =	vor.u32 v54, v8  }
.Ltmp7:
0x28c: {  	_ = 	snop;
	(pc) =	sbr.rel @p2 .LBB2_7-.Ltmp7, $2  }
0x28d: {  	_ =	sdelay $0x2  }
0x28e: {  	v9 =	vor.u32 v52, v9;
	v11 =	vadd.s32 s23, v25;
	s23 =	sadd.s32 $0x1, s23;
	[tilespmem:v12+s15+$0x0] =	vst.idx.msk $0xffff, v10  }
0x28f: {  	_ =	sdelay $0x2  }
0x290: {  	v10 =	vand.u32 $0xF, v11  }
0x291: {  	v9 =	vld.idx.msk [tilespmem:v9+s14+$0x0], $0xffff;
	v8 =	vor.u32 v26, v8;
	v12 =	vshll.u32 v10, $0x7  }
0x292: {  	v13 =	vor.u32 v25, v12;
	_ =	sdelay $0x3  }
0x293: {  	[tilespmem:v8+s15+$0x0] =	vst.idx.msk $0xffff, v9  }
0x294: {  	v9 =	vor.u32 v59, v10;
	v8 =	vld.idx.msk [tilespmem:v13+s14+$0x0], $0xffff  }
0x295: {  	v13 =	vor.u32 v2, v12;
	_ =	sdelay $0x3  }
0x296: {  	[tilespmem:v9+s15+$0x0] =	vst.idx.msk $0xffff, v8  }
0x297: {  	v9 =	vor.u32 v3, v10;
	v8 =	vld.idx.msk [tilespmem:v13+s14+$0x0], $0xffff  }
0x298: {  	v13 =	vor.u32 v45, v12;
	_ =	sdelay $0x3  }
0x299: {  	[tilespmem:v9+s15+$0x0] =	vst.idx.msk $0xffff, v8  }
0x29a: {  	v9 =	vor.u32 v5, v10;
	v8 =	vld.idx.msk [tilespmem:v13+s14+$0x0], $0xffff  }
0x29b: {  	v13 =	vor.u32 v6, v12;
	_ =	sdelay $0x3  }
0x29c: {  	v25 =	vld [tilespmem:$0x1FF30];
	[tilespmem:v9+s15+$0x0] =	vst.idx.msk $0xffff, v8  }
0x29d: {  	v9 =	vor.u32 v7, v10;
	v8 =	vld.idx.msk [tilespmem:v13+s14+$0x0], $0xffff;
	_ =	sdelay $0x3  }
0x29e: {  	v13 =	vor.u32 v25, v12  }
0x29f: {  	[tilespmem:v9+s15+$0x0] =	vst.idx.msk $0xffff, v8;
	v9 =	vor.u32 v15, v10;
	v15 =	vld [tilespmem:$0x1FD80];
	_ =	sdelay $0x3  }
0x2a0: {  	v8 =	vld.idx.msk [tilespmem:v13+s14+$0x0], $0xffff  }
0x2a1: {  	v13 =	vor.u32 v15, v12;
	_ =	sdelay $0x3  }
0x2a2: {  	[tilespmem:v9+s15+$0x0] =	vst.idx.msk $0xffff, v8  }
0x2a3: {  	v9 =	vor.u32 v0, v10;
	v8 =	vld.idx.msk [tilespmem:v13+s14+$0x0], $0xffff  }
0x2a4: {  	v13 =	vor.u32 v4, v12;
	_ =	sdelay $0x3  }
0x2a5: {  	[tilespmem:v9+s15+$0x0] =	vst.idx.msk $0xffff, v8  }
0x2a6: {  	v9 =	vor.u32 v23, v10;
	v8 =	vld.idx.msk [tilespmem:v13+s14+$0x0], $0xffff  }
0x2a7: {  	v13 =	vor.u32 v40, v12;
	_ =	sdelay $0x3  }
0x2a8: {  	[tilespmem:v9+s15+$0x0] =	vst.idx.msk $0xffff, v8  }
0x2a9: {  	v40 =	vor.u32 v19, v10;
	v8 =	vld.idx.msk [tilespmem:v13+s14+$0x0], $0xffff  }
0x2aa: {  	v13 =	vor.u32 v41, v12;
	_ =	sdelay $0x3  }
0x2ab: {  	[tilespmem:v40+s15+$0x0] =	vst.idx.msk $0xffff, v8  }
0x2ac: {  	v40 =	vor.u32 v17, v11;
	v8 =	vld.idx.msk [tilespmem:v13+s14+$0x0], $0xffff  }
0x2ad: {  	v13 =	vor.u32 v18, v12;
	_ =	sdelay $0x3  }
0x2ae: {  	[tilespmem:v40+s15+$0x0] =	vst.idx.msk $0xffff, v8  }
0x2af: {  	v40 =	vor.u32 v16, v11;
	v8 =	vld.idx.msk [tilespmem:v13+s14+$0x0], $0xffff  }
0x2b0: {  	v13 =	vor.u32 v61, v12;
	_ =	sdelay $0x3  }
0x2b1: {  	[tilespmem:v40+s15+$0x0] =	vst.idx.msk $0xffff, v8  }
0x2b2: {  	v40 =	vor.u32 v21, v11;
	v8 =	vld.idx.msk [tilespmem:v13+s14+$0x0], $0xffff  }
0x2b3: {  	v13 =	vor.u32 v22, v12;
	_ =	sdelay $0x3  }
0x2b4: {  	[tilespmem:v40+s15+$0x0] =	vst.idx.msk $0xffff, v8  }
0x2b5: {  	v40 =	vor.u32 v31, v11;
	v8 =	vld.idx.msk [tilespmem:v13+s14+$0x0], $0xffff  }
0x2b6: {  	v19 =	vld [tilespmem:$0x1FDA0];
	v13 =	vor.u32 v30, v12;
	_ =	sdelay $0x3  }
0x2b7: {  	[tilespmem:v40+s15+$0x0] =	vst.idx.msk $0xffff, v8  }
0x2b8: {  	v40 =	vor.u32 v19, v11;
	v8 =	vld.idx.msk [tilespmem:v13+s14+$0x0], $0xffff  }
0x2b9: {  	v13 =	vor.u32 v32, v12;
	_ =	sdelay $0x3  }
0x2ba: {  	[tilespmem:v40+s15+$0x0] =	vst.idx.msk $0xffff, v8  }
0x2bb: {  	v38 =	vor.u32 v38, v11;
	v8 =	vld.idx.msk [tilespmem:v13+s14+$0x0], $0xffff  }
0x2bc: {  	v13 =	vor.u32 v42, v12;
	_ =	sdelay $0x3  }
0x2bd: {  	[tilespmem:v38+s15+$0x0] =	vst.idx.msk $0xffff, v8  }
0x2be: {  	v40 =	vor.u32 v43, v11;
	v8 =	vld.idx.msk [tilespmem:v13+s14+$0x0], $0xffff  }
0x2bf: {  	v13 =	vor.u32 v44, v12;
	_ =	sdelay $0x3  }
0x2c0: {  	[tilespmem:v40+s15+$0x0] =	vst.idx.msk $0xffff, v8  }
0x2c1: {  	v43 =	vor.u32 v33, v11;
	v8 =	vld.idx.msk [tilespmem:v13+s14+$0x0], $0xffff  }
0x2c2: {  	v13 =	vor.u32 v46, v12;
	_ =	sdelay $0x3  }
0x2c3: {  	[tilespmem:v43+s15+$0x0] =	vst.idx.msk $0xffff, v8  }
0x2c4: {  	v32 =	vor.u32 v47, v10;
	v8 =	vld.idx.msk [tilespmem:v13+s14+$0x0], $0xffff  }
0x2c5: {  	v13 =	vor.u32 v35, v12;
	_ =	sdelay $0x3  }
0x2c6: {  	[tilespmem:v32+s15+$0x0] =	vst.idx.msk $0xffff, v8  }
0x2c7: {  	v33 =	vor.u32 v24, v10;
	v8 =	vld.idx.msk [tilespmem:v13+s14+$0x0], $0xffff  }
0x2c8: {  	v13 =	vor.u32 v37, v12;
	_ =	sdelay $0x3  }
0x2c9: {  	[tilespmem:v33+s15+$0x0] =	vst.idx.msk $0xffff, v8  }
0x2ca: {  	v35 =	vor.u32 v55, v10;
	v8 =	vld.idx.msk [tilespmem:v13+s14+$0x0], $0xffff  }
0x2cb: {  	v32 =	vld [tilespmem:$0x1FF50];
	v13 =	vor.u32 v39, v12  }
0x2cc: {  	v33 =	vld [tilespmem:$0x1FF70];
	_ =	sdelay $0x2  }
0x2cd: {  	[tilespmem:v35+s15+$0x0] =	vst.idx.msk $0xffff, v8  }
0x2ce: {  	v37 =	vor.u32 v32, v10;
	v8 =	vld.idx.msk [tilespmem:v13+s14+$0x0], $0xffff  }
0x2cf: {  	v13 =	vor.u32 v33, v12;
	_ =	sdelay $0x3  }
0x2d0: {  	[tilespmem:v37+s15+$0x0] =	vst.idx.msk $0xffff, v8  }
0x2d1: {  	v38 =	vor.u32 v60, v10;
	v8 =	vld.idx.msk [tilespmem:v13+s14+$0x0], $0xffff  }
0x2d2: {  	v13 =	vor.u32 v62, v12;
	_ =	sdelay $0x3  }
0x2d3: {  	[tilespmem:v38+s15+$0x0] =	vst.idx.msk $0xffff, v8  }
0x2d4: {  	v39 =	vor.u32 v57, v10;
	v8 =	vld.idx.msk [tilespmem:v13+s14+$0x0], $0xffff  }
0x2d5: {  	v13 =	vor.u32 v50, v12;
	_ =	sdelay $0x3  }
0x2d6: {  	[tilespmem:v39+s15+$0x0] =	vst.idx.msk $0xffff, v8  }
0x2d7: {  	v40 =	vor.u32 v36, v10;
	v8 =	vld.idx.msk [tilespmem:v13+s14+$0x0], $0xffff  }
0x2d8: {  	v13 =	vor.u32 v53, v12;
	_ =	sdelay $0x3  }
0x2d9: {  	[tilespmem:v40+s15+$0x0] =	vst.idx.msk $0xffff, v8  }
0x2da: {  	v43 =	vor.u32 v56, v10;
	v8 =	vld.idx.msk [tilespmem:v13+s14+$0x0], $0xffff  }
0x2db: {  	v47 =	vor.u32 v34, v12;
	_ =	sdelay $0x3  }
0x2dc: {  	[tilespmem:v43+s15+$0x0] =	vst.idx.msk $0xffff, v8  }
0x2dd: {  	v57 =	vmov v50;
	v50 =	vor.u32 v63, v11;
	v8 =	vld.idx.msk [tilespmem:v47+s14+$0x0], $0xffff  }
0x2de: {  	v56 =	vor.u32 v51, v12;
	_ =	sdelay $0x3  }
0x2df: {  	[tilespmem:v50+s15+$0x0] =	vst.idx.msk $0xffff, v8  }
0x2e0: {  	v46 =	vmov v60;
	v60 =	vmov v63;
	v63 =	vor.u32 v14, v11;
	v8 =	vld.idx.msk [tilespmem:v56+s14+$0x0], $0xffff  }
0x2e1: {  	v23 =	vmov v34;
	v34 =	vor.u32 v1, v12;
	_ =	sdelay $0x3  }
0x2e2: {  	[tilespmem:v63+s15+$0x0] =	vst.idx.msk $0xffff, v8  }
0x2e3: {  	v35 =	vor.u32 v28, v11;
	v8 =	vld.idx.msk [tilespmem:v34+s14+$0x0], $0xffff  }
0x2e4: {  	v36 =	vor.u32 v49, v12  }
0x2e5: {  	v30 =	vld [tilespmem:$0x1FDF0];
	_ =	sdelay $0x2  }
0x2e6: {  	[tilespmem:v35+s15+$0x0] =	vst.idx.msk $0xffff, v8  }
0x2e7: {  	v37 =	vor.u32 v48, v11;
	v8 =	vld.idx.msk [tilespmem:v36+s14+$0x0], $0xffff  }
0x2e8: {  	v38 =	vor.u32 v30, v12;
	_ =	sdelay $0x3  }
0x2e9: {  	[tilespmem:v37+s15+$0x0] =	vst.idx.msk $0xffff, v8  }
0x2ea: {  	v39 =	vor.u32 v29, v11;
	v8 =	vld.idx.msk [tilespmem:v38+s14+$0x0], $0xffff  }
0x2eb: {  	v40 =	vor.u32 v58, v12;
	_ =	sdelay $0x3  }
0x2ec: {  	[tilespmem:v39+s15+$0x0] =	vst.idx.msk $0xffff, v8  }
0x2ed: {  	v43 =	vor.u32 v27, v11;
	v8 =	vld.idx.msk [tilespmem:v40+s14+$0x0], $0xffff  }
0x2ee: {  	v47 =	vor.u32 v20, v12;
	_ =	sdelay $0x3  }
0x2ef: {  	[tilespmem:v43+s15+$0x0] =	vst.idx.msk $0xffff, v8  }
0x2f0: {  	v54 =	vor.u32 v54, v11;
	v8 =	vld.idx.msk [tilespmem:v47+s14+$0x0], $0xffff  }
0x2f1: {  	v56 =	vor.u32 v52, v12;
	_ =	sdelay $0x3  }
0x2f2: {  	[tilespmem:v54+s15+$0x0] =	vst.idx.msk $0xffff, v8  }
0x2f3: {  	v63 =	vor.u32 v26, v11;
	v8 =	vld.idx.msk [tilespmem:v56+s14+$0x0], $0xffff;
	_ =	sdelay $0x1  }
.Ltmp8:
0x2f4: {  	_ = 	snop;
	(pc) =	sbr.rel .LBB2_9-.Ltmp8, $4  }
0x2f5: {  	v0 =	vlaneseq.u32  }
0x2f6: {  	s23 =	sshll.u32 s22, $0xF;
	v28 =	vmovc v19;
	v29 =	vmovc v30;
	v13 =	vmov v27;
	v50 =	vmov v14;
	v12 =	vmov v25  }
0x2f7: {  	s23 =	sadd.s32 s23, s5;
	v25 =	vmovc v4;
	v52 =	vmovc v32;
	v36 =	vmov v53;
	v53 =	vmov v51;
	v39 =	vmov v55;
	[tilespmem:v63+s15+$0x0] =	vst.idx.msk $0xffff, v8  }
0x2f8: {  	v55 =	vmovc v49;
	v43 =	vmovc v61;
	v47 =	vmov v62;
	v56 =	vmov v24;
	v63 =	vmov v33;
	[hbm4b:s23+s2] =	stream.linear.scatter [tilespmem:s15], [sflag:$0x4], $0x2000, $0x38;
	[tilespmem:$0xA000] =	vst v63  }
.LBB2_10:
0x2f9: {  	_ =	swait.ge [sflag:s16], $0x2000  }
0x2fa: {  	[sflag:s16] =	ssyncset.done $0x0  }
0x2fb: {  	[sflag:s16] =	ssyncadd.s32 $0xFFFFE000  }
0x2fc: {  	_ =	swait.ge [sflag:s17], $0x2000  }
0x2fd: {  	v19 =	vld [tilespmem:$0x1FE00]  }
0x2fe: {  	v15 =	vld [tilespmem:$0x1FE10]  }
0x2ff: {  	v61 =	vld [tilespmem:$0x1FE20]  }
0x300: {  	v29 =	vld [tilespmem:$0x1FE30]  }
0x301: {  	v54 =	vld [tilespmem:$0x1FE40]  }
0x302: {  	v51 =	vld [tilespmem:$0x1FE50]  }
0x303: {  	v30 =	vld [tilespmem:$0x1FE60]  }
0x304: {  	v40 =	vld [tilespmem:$0x1FE70]  }
0x305: {  	v32 =	vld [tilespmem:$0x1FE80]  }
0x306: {  	v33 =	vld [tilespmem:$0x1FE90]  }
0x307: {  	v34 =	vld [tilespmem:$0x1FEA0]  }
.Ltmp9:
0x308: {  	v36 =	vld [tilespmem:$0x1FEB0];
	(pc) =	sbr.rel @p0 .LBB2_14-.Ltmp9, $4  }
0x309: {  	v38 =	vld [tilespmem:$0x1FEC0]  }
0x30a: {  	v44 =	vld [tilespmem:$0x1FED0]  }
0x30b: {  	v14 =	vmov v20;
	[sflag:s17] =	ssyncset.done $0x0;
	v20 =	vld [tilespmem:$0x1FEE0]  }
0x30c: {  	v37 =	vld [tilespmem:$0x1FEF0];
	[sflag:s17] =	ssyncadd.s32 $0xFFFFE000  }
0x30d: {  	s22 =	simm.s32 $0x0  }
0x30e: {  	v8 =	vadd.s32 s22, v0  }
0x30f: {  	v10 =	vand.u32 $0xF, v8  }
0x310: {  	v9 =	vshll.u32 v10, $0x7  }
0x311: {  	v11 =	vor.u32 v0, v9  }
0x312: {  	[tilespmem:s22], [sflag:$0x1] =	stream.strided.gather [hbm4b:s6+s11], $0x2000, s12, s11, $0x38;
	[tilespmem:$0xA000] =	vst v63  }
0x313: {  	_ =	swait.ge [sflag:s18], $0x2000  }
0x314: {  	[sflag:s18] =	ssyncset.done $0x0  }
0x315: {  	[sflag:s18] =	ssyncadd.s32 $0xFFFFE000  }
0x316: {  	v27 =	vmov v12;
	v12 =	vor.u32 v59, v10;
	v11 =	vld.idx.msk [tilespmem:v11+s2+$0x0], $0xffff  }
0x317: {  	v13 =	vor.u32 v2, v9;
	_ =	sdelay $0x3  }
0x318: {  	[tilespmem:v12+s19+$0x0] =	vst.idx.msk $0xffff, v11  }
0x319: {  	v12 =	vor.u32 v3, v10;
	v11 =	vld.idx.msk [tilespmem:v13+s2+$0x0], $0xffff  }
0x31a: {  	v13 =	vor.u32 v45, v9;
	_ =	sdelay $0x3  }
0x31b: {  	[tilespmem:v12+s19+$0x0] =	vst.idx.msk $0xffff, v11  }
0x31c: {  	v12 =	vor.u32 v5, v10;
	v11 =	vld.idx.msk [tilespmem:v13+s2+$0x0], $0xffff  }
0x31d: {  	v13 =	vor.u32 v6, v9;
	_ =	sdelay $0x3  }
0x31e: {  	[tilespmem:v12+s19+$0x0] =	vst.idx.msk $0xffff, v11  }
0x31f: {  	v12 =	vor.u32 v7, v10;
	v11 =	vld.idx.msk [tilespmem:v13+s2+$0x0], $0xffff  }
0x320: {  	v14 =	vld [tilespmem:$0x1FD70];
	v13 =	vor.u32 v27, v9  }
0x321: {  	v58 =	vld [tilespmem:$0x1FD80];
	_ =	sdelay $0x2  }
0x322: {  	[tilespmem:v12+s19+$0x0] =	vst.idx.msk $0xffff, v11  }
0x323: {  	v12 =	vor.u32 v14, v10;
	v11 =	vld.idx.msk [tilespmem:v13+s2+$0x0], $0xffff  }
0x324: {  	v28 =	vld [tilespmem:$0x1FD90];
	v13 =	vor.u32 v58, v9;
	_ =	sdelay $0x3  }
0x325: {  	[tilespmem:v12+s19+$0x0] =	vst.idx.msk $0xffff, v11  }
0x326: {  	v12 =	vor.u32 v28, v10;
	v11 =	vld.idx.msk [tilespmem:v13+s2+$0x0], $0xffff  }
0x327: {  	v13 =	vor.u32 v25, v9;
	_ =	sdelay $0x3  }
0x328: {  	[tilespmem:v12+s19+$0x0] =	vst.idx.msk $0xffff, v11  }
0x329: {  	v12 =	vor.u32 v19, v10;
	v11 =	vld.idx.msk [tilespmem:v13+s2+$0x0], $0xffff  }
0x32a: {  	v13 =	vor.u32 v15, v9;
	_ =	sdelay $0x3  }
0x32b: {  	[tilespmem:v12+s19+$0x0] =	vst.idx.msk $0xffff, v11  }
0x32c: {  	v12 =	vor.u32 v61, v10;
	v11 =	vld.idx.msk [tilespmem:v13+s2+$0x0], $0xffff  }
0x32d: {  	v13 =	vor.u32 v41, v9;
	_ =	sdelay $0x3  }
0x32e: {  	[tilespmem:v12+s19+$0x0] =	vst.idx.msk $0xffff, v11  }
0x32f: {  	v12 =	vor.u32 v17, v8;
	v11 =	vld.idx.msk [tilespmem:v13+s2+$0x0], $0xffff  }
0x330: {  	v13 =	vor.u32 v18, v9;
	_ =	sdelay $0x3  }
0x331: {  	[tilespmem:v12+s19+$0x0] =	vst.idx.msk $0xffff, v11  }
0x332: {  	v12 =	vor.u32 v16, v8;
	v11 =	vld.idx.msk [tilespmem:v13+s2+$0x0], $0xffff  }
0x333: {  	v13 =	vor.u32 v43, v9;
	_ =	sdelay $0x3  }
0x334: {  	[tilespmem:v12+s19+$0x0] =	vst.idx.msk $0xffff, v11  }
0x335: {  	v12 =	vor.u32 v21, v8;
	v11 =	vld.idx.msk [tilespmem:v13+s2+$0x0], $0xffff  }
0x336: {  	v13 =	vor.u32 v22, v9;
	_ =	sdelay $0x3  }
0x337: {  	[tilespmem:v12+s19+$0x0] =	vst.idx.msk $0xffff, v11  }
0x338: {  	v12 =	vor.u32 v31, v8;
	v11 =	vld.idx.msk [tilespmem:v13+s2+$0x0], $0xffff  }
0x339: {  	v24 =	vmov v27;
	v27 =	vmov v47;
	v47 =	vld [tilespmem:$0x1FDA0];
	v13 =	vor.u32 v29, v9;
	_ =	sdelay $0x3  }
0x33a: {  	[tilespmem:v12+s19+$0x0] =	vst.idx.msk $0xffff, v11  }
0x33b: {  	v12 =	vor.u32 v47, v8;
	v11 =	vld.idx.msk [tilespmem:v13+s2+$0x0], $0xffff  }
0x33c: {  	v13 =	vor.u32 v54, v9;
	_ =	sdelay $0x3  }
0x33d: {  	[tilespmem:v12+s19+$0x0] =	vst.idx.msk $0xffff, v11  }
0x33e: {  	v12 =	vor.u32 v51, v8;
	v11 =	vld.idx.msk [tilespmem:v13+s2+$0x0], $0xffff  }
0x33f: {  	v13 =	vor.u32 v42, v9  }
0x340: {  	v62 =	vld [tilespmem:$0x1FDB0];
	_ =	sdelay $0x2  }
0x341: {  	[tilespmem:v12+s19+$0x0] =	vst.idx.msk $0xffff, v11  }
0x342: {  	v12 =	vor.u32 v30, v8;
	v11 =	vld.idx.msk [tilespmem:v13+s2+$0x0], $0xffff  }
0x343: {  	v13 =	vor.u32 v62, v9;
	_ =	sdelay $0x3  }
0x344: {  	[tilespmem:v12+s19+$0x0] =	vst.idx.msk $0xffff, v11  }
0x345: {  	v12 =	vor.u32 v40, v8;
	v11 =	vld.idx.msk [tilespmem:v13+s2+$0x0], $0xffff  }
0x346: {  	v13 =	vor.u32 v32, v9;
	_ =	sdelay $0x3  }
0x347: {  	[tilespmem:v12+s19+$0x0] =	vst.idx.msk $0xffff, v11  }
0x348: {  	v12 =	vor.u32 v33, v10;
	v11 =	vld.idx.msk [tilespmem:v13+s2+$0x0], $0xffff  }
0x349: {  	v13 =	vor.u32 v34, v9;
	_ =	sdelay $0x3  }
0x34a: {  	[tilespmem:v12+s19+$0x0] =	vst.idx.msk $0xffff, v11  }
0x34b: {  	v12 =	vor.u32 v56, v10;
	v11 =	vld.idx.msk [tilespmem:v13+s2+$0x0], $0xffff  }
0x34c: {  	v13 =	vor.u32 v36, v9;
	_ =	sdelay $0x3  }
0x34d: {  	[tilespmem:v12+s19+$0x0] =	vst.idx.msk $0xffff, v11  }
0x34e: {  	v12 =	vor.u32 v39, v10;
	v11 =	vld.idx.msk [tilespmem:v13+s2+$0x0], $0xffff  }
0x34f: {  	v13 =	vor.u32 v38, v9;
	_ =	sdelay $0x3  }
0x350: {  	[tilespmem:v12+s19+$0x0] =	vst.idx.msk $0xffff, v11  }
0x351: {  	v12 =	vor.u32 v52, v10;
	v11 =	vld.idx.msk [tilespmem:v13+s2+$0x0], $0xffff  }
0x352: {  	v13 =	vor.u32 v63, v9;
	_ =	sdelay $0x3  }
0x353: {  	[tilespmem:v12+s19+$0x0] =	vst.idx.msk $0xffff, v11  }
0x354: {  	v12 =	vor.u32 v46, v10;
	v11 =	vld.idx.msk [tilespmem:v13+s2+$0x0], $0xffff  }
0x355: {  	v13 =	vor.u32 v27, v9;
	_ =	sdelay $0x3  }
0x356: {  	v4 =	vmov v44;
	[tilespmem:v12+s19+$0x0] =	vst.idx.msk $0xffff, v11  }
0x357: {  	v12 =	vor.u32 v4, v10;
	v11 =	vld.idx.msk [tilespmem:v13+s2+$0x0], $0xffff  }
0x358: {  	v13 =	vor.u32 v57, v9  }
0x359: {  	v35 =	vld [tilespmem:$0x1FDC0];
	_ =	sdelay $0x2  }
0x35a: {  	v49 =	vmov v20;
	[tilespmem:v12+s19+$0x0] =	vst.idx.msk $0xffff, v11  }
0x35b: {  	v12 =	vor.u32 v49, v10;
	v11 =	vld.idx.msk [tilespmem:v13+s2+$0x0], $0xffff  }
0x35c: {  	v13 =	vor.u32 v35, v9;
	_ =	sdelay $0x3  }
0x35d: {  	[tilespmem:v12+s19+$0x0] =	vst.idx.msk $0xffff, v11  }
0x35e: {  	v10 =	vor.u32 v37, v10;
	v11 =	vld.idx.msk [tilespmem:v13+s2+$0x0], $0xffff  }
0x35f: {  	v12 =	vor.u32 v23, v9;
	_ =	sdelay $0x3  }
0x360: {  	v44 =	vmov v60;
	[tilespmem:v10+s19+$0x0] =	vst.idx.msk $0xffff, v11  }
0x361: {  	v11 =	vor.u32 v44, v8;
	v10 =	vld.idx.msk [tilespmem:v12+s2+$0x0], $0xffff  }
0x362: {  	v12 =	vor.u32 v53, v9  }
0x363: {  	v1 =	vld [tilespmem:$0x1FDD0];
	_ =	sdelay $0x2  }
0x364: {  	[tilespmem:v11+s19+$0x0] =	vst.idx.msk $0xffff, v10  }
0x365: {  	v11 =	vor.u32 v50, v8;
	v10 =	vld.idx.msk [tilespmem:v12+s2+$0x0], $0xffff  }
0x366: {  	v60 =	vmov v46;
	v46 =	vmov v49;
	v49 =	vld [tilespmem:$0x1FDE0];
	v12 =	vor.u32 v1, v9;
	_ =	sdelay $0x3  }
0x367: {  	[tilespmem:v11+s19+$0x0] =	vst.idx.msk $0xffff, v10  }
0x368: {  	v11 =	vor.u32 v49, v8;
	v10 =	vld.idx.msk [tilespmem:v12+s2+$0x0], $0xffff  }
0x369: {  	v12 =	vor.u32 v55, v9;
	_ =	sdelay $0x3  }
0x36a: {  	v20 =	vmov v51;
	v51 =	vmov v19;
	v19 =	vld [tilespmem:$0x1FDF0];
	[tilespmem:v11+s19+$0x0] =	vst.idx.msk $0xffff, v10  }
0x36b: {  	v11 =	vor.u32 v48, v8;
	v10 =	vld.idx.msk [tilespmem:v12+s2+$0x0], $0xffff;
	_ =	sdelay $0x3  }
0x36c: {  	v12 =	vor.u32 v19, v9  }
0x36d: {  	[tilespmem:v11+s19+$0x0] =	vst.idx.msk $0xffff, v10;
	v11 =	vld [tilespmem:$0x1FF00];
	_ =	sdelay $0x3  }
0x36e: {  	v10 =	vld.idx.msk [tilespmem:v12+s2+$0x0], $0xffff  }
0x36f: {  	v12 =	vld [tilespmem:$0x1FF90];
	v11 =	vor.u32 v11, v8;
	_ =	sdelay $0x4  }
0x370: {  	v12 =	vor.u32 v12, v9;
	[tilespmem:v11+s19+$0x0] =	vst.idx.msk $0xffff, v10;
	v11 =	vld [tilespmem:$0x1FF60];
	_ =	sdelay $0x3  }
0x371: {  	v27 =	vmovc v4;
	v4 =	vmovc v16;
	v16 =	vmov v18;
	v18 =	vmov v17;
	v17 =	vmov v15;
	v15 =	vld [tilespmem:$0x1FFA0]  }
0x372: {  	v10 =	vld.idx.msk [tilespmem:v12+s2+$0x0], $0xffff;
	v11 =	vor.u32 v11, v8;
	_ =	sdelay $0x4  }
0x373: {  	v12 =	vor.u32 v15, v9;
	[tilespmem:v11+s19+$0x0] =	vst.idx.msk $0xffff, v10;
	v11 =	vld [tilespmem:$0x1FF10];
	_ =	sdelay $0x3  }
0x374: {  	v63 =	vmov v52;
	v52 =	vmov v19;
	v19 =	vld [tilespmem:$0x1FF20]  }
0x375: {  	v10 =	vld.idx.msk [tilespmem:v12+s2+$0x0], $0xffff;
	v15 =	vmov v11;
	v11 =	vor.u32 v11, v8;
	_ =	sdelay $0x3  }
0x376: {  	s31 =	simm.s32 $0x1  }
0x377: {  	s22 =	simm.s32 $0x2;
	v9 =	vor.u32 v19, v9;
	[tilespmem:v11+s19+$0x0] =	vst.idx.msk $0xffff, v10;
	v11 =	vadd.s32 s31, v0  }
.LBB2_12:
0x378: {  	_ =	sdelay $0x2  }
0x379: {  	v10 =	vand.u32 $0xF, v11  }
0x37a: {  	v12 =	vld.idx.msk [tilespmem:v9+s2+$0x0], $0xffff;
	v13 =	vor.u32 v26, v8;
	v9 =	vshll.u32 v10, $0x7  }
0x37b: {  	v8 =	vmov v11;
	v11 =	vor.u32 v0, v9;
	_ =	sdelay $0x3  }
0x37c: {  	[tilespmem:v13+s19+$0x0] =	vst.idx.msk $0xffff, v12  }
0x37d: {  	v12 =	vor.u32 v59, v10;
	v11 =	vld.idx.msk [tilespmem:v11+s2+$0x0], $0xffff  }
0x37e: {  	v13 =	vor.u32 v2, v9;
	_ =	sdelay $0x3  }
0x37f: {  	[tilespmem:v12+s19+$0x0] =	vst.idx.msk $0xffff, v11  }
0x380: {  	v12 =	vor.u32 v3, v10;
	v11 =	vld.idx.msk [tilespmem:v13+s2+$0x0], $0xffff  }
0x381: {  	v13 =	vor.u32 v45, v9;
	_ =	sdelay $0x3  }
0x382: {  	[tilespmem:v12+s19+$0x0] =	vst.idx.msk $0xffff, v11  }
0x383: {  	v12 =	vor.u32 v5, v10;
	v11 =	vld.idx.msk [tilespmem:v13+s2+$0x0], $0xffff  }
0x384: {  	v13 =	vor.u32 v6, v9;
	_ =	sdelay $0x3  }
0x385: {  	[tilespmem:v12+s19+$0x0] =	vst.idx.msk $0xffff, v11  }
0x386: {  	v12 =	vor.u32 v7, v10;
	v11 =	vld.idx.msk [tilespmem:v13+s2+$0x0], $0xffff  }
0x387: {  	v13 =	vor.u32 v24, v9;
	_ =	sdelay $0x3  }
0x388: {  	[tilespmem:v12+s19+$0x0] =	vst.idx.msk $0xffff, v11  }
0x389: {  	v12 =	vor.u32 v14, v10;
	v11 =	vld.idx.msk [tilespmem:v13+s2+$0x0], $0xffff  }
0x38a: {  	v13 =	vor.u32 v58, v9;
	_ =	sdelay $0x3  }
0x38b: {  	[tilespmem:v12+s19+$0x0] =	vst.idx.msk $0xffff, v11  }
0x38c: {  	v12 =	vor.u32 v28, v10;
	v11 =	vld.idx.msk [tilespmem:v13+s2+$0x0], $0xffff  }
0x38d: {  	v13 =	vor.u32 v25, v9;
	_ =	sdelay $0x3  }
0x38e: {  	[tilespmem:v12+s19+$0x0] =	vst.idx.msk $0xffff, v11  }
0x38f: {  	v12 =	vor.u32 v51, v10;
	v11 =	vld.idx.msk [tilespmem:v13+s2+$0x0], $0xffff  }
0x390: {  	v13 =	vor.u32 v17, v9;
	_ =	sdelay $0x3  }
0x391: {  	[tilespmem:v12+s19+$0x0] =	vst.idx.msk $0xffff, v11  }
0x392: {  	v12 =	vor.u32 v61, v10;
	v11 =	vld.idx.msk [tilespmem:v13+s2+$0x0], $0xffff  }
0x393: {  	v13 =	vor.u32 v41, v9;
	_ =	sdelay $0x3  }
0x394: {  	[tilespmem:v12+s19+$0x0] =	vst.idx.msk $0xffff, v11  }
0x395: {  	v12 =	vor.u32 v18, v8;
	v11 =	vld.idx.msk [tilespmem:v13+s2+$0x0], $0xffff  }
0x396: {  	v13 =	vor.u32 v16, v9;
	_ =	sdelay $0x3  }
0x397: {  	[tilespmem:v12+s19+$0x0] =	vst.idx.msk $0xffff, v11  }
0x398: {  	v12 =	vor.u32 v4, v8;
	v11 =	vld.idx.msk [tilespmem:v13+s2+$0x0], $0xffff  }
0x399: {  	v13 =	vor.u32 v43, v9;
	_ =	sdelay $0x3  }
0x39a: {  	[tilespmem:v12+s19+$0x0] =	vst.idx.msk $0xffff, v11  }
0x39b: {  	v12 =	vor.u32 v21, v8;
	v11 =	vld.idx.msk [tilespmem:v13+s2+$0x0], $0xffff  }
0x39c: {  	v13 =	vor.u32 v22, v9;
	_ =	sdelay $0x3  }
0x39d: {  	[tilespmem:v12+s19+$0x0] =	vst.idx.msk $0xffff, v11  }
0x39e: {  	v12 =	vor.u32 v31, v8;
	v11 =	vld.idx.msk [tilespmem:v13+s2+$0x0], $0xffff  }
0x39f: {  	v13 =	vor.u32 v29, v9;
	_ =	sdelay $0x3  }
0x3a0: {  	[tilespmem:v12+s19+$0x0] =	vst.idx.msk $0xffff, v11  }
0x3a1: {  	v12 =	vor.u32 v47, v8;
	v11 =	vld.idx.msk [tilespmem:v13+s2+$0x0], $0xffff  }
0x3a2: {  	v13 =	vor.u32 v54, v9;
	_ =	sdelay $0x3  }
0x3a3: {  	[tilespmem:v12+s19+$0x0] =	vst.idx.msk $0xffff, v11  }
0x3a4: {  	v12 =	vor.u32 v20, v8;
	v11 =	vld.idx.msk [tilespmem:v13+s2+$0x0], $0xffff  }
0x3a5: {  	v13 =	vor.u32 v42, v9;
	_ =	sdelay $0x3  }
0x3a6: {  	[tilespmem:v12+s19+$0x0] =	vst.idx.msk $0xffff, v11  }
0x3a7: {  	v12 =	vor.u32 v30, v8;
	v11 =	vld.idx.msk [tilespmem:v13+s2+$0x0], $0xffff  }
0x3a8: {  	v13 =	vor.u32 v62, v9;
	_ =	sdelay $0x3  }
0x3a9: {  	[tilespmem:v12+s19+$0x0] =	vst.idx.msk $0xffff, v11  }
0x3aa: {  	v12 =	vor.u32 v40, v8;
	v11 =	vld.idx.msk [tilespmem:v13+s2+$0x0], $0xffff  }
0x3ab: {  	v13 =	vor.u32 v32, v9;
	_ =	sdelay $0x3  }
0x3ac: {  	[tilespmem:v12+s19+$0x0] =	vst.idx.msk $0xffff, v11  }
0x3ad: {  	v12 =	vor.u32 v33, v10;
	v11 =	vld.idx.msk [tilespmem:v13+s2+$0x0], $0xffff  }
0x3ae: {  	v13 =	vor.u32 v34, v9;
	_ =	sdelay $0x3  }
0x3af: {  	[tilespmem:v12+s19+$0x0] =	vst.idx.msk $0xffff, v11  }
0x3b0: {  	v12 =	vor.u32 v56, v10;
	v11 =	vld.idx.msk [tilespmem:v13+s2+$0x0], $0xffff  }
0x3b1: {  	v13 =	vor.u32 v36, v9;
	_ =	sdelay $0x3  }
0x3b2: {  	[tilespmem:v12+s19+$0x0] =	vst.idx.msk $0xffff, v11  }
0x3b3: {  	v12 =	vor.u32 v39, v10;
	v11 =	vld.idx.msk [tilespmem:v13+s2+$0x0], $0xffff  }
0x3b4: {  	v13 =	vor.u32 v38, v9;
	_ =	sdelay $0x3  }
0x3b5: {  	[tilespmem:v12+s19+$0x0] =	vst.idx.msk $0xffff, v11  }
0x3b6: {  	v11 =	vld.idx.msk [tilespmem:v13+s2+$0x0], $0xffff  }
0x3b7: {  	v13 =	vld [tilespmem:$0x1FF70];
	_ =	sdelay $0x3  }
0x3b8: {  	v12 =	vor.u32 v63, v10  }
0x3b9: {  	v13 =	vor.u32 v13, v9;
	_ =	sdelay $0x3  }
0x3ba: {  	[tilespmem:v12+s19+$0x0] =	vst.idx.msk $0xffff, v11  }
0x3bb: {  	v11 =	vld.idx.msk [tilespmem:v13+s2+$0x0], $0xffff  }
0x3bc: {  	v13 =	vld [tilespmem:$0x1FF80];
	_ =	sdelay $0x3  }
0x3bd: {  	v12 =	vor.u32 v60, v10  }
0x3be: {  	v13 =	vor.u32 v13, v9;
	_ =	sdelay $0x3  }
0x3bf: {  	[tilespmem:v12+s19+$0x0] =	vst.idx.msk $0xffff, v11  }
0x3c0: {  	v12 =	vor.u32 v27, v10;
	v11 =	vld.idx.msk [tilespmem:v13+s2+$0x0], $0xffff  }
0x3c1: {  	v13 =	vor.u32 v57, v9;
	_ =	sdelay $0x3  }
0x3c2: {  	[tilespmem:v12+s19+$0x0] =	vst.idx.msk $0xffff, v11  }
0x3c3: {  	v12 =	vor.u32 v46, v10;
	v11 =	vld.idx.msk [tilespmem:v13+s2+$0x0], $0xffff  }
0x3c4: {  	v13 =	vor.u32 v35, v9;
	_ =	sdelay $0x3  }
0x3c5: {  	[tilespmem:v12+s19+$0x0] =	vst.idx.msk $0xffff, v11  }
0x3c6: {  	v10 =	vor.u32 v37, v10;
	v11 =	vld.idx.msk [tilespmem:v13+s2+$0x0], $0xffff  }
0x3c7: {  	v12 =	vor.u32 v23, v9;
	_ =	sdelay $0x3  }
0x3c8: {  	[tilespmem:v10+s19+$0x0] =	vst.idx.msk $0xffff, v11  }
0x3c9: {  	v11 =	vor.u32 v44, v8;
	v10 =	vld.idx.msk [tilespmem:v12+s2+$0x0], $0xffff  }
0x3ca: {  	v12 =	vor.u32 v53, v9;
	_ =	sdelay $0x3  }
0x3cb: {  	[tilespmem:v11+s19+$0x0] =	vst.idx.msk $0xffff, v10  }
0x3cc: {  	v11 =	vor.u32 v50, v8;
	v10 =	vld.idx.msk [tilespmem:v12+s2+$0x0], $0xffff  }
0x3cd: {  	v12 =	vor.u32 v1, v9;
	_ =	sdelay $0x3  }
0x3ce: {  	[tilespmem:v11+s19+$0x0] =	vst.idx.msk $0xffff, v10  }
0x3cf: {  	v11 =	vor.u32 v49, v8;
	v10 =	vld.idx.msk [tilespmem:v12+s2+$0x0], $0xffff  }
0x3d0: {  	v12 =	vor.u32 v55, v9;
	_ =	sdelay $0x3  }
0x3d1: {  	[tilespmem:v11+s19+$0x0] =	vst.idx.msk $0xffff, v10  }
0x3d2: {  	v11 =	vor.u32 v48, v8;
	v10 =	vld.idx.msk [tilespmem:v12+s2+$0x0], $0xffff  }
0x3d3: {  	v12 =	vor.u32 v52, v9;
	_ =	sdelay $0x3  }
0x3d4: {  	[tilespmem:v11+s19+$0x0] =	vst.idx.msk $0xffff, v10;
	v11 =	vld [tilespmem:$0x1FF00]  }
0x3d5: {  	v10 =	vld.idx.msk [tilespmem:v12+s2+$0x0], $0xffff  }
0x3d6: {  	v12 =	vld [tilespmem:$0x1FF90];
	_ =	sdelay $0x3  }
0x3d7: {  	v11 =	vor.u32 v11, v8  }
0x3d8: {  	v12 =	vor.u32 v12, v9;
	_ =	sdelay $0x3  }
0x3d9: {  	[tilespmem:v11+s19+$0x0] =	vst.idx.msk $0xffff, v10;
	v11 =	vld [tilespmem:$0x1FF60]  }
0x3da: {  	v10 =	vld.idx.msk [tilespmem:v12+s2+$0x0], $0xffff  }
0x3db: {  	v12 =	vld [tilespmem:$0x1FFA0];
	_ =	sdelay $0x3  }
0x3dc: {  	v11 =	vor.u32 v11, v8  }
0x3dd: {  	v12 =	vor.u32 v12, v9;
	_ =	sdelay $0x3  }
0x3de: {  	[tilespmem:v11+s19+$0x0] =	vst.idx.msk $0xffff, v10  }
0x3df: {  	p2 =	sne.s32 s22, $0xF;
	v10 =	vld.idx.msk [tilespmem:v12+s2+$0x0], $0xffff;
	v12 =	vor.u32 v15, v8  }
.Ltmp10:
0x3e0: {  	_ = 	snop;
	(pc) =	sbr.rel @p2 .LBB2_12-.Ltmp10, $2  }
0x3e1: {  	_ =	sdelay $0x2  }
0x3e2: {  	v9 =	vor.u32 v19, v9;
	v11 =	vadd.s32 s22, v0;
	s22 =	sadd.s32 $0x1, s22;
	[tilespmem:v12+s19+$0x0] =	vst.idx.msk $0xffff, v10  }
0x3e3: {  	_ =	sdelay $0x2  }
0x3e4: {  	v10 =	vand.u32 $0xF, v11  }
0x3e5: {  	v9 =	vld.idx.msk [tilespmem:v9+s2+$0x0], $0xffff;
	v8 =	vor.u32 v26, v8;
	v12 =	vshll.u32 v10, $0x7  }
0x3e6: {  	v13 =	vor.u32 v0, v12;
	_ =	sdelay $0x3  }
0x3e7: {  	[tilespmem:v8+s19+$0x0] =	vst.idx.msk $0xffff, v9  }
0x3e8: {  	v9 =	vor.u32 v59, v10;
	v8 =	vld.idx.msk [tilespmem:v13+s2+$0x0], $0xffff  }
0x3e9: {  	v13 =	vor.u32 v2, v12;
	_ =	sdelay $0x3  }
0x3ea: {  	[tilespmem:v9+s19+$0x0] =	vst.idx.msk $0xffff, v8  }
0x3eb: {  	v9 =	vor.u32 v3, v10;
	v8 =	vld.idx.msk [tilespmem:v13+s2+$0x0], $0xffff  }
0x3ec: {  	v13 =	vor.u32 v45, v12;
	_ =	sdelay $0x3  }
0x3ed: {  	[tilespmem:v9+s19+$0x0] =	vst.idx.msk $0xffff, v8  }
0x3ee: {  	v9 =	vor.u32 v5, v10;
	v8 =	vld.idx.msk [tilespmem:v13+s2+$0x0], $0xffff  }
0x3ef: {  	v13 =	vor.u32 v6, v12;
	_ =	sdelay $0x3  }
0x3f0: {  	[tilespmem:v9+s19+$0x0] =	vst.idx.msk $0xffff, v8  }
0x3f1: {  	v9 =	vor.u32 v7, v10;
	v8 =	vld.idx.msk [tilespmem:v13+s2+$0x0], $0xffff  }
0x3f2: {  	v13 =	vor.u32 v24, v12;
	_ =	sdelay $0x3  }
0x3f3: {  	[tilespmem:v9+s19+$0x0] =	vst.idx.msk $0xffff, v8  }
0x3f4: {  	v9 =	vor.u32 v14, v10;
	v8 =	vld.idx.msk [tilespmem:v13+s2+$0x0], $0xffff  }
0x3f5: {  	v13 =	vor.u32 v58, v12;
	_ =	sdelay $0x3  }
0x3f6: {  	[tilespmem:v9+s19+$0x0] =	vst.idx.msk $0xffff, v8  }
0x3f7: {  	v58 =	vor.u32 v28, v10;
	v8 =	vld.idx.msk [tilespmem:v13+s2+$0x0], $0xffff  }
0x3f8: {  	v13 =	vor.u32 v25, v12;
	_ =	sdelay $0x3  }
0x3f9: {  	[tilespmem:v58+s19+$0x0] =	vst.idx.msk $0xffff, v8  }
0x3fa: {  	v51 =	vor.u32 v51, v10;
	v8 =	vld.idx.msk [tilespmem:v13+s2+$0x0], $0xffff  }
0x3fb: {  	v13 =	vor.u32 v17, v12;
	_ =	sdelay $0x3  }
0x3fc: {  	[tilespmem:v51+s19+$0x0] =	vst.idx.msk $0xffff, v8  }
0x3fd: {  	v58 =	vor.u32 v61, v10;
	v8 =	vld.idx.msk [tilespmem:v13+s2+$0x0], $0xffff  }
0x3fe: {  	v13 =	vor.u32 v41, v12;
	_ =	sdelay $0x3  }
0x3ff: {  	[tilespmem:v58+s19+$0x0] =	vst.idx.msk $0xffff, v8  }
0x400: {  	v61 =	vor.u32 v18, v11;
	v8 =	vld.idx.msk [tilespmem:v13+s2+$0x0], $0xffff  }
0x401: {  	v13 =	vor.u32 v16, v12;
	_ =	sdelay $0x3  }
0x402: {  	[tilespmem:v61+s19+$0x0] =	vst.idx.msk $0xffff, v8  }
0x403: {  	v51 =	vor.u32 v4, v11;
	v8 =	vld.idx.msk [tilespmem:v13+s2+$0x0], $0xffff  }
0x404: {  	v13 =	vor.u32 v43, v12;
	_ =	sdelay $0x3  }
0x405: {  	[tilespmem:v51+s19+$0x0] =	vst.idx.msk $0xffff, v8  }
0x406: {  	v58 =	vor.u32 v21, v11;
	v8 =	vld.idx.msk [tilespmem:v13+s2+$0x0], $0xffff  }
0x407: {  	v13 =	vor.u32 v22, v12;
	_ =	sdelay $0x3  }
0x408: {  	[tilespmem:v58+s19+$0x0] =	vst.idx.msk $0xffff, v8  }
0x409: {  	v61 =	vor.u32 v31, v11;
	v8 =	vld.idx.msk [tilespmem:v13+s2+$0x0], $0xffff  }
0x40a: {  	v13 =	vor.u32 v29, v12;
	_ =	sdelay $0x3  }
0x40b: {  	[tilespmem:v61+s19+$0x0] =	vst.idx.msk $0xffff, v8  }
0x40c: {  	v51 =	vor.u32 v47, v11;
	v8 =	vld.idx.msk [tilespmem:v13+s2+$0x0], $0xffff  }
0x40d: {  	v13 =	vor.u32 v54, v12;
	_ =	sdelay $0x3  }
0x40e: {  	[tilespmem:v51+s19+$0x0] =	vst.idx.msk $0xffff, v8  }
0x40f: {  	v58 =	vor.u32 v20, v11;
	v8 =	vld.idx.msk [tilespmem:v13+s2+$0x0], $0xffff  }
0x410: {  	v13 =	vor.u32 v42, v12;
	_ =	sdelay $0x3  }
0x411: {  	[tilespmem:v58+s19+$0x0] =	vst.idx.msk $0xffff, v8  }
0x412: {  	v61 =	vor.u32 v30, v11;
	v8 =	vld.idx.msk [tilespmem:v13+s2+$0x0], $0xffff  }
0x413: {  	v13 =	vor.u32 v62, v12;
	_ =	sdelay $0x3  }
0x414: {  	[tilespmem:v61+s19+$0x0] =	vst.idx.msk $0xffff, v8  }
0x415: {  	v62 =	vor.u32 v40, v11;
	v8 =	vld.idx.msk [tilespmem:v13+s2+$0x0], $0xffff  }
0x416: {  	v13 =	vor.u32 v32, v12;
	_ =	sdelay $0x3  }
0x417: {  	[tilespmem:v62+s19+$0x0] =	vst.idx.msk $0xffff, v8  }
0x418: {  	v40 =	vor.u32 v33, v10;
	v8 =	vld.idx.msk [tilespmem:v13+s2+$0x0], $0xffff  }
0x419: {  	v13 =	vor.u32 v34, v12;
	_ =	sdelay $0x3  }
0x41a: {  	[tilespmem:v40+s19+$0x0] =	vst.idx.msk $0xffff, v8  }
0x41b: {  	v47 =	vor.u32 v56, v10;
	v8 =	vld.idx.msk [tilespmem:v13+s2+$0x0], $0xffff  }
0x41c: {  	v13 =	vor.u32 v36, v12;
	_ =	sdelay $0x3  }
0x41d: {  	[tilespmem:v47+s19+$0x0] =	vst.idx.msk $0xffff, v8  }
0x41e: {  	v51 =	vor.u32 v39, v10;
	v8 =	vld.idx.msk [tilespmem:v13+s2+$0x0], $0xffff  }
0x41f: {  	v13 =	vor.u32 v38, v12  }
0x420: {  	v25 =	vld [tilespmem:$0x1FF70];
	_ =	sdelay $0x2  }
0x421: {  	[tilespmem:v51+s19+$0x0] =	vst.idx.msk $0xffff, v8  }
0x422: {  	v54 =	vor.u32 v63, v10;
	v8 =	vld.idx.msk [tilespmem:v13+s2+$0x0], $0xffff  }
0x423: {  	v13 =	vor.u32 v25, v12  }
0x424: {  	v47 =	vld [tilespmem:$0x1FF80];
	_ =	sdelay $0x2  }
0x425: {  	[tilespmem:v54+s19+$0x0] =	vst.idx.msk $0xffff, v8  }
0x426: {  	v58 =	vor.u32 v60, v10;
	v8 =	vld.idx.msk [tilespmem:v13+s2+$0x0], $0xffff  }
0x427: {  	v13 =	vor.u32 v47, v12;
	_ =	sdelay $0x3  }
0x428: {  	[tilespmem:v58+s19+$0x0] =	vst.idx.msk $0xffff, v8  }
0x429: {  	v62 =	vmov v63;
	v63 =	vmov v60;
	v60 =	vor.u32 v27, v10;
	v8 =	vld.idx.msk [tilespmem:v13+s2+$0x0], $0xffff  }
0x42a: {  	v13 =	vor.u32 v57, v12;
	_ =	sdelay $0x3  }
0x42b: {  	[tilespmem:v60+s19+$0x0] =	vst.idx.msk $0xffff, v8  }
0x42c: {  	v61 =	vor.u32 v46, v10;
	v8 =	vld.idx.msk [tilespmem:v13+s2+$0x0], $0xffff  }
0x42d: {  	v13 =	vor.u32 v35, v12;
	_ =	sdelay $0x3  }
0x42e: {  	[tilespmem:v61+s19+$0x0] =	vst.idx.msk $0xffff, v8  }
0x42f: {  	v37 =	vor.u32 v37, v10;
	v8 =	vld.idx.msk [tilespmem:v13+s2+$0x0], $0xffff  }
0x430: {  	v40 =	vor.u32 v23, v12;
	_ =	sdelay $0x3  }
0x431: {  	[tilespmem:v37+s19+$0x0] =	vst.idx.msk $0xffff, v8  }
0x432: {  	v46 =	vor.u32 v44, v11;
	v8 =	vld.idx.msk [tilespmem:v40+s2+$0x0], $0xffff  }
0x433: {  	v51 =	vor.u32 v53, v12;
	_ =	sdelay $0x3  }
0x434: {  	[tilespmem:v46+s19+$0x0] =	vst.idx.msk $0xffff, v8  }
0x435: {  	v54 =	vor.u32 v50, v11;
	v8 =	vld.idx.msk [tilespmem:v51+s2+$0x0], $0xffff  }
0x436: {  	v58 =	vor.u32 v1, v12;
	_ =	sdelay $0x3  }
0x437: {  	[tilespmem:v54+s19+$0x0] =	vst.idx.msk $0xffff, v8  }
0x438: {  	v61 =	vor.u32 v49, v11;
	v8 =	vld.idx.msk [tilespmem:v58+s2+$0x0], $0xffff  }
0x439: {  	v35 =	vor.u32 v55, v12;
	_ =	sdelay $0x3  }
0x43a: {  	[tilespmem:v61+s19+$0x0] =	vst.idx.msk $0xffff, v8  }
0x43b: {  	v37 =	vor.u32 v48, v11;
	v8 =	vld.idx.msk [tilespmem:v35+s2+$0x0], $0xffff  }
0x43c: {  	v28 =	vld [tilespmem:$0x1FF00];
	v40 =	vor.u32 v52, v12  }
0x43d: {  	v58 =	vld [tilespmem:$0x1FF90];
	_ =	sdelay $0x2  }
0x43e: {  	[tilespmem:v37+s19+$0x0] =	vst.idx.msk $0xffff, v8  }
0x43f: {  	v60 =	vmov v44;
	v44 =	vor.u32 v28, v11;
	v8 =	vld.idx.msk [tilespmem:v40+s2+$0x0], $0xffff  }
0x440: {  	v13 =	vld [tilespmem:$0x1FF60];
	v46 =	vor.u32 v58, v12  }
0x441: {  	v14 =	vld [tilespmem:$0x1FFA0];
	_ =	sdelay $0x2  }
0x442: {  	[tilespmem:v44+s19+$0x0] =	vst.idx.msk $0xffff, v8  }
0x443: {  	v49 =	vor.u32 v13, v11;
	v8 =	vld.idx.msk [tilespmem:v46+s2+$0x0], $0xffff  }
0x444: {  	v51 =	vor.u32 v14, v12;
	_ =	sdelay $0x3  }
0x445: {  	[tilespmem:v49+s19+$0x0] =	vst.idx.msk $0xffff, v8  }
0x446: {  	v52 =	vor.u32 v15, v11;
	v8 =	vld.idx.msk [tilespmem:v51+s2+$0x0], $0xffff  }
0x447: {  	v54 =	vor.u32 v19, v12;
	_ =	sdelay $0x3  }
0x448: {  	[tilespmem:v52+s19+$0x0] =	vst.idx.msk $0xffff, v8  }
0x449: {  	v61 =	vor.u32 v26, v11;
	v8 =	vld.idx.msk [tilespmem:v54+s2+$0x0], $0xffff;
	_ =	sdelay $0x4  }
0x44a: {  	[tilespmem:v61+s19+$0x0] =	vst.idx.msk $0xffff, v8  }
0x44b: {  	[hbm4b:s7+s2] =	stream.linear.scatter [tilespmem:s19], [sflag:$0x3], $0x2000, $0x38;
	[tilespmem:$0xA000] =	vst v63  }
0x44c: {  	_ =	swait.ge [sflag:s16], $0x2000  }
0x44d: {  	v12 =	vld [tilespmem:$0x1FF30]  }
0x44e: {  	v46 =	vmov v63;
	v63 =	vmov v25;
	v25 =	vld [tilespmem:$0x1FFE0]  }
0x44f: {  	[sflag:s16] =	ssyncset.done $0x0;
	v17 =	vld [tilespmem:$0x1FFF0]  }
0x450: {  	v18 =	vmov v16;
	v16 =	vmov v4;
	v52 =	vmov v62;
	v7 =	vld [tilespmem:$0x1FFC0];
	[sflag:s16] =	ssyncadd.s32 $0xFFFFE000  }
.LBB2_14:
.Ltmp11:
0x451: {  	(pc) =	sbr.rel @p1 .LBB2_18-.Ltmp11, $1  }
0x452: {  	_ =	sdelay $0x3  }
0x453: {  	s22 =	simm.s32 $0x0  }
0x454: {  	v8 =	vadd.s32 s22, v0  }
0x455: {  	v9 =	vand.u32 $0xF, v8  }
0x456: {  	v10 =	vshll.u32 v9, $0x7  }
0x457: {  	v11 =	vor.u32 v0, v10  }
0x458: {  	[tilespmem:s20], [sflag:$0x2] =	stream.strided.gather [hbm4b:s8+s11], $0x2000, s12, s11, $0x38;
	[tilespmem:$0xA000] =	vst v63  }
0x459: {  	_ =	swait.ge [sflag:s13], $0x2000  }
0x45a: {  	[sflag:s13] =	ssyncset.done $0x0  }
0x45b: {  	[sflag:s13] =	ssyncadd.s32 $0xFFFFE000  }
0x45c: {  	v1 =	vmov v14;
	v14 =	vmov v12;
	v12 =	vor.u32 v59, v9;
	v11 =	vld.idx.msk [tilespmem:v11+s20+$0x0], $0xffff  }
0x45d: {  	v49 =	vmov v13;
	v13 =	vor.u32 v2, v10;
	_ =	sdelay $0x3  }
0x45e: {  	[tilespmem:v12+s15+$0x0] =	vst.idx.msk $0xffff, v11  }
0x45f: {  	v12 =	vor.u32 v3, v9;
	v11 =	vld.idx.msk [tilespmem:v13+s20+$0x0], $0xffff  }
0x460: {  	v13 =	vor.u32 v45, v10;
	_ =	sdelay $0x3  }
0x461: {  	[tilespmem:v12+s15+$0x0] =	vst.idx.msk $0xffff, v11  }
0x462: {  	v12 =	vor.u32 v5, v9;
	v11 =	vld.idx.msk [tilespmem:v13+s20+$0x0], $0xffff  }
0x463: {  	v13 =	vor.u32 v6, v10;
	_ =	sdelay $0x3  }
0x464: {  	[tilespmem:v12+s15+$0x0] =	vst.idx.msk $0xffff, v11  }
0x465: {  	v12 =	vor.u32 v7, v9;
	v11 =	vld.idx.msk [tilespmem:v13+s20+$0x0], $0xffff  }
0x466: {  	v13 =	vor.u32 v41, v10;
	_ =	sdelay $0x3  }
0x467: {  	[tilespmem:v12+s15+$0x0] =	vst.idx.msk $0xffff, v11  }
0x468: {  	v12 =	vor.u32 v17, v8;
	v11 =	vld.idx.msk [tilespmem:v13+s20+$0x0], $0xffff  }
0x469: {  	v13 =	vor.u32 v18, v10;
	_ =	sdelay $0x3  }
0x46a: {  	[tilespmem:v12+s15+$0x0] =	vst.idx.msk $0xffff, v11  }
0x46b: {  	v12 =	vor.u32 v16, v8;
	v11 =	vld.idx.msk [tilespmem:v13+s20+$0x0], $0xffff  }
0x46c: {  	v13 =	vor.u32 v43, v10;
	_ =	sdelay $0x3  }
0x46d: {  	[tilespmem:v12+s15+$0x0] =	vst.idx.msk $0xffff, v11  }
0x46e: {  	v12 =	vor.u32 v21, v8;
	v11 =	vld.idx.msk [tilespmem:v13+s20+$0x0], $0xffff  }
0x46f: {  	v13 =	vor.u32 v22, v10;
	_ =	sdelay $0x3  }
0x470: {  	[tilespmem:v12+s15+$0x0] =	vst.idx.msk $0xffff, v11  }
0x471: {  	v12 =	vor.u32 v31, v8;
	v11 =	vld.idx.msk [tilespmem:v13+s20+$0x0], $0xffff  }
0x472: {  	v13 =	vor.u32 v32, v10;
	_ =	sdelay $0x3  }
0x473: {  	[tilespmem:v12+s15+$0x0] =	vst.idx.msk $0xffff, v11  }
0x474: {  	v12 =	vor.u32 v33, v9;
	v11 =	vld.idx.msk [tilespmem:v13+s20+$0x0], $0xffff  }
0x475: {  	v13 =	vor.u32 v34, v10;
	_ =	sdelay $0x3  }
0x476: {  	[tilespmem:v12+s15+$0x0] =	vst.idx.msk $0xffff, v11  }
0x477: {  	v12 =	vor.u32 v56, v9;
	v11 =	vld.idx.msk [tilespmem:v13+s20+$0x0], $0xffff  }
0x478: {  	v13 =	vor.u32 v36, v10;
	_ =	sdelay $0x3  }
0x479: {  	[tilespmem:v12+s15+$0x0] =	vst.idx.msk $0xffff, v11  }
0x47a: {  	v12 =	vor.u32 v39, v9;
	v11 =	vld.idx.msk [tilespmem:v13+s20+$0x0], $0xffff  }
0x47b: {  	v13 =	vor.u32 v38, v10;
	_ =	sdelay $0x3  }
0x47c: {  	[tilespmem:v12+s15+$0x0] =	vst.idx.msk $0xffff, v11  }
0x47d: {  	v9 =	vor.u32 v52, v9;
	v11 =	vld.idx.msk [tilespmem:v13+s20+$0x0], $0xffff  }
0x47e: {  	v12 =	vor.u32 v23, v10;
	_ =	sdelay $0x3  }
0x47f: {  	[tilespmem:v9+s15+$0x0] =	vst.idx.msk $0xffff, v11  }
0x480: {  	v11 =	vor.u32 v60, v8;
	v9 =	vld.idx.msk [tilespmem:v12+s20+$0x0], $0xffff  }
0x481: {  	v12 =	vor.u32 v53, v10  }
0x482: {  	v4 =	vld [tilespmem:$0x1FDD0];
	_ =	sdelay $0x2  }
0x483: {  	[tilespmem:v11+s15+$0x0] =	vst.idx.msk $0xffff, v9  }
0x484: {  	v11 =	vor.u32 v50, v8;
	v9 =	vld.idx.msk [tilespmem:v12+s20+$0x0], $0xffff  }
0x485: {  	v12 =	vor.u32 v4, v10;
	v4 =	vld [tilespmem:$0x1FDE0];
	_ =	sdelay $0x3  }
0x486: {  	[tilespmem:v11+s15+$0x0] =	vst.idx.msk $0xffff, v9  }
0x487: {  	v13 =	vor.u32 v4, v8;
	v12 =	vld.idx.msk [tilespmem:v12+s20+$0x0], $0xffff;
	_ =	sdelay $0x1  }
0x488: {  	v9 =	vor.u32 v55, v10;
	_ =	sdelay $0x1  }
0x489: {  	s31 =	simm.s32 $0x1  }
0x48a: {  	s22 =	simm.s32 $0x2;
	v11 =	vadd.s32 s31, v0;
	[tilespmem:v13+s15+$0x0] =	vst.idx.msk $0xffff, v12  }
.LBB2_16:
0x48b: {  	v10 =	vand.u32 $0xF, v11  }
0x48c: {  	v12 =	vld.idx.msk [tilespmem:v9+s20+$0x0], $0xffff;
	v13 =	vor.u32 v48, v8;
	v9 =	vshll.u32 v10, $0x7  }
0x48d: {  	v8 =	vmov v11;
	v11 =	vor.u32 v0, v9;
	_ =	sdelay $0x3  }
0x48e: {  	[tilespmem:v13+s15+$0x0] =	vst.idx.msk $0xffff, v12  }
0x48f: {  	v12 =	vor.u32 v59, v10;
	v11 =	vld.idx.msk [tilespmem:v11+s20+$0x0], $0xffff  }
0x490: {  	v13 =	vor.u32 v2, v9;
	_ =	sdelay $0x3  }
0x491: {  	[tilespmem:v12+s15+$0x0] =	vst.idx.msk $0xffff, v11  }
0x492: {  	v12 =	vor.u32 v3, v10;
	v11 =	vld.idx.msk [tilespmem:v13+s20+$0x0], $0xffff  }
0x493: {  	v13 =	vor.u32 v45, v9;
	_ =	sdelay $0x3  }
0x494: {  	[tilespmem:v12+s15+$0x0] =	vst.idx.msk $0xffff, v11  }
0x495: {  	v12 =	vor.u32 v5, v10;
	v11 =	vld.idx.msk [tilespmem:v13+s20+$0x0], $0xffff  }
0x496: {  	v13 =	vor.u32 v6, v9;
	_ =	sdelay $0x3  }
0x497: {  	[tilespmem:v12+s15+$0x0] =	vst.idx.msk $0xffff, v11  }
0x498: {  	v12 =	vor.u32 v7, v10;
	v11 =	vld.idx.msk [tilespmem:v13+s20+$0x0], $0xffff  }
0x499: {  	v13 =	vor.u32 v41, v9;
	_ =	sdelay $0x3  }
0x49a: {  	[tilespmem:v12+s15+$0x0] =	vst.idx.msk $0xffff, v11  }
0x49b: {  	v12 =	vor.u32 v17, v8;
	v11 =	vld.idx.msk [tilespmem:v13+s20+$0x0], $0xffff  }
0x49c: {  	v13 =	vor.u32 v18, v9;
	_ =	sdelay $0x3  }
0x49d: {  	[tilespmem:v12+s15+$0x0] =	vst.idx.msk $0xffff, v11  }
0x49e: {  	v12 =	vor.u32 v16, v8;
	v11 =	vld.idx.msk [tilespmem:v13+s20+$0x0], $0xffff  }
0x49f: {  	v13 =	vor.u32 v43, v9;
	_ =	sdelay $0x3  }
0x4a0: {  	[tilespmem:v12+s15+$0x0] =	vst.idx.msk $0xffff, v11  }
0x4a1: {  	v12 =	vor.u32 v21, v8;
	v11 =	vld.idx.msk [tilespmem:v13+s20+$0x0], $0xffff  }
0x4a2: {  	v13 =	vor.u32 v22, v9;
	_ =	sdelay $0x3  }
0x4a3: {  	[tilespmem:v12+s15+$0x0] =	vst.idx.msk $0xffff, v11  }
0x4a4: {  	v12 =	vor.u32 v31, v8;
	v11 =	vld.idx.msk [tilespmem:v13+s20+$0x0], $0xffff  }
0x4a5: {  	v13 =	vor.u32 v32, v9;
	_ =	sdelay $0x3  }
0x4a6: {  	[tilespmem:v12+s15+$0x0] =	vst.idx.msk $0xffff, v11  }
0x4a7: {  	v12 =	vor.u32 v33, v10;
	v11 =	vld.idx.msk [tilespmem:v13+s20+$0x0], $0xffff  }
0x4a8: {  	v13 =	vor.u32 v34, v9;
	_ =	sdelay $0x3  }
0x4a9: {  	[tilespmem:v12+s15+$0x0] =	vst.idx.msk $0xffff, v11  }
0x4aa: {  	v12 =	vor.u32 v56, v10;
	v11 =	vld.idx.msk [tilespmem:v13+s20+$0x0], $0xffff  }
0x4ab: {  	v13 =	vor.u32 v36, v9;
	_ =	sdelay $0x3  }
0x4ac: {  	[tilespmem:v12+s15+$0x0] =	vst.idx.msk $0xffff, v11  }
0x4ad: {  	v12 =	vor.u32 v39, v10;
	v11 =	vld.idx.msk [tilespmem:v13+s20+$0x0], $0xffff  }
0x4ae: {  	v13 =	vor.u32 v38, v9;
	_ =	sdelay $0x3  }
0x4af: {  	[tilespmem:v12+s15+$0x0] =	vst.idx.msk $0xffff, v11  }
0x4b0: {  	v10 =	vor.u32 v52, v10;
	v11 =	vld.idx.msk [tilespmem:v13+s20+$0x0], $0xffff  }
0x4b1: {  	v12 =	vor.u32 v23, v9;
	_ =	sdelay $0x3  }
0x4b2: {  	[tilespmem:v10+s15+$0x0] =	vst.idx.msk $0xffff, v11  }
0x4b3: {  	v11 =	vor.u32 v60, v8;
	v10 =	vld.idx.msk [tilespmem:v12+s20+$0x0], $0xffff  }
0x4b4: {  	v12 =	vor.u32 v53, v9  }
0x4b5: {  	v4 =	vld [tilespmem:$0x1FDD0];
	_ =	sdelay $0x2  }
0x4b6: {  	[tilespmem:v11+s15+$0x0] =	vst.idx.msk $0xffff, v10  }
0x4b7: {  	v11 =	vor.u32 v50, v8;
	v10 =	vld.idx.msk [tilespmem:v12+s20+$0x0], $0xffff  }
0x4b8: {  	v12 =	vor.u32 v4, v9;
	v4 =	vld [tilespmem:$0x1FDE0];
	_ =	sdelay $0x3  }
0x4b9: {  	[tilespmem:v11+s15+$0x0] =	vst.idx.msk $0xffff, v10  }
0x4ba: {  	p2 =	sne.s32 s22, $0xF;
	v10 =	vld.idx.msk [tilespmem:v12+s20+$0x0], $0xffff;
	v12 =	vor.u32 v4, v8  }
.Ltmp12:
0x4bb: {  	_ = 	snop;
	(pc) =	sbr.rel @p2 .LBB2_16-.Ltmp12, $2  }
0x4bc: {  	_ =	sdelay $0x2  }
0x4bd: {  	v9 =	vor.u32 v55, v9;
	v11 =	vadd.s32 s22, v0;
	s22 =	sadd.s32 $0x1, s22;
	[tilespmem:v12+s15+$0x0] =	vst.idx.msk $0xffff, v10  }
.Ltmp13:
0x4be: {  	_ = 	snop;
	(pc) =	sbr.rel .LBB2_17-.Ltmp13, $1  }
0x4bf: {  	_ =	sdelay $0x3  }
.LBB2_19:
0x4c0: {  	_ =	sfence.sel $0x180000  }
0x4c1: {  	[bflag:$0x0] =	sbarrier.arrive $0xFFFF  }
0x4c2: {  	p0 =	sne.s32 s1, $0x0;
	_ =	strace $0x90000047  }
0x4c3: {  	s0 =	sadd.s32 @!p0 $0x100000, s0;
	[bflag:$0x2] =	sbarrier.arrive $0xFFFF  }
0x4c4: {  	[sflag:s0] =	ssyncadd.tile.s32 @!p0 $0x1;
	_ =	shalt  }
.Lfunc_end2:
_tile_overlayer_lowered:
.L_overlay_start_2:
0x4c5: {  	(tag) =	ssettag $0x2  }
0x4c6: {  	s0 =	rddreg [dreg:$0x0];
	s2 =	stileid.u32  }
0x4c7: {  	s1 =	rddreg [dreg:$0x1];
	p0 =	sne.s32 s2, $0x0  }
0x4c8: {  	s3 =	rddreg [dreg:$0x2];
	[bflag:$0x3] =	sbarrier.arrive $0xFFFF;
	s2 =	simm.s32 @!p0 $0x1C05  }
0x4c9: {  	[timem:s3], [sflag:s2] =	dma.local @!p0 [hbm:s0], s1  }
0x4ca: {  	s0 =	simm.s32 @!p0 $0x5  }
0x4cb: {  	_ =	swait.ge @!p0 [sflag:s0], s1  }
0x4cc: {  	s1 =	ssub.s32 @!p0 $0x0, s1;
	[sflag:s0] =	ssyncset.done @!p0 $0x0  }
0x4cd: {  	[sflag:s0] =	ssyncadd.s32 @!p0 s1  }
0x4ce: {  	[bflag:$0x3] =	sbarrier.arrive $0xFFFF  }
0x4cf: {  	_ =	shalt  }

// kernel: kernel.7.cloned.1.call-start
scs
__scs_entry_jumppad:
0x0: {  	(pc) =	sbr.rel $0x88, $3  }
0x1: {  	(tag) =	ssettag $0x0;
	lr =	simm.s32 $0x1  }
0x2: {  	[smem:$0x3F9F] =	sst lr;
	_ =	strace $0xD0000000  }
0x3: {  	_ = 	snop  }
0x4: {  	_ = 	snop  }
0x5: {  	_ = 	snop  }
0x6: {  	_ = 	snop  }
0x7: {  	_ = 	snop  }
__scs_overlays_trampoline_lowered:
0x8: {  	[smem:$0x3FAE] =	sst s0  }
0x9: {  	[smem:$0x3FAF] =	sst s1  }
0xa: {  	[smem:$0x3FB0] =	sst s2  }
0xb: {  	[smem:$0x3FB1] =	sst s3  }
0xc: {  	[smem:$0x3FB2] =	sst s4  }
0xd: {  	[smem:$0x3FB3] =	sst s5  }
0xe: {  	[smem:$0x3FB4] =	sst s6  }
0xf: {  	[smem:$0x3FB5] =	sst s7  }
0x10: {  	[smem:$0x3FB6] =	sst s8  }
0x11: {  	[smem:$0x3FB7] =	sst s9;
	s0 =	simm.s32 @!p0 $0x0  }
0x12: {  	s1 =	sld [smem:$0x3F9D];
	s0 =	simm.s32 @p0 $0x1  }
0x13: {  	[smem:$0x3FB8] =	sst s0;
	s0 =	simm.s32 @!p1 $0x0  }
0x14: {  	s2 =	sld [smem:$0x3F9C];
	s0 =	simm.s32 @p1 $0x1  }
0x15: {  	[smem:$0x3FB9] =	sst s0;
	s0 =	simm.s32 @!p2 $0x0  }
0x16: {  	s3 =	sld [smem:$0x3FDB];
	s0 =	simm.s32 @p2 $0x1  }
0x17: {  	s4 =	simm.s32 $0x1BF5;
	[smem:$0x3FBB] =	sst s0  }
0x18: {  	s0 =	sld [smem:$0x3F9E];
	_ =	swait.ge [sflag:s4], $0x0  }
0x19: {  	s7 =	sld [smem:$0x3F9F]  }
0x1a: {  	s8 =	sadd.s32 $0xFFFFE003, lr  }
0x1b: {  	s9 =	sadd.s32 $0xFFFFFEF7, lr;
	s5 =	simm.s32 $0xFFFFFFFF;
	p2 =	slt.u32 s8, $0xFFFFF086  }
0x1c: {  	p1 =	slt.u32 s9, $0xF7A;
	s5 =	simm.s32 @!p2 $0x0  }
0x1d: {  	s5 =	simm.s32 @p1 $0x1;
	p0 =	seq.s32 s7, s2  }
0x1e: {  	s7 =	smul.u32 @!p0 $0xF7A, s2;
	p2 =	seq.s32 @!p0 s5, $0x0  }
0x1f: {  	s9 =	smul.u32 $0xF7A, s1;
	s8 =	simm.s32 @!p0 $0x1BF5;
	p2 =	por !p2, p0  }
0x20: {  	[sflag:s8] =	ssyncset.s32 @!p0 $0xFFFFF086;
	s6 =	sadd.s32 @!p0 s3, s7;
	s7 =	simm.s32 @!p0 $0x108  }
0x21: {  	s3 =	sadd.s32 s3, s9;
	s6 =	sadd.s32 @!p0 $0x88, s6;
	s7 =	simm.s32 @p2 $0x1082  }
0x22: {  	[simem:s7], [sflag:s8] =	dma.local @!p0 [hbm:s6], $0xF7A  }
0x23: {  	s9 =	sor.u32 $0xD0000000, s2;
	s6 =	simm.s32 $0x108;
	_ =	swait.ge @!p0 [sflag:s8], $0x0  }
0x24: {  	s3 =	sadd.s32 $0x88, s3;
	s6 =	simm.s32 @!p1 $0x1082;
	[sflag:s4] =	ssyncset.s32 $0xFFFFF086  }
0x25: {  	[simem:s6], [sflag:s4] =	dma.local [hbm:s3], $0xF7A  }
0x26: {  	[smem:$0x3F9F] =	sst s1;
	(tag) =	ssettag s2;
	_ =	strace s9  }
0x27: {  	s1 =	sld [smem:$0x3FAF]  }
0x28: {  	s2 =	sld [smem:$0x3FB0]  }
0x29: {  	s4 =	sld [smem:$0x3FB2]  }
0x2a: {  	p0 =	seq.s32 s5, $0x0;
	s5 =	sld [smem:$0x3FB3]  }
0x2b: {  	s6 =	sld [smem:$0x3FB4]  }
0x2c: {  	s7 =	sld [smem:$0x3FB5]  }
0x2d: {  	s3 =	simm.s32 $0x108;
	s8 =	sld [smem:$0x3FB6]  }
0x2e: {  	s3 =	simm.s32 @!p0 $0x1082;
	s9 =	sld [smem:$0x3FB7]  }
0x2f: {  	lr =	sadd.s32 s0, s3;
	s0 =	sld [smem:$0x3FAE]  }
0x30: {  	s3 =	sld [smem:$0x3FB1]  }
0x31: {  	[smem:$0x3FBA] =	sst s10  }
0x32: {  	s10 =	sld [smem:$0x3FB8];
	_ =	sdelay $0x3  }
0x33: {  	p0 =	seq.s32 s10, $0x1;
	s10 =	sld [smem:$0x3FBA];
	_ =	sdelay $0x3  }
0x34: {  	[smem:$0x3FBA] =	sst s10  }
0x35: {  	s10 =	sld [smem:$0x3FB9];
	_ =	sdelay $0x3  }
0x36: {  	p1 =	seq.s32 s10, $0x1;
	s10 =	sld [smem:$0x3FBA];
	_ =	sdelay $0x3  }
0x37: {  	[smem:$0x3FBA] =	sst s10  }
0x38: {  	s10 =	sld [smem:$0x3FBB]  }
0x39: {  	_ = 	snop;
	(pc) =	sbr.ind lr, $3  }
0x3a: {  	_ = 	snop  }
0x3b: {  	_ = 	snop  }
0x3c: {  	p2 =	seq.s32 s10, $0x1;
	s10 =	sld [smem:$0x3FBA]  }
0x3d: {  	_ =	shalt  }
0x3e: {  	_ =	shalt  }
0x3f: {  	_ =	shalt  }
0x40: {  	_ =	shalt  }
0x41: {  	_ =	shalt  }
0x42: {  	_ =	shalt  }
0x43: {  	_ =	shalt  }
0x44: {  	_ =	shalt  }
0x45: {  	_ =	shalt  }
0x46: {  	_ =	shalt  }
0x47: {  	_ =	shalt  }
0x48: {  	_ =	shalt  }
0x49: {  	_ =	shalt  }
0x4a: {  	_ =	shalt  }
0x4b: {  	_ =	shalt  }
0x4c: {  	_ =	shalt  }
0x4d: {  	_ =	shalt  }
0x4e: {  	_ =	shalt  }
0x4f: {  	_ =	shalt  }
0x50: {  	_ =	shalt  }
0x51: {  	_ =	shalt  }
0x52: {  	_ =	shalt  }
0x53: {  	_ =	shalt  }
0x54: {  	_ =	shalt  }
0x55: {  	_ =	shalt  }
0x56: {  	_ =	shalt  }
0x57: {  	_ =	shalt  }
0x58: {  	_ =	shalt  }
0x59: {  	_ =	shalt  }
0x5a: {  	_ =	shalt  }
0x5b: {  	_ =	shalt  }
0x5c: {  	_ =	shalt  }
0x5d: {  	_ =	shalt  }
0x5e: {  	_ =	shalt  }
0x5f: {  	_ =	shalt  }
0x60: {  	_ =	shalt  }
0x61: {  	_ =	shalt  }
0x62: {  	_ =	shalt  }
0x63: {  	_ =	shalt  }
0x64: {  	_ =	shalt  }
0x65: {  	_ =	shalt  }
0x66: {  	_ =	shalt  }
0x67: {  	_ =	shalt  }
0x68: {  	_ =	shalt  }
0x69: {  	_ =	shalt  }
0x6a: {  	_ =	shalt  }
0x6b: {  	_ =	shalt  }
0x6c: {  	_ =	shalt  }
0x6d: {  	_ =	shalt  }
0x6e: {  	_ =	shalt  }
0x6f: {  	_ =	shalt  }
0x70: {  	_ =	shalt  }
0x71: {  	_ =	shalt  }
0x72: {  	_ =	shalt  }
0x73: {  	_ =	shalt  }
0x74: {  	_ =	shalt  }
0x75: {  	_ =	shalt  }
0x76: {  	_ =	shalt  }
0x77: {  	_ =	shalt  }
0x78: {  	_ =	shalt  }
0x79: {  	_ =	shalt  }
0x7a: {  	_ =	shalt  }
0x7b: {  	_ =	shalt  }
0x7c: {  	_ =	shalt  }
0x7d: {  	_ =	shalt  }
0x7e: {  	_ =	shalt  }
0x7f: {  	_ =	shalt  }
0x80: {  	_ =	shalt  }
0x81: {  	_ =	shalt  }
0x82: {  	_ =	shalt  }
0x83: {  	_ =	shalt  }
0x84: {  	_ =	shalt  }
0x85: {  	_ =	shalt  }
0x86: {  	_ =	shalt  }
0x87: {  	_ =	shalt  }
.Lfunc_end0:
.L_simem_size_0:
called_computation.1_lowered:
.L_overlay_start_0:
0x88: {  	s2 =	sld [smem:$0x3FD9]  }
0x89: {  	s3 =	sld [smem:$0x3FFE];
	_ =	sdelay $0x1  }
0x8a: {  	s1 =	srdreg.scid  }
0x8b: {  	s0 =	sand.u32 $0x1, s1  }
0x8c: {  	s17 =	sshll.u32 s0, $0xA;
	s2 =	sadd.s32 s3, s2  }
0x8d: {  	s2 =	sadd.s32 s2, s17  }
0x8e: {  	[smem:$0x3FC6] =	sst s2  }
0x8f: {  	_ = 	snop  }
0x90: {  	s2 =	sld [smem:$0x3FD0];
	(tm) =	ssettm $0x1  }
0x91: {  	s18 =	sld [smem:$0x3FFB];
	_ =	sdelay $0x3  }
0x92: {  	_ =	strace s18  }
0x93: {  	s3 =	sld [smem:$0x3FFC];
	_ =	sdelay $0x3  }
0x94: {  	_ =	strace s3  }
0x95: {  	s3 =	sld [smem:$0x3FFD];
	_ =	sdelay $0x3  }
0x96: {  	_ =	strace s3  }
0x97: {  	_ =	strace $0x8FFFFFFF  }
0x98: {  	s19 =	sld [smem:$0x3FDB];
	_ =	sdelay $0x1  }
0x99: {  	s4 =	simm.s32 $_scs_section_size  }
0x9a: {  	s5 =	simm.s32 $_size__tile_overlayer_lowered;
	s6 =	simm.s32 $_tile_overlayer_lowered  }
0x9b: {  	s22 =	simm.s32 $0x1BFF;
	s21 =	sshll.u32 s6, $0x1;
	s3 =	sadd.s32 s4, s19  }
0x9c: {  	s7 =	simm.s32 $0x0;
	s20 =	sshll.u32 s5, $0x1;
	s5 =	sadd.s32 s21, s3  }
0x9d: {  	[timem:s7], [sflag:s22] =	dma.local [hbm:s5], s20  }
0x9e: {  	_ =	swait.ge [sflag:s22], s20  }
0x9f: {  	s4 =	ssub.s32 $0x0, s20;
	[sflag:s22] =	ssyncset.done $0x0  }
0xa0: {  	[sflag:s22] =	ssyncadd.s32 s4;
	_ =	sdelay $0x1  }
0xa1: {  	s23 =	simm.s32 $0x1B8B  }
0xa2: {  	_ =	swait.ge [sflag:s23], $0x1  }
0xa3: {  	[sflag:s23] =	ssyncset.done $0x0  }
0xa4: {  	s25 =	simm.s32 $0x1B8E;
	s24 =	sld [smem:$0x3FFE];
	[sflag:s23] =	ssyncadd.s32 $0xFFFFFFFF  }
0xa5: {  	s26 =	simm.s32 $execute0_lowered;
	[smem:$0x3FD2] =	sst s25  }
0xa6: {  	s5 =	sshll.u32 s26, $0x1;
	_ =	strace $0x80000049;
	[dreg:$0x1] =	wrdreg $0xFFFFFFFF  }
0xa7: {  	s28 =	simm.s32 $_size_execute0_lowered;
	s3 =	sadd.s32 s3, s5;
	[dreg:$0x0] =	wrdreg $0x0  }
0xa8: {  	s5 =	sshll.u32 s28, $0x1;
	[dreg:$0x2] =	wrdreg s3  }
0xa9: {  	[dreg:$0x3] =	wrdreg s5  }
0xaa: {  	[dreg:$0x4] =	wrdreg $0xC0  }
0xab: {  	_ =	task [dreg:s7], $0x5FFFF  }
0xac: {  	[dreg:$0x1] =	wrdreg $0xFFFFFFFF  }
0xad: {  	[dreg:$0x0] =	wrdreg $0x60  }
0xae: {  	[dreg:$0x2] =	wrdreg s24  }
0xaf: {  	[dreg:$0x3] =	wrdreg s2  }
0xb0: {  	[dreg:$0x4] =	wrdreg $0x9  }
0xb1: {  	_ =	task.clear_ibuf [dreg:s7], $0x5FFFF;
	_ =	strace $0x90000049  }
0xb2: {  	s29 =	simm.s32 $0x9;
	_ =	strace $0x8000004B  }
0xb3: {  	_ =	swait.ge [sflag:s29], $0x1  }
0xb4: {  	[sflag:s29] =	ssyncadd.s32 $0xFFFFFFFF  }
0xb5: {  	_ =	strace $0x9000004B  }
0xb6: {  	_ =	sfence  }
0xb7: {  	s30 =	sld [smem:$0x0];
	_ =	sdelay $0x2  }
0xb8: {  	s31 =	sshll.u32 s1, $0xD;
	s1 =	sshrl.u32 s1, $0x2  }
0xb9: {  	s3 =	sand.u32 $0x4000, s31;
	s1 =	sadd.s32 s1, s30  }
0xba: {  	s0 =	sor.u32 s3, s0;
	s1 =	sshll.u32 s1, $0x11  }
0xbb: {  	s0 =	sor.u32 s1, s0  }
0xbc: {  	s0 =	sadd.s32 $0x8F2B, s0  }
0xbd: {  	[sflag:s0] =	ssyncadd.remote.s32 $0x1  }
0xbe: {  	_ =	sfence.sel $0xFFFF  }
0xbf: {  	[dreg:$0x0] =	wrdreg $0xFFFFFFFF;
	(pc) =	sbr.abs _section_cstart, $3  }
0xc0: {  	[dreg:$0x1] =	wrdreg $0xFFFFFFFF  }
0xc1: {  	_ =	task.clear_ibuf [dreg:s7], $0x2FFFF;
	_ =	strace $0x9FFFFFFF  }
0xc2: {  	(tm) =	ssettm $0x7FFFFFFF  }
0xc3: {  	_ =	shalt  }
tec
execute0_lowered:
.L_overlay_start_1:
0x0: {  	(tag) =	ssettag $0x1  }
0x1: {  	s1 =	srdreg.scid;
	s3 =	rddreg [dreg:$0x0]  }
0x2: {  	s0 =	stileid.u32;
	s5 =	rddreg [dreg:$0x1]  }
0x3: {  	s2 =	simm.s32 $0x0;
	s9 =	simm.s32 $0x6400;
	s10 =	simm.s32 $0xC800  }
0x4: {  	s11 =	simm.s32 $0x2;
	s12 =	simm.s32 $0xE800;
	s13 =	simm.s32 $0x12800  }
0x5: {  	v0 =	vlaneseq.u32;
	s14 =	simm.s32 $0x400;
	s15 =	simm.s32 $0x8000;
	s16 =	simm.s32 $0x3  }
0x6: {  	s17 =	simm.s32 $0x4;
	s18 =	simm.s32 $0x1;
	s19 =	simm.s32 $0x10800;
	v1 =	vmul.u32 $0xC8, v0;
	v5 =	vmul.u32 $0x40, v0  }
0x7: {  	s20 =	simm.s32 $0x0;
	s4 =	sand.u32 $0x1, s1;
	s1 =	rddreg [dreg:$0x2];
	v11 =	vor.u32 $0x10, v0;
	v13 =	vor.u32 $0x20, v0;
	v15 =	vor.u32 $0x30, v0  }
0x8: {  	s25 =	simm.s32 $0x0;
	s31 =	sshll.u32 s0, $0x1;
	[smem:$0x7FF] =	sst s2;
	v17 =	vor.u32 $0x40, v0;
	v19 =	vor.u32 $0x50, v0;
	v21 =	vor.u32 $0x60, v0  }
.Ltmp0:
0x9: {  	v23 =	vor.u32 $0x70, v0;
	s6 =	sor.u32 s4, s31;
	s4 =	ssub.s32 $0x2, s4;
	v2 =	vadd.s32 $0xC80, v1;
	v3 =	vadd.s32 $0x1900, v1;
	(pc) =	sbr.rel .LBB2_1-.Ltmp0, $4  }
0xa: {  	s7 =	smul.u32 $0xC80, s6;
	s8 =	sshrl.u32 s4, $0x1;
	s6 =	sshll.u32 s6, $0x7;
	v4 =	vadd.s32 $0x2580, v1;
	v6 =	vadd.s32 $0x3200, v1;
	v7 =	vadd.s32 $0x3E80, v1  }
0xb: {  	_ =	strace $0x8000004A;
	v8 =	vadd.s32 $0x4B00, v1;
	v9 =	vadd.s32 $0x5780, v1;
	v10 =	vor.u32 $0x400, v5;
	s8 =	ssub.s32 s4, s8;
	s5 =	sadd.s32 s5, s6  }
0xc: {  	v12 =	vor.u32 $0x800, v5;
	v14 =	vor.u32 $0xC00, v5;
	v16 =	vor.u32 $0x1000, v5;
	s7 =	sadd.s32 s7, s3;
	s3 =	sadd.s32 $0xA00, s3;
	s6 =	smax.u32 s8, $0x1  }
0xd: {  	v18 =	vor.u32 $0x1400, v5;
	v20 =	vor.u32 $0x1800, v5;
	v22 =	vor.u32 $0x1C00, v5;
	s8 =	simm.s32 $0x80;
	s4 =	sadd.s32 $0x7A1C00, s7;
	s7 =	simm.s32 $0x5  }
.LBB2_12:
0xe: {  	s20 =	sadd.s32 $0x1, s20  }
0xf: {  	_ =	swait.ge [sflag:s16], $0x2000;
	p0 =	sne.s32 s20, s6  }
.Ltmp1:
0x10: {  	[sflag:s16] =	ssyncset.done $0x0;
	(pc) =	sbr.rel @!p0 .LBB2_13-.Ltmp1, $4  }
0x11: {  	[sflag:s16] =	ssyncadd.s32 $0xFFFFE000  }
0x12: {  	_ =	swait.ge [sflag:s17], $0x2000  }
0x13: {  	[sflag:s17] =	ssyncset.done $0x0  }
0x14: {  	[sflag:s17] =	ssyncadd.s32 $0xFFFFE000  }
.LBB2_1:
0x15: {  	v24 =	vmov s2  }
0x16: {  	v24 =	vand.u32 $0xFF, v24  }
0x17: {  	v25 =	vadd.s32 v1, v24  }
0x18: {  	[tilespmem:s2], [sflag:$0x5] =	stream.linear.gather [hbm4b:s4+s2], $0x6400, $0x38;
	[tilespmem:$0x14800] =	vst v63  }
0x19: {  	_ =	swait.ge [sflag:s7], $0x6400  }
0x1a: {  	[sflag:s7] =	ssyncset.done $0x0  }
0x1b: {  	[sflag:s7] =	ssyncadd.s32 $0xFFFF9C00  }
0x1c: {  	v25 =	vld.idx.msk [tilespmem:v25+s2+$0x0], $0xffff  }
0x1d: {  	v26 =	vadd.s32 v2, v24;
	_ =	sdelay $0x2  }
0x1e: {  	s21 =	simm.s32 $0x6440  }
0x1f: {  	[tilespmem:s21+$0xFFFFFFC0] =	vst v25  }
0x20: {  	v25 =	vld.idx.msk [tilespmem:v26+s2+$0x0], $0xffff  }
0x21: {  	v26 =	vadd.s32 v3, v24;
	_ =	sdelay $0x3  }
0x22: {  	[tilespmem:s21+$0xFFFFFFD0] =	vst v25  }
0x23: {  	v25 =	vld.idx.msk [tilespmem:v26+s2+$0x0], $0xffff  }
0x24: {  	v26 =	vadd.s32 v4, v24;
	_ =	sdelay $0x3  }
0x25: {  	[tilespmem:s21+$0xFFFFFFE0] =	vst v25  }
0x26: {  	v25 =	vld.idx.msk [tilespmem:v26+s2+$0x0], $0xffff  }
0x27: {  	v26 =	vadd.s32 v6, v24;
	_ =	sdelay $0x3  }
0x28: {  	[tilespmem:s21+$0xFFFFFFF0] =	vst v25  }
0x29: {  	v25 =	vld.idx.msk [tilespmem:v26+s2+$0x0], $0xffff  }
0x2a: {  	v26 =	vadd.s32 v7, v24;
	_ =	sdelay $0x3  }
0x2b: {  	[tilespmem:s21+$0x0] =	vst v25  }
0x2c: {  	v25 =	vld.idx.msk [tilespmem:v26+s2+$0x0], $0xffff  }
0x2d: {  	v26 =	vadd.s32 v8, v24;
	_ =	sdelay $0x3  }
0x2e: {  	[tilespmem:s21+$0x10] =	vst v25  }
0x2f: {  	v25 =	vld.idx.msk [tilespmem:v26+s2+$0x0], $0xffff  }
0x30: {  	v24 =	vadd.s32 v9, v24;
	_ =	sdelay $0x3  }
0x31: {  	s22 =	simm.s32 $0x1;
	[tilespmem:s21+$0x20] =	vst v25  }
0x32: {  	v25 =	vmov s22;
	s22 =	simm.s32 $0x2;
	v24 =	vld.idx.msk [tilespmem:v24+s2+$0x0], $0xffff  }
.LBB2_2:
0x33: {  	p0 =	sne.s32 s22, $0xC7;
	v25 =	vand.u32 $0xFF, v25  }
0x34: {  	v26 =	vadd.s32 v1, v25;
	_ =	sdelay $0x3  }
0x35: {  	[tilespmem:s21+$0x30] =	vst v24  }
0x36: {  	v24 =	vld.idx.msk [tilespmem:v26+s2+$0x0], $0xffff;
	_ =	sdelay $0x1  }
0x37: {  	v26 =	vadd.s32 v2, v25;
	_ =	sdelay $0x2  }
0x38: {  	s21 =	sadd.s32 $0x80, s21  }
0x39: {  	[tilespmem:s21+$0xFFFFFFC0] =	vst v24  }
0x3a: {  	v24 =	vld.idx.msk [tilespmem:v26+s2+$0x0], $0xffff;
	_ =	sdelay $0x1  }
0x3b: {  	v26 =	vadd.s32 v3, v25;
	_ =	sdelay $0x3  }
0x3c: {  	[tilespmem:s21+$0xFFFFFFD0] =	vst v24  }
0x3d: {  	v24 =	vld.idx.msk [tilespmem:v26+s2+$0x0], $0xffff;
	_ =	sdelay $0x1  }
0x3e: {  	v26 =	vadd.s32 v4, v25;
	_ =	sdelay $0x3  }
0x3f: {  	[tilespmem:s21+$0xFFFFFFE0] =	vst v24  }
0x40: {  	v24 =	vld.idx.msk [tilespmem:v26+s2+$0x0], $0xffff;
	_ =	sdelay $0x1  }
0x41: {  	v26 =	vadd.s32 v6, v25;
	_ =	sdelay $0x3  }
0x42: {  	[tilespmem:s21+$0xFFFFFFF0] =	vst v24  }
0x43: {  	v24 =	vld.idx.msk [tilespmem:v26+s2+$0x0], $0xffff;
	_ =	sdelay $0x1  }
0x44: {  	v26 =	vadd.s32 v7, v25;
	_ =	sdelay $0x3  }
0x45: {  	[tilespmem:s21+$0x0] =	vst v24  }
0x46: {  	v24 =	vld.idx.msk [tilespmem:v26+s2+$0x0], $0xffff;
	_ =	sdelay $0x1  }
0x47: {  	v26 =	vadd.s32 v8, v25;
	_ =	sdelay $0x3  }
0x48: {  	[tilespmem:s21+$0x10] =	vst v24  }
0x49: {  	v24 =	vld.idx.msk [tilespmem:v26+s2+$0x0], $0xffff;
	_ =	sdelay $0x1  }
0x4a: {  	v26 =	vadd.s32 v9, v25  }
.Ltmp2:
0x4b: {  	(pc) =	sbr.rel @p0 .LBB2_2-.Ltmp2, $3  }
0x4c: {  	_ =	sdelay $0x1  }
0x4d: {  	[tilespmem:s21+$0x20] =	vst v24  }
0x4e: {  	v25 =	vmov s22;
	s22 =	sadd.s32 $0x1, s22;
	v24 =	vld.idx.msk [tilespmem:v26+s2+$0x0], $0xffff  }
0x4f: {  	v25 =	vand.u32 $0xFF, v25  }
0x50: {  	v26 =	vadd.s32 v1, v25;
	_ =	sdelay $0x3  }
0x51: {  	[tilespmem:s21+$0x30] =	vst v24  }
0x52: {  	v24 =	vld.idx.msk [tilespmem:v26+s2+$0x0], $0xffff  }
0x53: {  	v58 =	vadd.s32 v2, v25;
	_ =	sdelay $0x2  }
0x54: {  	s31 =	sadd.s32 $0x80, s21  }
0x55: {  	[tilespmem:s31+$0xFFFFFFC0] =	vst v24  }
0x56: {  	v24 =	vld.idx.msk [tilespmem:v58+s2+$0x0], $0xffff  }
0x57: {  	v59 =	vadd.s32 v3, v25;
	_ =	sdelay $0x3  }
0x58: {  	[tilespmem:s31+$0xFFFFFFD0] =	vst v24  }
0x59: {  	v24 =	vld.idx.msk [tilespmem:v59+s2+$0x0], $0xffff  }
0x5a: {  	v60 =	vadd.s32 v4, v25;
	_ =	sdelay $0x3  }
0x5b: {  	[tilespmem:s31+$0xFFFFFFE0] =	vst v24  }
0x5c: {  	v24 =	vld.idx.msk [tilespmem:v60+s2+$0x0], $0xffff  }
0x5d: {  	v61 =	vadd.s32 v6, v25;
	_ =	sdelay $0x3  }
0x5e: {  	[tilespmem:s31+$0xFFFFFFF0] =	vst v24  }
0x5f: {  	v24 =	vld.idx.msk [tilespmem:v61+s2+$0x0], $0xffff  }
0x60: {  	v62 =	vadd.s32 v7, v25;
	_ =	sdelay $0x3  }
0x61: {  	[tilespmem:s31+$0x0] =	vst v24  }
0x62: {  	v24 =	vld.idx.msk [tilespmem:v62+s2+$0x0], $0xffff  }
0x63: {  	v63 =	vadd.s32 v8, v25;
	_ =	sdelay $0x3  }
0x64: {  	[tilespmem:s31+$0x10] =	vst v24  }
0x65: {  	v24 =	vld.idx.msk [tilespmem:v63+s2+$0x0], $0xffff  }
0x66: {  	v25 =	vadd.s32 v9, v25;
	_ =	sdelay $0x3  }
0x67: {  	[tilespmem:s31+$0x20] =	vst v24  }
0x68: {  	v24 =	vld.idx.msk [tilespmem:v25+s2+$0x0], $0xffff;
	_ =	sdelay $0x1  }
.Ltmp3:
0x69: {  	_ = 	snop;
	(pc) =	sbr.rel .LBB2_4-.Ltmp3, $3  }
0x6a: {  	_ =	sdelay $0x1  }
0x6b: {  	s21 =	simm.s32 $0x0;
	[tilespmem:s31+$0x30] =	vst v24  }
0x6c: {  	[tilespmem:s10], [sflag:$0x1] =	stream.indirect.gather [hbm4b:s3+s8], $0x40, s9, s8, $0xb8;
	[tilespmem:$0x14800] =	vst v63  }
.LBB2_11:
0x6d: {  	s21 =	sadd.s32 $0x1, s21  }
0x6e: {  	p0 =	sne.s32 s21, $0xC8  }
.Ltmp4:
0x6f: {  	_ = 	snop;
	(pc) =	sbr.rel @!p0 .LBB2_12-.Ltmp4, $1  }
0x70: {  	_ =	sdelay $0x3  }
.LBB2_4:
0x71: {  	s22 =	sand.u32 $0x1, s21  }
0x72: {  	p0 =	seq.s32 s22, $0x1  }
.Ltmp5:
0x73: {  	_ = 	snop;
	(pc) =	sbr.rel @p0 .LBB2_8-.Ltmp5, $1  }
0x74: {  	_ =	sdelay $0x3  }
0x75: {  	s23 =	sshll.u32 s21, $0x7  }
0x76: {  	s23 =	sand.u32 $0x3FFFFF80, s23  }
0x77: {  	s24 =	simm.s32 $0x0;
	s23 =	sadd.s32 $0x6480, s23  }
0x78: {  	v24 =	vadd.s32 s24, v0;
	[tilespmem:s12], [sflag:$0x2] =	stream.indirect.gather [hbm4b:s3+s8], $0x40, s23, s8, $0xb8;
	[tilespmem:$0x14800] =	vst v63  }
0x79: {  	v25 =	vand.u32 $0xF, v24;
	_ =	swait.ge [sflag:s18], $0x2000  }
0x7a: {  	p0 =	slt.u32 s21, $0x2;
	v26 =	vor.u32 v5, v25;
	[sflag:s18] =	ssyncset.done $0x0  }
0x7b: {  	s23 =	simm.s32 @!p0 $0x3;
	[sflag:s18] =	ssyncadd.s32 $0xFFFFE000  }
0x7c: {  	_ =	swait.ge @!p0 [sflag:s23], $0x2000  }
0x7d: {  	v27 =	vshll.u32 v24, $0x7;
	[sflag:s23] =	ssyncset.done @!p0 $0x0  }
0x7e: {  	v28 =	vand.u32 $0x780, v27;
	[sflag:s23] =	ssyncadd.s32 @!p0 $0xFFFFE000  }
0x7f: {  	v29 =	vor.u32 v0, v28;
	v26 =	vld.idx.msk [tilespmem:v26+s10+$0x0], $0xffff  }
0x80: {  	v30 =	vor.u32 v10, v25;
	_ =	sdelay $0x3  }
0x81: {  	[tilespmem:v29+s19+$0x0] =	vst.idx.msk $0xffff, v26  }
0x82: {  	v29 =	vor.u32 v11, v28;
	v26 =	vld.idx.msk [tilespmem:v30+s10+$0x0], $0xffff  }
0x83: {  	v45 =	vor.u32 v12, v25;
	_ =	sdelay $0x3  }
0x84: {  	[tilespmem:v29+s19+$0x0] =	vst.idx.msk $0xffff, v26  }
0x85: {  	v29 =	vor.u32 v13, v28;
	v26 =	vld.idx.msk [tilespmem:v45+s10+$0x0], $0xffff  }
0x86: {  	v46 =	vor.u32 v14, v25;
	_ =	sdelay $0x3  }
0x87: {  	[tilespmem:v29+s19+$0x0] =	vst.idx.msk $0xffff, v26  }
0x88: {  	v29 =	vor.u32 v15, v28;
	v26 =	vld.idx.msk [tilespmem:v46+s10+$0x0], $0xffff  }
0x89: {  	v47 =	vor.u32 v16, v25;
	_ =	sdelay $0x3  }
0x8a: {  	[tilespmem:v29+s19+$0x0] =	vst.idx.msk $0xffff, v26  }
0x8b: {  	v29 =	vor.u32 v17, v28;
	v26 =	vld.idx.msk [tilespmem:v47+s10+$0x0], $0xffff  }
0x8c: {  	v48 =	vor.u32 v18, v25;
	_ =	sdelay $0x3  }
0x8d: {  	[tilespmem:v29+s19+$0x0] =	vst.idx.msk $0xffff, v26  }
0x8e: {  	v29 =	vor.u32 v19, v28;
	v26 =	vld.idx.msk [tilespmem:v48+s10+$0x0], $0xffff  }
0x8f: {  	v49 =	vor.u32 v20, v25;
	_ =	sdelay $0x3  }
0x90: {  	[tilespmem:v29+s19+$0x0] =	vst.idx.msk $0xffff, v26  }
0x91: {  	v29 =	vor.u32 v21, v28;
	v26 =	vld.idx.msk [tilespmem:v49+s10+$0x0], $0xffff  }
0x92: {  	v50 =	vor.u32 v22, v25;
	_ =	sdelay $0x3  }
0x93: {  	[tilespmem:v29+s19+$0x0] =	vst.idx.msk $0xffff, v26;
	v26 =	vor.u32 $0x10, v24  }
0x94: {  	v28 =	vor.u32 v23, v28;
	v29 =	vld.idx.msk [tilespmem:v50+s10+$0x0], $0xffff;
	v51 =	vand.u32 $0x1F, v26  }
0x95: {  	v31 =	vor.u32 v5, v51;
	_ =	sdelay $0x1  }
0x96: {  	v26 =	vshll.u32 v26, $0x7  }
0x97: {  	v27 =	vand.u32 $0x380, v27;
	v26 =	vand.u32 $0xC00, v26  }
0x98: {  	v26 =	vor.u32 v27, v26;
	[tilespmem:v28+s19+$0x0] =	vst.idx.msk $0xffff, v29  }
0x99: {  	v29 =	vor.u32 v0, v26;
	v28 =	vld.idx.msk [tilespmem:v31+s10+$0x0], $0xffff  }
0x9a: {  	v52 =	vor.u32 v10, v51;
	_ =	sdelay $0x3  }
0x9b: {  	[tilespmem:v29+s19+$0x0] =	vst.idx.msk $0xffff, v28  }
0x9c: {  	v29 =	vor.u32 v11, v26;
	v28 =	vld.idx.msk [tilespmem:v52+s10+$0x0], $0xffff  }
0x9d: {  	v53 =	vor.u32 v12, v51;
	_ =	sdelay $0x3  }
0x9e: {  	[tilespmem:v29+s19+$0x0] =	vst.idx.msk $0xffff, v28  }
0x9f: {  	v29 =	vor.u32 v13, v26;
	v28 =	vld.idx.msk [tilespmem:v53+s10+$0x0], $0xffff  }
0xa0: {  	v54 =	vor.u32 v14, v51;
	_ =	sdelay $0x3  }
0xa1: {  	[tilespmem:v29+s19+$0x0] =	vst.idx.msk $0xffff, v28  }
0xa2: {  	v29 =	vor.u32 v15, v26;
	v28 =	vld.idx.msk [tilespmem:v54+s10+$0x0], $0xffff  }
0xa3: {  	v55 =	vor.u32 v16, v51;
	_ =	sdelay $0x3  }
0xa4: {  	[tilespmem:v29+s19+$0x0] =	vst.idx.msk $0xffff, v28  }
0xa5: {  	v29 =	vor.u32 v17, v26;
	v28 =	vld.idx.msk [tilespmem:v55+s10+$0x0], $0xffff  }
0xa6: {  	v56 =	vor.u32 v18, v51;
	_ =	sdelay $0x3  }
0xa7: {  	[tilespmem:v29+s19+$0x0] =	vst.idx.msk $0xffff, v28  }
0xa8: {  	v29 =	vor.u32 v19, v26;
	v28 =	vld.idx.msk [tilespmem:v56+s10+$0x0], $0xffff  }
0xa9: {  	v57 =	vor.u32 v20, v51;
	_ =	sdelay $0x3  }
0xaa: {  	[tilespmem:v29+s19+$0x0] =	vst.idx.msk $0xffff, v28  }
0xab: {  	v29 =	vor.u32 v21, v26;
	v28 =	vld.idx.msk [tilespmem:v57+s10+$0x0], $0xffff  }
0xac: {  	v30 =	vor.u32 v22, v51;
	_ =	sdelay $0x2  }
0xad: {  	v25 =	vor.u32 $0x20, v25  }
0xae: {  	[tilespmem:v29+s19+$0x0] =	vst.idx.msk $0xffff, v28;
	v28 =	vand.u32 $0x7, v24;
	v29 =	vand.u32 $0x28, v25  }
0xaf: {  	v26 =	vor.u32 v23, v26;
	v30 =	vld.idx.msk [tilespmem:v30+s10+$0x0], $0xffff;
	v28 =	vor.u32 v28, v29  }
0xb0: {  	v29 =	vor.u32 v5, v28;
	_ =	sdelay $0x1  }
0xb1: {  	v25 =	vshll.u32 v25, $0x7  }
0xb2: {  	v25 =	vand.u32 $0x1400, v25  }
0xb3: {  	v25 =	vor.u32 v27, v25;
	[tilespmem:v26+s19+$0x0] =	vst.idx.msk $0xffff, v30  }
0xb4: {  	v26 =	vld.idx.msk [tilespmem:v29+s10+$0x0], $0xffff;
	v29 =	vor.u32 v0, v25  }
0xb5: {  	v58 =	vor.u32 v10, v28;
	_ =	sdelay $0x3  }
0xb6: {  	[tilespmem:v29+s19+$0x0] =	vst.idx.msk $0xffff, v26  }
0xb7: {  	v29 =	vor.u32 v11, v25;
	v26 =	vld.idx.msk [tilespmem:v58+s10+$0x0], $0xffff  }
0xb8: {  	v59 =	vor.u32 v12, v28;
	_ =	sdelay $0x3  }
0xb9: {  	[tilespmem:v29+s19+$0x0] =	vst.idx.msk $0xffff, v26  }
0xba: {  	v29 =	vor.u32 v13, v25;
	v26 =	vld.idx.msk [tilespmem:v59+s10+$0x0], $0xffff  }
0xbb: {  	v60 =	vor.u32 v14, v28;
	_ =	sdelay $0x3  }
0xbc: {  	[tilespmem:v29+s19+$0x0] =	vst.idx.msk $0xffff, v26  }
0xbd: {  	v29 =	vor.u32 v15, v25;
	v26 =	vld.idx.msk [tilespmem:v60+s10+$0x0], $0xffff  }
0xbe: {  	v61 =	vor.u32 v16, v28;
	_ =	sdelay $0x3  }
0xbf: {  	[tilespmem:v29+s19+$0x0] =	vst.idx.msk $0xffff, v26  }
0xc0: {  	v29 =	vor.u32 v17, v25;
	v26 =	vld.idx.msk [tilespmem:v61+s10+$0x0], $0xffff  }
0xc1: {  	v62 =	vor.u32 v18, v28;
	_ =	sdelay $0x3  }
0xc2: {  	[tilespmem:v29+s19+$0x0] =	vst.idx.msk $0xffff, v26  }
0xc3: {  	v29 =	vor.u32 v19, v25;
	v26 =	vld.idx.msk [tilespmem:v62+s10+$0x0], $0xffff  }
0xc4: {  	v63 =	vor.u32 v20, v28;
	_ =	sdelay $0x3  }
0xc5: {  	[tilespmem:v29+s19+$0x0] =	vst.idx.msk $0xffff, v26  }
0xc6: {  	v29 =	vor.u32 v21, v25;
	v26 =	vld.idx.msk [tilespmem:v63+s10+$0x0], $0xffff  }
0xc7: {  	v28 =	vor.u32 v22, v28;
	_ =	sdelay $0x3  }
0xc8: {  	v24 =	vor.u32 $0x30, v24;
	[tilespmem:v29+s19+$0x0] =	vst.idx.msk $0xffff, v26  }
0xc9: {  	v25 =	vor.u32 v23, v25;
	v26 =	vld.idx.msk [tilespmem:v28+s10+$0x0], $0xffff;
	v28 =	vand.u32 $0x3F, v24  }
0xca: {  	v29 =	vor.u32 v5, v28;
	_ =	sdelay $0x1  }
0xcb: {  	v24 =	vshll.u32 v24, $0x7  }
0xcc: {  	v24 =	vand.u32 $0x1C00, v24  }
0xcd: {  	[tilespmem:v25+s19+$0x0] =	vst.idx.msk $0xffff, v26;
	v25 =	vor.u32 v27, v24  }
0xce: {  	v24 =	vld.idx.msk [tilespmem:v29+s10+$0x0], $0xffff;
	v26 =	vor.u32 v0, v25  }
0xcf: {  	v27 =	vor.u32 v10, v28;
	_ =	sdelay $0x3  }
0xd0: {  	[tilespmem:v26+s19+$0x0] =	vst.idx.msk $0xffff, v24  }
0xd1: {  	v26 =	vor.u32 v11, v25;
	v24 =	vld.idx.msk [tilespmem:v27+s10+$0x0], $0xffff  }
0xd2: {  	v27 =	vor.u32 v12, v28;
	_ =	sdelay $0x3  }
0xd3: {  	[tilespmem:v26+s19+$0x0] =	vst.idx.msk $0xffff, v24  }
0xd4: {  	v26 =	vor.u32 v13, v25;
	v24 =	vld.idx.msk [tilespmem:v27+s10+$0x0], $0xffff  }
0xd5: {  	v27 =	vor.u32 v14, v28;
	_ =	sdelay $0x3  }
0xd6: {  	[tilespmem:v26+s19+$0x0] =	vst.idx.msk $0xffff, v24  }
0xd7: {  	v26 =	vor.u32 v15, v25;
	v24 =	vld.idx.msk [tilespmem:v27+s10+$0x0], $0xffff  }
0xd8: {  	v27 =	vor.u32 v16, v28;
	_ =	sdelay $0x3  }
0xd9: {  	[tilespmem:v26+s19+$0x0] =	vst.idx.msk $0xffff, v24  }
0xda: {  	v26 =	vor.u32 v17, v25;
	v24 =	vld.idx.msk [tilespmem:v27+s10+$0x0], $0xffff  }
0xdb: {  	v27 =	vor.u32 v18, v28;
	_ =	sdelay $0x3  }
0xdc: {  	[tilespmem:v26+s19+$0x0] =	vst.idx.msk $0xffff, v24  }
0xdd: {  	v26 =	vor.u32 v19, v25;
	v24 =	vld.idx.msk [tilespmem:v27+s10+$0x0], $0xffff  }
0xde: {  	v27 =	vor.u32 v20, v28;
	_ =	sdelay $0x3  }
0xdf: {  	[tilespmem:v26+s19+$0x0] =	vst.idx.msk $0xffff, v24  }
0xe0: {  	v26 =	vor.u32 v21, v25;
	v24 =	vld.idx.msk [tilespmem:v27+s10+$0x0], $0xffff  }
0xe1: {  	v27 =	vor.u32 v22, v28;
	_ =	sdelay $0x3  }
0xe2: {  	s31 =	simm.s32 $0x1;
	[tilespmem:v26+s19+$0x0] =	vst.idx.msk $0xffff, v24  }
0xe3: {  	s23 =	simm.s32 $0x2;
	v24 =	vadd.s32 s31, v0;
	v27 =	vld.idx.msk [tilespmem:v27+s10+$0x0], $0xffff  }
.LBB2_6:
0xe4: {  	p0 =	sne.s32 s23, $0xF;
	v26 =	vand.u32 $0xF, v24;
	v25 =	vor.u32 v23, v25  }
0xe5: {  	v28 =	vor.u32 v5, v26;
	_ =	sdelay $0x3  }
0xe6: {  	v29 =	vshll.u32 v24, $0x7;
	[tilespmem:v25+s19+$0x0] =	vst.idx.msk $0xffff, v27  }
0xe7: {  	v27 =	vand.u32 $0x780, v29;
	v25 =	vld.idx.msk [tilespmem:v28+s10+$0x0], $0xffff  }
0xe8: {  	v28 =	vor.u32 v0, v27  }
0xe9: {  	v30 =	vor.u32 v10, v26;
	_ =	sdelay $0x3  }
0xea: {  	[tilespmem:v28+s19+$0x0] =	vst.idx.msk $0xffff, v25  }
0xeb: {  	v25 =	vld.idx.msk [tilespmem:v30+s10+$0x0], $0xffff  }
0xec: {  	v28 =	vor.u32 v11, v27  }
0xed: {  	v30 =	vor.u32 v12, v26;
	_ =	sdelay $0x3  }
0xee: {  	[tilespmem:v28+s19+$0x0] =	vst.idx.msk $0xffff, v25  }
0xef: {  	v25 =	vld.idx.msk [tilespmem:v30+s10+$0x0], $0xffff  }
0xf0: {  	v28 =	vor.u32 v13, v27  }
0xf1: {  	v30 =	vor.u32 v14, v26;
	_ =	sdelay $0x3  }
0xf2: {  	[tilespmem:v28+s19+$0x0] =	vst.idx.msk $0xffff, v25  }
0xf3: {  	v25 =	vld.idx.msk [tilespmem:v30+s10+$0x0], $0xffff  }
0xf4: {  	v28 =	vor.u32 v15, v27  }
0xf5: {  	v30 =	vor.u32 v16, v26;
	_ =	sdelay $0x3  }
0xf6: {  	[tilespmem:v28+s19+$0x0] =	vst.idx.msk $0xffff, v25  }
0xf7: {  	v25 =	vld.idx.msk [tilespmem:v30+s10+$0x0], $0xffff  }
0xf8: {  	v28 =	vor.u32 v17, v27  }
0xf9: {  	v30 =	vor.u32 v18, v26;
	_ =	sdelay $0x3  }
0xfa: {  	[tilespmem:v28+s19+$0x0] =	vst.idx.msk $0xffff, v25  }
0xfb: {  	v25 =	vld.idx.msk [tilespmem:v30+s10+$0x0], $0xffff  }
0xfc: {  	v28 =	vor.u32 v19, v27  }
0xfd: {  	v30 =	vor.u32 v20, v26;
	_ =	sdelay $0x3  }
0xfe: {  	[tilespmem:v28+s19+$0x0] =	vst.idx.msk $0xffff, v25  }
0xff: {  	v25 =	vld.idx.msk [tilespmem:v30+s10+$0x0], $0xffff  }
0x100: {  	v28 =	vor.u32 v21, v27  }
0x101: {  	v30 =	vor.u32 v22, v26;
	_ =	sdelay $0x3  }
0x102: {  	[tilespmem:v28+s19+$0x0] =	vst.idx.msk $0xffff, v25  }
0x103: {  	v25 =	vor.u32 $0x10, v24;
	v28 =	vld.idx.msk [tilespmem:v30+s10+$0x0], $0xffff  }
0x104: {  	v27 =	vor.u32 v23, v27;
	v30 =	vand.u32 $0x1F, v25  }
0x105: {  	v31 =	vor.u32 v5, v30;
	_ =	sdelay $0x2  }
0x106: {  	v32 =	vshll.u32 v25, $0x7  }
0x107: {  	v25 =	vand.u32 $0x380, v29;
	[tilespmem:v27+s19+$0x0] =	vst.idx.msk $0xffff, v28;
	v27 =	vand.u32 $0xC00, v32  }
0x108: {  	v28 =	vld.idx.msk [tilespmem:v31+s10+$0x0], $0xffff;
	v27 =	vor.u32 v25, v27  }
0x109: {  	v29 =	vor.u32 v0, v27  }
0x10a: {  	v31 =	vor.u32 v10, v30;
	_ =	sdelay $0x3  }
0x10b: {  	[tilespmem:v29+s19+$0x0] =	vst.idx.msk $0xffff, v28  }
0x10c: {  	v28 =	vld.idx.msk [tilespmem:v31+s10+$0x0], $0xffff  }
0x10d: {  	v29 =	vor.u32 v11, v27  }
0x10e: {  	v31 =	vor.u32 v12, v30;
	_ =	sdelay $0x3  }
0x10f: {  	[tilespmem:v29+s19+$0x0] =	vst.idx.msk $0xffff, v28  }
0x110: {  	v28 =	vld.idx.msk [tilespmem:v31+s10+$0x0], $0xffff  }
0x111: {  	v29 =	vor.u32 v13, v27  }
0x112: {  	v31 =	vor.u32 v14, v30;
	_ =	sdelay $0x3  }
0x113: {  	[tilespmem:v29+s19+$0x0] =	vst.idx.msk $0xffff, v28  }
0x114: {  	v28 =	vld.idx.msk [tilespmem:v31+s10+$0x0], $0xffff  }
0x115: {  	v29 =	vor.u32 v15, v27  }
0x116: {  	v31 =	vor.u32 v16, v30;
	_ =	sdelay $0x3  }
0x117: {  	[tilespmem:v29+s19+$0x0] =	vst.idx.msk $0xffff, v28  }
0x118: {  	v28 =	vld.idx.msk [tilespmem:v31+s10+$0x0], $0xffff  }
0x119: {  	v29 =	vor.u32 v17, v27  }
0x11a: {  	v31 =	vor.u32 v18, v30;
	_ =	sdelay $0x3  }
0x11b: {  	[tilespmem:v29+s19+$0x0] =	vst.idx.msk $0xffff, v28  }
0x11c: {  	v28 =	vld.idx.msk [tilespmem:v31+s10+$0x0], $0xffff  }
0x11d: {  	v29 =	vor.u32 v19, v27  }
0x11e: {  	v31 =	vor.u32 v20, v30;
	_ =	sdelay $0x3  }
0x11f: {  	[tilespmem:v29+s19+$0x0] =	vst.idx.msk $0xffff, v28  }
0x120: {  	v28 =	vld.idx.msk [tilespmem:v31+s10+$0x0], $0xffff  }
0x121: {  	v29 =	vor.u32 v21, v27  }
0x122: {  	v30 =	vor.u32 v22, v30;
	_ =	sdelay $0x3  }
0x123: {  	v26 =	vor.u32 $0x20, v26;
	[tilespmem:v29+s19+$0x0] =	vst.idx.msk $0xffff, v28  }
0x124: {  	v28 =	vand.u32 $0x7, v24;
	v29 =	vld.idx.msk [tilespmem:v30+s10+$0x0], $0xffff;
	v30 =	vand.u32 $0x28, v26  }
0x125: {  	v27 =	vor.u32 v23, v27;
	v28 =	vor.u32 v28, v30  }
0x126: {  	v30 =	vor.u32 v5, v28;
	_ =	sdelay $0x2  }
0x127: {  	v26 =	vshll.u32 v26, $0x7  }
0x128: {  	v26 =	vand.u32 $0x1400, v26;
	[tilespmem:v27+s19+$0x0] =	vst.idx.msk $0xffff, v29  }
0x129: {  	v26 =	vor.u32 v25, v26;
	v27 =	vld.idx.msk [tilespmem:v30+s10+$0x0], $0xffff  }
0x12a: {  	v29 =	vor.u32 v0, v26  }
0x12b: {  	v30 =	vor.u32 v10, v28;
	_ =	sdelay $0x3  }
0x12c: {  	[tilespmem:v29+s19+$0x0] =	vst.idx.msk $0xffff, v27  }
0x12d: {  	v27 =	vld.idx.msk [tilespmem:v30+s10+$0x0], $0xffff  }
0x12e: {  	v29 =	vor.u32 v11, v26  }
0x12f: {  	v30 =	vor.u32 v12, v28;
	_ =	sdelay $0x3  }
0x130: {  	[tilespmem:v29+s19+$0x0] =	vst.idx.msk $0xffff, v27  }
0x131: {  	v27 =	vld.idx.msk [tilespmem:v30+s10+$0x0], $0xffff  }
0x132: {  	v29 =	vor.u32 v13, v26  }
0x133: {  	v30 =	vor.u32 v14, v28;
	_ =	sdelay $0x3  }
0x134: {  	[tilespmem:v29+s19+$0x0] =	vst.idx.msk $0xffff, v27  }
0x135: {  	v27 =	vld.idx.msk [tilespmem:v30+s10+$0x0], $0xffff  }
0x136: {  	v29 =	vor.u32 v15, v26  }
0x137: {  	v30 =	vor.u32 v16, v28;
	_ =	sdelay $0x3  }
0x138: {  	[tilespmem:v29+s19+$0x0] =	vst.idx.msk $0xffff, v27  }
0x139: {  	v27 =	vld.idx.msk [tilespmem:v30+s10+$0x0], $0xffff  }
0x13a: {  	v29 =	vor.u32 v17, v26  }
0x13b: {  	v30 =	vor.u32 v18, v28;
	_ =	sdelay $0x3  }
0x13c: {  	[tilespmem:v29+s19+$0x0] =	vst.idx.msk $0xffff, v27  }
0x13d: {  	v27 =	vld.idx.msk [tilespmem:v30+s10+$0x0], $0xffff  }
0x13e: {  	v29 =	vor.u32 v19, v26  }
0x13f: {  	v30 =	vor.u32 v20, v28;
	_ =	sdelay $0x3  }
0x140: {  	[tilespmem:v29+s19+$0x0] =	vst.idx.msk $0xffff, v27  }
0x141: {  	v27 =	vld.idx.msk [tilespmem:v30+s10+$0x0], $0xffff  }
0x142: {  	v29 =	vor.u32 v21, v26  }
0x143: {  	v28 =	vor.u32 v22, v28;
	_ =	sdelay $0x3  }
0x144: {  	[tilespmem:v29+s19+$0x0] =	vst.idx.msk $0xffff, v27  }
0x145: {  	v24 =	vor.u32 $0x30, v24;
	v27 =	vld.idx.msk [tilespmem:v28+s10+$0x0], $0xffff  }
0x146: {  	v26 =	vor.u32 v23, v26;
	v28 =	vand.u32 $0x3F, v24  }
0x147: {  	v29 =	vor.u32 v5, v28;
	_ =	sdelay $0x2  }
0x148: {  	v24 =	vshll.u32 v24, $0x7  }
0x149: {  	v24 =	vand.u32 $0x1C00, v24;
	[tilespmem:v26+s19+$0x0] =	vst.idx.msk $0xffff, v27  }
0x14a: {  	v25 =	vor.u32 v25, v24;
	v26 =	vld.idx.msk [tilespmem:v29+s10+$0x0], $0xffff  }
0x14b: {  	v24 =	vor.u32 v0, v25  }
0x14c: {  	v27 =	vor.u32 v10, v28;
	_ =	sdelay $0x3  }
0x14d: {  	[tilespmem:v24+s19+$0x0] =	vst.idx.msk $0xffff, v26  }
0x14e: {  	v24 =	vld.idx.msk [tilespmem:v27+s10+$0x0], $0xffff  }
0x14f: {  	v26 =	vor.u32 v11, v25  }
0x150: {  	v27 =	vor.u32 v12, v28;
	_ =	sdelay $0x3  }
0x151: {  	[tilespmem:v26+s19+$0x0] =	vst.idx.msk $0xffff, v24  }
0x152: {  	v24 =	vld.idx.msk [tilespmem:v27+s10+$0x0], $0xffff  }
0x153: {  	v26 =	vor.u32 v13, v25  }
0x154: {  	v27 =	vor.u32 v14, v28;
	_ =	sdelay $0x3  }
0x155: {  	[tilespmem:v26+s19+$0x0] =	vst.idx.msk $0xffff, v24  }
0x156: {  	v24 =	vld.idx.msk [tilespmem:v27+s10+$0x0], $0xffff  }
0x157: {  	v26 =	vor.u32 v15, v25  }
0x158: {  	v27 =	vor.u32 v16, v28;
	_ =	sdelay $0x3  }
0x159: {  	[tilespmem:v26+s19+$0x0] =	vst.idx.msk $0xffff, v24  }
0x15a: {  	v24 =	vld.idx.msk [tilespmem:v27+s10+$0x0], $0xffff  }
0x15b: {  	v26 =	vor.u32 v17, v25  }
0x15c: {  	v27 =	vor.u32 v18, v28;
	_ =	sdelay $0x3  }
0x15d: {  	[tilespmem:v26+s19+$0x0] =	vst.idx.msk $0xffff, v24  }
0x15e: {  	v24 =	vld.idx.msk [tilespmem:v27+s10+$0x0], $0xffff  }
0x15f: {  	v26 =	vor.u32 v19, v25  }
0x160: {  	v27 =	vor.u32 v20, v28;
	_ =	sdelay $0x3  }
0x161: {  	[tilespmem:v26+s19+$0x0] =	vst.idx.msk $0xffff, v24  }
0x162: {  	v24 =	vld.idx.msk [tilespmem:v27+s10+$0x0], $0xffff  }
0x163: {  	v26 =	vor.u32 v21, v25  }
0x164: {  	v27 =	vor.u32 v22, v28  }
.Ltmp6:
0x165: {  	(pc) =	sbr.rel @p0 .LBB2_6-.Ltmp6, $3  }
0x166: {  	_ =	sdelay $0x1  }
0x167: {  	[tilespmem:v26+s19+$0x0] =	vst.idx.msk $0xffff, v24  }
0x168: {  	v24 =	vadd.s32 s23, v0;
	s23 =	sadd.s32 $0x1, s23;
	v27 =	vld.idx.msk [tilespmem:v27+s10+$0x0], $0xffff  }
0x169: {  	v26 =	vand.u32 $0xF, v24;
	v25 =	vor.u32 v23, v25  }
0x16a: {  	v28 =	vor.u32 v5, v26;
	_ =	sdelay $0x2  }
0x16b: {  	v29 =	vshll.u32 v24, $0x7  }
0x16c: {  	v62 =	vand.u32 $0x780, v29;
	[tilespmem:v25+s19+$0x0] =	vst.idx.msk $0xffff, v27  }
0x16d: {  	v63 =	vor.u32 v0, v62;
	v27 =	vld.idx.msk [tilespmem:v28+s10+$0x0], $0xffff  }
0x16e: {  	v30 =	vor.u32 v10, v26;
	_ =	sdelay $0x3  }
0x16f: {  	[tilespmem:v63+s19+$0x0] =	vst.idx.msk $0xffff, v27  }
0x170: {  	v33 =	vor.u32 v11, v62;
	v27 =	vld.idx.msk [tilespmem:v30+s10+$0x0], $0xffff  }
0x171: {  	v34 =	vor.u32 v12, v26;
	_ =	sdelay $0x3  }
0x172: {  	[tilespmem:v33+s19+$0x0] =	vst.idx.msk $0xffff, v27  }
0x173: {  	v35 =	vor.u32 v13, v62;
	v27 =	vld.idx.msk [tilespmem:v34+s10+$0x0], $0xffff  }
0x174: {  	v36 =	vor.u32 v14, v26;
	_ =	sdelay $0x3  }
0x175: {  	[tilespmem:v35+s19+$0x0] =	vst.idx.msk $0xffff, v27  }
0x176: {  	v37 =	vor.u32 v15, v62;
	v27 =	vld.idx.msk [tilespmem:v36+s10+$0x0], $0xffff  }
0x177: {  	v38 =	vor.u32 v16, v26;
	_ =	sdelay $0x3  }
0x178: {  	[tilespmem:v37+s19+$0x0] =	vst.idx.msk $0xffff, v27  }
0x179: {  	v39 =	vor.u32 v17, v62;
	v27 =	vld.idx.msk [tilespmem:v38+s10+$0x0], $0xffff  }
0x17a: {  	v40 =	vor.u32 v18, v26;
	_ =	sdelay $0x3  }
0x17b: {  	[tilespmem:v39+s19+$0x0] =	vst.idx.msk $0xffff, v27  }
0x17c: {  	v41 =	vor.u32 v19, v62;
	v27 =	vld.idx.msk [tilespmem:v40+s10+$0x0], $0xffff  }
0x17d: {  	v42 =	vor.u32 v20, v26;
	_ =	sdelay $0x3  }
0x17e: {  	[tilespmem:v41+s19+$0x0] =	vst.idx.msk $0xffff, v27  }
0x17f: {  	v43 =	vor.u32 v21, v62;
	v27 =	vld.idx.msk [tilespmem:v42+s10+$0x0], $0xffff  }
0x180: {  	v44 =	vor.u32 v22, v26;
	_ =	sdelay $0x3  }
0x181: {  	v45 =	vor.u32 $0x10, v24;
	[tilespmem:v43+s19+$0x0] =	vst.idx.msk $0xffff, v27  }
0x182: {  	v46 =	vand.u32 $0x1F, v45;
	v25 =	vor.u32 v23, v62;
	v28 =	vld.idx.msk [tilespmem:v44+s10+$0x0], $0xffff  }
0x183: {  	v31 =	vor.u32 v5, v46;
	_ =	sdelay $0x1  }
0x184: {  	v27 =	vshll.u32 v45, $0x7  }
0x185: {  	v29 =	vand.u32 $0x380, v29;
	v27 =	vand.u32 $0xC00, v27  }
0x186: {  	v47 =	vor.u32 v29, v27;
	[tilespmem:v25+s19+$0x0] =	vst.idx.msk $0xffff, v28  }
0x187: {  	v49 =	vor.u32 v0, v47;
	v48 =	vld.idx.msk [tilespmem:v31+s10+$0x0], $0xffff  }
0x188: {  	v50 =	vor.u32 v10, v46;
	_ =	sdelay $0x3  }
0x189: {  	[tilespmem:v49+s19+$0x0] =	vst.idx.msk $0xffff, v48  }
0x18a: {  	v51 =	vor.u32 v11, v47;
	v27 =	vld.idx.msk [tilespmem:v50+s10+$0x0], $0xffff  }
0x18b: {  	v52 =	vor.u32 v12, v46;
	_ =	sdelay $0x3  }
0x18c: {  	[tilespmem:v51+s19+$0x0] =	vst.idx.msk $0xffff, v27  }
0x18d: {  	v53 =	vor.u32 v13, v47;
	v27 =	vld.idx.msk [tilespmem:v52+s10+$0x0], $0xffff  }
0x18e: {  	v54 =	vor.u32 v14, v46;
	_ =	sdelay $0x3  }
0x18f: {  	[tilespmem:v53+s19+$0x0] =	vst.idx.msk $0xffff, v27  }
0x190: {  	v55 =	vor.u32 v15, v47;
	v27 =	vld.idx.msk [tilespmem:v54+s10+$0x0], $0xffff  }
0x191: {  	v56 =	vor.u32 v16, v46;
	_ =	sdelay $0x3  }
0x192: {  	[tilespmem:v55+s19+$0x0] =	vst.idx.msk $0xffff, v27  }
0x193: {  	v57 =	vor.u32 v17, v47;
	v27 =	vld.idx.msk [tilespmem:v56+s10+$0x0], $0xffff  }
0x194: {  	v58 =	vor.u32 v18, v46;
	_ =	sdelay $0x3  }
0x195: {  	[tilespmem:v57+s19+$0x0] =	vst.idx.msk $0xffff, v27  }
0x196: {  	v59 =	vor.u32 v19, v47;
	v27 =	vld.idx.msk [tilespmem:v58+s10+$0x0], $0xffff  }
0x197: {  	v60 =	vor.u32 v20, v46;
	_ =	sdelay $0x3  }
0x198: {  	[tilespmem:v59+s19+$0x0] =	vst.idx.msk $0xffff, v27  }
0x199: {  	v61 =	vor.u32 v21, v47;
	v27 =	vld.idx.msk [tilespmem:v60+s10+$0x0], $0xffff  }
0x19a: {  	v30 =	vor.u32 v22, v46;
	_ =	sdelay $0x2  }
0x19b: {  	v26 =	vor.u32 $0x20, v26  }
0x19c: {  	v62 =	vand.u32 $0x7, v24;
	v63 =	vand.u32 $0x28, v26;
	[tilespmem:v61+s19+$0x0] =	vst.idx.msk $0xffff, v27  }
0x19d: {  	v25 =	vor.u32 v23, v47;
	v27 =	vor.u32 v62, v63;
	v30 =	vld.idx.msk [tilespmem:v30+s10+$0x0], $0xffff  }
0x19e: {  	v28 =	vor.u32 v5, v27;
	_ =	sdelay $0x1  }
0x19f: {  	v26 =	vshll.u32 v26, $0x7  }
0x1a0: {  	v26 =	vand.u32 $0x1400, v26  }
0x1a1: {  	v33 =	vor.u32 v29, v26;
	[tilespmem:v25+s19+$0x0] =	vst.idx.msk $0xffff, v30  }
0x1a2: {  	v35 =	vor.u32 v0, v33;
	v34 =	vld.idx.msk [tilespmem:v28+s10+$0x0], $0xffff  }
0x1a3: {  	v36 =	vor.u32 v10, v27;
	_ =	sdelay $0x3  }
0x1a4: {  	[tilespmem:v35+s19+$0x0] =	vst.idx.msk $0xffff, v34  }
0x1a5: {  	v37 =	vor.u32 v11, v33;
	v26 =	vld.idx.msk [tilespmem:v36+s10+$0x0], $0xffff  }
0x1a6: {  	v38 =	vor.u32 v12, v27;
	_ =	sdelay $0x3  }
0x1a7: {  	[tilespmem:v37+s19+$0x0] =	vst.idx.msk $0xffff, v26  }
0x1a8: {  	v39 =	vor.u32 v13, v33;
	v26 =	vld.idx.msk [tilespmem:v38+s10+$0x0], $0xffff  }
0x1a9: {  	v40 =	vor.u32 v14, v27;
	_ =	sdelay $0x3  }
0x1aa: {  	[tilespmem:v39+s19+$0x0] =	vst.idx.msk $0xffff, v26  }
0x1ab: {  	v41 =	vor.u32 v15, v33;
	v26 =	vld.idx.msk [tilespmem:v40+s10+$0x0], $0xffff  }
0x1ac: {  	v42 =	vor.u32 v16, v27;
	_ =	sdelay $0x3  }
0x1ad: {  	[tilespmem:v41+s19+$0x0] =	vst.idx.msk $0xffff, v26  }
0x1ae: {  	v43 =	vor.u32 v17, v33;
	v26 =	vld.idx.msk [tilespmem:v42+s10+$0x0], $0xffff  }
0x1af: {  	v44 =	vor.u32 v18, v27;
	_ =	sdelay $0x3  }
0x1b0: {  	[tilespmem:v43+s19+$0x0] =	vst.idx.msk $0xffff, v26  }
0x1b1: {  	v45 =	vor.u32 v19, v33;
	v26 =	vld.idx.msk [tilespmem:v44+s10+$0x0], $0xffff  }
0x1b2: {  	v46 =	vor.u32 v20, v27;
	_ =	sdelay $0x3  }
0x1b3: {  	[tilespmem:v45+s19+$0x0] =	vst.idx.msk $0xffff, v26  }
0x1b4: {  	v47 =	vor.u32 v21, v33;
	v26 =	vld.idx.msk [tilespmem:v46+s10+$0x0], $0xffff  }
0x1b5: {  	v27 =	vor.u32 v22, v27;
	_ =	sdelay $0x3  }
0x1b6: {  	v48 =	vor.u32 $0x30, v24;
	[tilespmem:v47+s19+$0x0] =	vst.idx.msk $0xffff, v26  }
0x1b7: {  	v49 =	vand.u32 $0x3F, v48;
	v25 =	vor.u32 v23, v33;
	v26 =	vld.idx.msk [tilespmem:v27+s10+$0x0], $0xffff  }
0x1b8: {  	v50 =	vor.u32 v5, v49;
	_ =	sdelay $0x1  }
0x1b9: {  	v24 =	vshll.u32 v48, $0x7  }
0x1ba: {  	v24 =	vand.u32 $0x1C00, v24  }
0x1bb: {  	v24 =	vor.u32 v29, v24;
	[tilespmem:v25+s19+$0x0] =	vst.idx.msk $0xffff, v26  }
0x1bc: {  	v51 =	vor.u32 v0, v24;
	v25 =	vld.idx.msk [tilespmem:v50+s10+$0x0], $0xffff  }
0x1bd: {  	v52 =	vor.u32 v10, v49;
	_ =	sdelay $0x3  }
0x1be: {  	[tilespmem:v51+s19+$0x0] =	vst.idx.msk $0xffff, v25  }
0x1bf: {  	v53 =	vor.u32 v11, v24;
	v25 =	vld.idx.msk [tilespmem:v52+s10+$0x0], $0xffff  }
0x1c0: {  	v54 =	vor.u32 v12, v49;
	_ =	sdelay $0x3  }
0x1c1: {  	[tilespmem:v53+s19+$0x0] =	vst.idx.msk $0xffff, v25  }
0x1c2: {  	v55 =	vor.u32 v13, v24;
	v25 =	vld.idx.msk [tilespmem:v54+s10+$0x0], $0xffff  }
0x1c3: {  	v56 =	vor.u32 v14, v49;
	_ =	sdelay $0x3  }
0x1c4: {  	[tilespmem:v55+s19+$0x0] =	vst.idx.msk $0xffff, v25  }
0x1c5: {  	v57 =	vor.u32 v15, v24;
	v25 =	vld.idx.msk [tilespmem:v56+s10+$0x0], $0xffff  }
0x1c6: {  	v58 =	vor.u32 v16, v49;
	_ =	sdelay $0x3  }
0x1c7: {  	[tilespmem:v57+s19+$0x0] =	vst.idx.msk $0xffff, v25  }
0x1c8: {  	v59 =	vor.u32 v17, v24;
	v25 =	vld.idx.msk [tilespmem:v58+s10+$0x0], $0xffff  }
0x1c9: {  	v60 =	vor.u32 v18, v49;
	_ =	sdelay $0x3  }
0x1ca: {  	[tilespmem:v59+s19+$0x0] =	vst.idx.msk $0xffff, v25  }
0x1cb: {  	v61 =	vor.u32 v19, v24;
	v25 =	vld.idx.msk [tilespmem:v60+s10+$0x0], $0xffff  }
0x1cc: {  	v62 =	vor.u32 v20, v49;
	_ =	sdelay $0x3  }
0x1cd: {  	[tilespmem:v61+s19+$0x0] =	vst.idx.msk $0xffff, v25  }
0x1ce: {  	v63 =	vor.u32 v21, v24;
	v25 =	vld.idx.msk [tilespmem:v62+s10+$0x0], $0xffff  }
0x1cf: {  	v27 =	vor.u32 v22, v49;
	_ =	sdelay $0x3  }
0x1d0: {  	[tilespmem:v63+s19+$0x0] =	vst.idx.msk $0xffff, v25  }
0x1d1: {  	v24 =	vor.u32 v23, v24;
	v25 =	vld.idx.msk [tilespmem:v27+s10+$0x0], $0xffff  }
0x1d2: {  	p0 =	seq.s32 s22, $0x0  }
.Ltmp7:
0x1d3: {  	_ = 	snop;
	(pc) =	sbr.rel @p0 .LBB2_11-.Ltmp7, $4  }
0x1d4: {  	_ = 	snop  }
0x1d5: {  	s23 =	sshll.u32 s21, $0xF  }
0x1d6: {  	s23 =	sadd.s32 s23, s5;
	[tilespmem:v24+s19+$0x0] =	vst.idx.msk $0xffff, v25  }
0x1d7: {  	[hbm4b:s23+s14] =	stream.strided.scatter [tilespmem:s19], [sflag:$0x3], $0x2000, s15, s14, $0x38;
	[tilespmem:$0x14800] =	vst v63  }
.LBB2_8:
0x1d8: {  	p0 =	seq.s32 s21, $0xC7  }
0x1d9: {  	s22 =	sshll.u32 @!p0 s21, $0x7  }
0x1da: {  	s22 =	sand.u32 @!p0 $0x3FFFFF80, s22  }
0x1db: {  	s23 =	simm.s32 @!p0 $0x80;
	s24 =	simm.s32 @!p0 $0xC800;
	s22 =	sadd.s32 @!p0 $0x6480, s22  }
0x1dc: {  	v24 =	vadd.s32 s25, v0;
	[tilespmem:s24], [sflag:$0x1] =	stream.indirect.gather @!p0 [hbm4b:s3+s23], $0x40, s22, s23, $0xb8;
	[tilespmem:$0x14800] =	vst v63  }
0x1dd: {  	v25 =	vand.u32 $0xF, v24;
	_ =	swait.ge [sflag:s11], $0x2000  }
0x1de: {  	v26 =	vor.u32 v5, v25;
	p0 =	slt.u32 s21, $0x2;
	[sflag:s11] =	ssyncset.done $0x0  }
0x1df: {  	s22 =	simm.s32 @!p0 $0x4;
	[sflag:s11] =	ssyncadd.s32 $0xFFFFE000  }
0x1e0: {  	_ =	swait.ge @!p0 [sflag:s22], $0x2000  }
0x1e1: {  	v27 =	vshll.u32 v24, $0x7;
	[sflag:s22] =	ssyncset.done @!p0 $0x0  }
0x1e2: {  	v28 =	vand.u32 $0x780, v27;
	[sflag:s22] =	ssyncadd.s32 @!p0 $0xFFFFE000  }
0x1e3: {  	v29 =	vor.u32 v0, v28;
	v26 =	vld.idx.msk [tilespmem:v26+s12+$0x0], $0xffff  }
0x1e4: {  	v30 =	vor.u32 v10, v25;
	_ =	sdelay $0x3  }
0x1e5: {  	[tilespmem:v29+s13+$0x0] =	vst.idx.msk $0xffff, v26  }
0x1e6: {  	v29 =	vor.u32 v11, v28;
	v26 =	vld.idx.msk [tilespmem:v30+s12+$0x0], $0xffff  }
0x1e7: {  	v45 =	vor.u32 v12, v25;
	_ =	sdelay $0x3  }
0x1e8: {  	[tilespmem:v29+s13+$0x0] =	vst.idx.msk $0xffff, v26  }
0x1e9: {  	v29 =	vor.u32 v13, v28;
	v26 =	vld.idx.msk [tilespmem:v45+s12+$0x0], $0xffff  }
0x1ea: {  	v46 =	vor.u32 v14, v25;
	_ =	sdelay $0x3  }
0x1eb: {  	[tilespmem:v29+s13+$0x0] =	vst.idx.msk $0xffff, v26  }
0x1ec: {  	v29 =	vor.u32 v15, v28;
	v26 =	vld.idx.msk [tilespmem:v46+s12+$0x0], $0xffff  }
0x1ed: {  	v47 =	vor.u32 v16, v25;
	_ =	sdelay $0x3  }
0x1ee: {  	[tilespmem:v29+s13+$0x0] =	vst.idx.msk $0xffff, v26  }
0x1ef: {  	v29 =	vor.u32 v17, v28;
	v26 =	vld.idx.msk [tilespmem:v47+s12+$0x0], $0xffff  }
0x1f0: {  	v48 =	vor.u32 v18, v25;
	_ =	sdelay $0x3  }
0x1f1: {  	[tilespmem:v29+s13+$0x0] =	vst.idx.msk $0xffff, v26  }
0x1f2: {  	v29 =	vor.u32 v19, v28;
	v26 =	vld.idx.msk [tilespmem:v48+s12+$0x0], $0xffff  }
0x1f3: {  	v49 =	vor.u32 v20, v25;
	_ =	sdelay $0x3  }
0x1f4: {  	[tilespmem:v29+s13+$0x0] =	vst.idx.msk $0xffff, v26  }
0x1f5: {  	v29 =	vor.u32 v21, v28;
	v26 =	vld.idx.msk [tilespmem:v49+s12+$0x0], $0xffff  }
0x1f6: {  	v50 =	vor.u32 v22, v25;
	_ =	sdelay $0x3  }
0x1f7: {  	[tilespmem:v29+s13+$0x0] =	vst.idx.msk $0xffff, v26;
	v26 =	vor.u32 $0x10, v24  }
0x1f8: {  	v28 =	vor.u32 v23, v28;
	v29 =	vld.idx.msk [tilespmem:v50+s12+$0x0], $0xffff;
	v51 =	vand.u32 $0x1F, v26  }
0x1f9: {  	v31 =	vor.u32 v5, v51;
	_ =	sdelay $0x1  }
0x1fa: {  	v26 =	vshll.u32 v26, $0x7  }
0x1fb: {  	v27 =	vand.u32 $0x380, v27;
	v26 =	vand.u32 $0xC00, v26  }
0x1fc: {  	v26 =	vor.u32 v27, v26;
	[tilespmem:v28+s13+$0x0] =	vst.idx.msk $0xffff, v29  }
0x1fd: {  	v29 =	vor.u32 v0, v26;
	v28 =	vld.idx.msk [tilespmem:v31+s12+$0x0], $0xffff  }
0x1fe: {  	v52 =	vor.u32 v10, v51;
	_ =	sdelay $0x3  }
0x1ff: {  	[tilespmem:v29+s13+$0x0] =	vst.idx.msk $0xffff, v28  }
0x200: {  	v29 =	vor.u32 v11, v26;
	v28 =	vld.idx.msk [tilespmem:v52+s12+$0x0], $0xffff  }
0x201: {  	v53 =	vor.u32 v12, v51;
	_ =	sdelay $0x3  }
0x202: {  	[tilespmem:v29+s13+$0x0] =	vst.idx.msk $0xffff, v28  }
0x203: {  	v29 =	vor.u32 v13, v26;
	v28 =	vld.idx.msk [tilespmem:v53+s12+$0x0], $0xffff  }
0x204: {  	v54 =	vor.u32 v14, v51;
	_ =	sdelay $0x3  }
0x205: {  	[tilespmem:v29+s13+$0x0] =	vst.idx.msk $0xffff, v28  }
0x206: {  	v29 =	vor.u32 v15, v26;
	v28 =	vld.idx.msk [tilespmem:v54+s12+$0x0], $0xffff  }
0x207: {  	v55 =	vor.u32 v16, v51;
	_ =	sdelay $0x3  }
0x208: {  	[tilespmem:v29+s13+$0x0] =	vst.idx.msk $0xffff, v28  }
0x209: {  	v29 =	vor.u32 v17, v26;
	v28 =	vld.idx.msk [tilespmem:v55+s12+$0x0], $0xffff  }
0x20a: {  	v56 =	vor.u32 v18, v51;
	_ =	sdelay $0x3  }
0x20b: {  	[tilespmem:v29+s13+$0x0] =	vst.idx.msk $0xffff, v28  }
0x20c: {  	v29 =	vor.u32 v19, v26;
	v28 =	vld.idx.msk [tilespmem:v56+s12+$0x0], $0xffff  }
0x20d: {  	v57 =	vor.u32 v20, v51;
	_ =	sdelay $0x3  }
0x20e: {  	[tilespmem:v29+s13+$0x0] =	vst.idx.msk $0xffff, v28  }
0x20f: {  	v29 =	vor.u32 v21, v26;
	v28 =	vld.idx.msk [tilespmem:v57+s12+$0x0], $0xffff  }
0x210: {  	v30 =	vor.u32 v22, v51;
	_ =	sdelay $0x2  }
0x211: {  	v25 =	vor.u32 $0x20, v25  }
0x212: {  	[tilespmem:v29+s13+$0x0] =	vst.idx.msk $0xffff, v28;
	v28 =	vand.u32 $0x7, v24;
	v29 =	vand.u32 $0x28, v25  }
0x213: {  	v26 =	vor.u32 v23, v26;
	v30 =	vld.idx.msk [tilespmem:v30+s12+$0x0], $0xffff;
	v28 =	vor.u32 v28, v29  }
0x214: {  	v29 =	vor.u32 v5, v28;
	_ =	sdelay $0x1  }
0x215: {  	v25 =	vshll.u32 v25, $0x7  }
0x216: {  	v25 =	vand.u32 $0x1400, v25  }
0x217: {  	v25 =	vor.u32 v27, v25;
	[tilespmem:v26+s13+$0x0] =	vst.idx.msk $0xffff, v30  }
0x218: {  	v26 =	vld.idx.msk [tilespmem:v29+s12+$0x0], $0xffff;
	v29 =	vor.u32 v0, v25  }
0x219: {  	v58 =	vor.u32 v10, v28;
	_ =	sdelay $0x3  }
0x21a: {  	[tilespmem:v29+s13+$0x0] =	vst.idx.msk $0xffff, v26  }
0x21b: {  	v29 =	vor.u32 v11, v25;
	v26 =	vld.idx.msk [tilespmem:v58+s12+$0x0], $0xffff  }
0x21c: {  	v59 =	vor.u32 v12, v28;
	_ =	sdelay $0x3  }
0x21d: {  	[tilespmem:v29+s13+$0x0] =	vst.idx.msk $0xffff, v26  }
0x21e: {  	v29 =	vor.u32 v13, v25;
	v26 =	vld.idx.msk [tilespmem:v59+s12+$0x0], $0xffff  }
0x21f: {  	v60 =	vor.u32 v14, v28;
	_ =	sdelay $0x3  }
0x220: {  	[tilespmem:v29+s13+$0x0] =	vst.idx.msk $0xffff, v26  }
0x221: {  	v29 =	vor.u32 v15, v25;
	v26 =	vld.idx.msk [tilespmem:v60+s12+$0x0], $0xffff  }
0x222: {  	v61 =	vor.u32 v16, v28;
	_ =	sdelay $0x3  }
0x223: {  	[tilespmem:v29+s13+$0x0] =	vst.idx.msk $0xffff, v26  }
0x224: {  	v29 =	vor.u32 v17, v25;
	v26 =	vld.idx.msk [tilespmem:v61+s12+$0x0], $0xffff  }
0x225: {  	v62 =	vor.u32 v18, v28;
	_ =	sdelay $0x3  }
0x226: {  	[tilespmem:v29+s13+$0x0] =	vst.idx.msk $0xffff, v26  }
0x227: {  	v29 =	vor.u32 v19, v25;
	v26 =	vld.idx.msk [tilespmem:v62+s12+$0x0], $0xffff  }
0x228: {  	v63 =	vor.u32 v20, v28;
	_ =	sdelay $0x3  }
0x229: {  	[tilespmem:v29+s13+$0x0] =	vst.idx.msk $0xffff, v26  }
0x22a: {  	v29 =	vor.u32 v21, v25;
	v26 =	vld.idx.msk [tilespmem:v63+s12+$0x0], $0xffff  }
0x22b: {  	v28 =	vor.u32 v22, v28;
	_ =	sdelay $0x3  }
0x22c: {  	v24 =	vor.u32 $0x30, v24;
	[tilespmem:v29+s13+$0x0] =	vst.idx.msk $0xffff, v26  }
0x22d: {  	v25 =	vor.u32 v23, v25;
	v26 =	vld.idx.msk [tilespmem:v28+s12+$0x0], $0xffff;
	v28 =	vand.u32 $0x3F, v24  }
0x22e: {  	v29 =	vor.u32 v5, v28;
	_ =	sdelay $0x1  }
0x22f: {  	v24 =	vshll.u32 v24, $0x7  }
0x230: {  	v24 =	vand.u32 $0x1C00, v24  }
0x231: {  	[tilespmem:v25+s13+$0x0] =	vst.idx.msk $0xffff, v26;
	v25 =	vor.u32 v27, v24  }
0x232: {  	v24 =	vld.idx.msk [tilespmem:v29+s12+$0x0], $0xffff;
	v26 =	vor.u32 v0, v25  }
0x233: {  	v27 =	vor.u32 v10, v28;
	_ =	sdelay $0x3  }
0x234: {  	[tilespmem:v26+s13+$0x0] =	vst.idx.msk $0xffff, v24  }
0x235: {  	v26 =	vor.u32 v11, v25;
	v24 =	vld.idx.msk [tilespmem:v27+s12+$0x0], $0xffff  }
0x236: {  	v27 =	vor.u32 v12, v28;
	_ =	sdelay $0x3  }
0x237: {  	[tilespmem:v26+s13+$0x0] =	vst.idx.msk $0xffff, v24  }
0x238: {  	v26 =	vor.u32 v13, v25;
	v24 =	vld.idx.msk [tilespmem:v27+s12+$0x0], $0xffff  }
0x239: {  	v27 =	vor.u32 v14, v28;
	_ =	sdelay $0x3  }
0x23a: {  	[tilespmem:v26+s13+$0x0] =	vst.idx.msk $0xffff, v24  }
0x23b: {  	v26 =	vor.u32 v15, v25;
	v24 =	vld.idx.msk [tilespmem:v27+s12+$0x0], $0xffff  }
0x23c: {  	v27 =	vor.u32 v16, v28;
	_ =	sdelay $0x3  }
0x23d: {  	[tilespmem:v26+s13+$0x0] =	vst.idx.msk $0xffff, v24  }
0x23e: {  	v26 =	vor.u32 v17, v25;
	v24 =	vld.idx.msk [tilespmem:v27+s12+$0x0], $0xffff  }
0x23f: {  	v27 =	vor.u32 v18, v28;
	_ =	sdelay $0x3  }
0x240: {  	[tilespmem:v26+s13+$0x0] =	vst.idx.msk $0xffff, v24  }
0x241: {  	v26 =	vor.u32 v19, v25;
	v24 =	vld.idx.msk [tilespmem:v27+s12+$0x0], $0xffff  }
0x242: {  	v27 =	vor.u32 v20, v28;
	_ =	sdelay $0x3  }
0x243: {  	[tilespmem:v26+s13+$0x0] =	vst.idx.msk $0xffff, v24  }
0x244: {  	v26 =	vor.u32 v21, v25;
	v24 =	vld.idx.msk [tilespmem:v27+s12+$0x0], $0xffff  }
0x245: {  	v27 =	vor.u32 v22, v28;
	_ =	sdelay $0x3  }
0x246: {  	s31 =	simm.s32 $0x1;
	[tilespmem:v26+s13+$0x0] =	vst.idx.msk $0xffff, v24  }
0x247: {  	s22 =	simm.s32 $0x2;
	v24 =	vadd.s32 s31, v0;
	v27 =	vld.idx.msk [tilespmem:v27+s12+$0x0], $0xffff  }
.LBB2_9:
0x248: {  	p0 =	sne.s32 s22, $0xF;
	v26 =	vand.u32 $0xF, v24;
	v25 =	vor.u32 v23, v25  }
0x249: {  	v28 =	vor.u32 v5, v26;
	_ =	sdelay $0x3  }
0x24a: {  	v29 =	vshll.u32 v24, $0x7;
	[tilespmem:v25+s13+$0x0] =	vst.idx.msk $0xffff, v27  }
0x24b: {  	v27 =	vand.u32 $0x780, v29;
	v25 =	vld.idx.msk [tilespmem:v28+s12+$0x0], $0xffff  }
0x24c: {  	v28 =	vor.u32 v0, v27  }
0x24d: {  	v30 =	vor.u32 v10, v26;
	_ =	sdelay $0x3  }
0x24e: {  	[tilespmem:v28+s13+$0x0] =	vst.idx.msk $0xffff, v25  }
0x24f: {  	v25 =	vld.idx.msk [tilespmem:v30+s12+$0x0], $0xffff  }
0x250: {  	v28 =	vor.u32 v11, v27  }
0x251: {  	v30 =	vor.u32 v12, v26;
	_ =	sdelay $0x3  }
0x252: {  	[tilespmem:v28+s13+$0x0] =	vst.idx.msk $0xffff, v25  }
0x253: {  	v25 =	vld.idx.msk [tilespmem:v30+s12+$0x0], $0xffff  }
0x254: {  	v28 =	vor.u32 v13, v27  }
0x255: {  	v30 =	vor.u32 v14, v26;
	_ =	sdelay $0x3  }
0x256: {  	[tilespmem:v28+s13+$0x0] =	vst.idx.msk $0xffff, v25  }
0x257: {  	v25 =	vld.idx.msk [tilespmem:v30+s12+$0x0], $0xffff  }
0x258: {  	v28 =	vor.u32 v15, v27  }
0x259: {  	v30 =	vor.u32 v16, v26;
	_ =	sdelay $0x3  }
0x25a: {  	[tilespmem:v28+s13+$0x0] =	vst.idx.msk $0xffff, v25  }
0x25b: {  	v25 =	vld.idx.msk [tilespmem:v30+s12+$0x0], $0xffff  }
0x25c: {  	v28 =	vor.u32 v17, v27  }
0x25d: {  	v30 =	vor.u32 v18, v26;
	_ =	sdelay $0x3  }
0x25e: {  	[tilespmem:v28+s13+$0x0] =	vst.idx.msk $0xffff, v25  }
0x25f: {  	v25 =	vld.idx.msk [tilespmem:v30+s12+$0x0], $0xffff  }
0x260: {  	v28 =	vor.u32 v19, v27  }
0x261: {  	v30 =	vor.u32 v20, v26;
	_ =	sdelay $0x3  }
0x262: {  	[tilespmem:v28+s13+$0x0] =	vst.idx.msk $0xffff, v25  }
0x263: {  	v25 =	vld.idx.msk [tilespmem:v30+s12+$0x0], $0xffff  }
0x264: {  	v28 =	vor.u32 v21, v27  }
0x265: {  	v30 =	vor.u32 v22, v26;
	_ =	sdelay $0x3  }
0x266: {  	[tilespmem:v28+s13+$0x0] =	vst.idx.msk $0xffff, v25  }
0x267: {  	v25 =	vor.u32 $0x10, v24;
	v28 =	vld.idx.msk [tilespmem:v30+s12+$0x0], $0xffff  }
0x268: {  	v27 =	vor.u32 v23, v27;
	v30 =	vand.u32 $0x1F, v25  }
0x269: {  	v31 =	vor.u32 v5, v30;
	_ =	sdelay $0x2  }
0x26a: {  	v32 =	vshll.u32 v25, $0x7  }
0x26b: {  	v25 =	vand.u32 $0x380, v29;
	[tilespmem:v27+s13+$0x0] =	vst.idx.msk $0xffff, v28;
	v27 =	vand.u32 $0xC00, v32  }
0x26c: {  	v28 =	vld.idx.msk [tilespmem:v31+s12+$0x0], $0xffff;
	v27 =	vor.u32 v25, v27  }
0x26d: {  	v29 =	vor.u32 v0, v27  }
0x26e: {  	v31 =	vor.u32 v10, v30;
	_ =	sdelay $0x3  }
0x26f: {  	[tilespmem:v29+s13+$0x0] =	vst.idx.msk $0xffff, v28  }
0x270: {  	v28 =	vld.idx.msk [tilespmem:v31+s12+$0x0], $0xffff  }
0x271: {  	v29 =	vor.u32 v11, v27  }
0x272: {  	v31 =	vor.u32 v12, v30;
	_ =	sdelay $0x3  }
0x273: {  	[tilespmem:v29+s13+$0x0] =	vst.idx.msk $0xffff, v28  }
0x274: {  	v28 =	vld.idx.msk [tilespmem:v31+s12+$0x0], $0xffff  }
0x275: {  	v29 =	vor.u32 v13, v27  }
0x276: {  	v31 =	vor.u32 v14, v30;
	_ =	sdelay $0x3  }
0x277: {  	[tilespmem:v29+s13+$0x0] =	vst.idx.msk $0xffff, v28  }
0x278: {  	v28 =	vld.idx.msk [tilespmem:v31+s12+$0x0], $0xffff  }
0x279: {  	v29 =	vor.u32 v15, v27  }
0x27a: {  	v31 =	vor.u32 v16, v30;
	_ =	sdelay $0x3  }
0x27b: {  	[tilespmem:v29+s13+$0x0] =	vst.idx.msk $0xffff, v28  }
0x27c: {  	v28 =	vld.idx.msk [tilespmem:v31+s12+$0x0], $0xffff  }
0x27d: {  	v29 =	vor.u32 v17, v27  }
0x27e: {  	v31 =	vor.u32 v18, v30;
	_ =	sdelay $0x3  }
0x27f: {  	[tilespmem:v29+s13+$0x0] =	vst.idx.msk $0xffff, v28  }
0x280: {  	v28 =	vld.idx.msk [tilespmem:v31+s12+$0x0], $0xffff  }
0x281: {  	v29 =	vor.u32 v19, v27  }
0x282: {  	v31 =	vor.u32 v20, v30;
	_ =	sdelay $0x3  }
0x283: {  	[tilespmem:v29+s13+$0x0] =	vst.idx.msk $0xffff, v28  }
0x284: {  	v28 =	vld.idx.msk [tilespmem:v31+s12+$0x0], $0xffff  }
0x285: {  	v29 =	vor.u32 v21, v27  }
0x286: {  	v30 =	vor.u32 v22, v30;
	_ =	sdelay $0x3  }
0x287: {  	v26 =	vor.u32 $0x20, v26;
	[tilespmem:v29+s13+$0x0] =	vst.idx.msk $0xffff, v28  }
0x288: {  	v28 =	vand.u32 $0x7, v24;
	v29 =	vld.idx.msk [tilespmem:v30+s12+$0x0], $0xffff;
	v30 =	vand.u32 $0x28, v26  }
0x289: {  	v27 =	vor.u32 v23, v27;
	v28 =	vor.u32 v28, v30  }
0x28a: {  	v30 =	vor.u32 v5, v28;
	_ =	sdelay $0x2  }
0x28b: {  	v26 =	vshll.u32 v26, $0x7  }
0x28c: {  	v26 =	vand.u32 $0x1400, v26;
	[tilespmem:v27+s13+$0x0] =	vst.idx.msk $0xffff, v29  }
0x28d: {  	v26 =	vor.u32 v25, v26;
	v27 =	vld.idx.msk [tilespmem:v30+s12+$0x0], $0xffff  }
0x28e: {  	v29 =	vor.u32 v0, v26  }
0x28f: {  	v30 =	vor.u32 v10, v28;
	_ =	sdelay $0x3  }
0x290: {  	[tilespmem:v29+s13+$0x0] =	vst.idx.msk $0xffff, v27  }
0x291: {  	v27 =	vld.idx.msk [tilespmem:v30+s12+$0x0], $0xffff  }
0x292: {  	v29 =	vor.u32 v11, v26  }
0x293: {  	v30 =	vor.u32 v12, v28;
	_ =	sdelay $0x3  }
0x294: {  	[tilespmem:v29+s13+$0x0] =	vst.idx.msk $0xffff, v27  }
0x295: {  	v27 =	vld.idx.msk [tilespmem:v30+s12+$0x0], $0xffff  }
0x296: {  	v29 =	vor.u32 v13, v26  }
0x297: {  	v30 =	vor.u32 v14, v28;
	_ =	sdelay $0x3  }
0x298: {  	[tilespmem:v29+s13+$0x0] =	vst.idx.msk $0xffff, v27  }
0x299: {  	v27 =	vld.idx.msk [tilespmem:v30+s12+$0x0], $0xffff  }
0x29a: {  	v29 =	vor.u32 v15, v26  }
0x29b: {  	v30 =	vor.u32 v16, v28;
	_ =	sdelay $0x3  }
0x29c: {  	[tilespmem:v29+s13+$0x0] =	vst.idx.msk $0xffff, v27  }
0x29d: {  	v27 =	vld.idx.msk [tilespmem:v30+s12+$0x0], $0xffff  }
0x29e: {  	v29 =	vor.u32 v17, v26  }
0x29f: {  	v30 =	vor.u32 v18, v28;
	_ =	sdelay $0x3  }
0x2a0: {  	[tilespmem:v29+s13+$0x0] =	vst.idx.msk $0xffff, v27  }
0x2a1: {  	v27 =	vld.idx.msk [tilespmem:v30+s12+$0x0], $0xffff  }
0x2a2: {  	v29 =	vor.u32 v19, v26  }
0x2a3: {  	v30 =	vor.u32 v20, v28;
	_ =	sdelay $0x3  }
0x2a4: {  	[tilespmem:v29+s13+$0x0] =	vst.idx.msk $0xffff, v27  }
0x2a5: {  	v27 =	vld.idx.msk [tilespmem:v30+s12+$0x0], $0xffff  }
0x2a6: {  	v29 =	vor.u32 v21, v26  }
0x2a7: {  	v28 =	vor.u32 v22, v28;
	_ =	sdelay $0x3  }
0x2a8: {  	[tilespmem:v29+s13+$0x0] =	vst.idx.msk $0xffff, v27  }
0x2a9: {  	v24 =	vor.u32 $0x30, v24;
	v27 =	vld.idx.msk [tilespmem:v28+s12+$0x0], $0xffff  }
0x2aa: {  	v26 =	vor.u32 v23, v26;
	v28 =	vand.u32 $0x3F, v24  }
0x2ab: {  	v29 =	vor.u32 v5, v28;
	_ =	sdelay $0x2  }
0x2ac: {  	v24 =	vshll.u32 v24, $0x7  }
0x2ad: {  	v24 =	vand.u32 $0x1C00, v24;
	[tilespmem:v26+s13+$0x0] =	vst.idx.msk $0xffff, v27  }
0x2ae: {  	v25 =	vor.u32 v25, v24;
	v26 =	vld.idx.msk [tilespmem:v29+s12+$0x0], $0xffff  }
0x2af: {  	v24 =	vor.u32 v0, v25  }
0x2b0: {  	v27 =	vor.u32 v10, v28;
	_ =	sdelay $0x3  }
0x2b1: {  	[tilespmem:v24+s13+$0x0] =	vst.idx.msk $0xffff, v26  }
0x2b2: {  	v24 =	vld.idx.msk [tilespmem:v27+s12+$0x0], $0xffff  }
0x2b3: {  	v26 =	vor.u32 v11, v25  }
0x2b4: {  	v27 =	vor.u32 v12, v28;
	_ =	sdelay $0x3  }
0x2b5: {  	[tilespmem:v26+s13+$0x0] =	vst.idx.msk $0xffff, v24  }
0x2b6: {  	v24 =	vld.idx.msk [tilespmem:v27+s12+$0x0], $0xffff  }
0x2b7: {  	v26 =	vor.u32 v13, v25  }
0x2b8: {  	v27 =	vor.u32 v14, v28;
	_ =	sdelay $0x3  }
0x2b9: {  	[tilespmem:v26+s13+$0x0] =	vst.idx.msk $0xffff, v24  }
0x2ba: {  	v24 =	vld.idx.msk [tilespmem:v27+s12+$0x0], $0xffff  }
0x2bb: {  	v26 =	vor.u32 v15, v25  }
0x2bc: {  	v27 =	vor.u32 v16, v28;
	_ =	sdelay $0x3  }
0x2bd: {  	[tilespmem:v26+s13+$0x0] =	vst.idx.msk $0xffff, v24  }
0x2be: {  	v24 =	vld.idx.msk [tilespmem:v27+s12+$0x0], $0xffff  }
0x2bf: {  	v26 =	vor.u32 v17, v25  }
0x2c0: {  	v27 =	vor.u32 v18, v28;
	_ =	sdelay $0x3  }
0x2c1: {  	[tilespmem:v26+s13+$0x0] =	vst.idx.msk $0xffff, v24  }
0x2c2: {  	v24 =	vld.idx.msk [tilespmem:v27+s12+$0x0], $0xffff  }
0x2c3: {  	v26 =	vor.u32 v19, v25  }
0x2c4: {  	v27 =	vor.u32 v20, v28;
	_ =	sdelay $0x3  }
0x2c5: {  	[tilespmem:v26+s13+$0x0] =	vst.idx.msk $0xffff, v24  }
0x2c6: {  	v24 =	vld.idx.msk [tilespmem:v27+s12+$0x0], $0xffff  }
0x2c7: {  	v26 =	vor.u32 v21, v25  }
0x2c8: {  	v27 =	vor.u32 v22, v28  }
.Ltmp8:
0x2c9: {  	(pc) =	sbr.rel @p0 .LBB2_9-.Ltmp8, $3  }
0x2ca: {  	_ =	sdelay $0x1  }
0x2cb: {  	[tilespmem:v26+s13+$0x0] =	vst.idx.msk $0xffff, v24  }
0x2cc: {  	v24 =	vadd.s32 s22, v0;
	s22 =	sadd.s32 $0x1, s22;
	v27 =	vld.idx.msk [tilespmem:v27+s12+$0x0], $0xffff  }
0x2cd: {  	v26 =	vand.u32 $0xF, v24;
	v25 =	vor.u32 v23, v25  }
0x2ce: {  	v28 =	vor.u32 v5, v26;
	_ =	sdelay $0x2  }
0x2cf: {  	v29 =	vshll.u32 v24, $0x7  }
0x2d0: {  	v62 =	vand.u32 $0x780, v29;
	[tilespmem:v25+s13+$0x0] =	vst.idx.msk $0xffff, v27  }
0x2d1: {  	v63 =	vor.u32 v0, v62;
	v27 =	vld.idx.msk [tilespmem:v28+s12+$0x0], $0xffff  }
0x2d2: {  	v30 =	vor.u32 v10, v26;
	_ =	sdelay $0x3  }
0x2d3: {  	[tilespmem:v63+s13+$0x0] =	vst.idx.msk $0xffff, v27  }
0x2d4: {  	v33 =	vor.u32 v11, v62;
	v27 =	vld.idx.msk [tilespmem:v30+s12+$0x0], $0xffff  }
0x2d5: {  	v34 =	vor.u32 v12, v26;
	_ =	sdelay $0x3  }
0x2d6: {  	[tilespmem:v33+s13+$0x0] =	vst.idx.msk $0xffff, v27  }
0x2d7: {  	v35 =	vor.u32 v13, v62;
	v27 =	vld.idx.msk [tilespmem:v34+s12+$0x0], $0xffff  }
0x2d8: {  	v36 =	vor.u32 v14, v26;
	_ =	sdelay $0x3  }
0x2d9: {  	[tilespmem:v35+s13+$0x0] =	vst.idx.msk $0xffff, v27  }
0x2da: {  	v37 =	vor.u32 v15, v62;
	v27 =	vld.idx.msk [tilespmem:v36+s12+$0x0], $0xffff  }
0x2db: {  	v38 =	vor.u32 v16, v26;
	_ =	sdelay $0x3  }
0x2dc: {  	[tilespmem:v37+s13+$0x0] =	vst.idx.msk $0xffff, v27  }
0x2dd: {  	v39 =	vor.u32 v17, v62;
	v27 =	vld.idx.msk [tilespmem:v38+s12+$0x0], $0xffff  }
0x2de: {  	v40 =	vor.u32 v18, v26;
	_ =	sdelay $0x3  }
0x2df: {  	[tilespmem:v39+s13+$0x0] =	vst.idx.msk $0xffff, v27  }
0x2e0: {  	v41 =	vor.u32 v19, v62;
	v27 =	vld.idx.msk [tilespmem:v40+s12+$0x0], $0xffff  }
0x2e1: {  	v42 =	vor.u32 v20, v26;
	_ =	sdelay $0x3  }
0x2e2: {  	[tilespmem:v41+s13+$0x0] =	vst.idx.msk $0xffff, v27  }
0x2e3: {  	v43 =	vor.u32 v21, v62;
	v27 =	vld.idx.msk [tilespmem:v42+s12+$0x0], $0xffff  }
0x2e4: {  	v44 =	vor.u32 v22, v26;
	_ =	sdelay $0x3  }
0x2e5: {  	v45 =	vor.u32 $0x10, v24;
	[tilespmem:v43+s13+$0x0] =	vst.idx.msk $0xffff, v27  }
0x2e6: {  	v46 =	vand.u32 $0x1F, v45;
	v25 =	vor.u32 v23, v62;
	v28 =	vld.idx.msk [tilespmem:v44+s12+$0x0], $0xffff  }
0x2e7: {  	v31 =	vor.u32 v5, v46;
	_ =	sdelay $0x1  }
0x2e8: {  	v27 =	vshll.u32 v45, $0x7  }
0x2e9: {  	v29 =	vand.u32 $0x380, v29;
	v27 =	vand.u32 $0xC00, v27  }
0x2ea: {  	v47 =	vor.u32 v29, v27;
	[tilespmem:v25+s13+$0x0] =	vst.idx.msk $0xffff, v28  }
0x2eb: {  	v49 =	vor.u32 v0, v47;
	v48 =	vld.idx.msk [tilespmem:v31+s12+$0x0], $0xffff  }
0x2ec: {  	v50 =	vor.u32 v10, v46;
	_ =	sdelay $0x3  }
0x2ed: {  	[tilespmem:v49+s13+$0x0] =	vst.idx.msk $0xffff, v48  }
0x2ee: {  	v51 =	vor.u32 v11, v47;
	v27 =	vld.idx.msk [tilespmem:v50+s12+$0x0], $0xffff  }
0x2ef: {  	v52 =	vor.u32 v12, v46;
	_ =	sdelay $0x3  }
0x2f0: {  	[tilespmem:v51+s13+$0x0] =	vst.idx.msk $0xffff, v27  }
0x2f1: {  	v53 =	vor.u32 v13, v47;
	v27 =	vld.idx.msk [tilespmem:v52+s12+$0x0], $0xffff  }
0x2f2: {  	v54 =	vor.u32 v14, v46;
	_ =	sdelay $0x3  }
0x2f3: {  	[tilespmem:v53+s13+$0x0] =	vst.idx.msk $0xffff, v27  }
0x2f4: {  	v55 =	vor.u32 v15, v47;
	v27 =	vld.idx.msk [tilespmem:v54+s12+$0x0], $0xffff  }
0x2f5: {  	v56 =	vor.u32 v16, v46;
	_ =	sdelay $0x3  }
0x2f6: {  	[tilespmem:v55+s13+$0x0] =	vst.idx.msk $0xffff, v27  }
0x2f7: {  	v57 =	vor.u32 v17, v47;
	v27 =	vld.idx.msk [tilespmem:v56+s12+$0x0], $0xffff  }
0x2f8: {  	v58 =	vor.u32 v18, v46;
	_ =	sdelay $0x3  }
0x2f9: {  	[tilespmem:v57+s13+$0x0] =	vst.idx.msk $0xffff, v27  }
0x2fa: {  	v59 =	vor.u32 v19, v47;
	v27 =	vld.idx.msk [tilespmem:v58+s12+$0x0], $0xffff  }
0x2fb: {  	v60 =	vor.u32 v20, v46;
	_ =	sdelay $0x3  }
0x2fc: {  	[tilespmem:v59+s13+$0x0] =	vst.idx.msk $0xffff, v27  }
0x2fd: {  	v61 =	vor.u32 v21, v47;
	v27 =	vld.idx.msk [tilespmem:v60+s12+$0x0], $0xffff  }
0x2fe: {  	v30 =	vor.u32 v22, v46;
	_ =	sdelay $0x2  }
0x2ff: {  	v26 =	vor.u32 $0x20, v26  }
0x300: {  	v62 =	vand.u32 $0x7, v24;
	v63 =	vand.u32 $0x28, v26;
	[tilespmem:v61+s13+$0x0] =	vst.idx.msk $0xffff, v27  }
0x301: {  	v25 =	vor.u32 v23, v47;
	v27 =	vor.u32 v62, v63;
	v30 =	vld.idx.msk [tilespmem:v30+s12+$0x0], $0xffff  }
0x302: {  	v28 =	vor.u32 v5, v27;
	_ =	sdelay $0x1  }
0x303: {  	v26 =	vshll.u32 v26, $0x7  }
0x304: {  	v26 =	vand.u32 $0x1400, v26  }
0x305: {  	v33 =	vor.u32 v29, v26;
	[tilespmem:v25+s13+$0x0] =	vst.idx.msk $0xffff, v30  }
0x306: {  	v35 =	vor.u32 v0, v33;
	v34 =	vld.idx.msk [tilespmem:v28+s12+$0x0], $0xffff  }
0x307: {  	v36 =	vor.u32 v10, v27;
	_ =	sdelay $0x3  }
0x308: {  	[tilespmem:v35+s13+$0x0] =	vst.idx.msk $0xffff, v34  }
0x309: {  	v37 =	vor.u32 v11, v33;
	v26 =	vld.idx.msk [tilespmem:v36+s12+$0x0], $0xffff  }
0x30a: {  	v38 =	vor.u32 v12, v27;
	_ =	sdelay $0x3  }
0x30b: {  	[tilespmem:v37+s13+$0x0] =	vst.idx.msk $0xffff, v26  }
0x30c: {  	v39 =	vor.u32 v13, v33;
	v26 =	vld.idx.msk [tilespmem:v38+s12+$0x0], $0xffff  }
0x30d: {  	v40 =	vor.u32 v14, v27;
	_ =	sdelay $0x3  }
0x30e: {  	[tilespmem:v39+s13+$0x0] =	vst.idx.msk $0xffff, v26  }
0x30f: {  	v41 =	vor.u32 v15, v33;
	v26 =	vld.idx.msk [tilespmem:v40+s12+$0x0], $0xffff  }
0x310: {  	v42 =	vor.u32 v16, v27;
	_ =	sdelay $0x3  }
0x311: {  	[tilespmem:v41+s13+$0x0] =	vst.idx.msk $0xffff, v26  }
0x312: {  	v43 =	vor.u32 v17, v33;
	v26 =	vld.idx.msk [tilespmem:v42+s12+$0x0], $0xffff  }
0x313: {  	v44 =	vor.u32 v18, v27;
	_ =	sdelay $0x3  }
0x314: {  	[tilespmem:v43+s13+$0x0] =	vst.idx.msk $0xffff, v26  }
0x315: {  	v45 =	vor.u32 v19, v33;
	v26 =	vld.idx.msk [tilespmem:v44+s12+$0x0], $0xffff  }
0x316: {  	v46 =	vor.u32 v20, v27;
	_ =	sdelay $0x3  }
0x317: {  	[tilespmem:v45+s13+$0x0] =	vst.idx.msk $0xffff, v26  }
0x318: {  	v47 =	vor.u32 v21, v33;
	v26 =	vld.idx.msk [tilespmem:v46+s12+$0x0], $0xffff  }
0x319: {  	v27 =	vor.u32 v22, v27;
	_ =	sdelay $0x3  }
0x31a: {  	v48 =	vor.u32 $0x30, v24;
	[tilespmem:v47+s13+$0x0] =	vst.idx.msk $0xffff, v26  }
0x31b: {  	v49 =	vand.u32 $0x3F, v48;
	v25 =	vor.u32 v23, v33;
	v26 =	vld.idx.msk [tilespmem:v27+s12+$0x0], $0xffff  }
0x31c: {  	v50 =	vor.u32 v5, v49;
	_ =	sdelay $0x1  }
0x31d: {  	v24 =	vshll.u32 v48, $0x7  }
0x31e: {  	v24 =	vand.u32 $0x1C00, v24  }
0x31f: {  	v24 =	vor.u32 v29, v24;
	[tilespmem:v25+s13+$0x0] =	vst.idx.msk $0xffff, v26  }
0x320: {  	v51 =	vor.u32 v0, v24;
	v25 =	vld.idx.msk [tilespmem:v50+s12+$0x0], $0xffff  }
0x321: {  	v52 =	vor.u32 v10, v49;
	_ =	sdelay $0x3  }
0x322: {  	[tilespmem:v51+s13+$0x0] =	vst.idx.msk $0xffff, v25  }
0x323: {  	v53 =	vor.u32 v11, v24;
	v25 =	vld.idx.msk [tilespmem:v52+s12+$0x0], $0xffff  }
0x324: {  	v54 =	vor.u32 v12, v49;
	_ =	sdelay $0x3  }
0x325: {  	[tilespmem:v53+s13+$0x0] =	vst.idx.msk $0xffff, v25  }
0x326: {  	v55 =	vor.u32 v13, v24;
	v25 =	vld.idx.msk [tilespmem:v54+s12+$0x0], $0xffff  }
0x327: {  	v56 =	vor.u32 v14, v49;
	_ =	sdelay $0x3  }
0x328: {  	[tilespmem:v55+s13+$0x0] =	vst.idx.msk $0xffff, v25  }
0x329: {  	v57 =	vor.u32 v15, v24;
	v25 =	vld.idx.msk [tilespmem:v56+s12+$0x0], $0xffff  }
0x32a: {  	v58 =	vor.u32 v16, v49;
	_ =	sdelay $0x3  }
0x32b: {  	[tilespmem:v57+s13+$0x0] =	vst.idx.msk $0xffff, v25  }
0x32c: {  	v59 =	vor.u32 v17, v24;
	v25 =	vld.idx.msk [tilespmem:v58+s12+$0x0], $0xffff  }
0x32d: {  	v60 =	vor.u32 v18, v49;
	_ =	sdelay $0x3  }
0x32e: {  	[tilespmem:v59+s13+$0x0] =	vst.idx.msk $0xffff, v25  }
0x32f: {  	v61 =	vor.u32 v19, v24;
	v25 =	vld.idx.msk [tilespmem:v60+s12+$0x0], $0xffff  }
0x330: {  	v62 =	vor.u32 v20, v49;
	_ =	sdelay $0x3  }
0x331: {  	[tilespmem:v61+s13+$0x0] =	vst.idx.msk $0xffff, v25  }
0x332: {  	v63 =	vor.u32 v21, v24;
	v25 =	vld.idx.msk [tilespmem:v62+s12+$0x0], $0xffff  }
0x333: {  	v27 =	vor.u32 v22, v49;
	_ =	sdelay $0x3  }
0x334: {  	[tilespmem:v63+s13+$0x0] =	vst.idx.msk $0xffff, v25  }
0x335: {  	v24 =	vor.u32 v23, v24;
	v25 =	vld.idx.msk [tilespmem:v27+s12+$0x0], $0xffff;
	_ =	sdelay $0x1  }
.Ltmp9:
0x336: {  	_ = 	snop;
	(pc) =	sbr.rel .LBB2_11-.Ltmp9, $4  }
0x337: {  	_ = 	snop  }
0x338: {  	s22 =	sshll.u32 s21, $0xF  }
0x339: {  	s22 =	sadd.s32 s22, s5;
	[tilespmem:v24+s13+$0x0] =	vst.idx.msk $0xffff, v25  }
0x33a: {  	[hbm4b:s22+s14] =	stream.strided.scatter [tilespmem:s13], [sflag:$0x4], $0x2000, s15, s14, $0x38;
	[tilespmem:$0x14800] =	vst v63  }
.LBB2_13:
0x33b: {  	_ =	sfence.sel $0x180000  }
0x33c: {  	[bflag:$0x0] =	sbarrier.arrive $0xFFFF  }
0x33d: {  	p0 =	sne.s32 s0, $0x0;
	_ =	strace $0x9000004A  }
0x33e: {  	s0 =	sadd.s32 @!p0 $0x100000, s1;
	[bflag:$0x2] =	sbarrier.arrive $0xFFFF  }
0x33f: {  	[sflag:s0] =	ssyncadd.tile.s32 @!p0 $0x1;
	_ =	shalt  }
.Lfunc_end2:
_tile_overlayer_lowered:
.L_overlay_start_2:
0x340: {  	(tag) =	ssettag $0x2  }
0x341: {  	s0 =	rddreg [dreg:$0x0];
	s2 =	stileid.u32  }
0x342: {  	s1 =	rddreg [dreg:$0x1];
	p0 =	sne.s32 s2, $0x0  }
0x343: {  	s3 =	rddreg [dreg:$0x2];
	[bflag:$0x3] =	sbarrier.arrive $0xFFFF;
	s2 =	simm.s32 @!p0 $0x1C05  }
0x344: {  	[timem:s3], [sflag:s2] =	dma.local @!p0 [hbm:s0], s1  }
0x345: {  	s0 =	simm.s32 @!p0 $0x5  }
0x346: {  	_ =	swait.ge @!p0 [sflag:s0], s1  }
0x347: {  	s1 =	ssub.s32 @!p0 $0x0, s1;
	[sflag:s0] =	ssyncset.done @!p0 $0x0  }
0x348: {  	[sflag:s0] =	ssyncadd.s32 @!p0 s1  }
0x349: {  	[bflag:$0x3] =	sbarrier.arrive $0xFFFF  }
0x34a: {  	_ =	shalt  }

</sc_bundles>
